<compile_context>
chip_gen: v7x
topology: tpu7x:2x2x1
jax: 0.10.2.dev20260603
libtpu: 0.0.44.dev20260713+nightly
codegen_flags: <defaults>
</compile_context>

<pallas_src>
import functools

import jax
import jax.numpy as jnp
from jax import lax
from jax.experimental import pallas as pl
from jax.experimental.pallas import tpu as pltpu
from jax.experimental.pallas import tpu_sc as plsc

VOCAB = 1000000
EMBED_DIM = 32
BATCH = 16384
HIST = 50

N_IDX = BATCH * HIST
NW = 32
FULL_TC = VOCAB // 128
REM = VOCAB - FULL_TC * 128
SROWS = VOCAB // 4
NBLK = (BATCH // 128) * HIST
BLK_PER_W = NBLK // NW
P1_COLS = 256
P1_GROUPS = FULL_TC * 128 // P1_COLS
P1_BASE = P1_GROUPS // NW
P1_EXTRA = P1_GROUPS - P1_BASE * NW
MAGIC = 0x5CBA11

_mesh = plsc.VectorSubcoreMesh(core_axis_name="c", subcore_axis_name="s")


@functools.partial(
    pl.kernel,
    mesh=_mesh,
    out_type=jax.ShapeDtypeStruct((HIST, EMBED_DIM, BATCH), jnp.float32),
    scratch_types=[
        pltpu.HBM((SROWS, 128), jnp.float32),
        pltpu.HBM((8, 128), jnp.int32),
        [pltpu.VMEM((EMBED_DIM, P1_COLS), jnp.float32) for _ in range(2)],
        [pltpu.VMEM((P1_COLS // 4, 128), jnp.float32) for _ in range(2)],
        [pltpu.VMEM((128,), jnp.int32) for _ in range(2)],
        [pltpu.VMEM((128,), jnp.int32) for _ in range(2)],
        [pltpu.VMEM((128,), jnp.int32) for _ in range(2)],
        [pltpu.VMEM((128, 128), jnp.float32) for _ in range(2)],
        [pltpu.VMEM((EMBED_DIM, 128), jnp.float32) for _ in range(2)],
        pltpu.VMEM((1, 128), jnp.int32),
        pltpu.VMEM((1, 128), jnp.int32),
        [pltpu.SemaphoreType.DMA for _ in range(2)],
        [pltpu.SemaphoreType.DMA for _ in range(2)],
        [pltpu.SemaphoreType.DMA for _ in range(2)],
        [pltpu.SemaphoreType.DMA for _ in range(2)],
        [pltpu.SemaphoreType.DMA for _ in range(2)],
    ],
    compiler_params=pltpu.CompilerParams(use_tc_tiling_on_sc=True,
                                         needs_layout_passes=False),
)
def _lookup_kernel(tableT, table_tail, idx_flat, out3d, scratch, flags,
                   p1in, p1out, p2idx, p2row, p2mod, p2rows, p2out,
                   fstage, fpoll,
                   s1in, s1out, s2idx, s2rows, s2out):
    cid = lax.axis_index("c")
    sid = lax.axis_index("s")
    wid = sid * 2 + cid
    iota = lax.iota(jnp.int32, 16)
    n_grp = jnp.where(wid < P1_EXTRA, P1_BASE + 1, P1_BASE)

    @pl.when(sid == 0)
    def _clear_flag():
        fstage[0, pl.ds(0, 16)] = jnp.zeros((16,), jnp.int32)
        pltpu.sync_copy(fstage, flags.at[pl.ds(cid, 1), :])

    def grp(m):
        return wid + m * NW

    def start_in(m, b):
        g = grp(m)
        pltpu.async_copy(
            tableT.at[:, pl.ds(g * P1_COLS, P1_COLS)], p1in[b], s1in[b])

    def wait_in(b):
        pltpu.make_async_copy(
            tableT.at[:, pl.ds(0, P1_COLS)], p1in[b], s1in[b]).wait()

    def wait_out(b):
        pltpu.make_async_copy(
            p1out[b], scratch.at[pl.ds(0, P1_COLS // 4), :], s1out[b]).wait()

    def transpose_block(src, dst, ncols):
        cmask = ncols - 1
        evec_lo = iota
        evec_hi = iota + 16

        def diag_body(i, carry):
            base = 8 * i + iota
            for d in range(8):
                cvec = lax.bitwise_and(base + d, cmask)
                rvec = lax.shift_right_logical(cvec, 2)
                colv = lax.shift_left(lax.bitwise_and(cvec, 3), 5)
                for half in range(2):
                    evec = evec_hi if half else evec_lo
                    vals = plsc.load_gather(src, [evec, cvec])
                    plsc.store_scatter(dst, [rvec, colv + evec], vals)
            return carry
        lax.fori_loop(0, ncols // 8, diag_body, 0)

    def p1_step(m, b, reuse_wait):
        @pl.when(m < n_grp)
        def _do():
            wait_in(b)

            @pl.when(m + 1 < n_grp)
            def _prefetch():
                start_in(m + 1, 1 - b)
            if reuse_wait:
                wait_out(b)
            transpose_block(p1in[b], p1out[b], P1_COLS)
            g = grp(m)
            pltpu.async_copy(
                p1out[b],
                scratch.at[pl.ds((P1_COLS // 4) * g, P1_COLS // 4), :],
                s1out[b])

    start_in(0, 0)
    p1_step(jnp.int32(0), 0, False)
    p1_step(jnp.int32(1), 1, False)
    p1_step(jnp.int32(2), 0, True)

    def p1_pair(i, carry):
        m0 = 2 * i + 3
        p1_step(m0, 1, True)
        p1_step(m0 + 1, 0, True)
        return carry

    lax.fori_loop(0, (P1_BASE - 2) // 2, p1_pair, 0)
    if P1_BASE % 2:
        p1_step(jnp.int32(P1_BASE), P1_BASE % 2, True)

    wait_out(0)
    wait_out(1)

    @pl.when(wid == NW - 1)
    def _remainder():
        pltpu.sync_copy(table_tail, p2rows[0].at[pl.ds(0, 32), :])
        transpose_block(p2rows[0], p1out[0], REM)
        pltpu.sync_copy(p1out[0].at[pl.ds(0, REM // 4), :],
                        scratch.at[pl.ds(FULL_TC * 32, REM // 4), :])

    plsc.subcore_barrier()

    @pl.when(sid == 0)
    def _handshake():
        fstage[0, pl.ds(0, 16)] = jnp.full((16,), MAGIC, jnp.int32)
        pltpu.sync_copy(fstage, flags.at[pl.ds(cid, 1), :])
        other = 1 - cid

        def poll_cond(s):
            return s != 16 * MAGIC

        def poll_body(s):
            pltpu.sync_copy(flags.at[pl.ds(other, 1), :], fpoll)
            return jnp.sum(fpoll[0, pl.ds(0, 16)])

        lax.while_loop(poll_cond, poll_body, jnp.int32(0))
        fstage[0, pl.ds(0, 16)] = jnp.zeros((16,), jnp.int32)
        pltpu.sync_copy(fstage, flags.at[pl.ds(other, 1), :])

    plsc.subcore_barrier()

    def blk(m):
        return wid + m * NW

    def start_idx(m, b):
        beta = blk(m)
        h = lax.shift_right_logical(beta, 7)
        bt = lax.bitwise_and(beta, 127)
        pltpu.async_copy(
            idx_flat.at[pl.ds(h * BATCH + bt * 128, 128)], p2idx[b], s2idx[b])

    def wait_idx(b):
        pltpu.make_async_copy(
            idx_flat.at[pl.ds(0, 128)], p2idx[b], s2idx[b]).wait()

    def prep_and_fire(b):
        for k in range(8):
            v = p2idx[b][pl.ds(16 * k, 16)]
            p2row[b][pl.ds(16 * k, 16)] = lax.shift_right_logical(v, 2)
            p2mod[b][pl.ds(16 * k, 16)] = lax.shift_left(
                lax.bitwise_and(v, 3), 5)
        pltpu.async_copy(scratch.at[p2row[b]], p2rows[b], s2rows[b])

    def wait_rows(b):
        pltpu.make_async_copy(
            scratch.at[pl.ds(0, 128), :], p2rows[b], s2rows[b]).wait()

    def wait_outw(b):
        pltpu.make_async_copy(
            p2out[b], out3d.at[0, :, pl.ds(0, 128)], s2out[b]).wait()

    def assemble(b):
        mods = tuple(p2mod[b][pl.ds(16 * k, 16)] for k in range(8))

        def e_body(i, carry):
            for de in range(2):
                evec = lax.bitwise_and(2 * i + de + iota, EMBED_DIM - 1)
                for k in range(8):
                    xvec = iota + 16 * k
                    vals = plsc.load_gather(
                        p2rows[b], [xvec, carry[k] + evec])
                    plsc.store_scatter(p2out[b], [evec, xvec], vals)
            return carry
        lax.fori_loop(0, EMBED_DIM // 2, e_body, mods)

    def start_out(m, b):
        beta = blk(m)
        h = lax.shift_right_logical(beta, 7)
        bt = lax.bitwise_and(beta, 127)
        pltpu.async_copy(
            p2out[b], out3d.at[h, :, pl.ds(bt * 128, 128)], s2out[b])

    start_idx(0, 0)
    start_idx(1, 1)
    wait_idx(0)
    prep_and_fire(0)

    def p2_step(m, b, need_reuse_wait):
        nb = 1 - b

        @pl.when(m + 1 < BLK_PER_W)
        def _next():
            wait_idx(nb)
            prep_and_fire(nb)

            @pl.when(m + 2 < BLK_PER_W)
            def _nextidx():
                start_idx(m + 2, b)

        wait_rows(b)
        if need_reuse_wait:
            wait_outw(b)
        assemble(b)
        start_out(m, b)

    p2_step(jnp.int32(0), 0, False)
    p2_step(jnp.int32(1), 1, False)

    def p2_pair(i, carry):
        m0 = 2 * i + 2
        p2_step(m0, 0, True)
        p2_step(m0 + 1, 1, True)
        return carry

    lax.fori_loop(0, (BLK_PER_W - 2) // 2, p2_pair, 0)

    wait_outw(0)
    wait_outw(1)


def kernel(inputs, table):
    idx_flat = inputs.T.reshape(-1).astype(jnp.int32)
    tail = jnp.pad(table[FULL_TC * 128:], ((0, 128 - REM), (0, 0))).T
    out3d = _lookup_kernel(table.T, tail, idx_flat)
    return out3d.transpose(2, 0, 1)

# --- scband reference (transcript-rebuilt; emitter-appended) ---
"""Pipeline reference for scband-tied-embedder-projector-87754771792526 (READ-ONLY COPY).

The authoritative reference and input builder live on the scoring server;
editing this copy changes nothing except your own understanding.
"""

import jax, jax.numpy as jnp
import numpy as np

VOCAB = 1000000
EMBED_DIM = 32
BATCH = 16384
HIST = 50

def setup_inputs(seed: int = 0) -> dict:
    key = jax.random.key(seed)
    k1, k2 = jax.random.split(key)
    inputs = jax.random.randint(k1, (BATCH, HIST), 0, VOCAB, dtype=jnp.int64 if jax.config.read('jax_enable_x64') else jnp.int32)
    table = jax.random.normal(k2, (VOCAB, EMBED_DIM), dtype=jnp.float32) * 0.02
    return {"inputs": inputs, "table": table}

def reference(inputs, table):
    # TiedEmbedderProjector.call with projection_mode=False -> embedding lookup
    return jnp.take(table, inputs, axis=0)

if __name__ == "__main__":
    import jax
    _d = setup_inputs()
    print(jax.jit(kernel)(*tuple(_d.values())))

</pallas_src>

<mosaic_0001>
#map = affine_map<(d0, d1) -> (0, 0)>
#map1 = affine_map<(d0, d1) -> (0)>
#map2 = affine_map<(d0, d1) -> (0, 0, 0)>
module attributes {stable_mosaic.version = 14 : i64} {
  func.func @_lookup_kernel(%arg0: i32, %arg1: i32, %arg2: memref<32x1000000xf32, #tpu.memory_space<hbm>>, %arg3: memref<32x128xf32, #tpu.memory_space<hbm>>, %arg4: memref<819200xi32, #tpu.memory_space<hbm>>, %arg5: memref<50x32x16384xf32, #tpu.memory_space<hbm>>, %arg6: memref<250000x128xf32, #tpu.memory_space<hbm>>, %arg7: memref<8x128xi32, #tpu.memory_space<hbm>>, %arg8: memref<32x256xf32, #tpu.memory_space<vmem>>, %arg9: memref<32x256xf32, #tpu.memory_space<vmem>>, %arg10: memref<64x128xf32, #tpu.memory_space<vmem>>, %arg11: memref<64x128xf32, #tpu.memory_space<vmem>>, %arg12: memref<128xi32, #tpu.memory_space<vmem>>, %arg13: memref<128xi32, #tpu.memory_space<vmem>>, %arg14: memref<128xi32, #tpu.memory_space<vmem>>, %arg15: memref<128xi32, #tpu.memory_space<vmem>>, %arg16: memref<128xi32, #tpu.memory_space<vmem>>, %arg17: memref<128xi32, #tpu.memory_space<vmem>>, %arg18: memref<128x128xf32, #tpu.memory_space<vmem>>, %arg19: memref<128x128xf32, #tpu.memory_space<vmem>>, %arg20: memref<32x128xf32, #tpu.memory_space<vmem>>, %arg21: memref<32x128xf32, #tpu.memory_space<vmem>>, %arg22: memref<1x128xi32, #tpu.memory_space<vmem>>, %arg23: memref<1x128xi32, #tpu.memory_space<vmem>>, %arg24: memref<!tpu.dma_semaphore, #tpu.memory_space<semaphore_mem>>, %arg25: memref<!tpu.dma_semaphore, #tpu.memory_space<semaphore_mem>>, %arg26: memref<!tpu.dma_semaphore, #tpu.memory_space<semaphore_mem>>, %arg27: memref<!tpu.dma_semaphore, #tpu.memory_space<semaphore_mem>>, %arg28: memref<!tpu.dma_semaphore, #tpu.memory_space<semaphore_mem>>, %arg29: memref<!tpu.dma_semaphore, #tpu.memory_space<semaphore_mem>>, %arg30: memref<!tpu.dma_semaphore, #tpu.memory_space<semaphore_mem>>, %arg31: memref<!tpu.dma_semaphore, #tpu.memory_space<semaphore_mem>>, %arg32: memref<!tpu.dma_semaphore, #tpu.memory_space<semaphore_mem>>, %arg33: memref<!tpu.dma_semaphore, #tpu.memory_space<semaphore_mem>>) attributes {dimension_semantics = [#tpu.dimension_semantics<core_parallel>, #tpu.dimension_semantics<subcore_parallel>], iteration_bounds = array<i64: 2, 16>, scalar_prefetch = 0 : i64, scratch_operands = 28 : i64, tpu.core_type = #tpu.core_type<sc_vector_subcore>, window_params = [{transform_indices = #map}, {transform_indices = #map}, {transform_indices = #map1}, {transform_indices = #map2}]} {
    %mul3A = arith.constant 2 : i32
    %mul3A_0 = arith.muli %arg1, %mul3A : i32
    %add3A = arith.addi %mul3A_0, %arg0 : i32
    %iota3A = tpu.iota {dimensions = array<i32: 0>} : vector<16xi32>
    %lt3A = arith.constant 2 : i32
    %lt3A_1 = arith.cmpi slt, %add3A, %lt3A : i32
    %jit3A = arith.constant 123 : i32
    %jit3A_2 = arith.constant 122 : i32
    %select_n3A = arith.select %lt3A_1, %jit3A, %jit3A_2 : i32
    %eq3A = arith.constant 0 : i32
    %eq3A_3 = arith.cmpi eq, %arg1, %eq3A : i32
    %convert_element_type3A = arith.extui %eq3A_3 : i1 to i32
    %cond3A = arith.constant 0 : i32
    %cond3A_4 = arith.cmpi ne, %convert_element_type3A, %cond3A : i32
    scf.if %cond3A_4 {
      %broadcast_in_dim3A = arith.constant 0 : i32
      %broadcast_in_dim3A_333 = vector.broadcast %broadcast_in_dim3A : i32 to vector<16xi32>
      %swap3A_334 = arith.constant 0 : i32
      %swap3A_335 = arith.index_cast %swap3A_334 : i32 to index
      %swap3A_336 = arith.constant 0 : index
      %swap3A_337 = tpu.vector_load %arg22[%swap3A_335, %swap3A_336] {strides = array<i32>} : memref<1x128xi32, #tpu.memory_space<vmem>>, vector<16xi32>,
      tpu.vector_store %arg22[%swap3A_335, %swap3A_336], %broadcast_in_dim3A_333 {strides = array<i32>} : memref<1x128xi32, #tpu.memory_space<vmem>>, vector<16xi32>,
      "tpu.region"() ({
        %run_scoped3A = tpu.sem_alloc : memref<!tpu.dma_semaphore, #tpu.memory_space<semaphore_mem>>
        %dma_start3A_338 = arith.constant 0 : i32
        %dma_start3A_339 = tpu.memref_slice %arg7[%arg0, %dma_start3A_338] : memref<8x128xi32, #tpu.memory_space<hbm>> -> memref<1x128xi32, #tpu.memory_space<hbm>>
        %dma_start3A_340 = arith.constant 0 : i32
        %dma_start3A_341 = tpu.memref_slice %arg7[%arg0, %dma_start3A_340] : memref<8x128xi32, #tpu.memory_space<hbm>> -> memref<1x128xi32, #tpu.memory_space<hbm>>
        tpu.enqueue_dma source(%arg22 : memref<1x128xi32, #tpu.memory_space<vmem>>) target(%dma_start3A_341 : memref<1x128xi32, #tpu.memory_space<hbm>>) target_semaphore(%run_scoped3A : memref<!tpu.dma_semaphore, #tpu.memory_space<semaphore_mem>>)
        %dma_wait3A_342 = arith.constant 0 : i32
        %dma_wait3A_343 = tpu.memref_slice %arg7[%arg0, %dma_wait3A_342] : memref<8x128xi32, #tpu.memory_space<hbm>> -> memref<1x128xi32, #tpu.memory_space<hbm>>
        %dma_wait3A_344 = arith.constant 0 : i32
        %dma_wait3A_345 = tpu.memref_slice %arg7[%arg0, %dma_wait3A_344] : memref<8x128xi32, #tpu.memory_space<hbm>> -> memref<1x128xi32, #tpu.memory_space<hbm>>
        tpu.wait_dma2 semaphore(%run_scoped3A : memref<!tpu.dma_semaphore, #tpu.memory_space<semaphore_mem>>) src(%arg22 : memref<1x128xi32, #tpu.memory_space<vmem>>) dst(%dma_wait3A_345 : memref<1x128xi32, #tpu.memory_space<hbm>>)
        tpu.yield
      }) : () -> ()
    } else {
    }
    %add3A_5 = arith.constant 0 : i32
    %add3A_6 = arith.addi %add3A, %add3A_5 : i32
    %mul3A_7 = arith.constant 256 : i32
    %mul3A_8 = arith.muli %add3A_6, %mul3A_7 : i32
    %dma_start3A = arith.constant 0 : i32
    %dma_start3A_9 = tpu.memref_slice %arg2[%dma_start3A, %mul3A_8] : memref<32x1000000xf32, #tpu.memory_space<hbm>> -> memref<32x256xf32, #tpu.memory_space<hbm>>
    %dma_start3A_10 = arith.constant 0 : i32
    %dma_start3A_11 = tpu.memref_slice %arg2[%dma_start3A_10, %mul3A_8] : memref<32x1000000xf32, #tpu.memory_space<hbm>> -> memref<32x256xf32, #tpu.memory_space<hbm>>
    tpu.enqueue_dma source(%dma_start3A_11 : memref<32x256xf32, #tpu.memory_space<hbm>>) target(%arg8 : memref<32x256xf32, #tpu.memory_space<vmem>>) target_semaphore(%arg24 : memref<!tpu.dma_semaphore, #tpu.memory_space<semaphore_mem>>)
    %lt3A_12 = arith.constant 0 : i32
    %lt3A_13 = arith.cmpi slt, %lt3A_12, %select_n3A : i32
    %convert_element_type3A_14 = arith.extui %lt3A_13 : i1 to i32
    %cond3A_15 = arith.constant 0 : i32
    %cond3A_16 = arith.constant 0 : i32
    %cond3A_17 = arith.cmpi ne, %convert_element_type3A_14, %cond3A_16 : i32
    scf.if %cond3A_17 {
      %dma_wait3A_333 = arith.constant 0 : i32
      %dma_wait3A_334 = arith.constant 0 : i32
      %dma_wait3A_335 = tpu.memref_slice %arg2[%dma_wait3A_333, %dma_wait3A_334] : memref<32x1000000xf32, #tpu.memory_space<hbm>> -> memref<32x256xf32, #tpu.memory_space<hbm>>
      %dma_wait3A_336 = arith.constant 0 : i32
      %dma_wait3A_337 = arith.constant 0 : i32
      %dma_wait3A_338 = tpu.memref_slice %arg2[%dma_wait3A_336, %dma_wait3A_337] : memref<32x1000000xf32, #tpu.memory_space<hbm>> -> memref<32x256xf32, #tpu.memory_space<hbm>>
      tpu.wait_dma2 semaphore(%arg24 : memref<!tpu.dma_semaphore, #tpu.memory_space<semaphore_mem>>) src(%dma_wait3A_338 : memref<32x256xf32, #tpu.memory_space<hbm>>) dst(%arg8 : memref<32x256xf32, #tpu.memory_space<vmem>>)
      %add3A_339 = arith.constant 1 : i32
      %add3A_340 = arith.addi %cond3A_15, %add3A_339 : i32
      %lt3A_341 = arith.cmpi slt, %add3A_340, %select_n3A : i32
      %convert_element_type3A_342 = arith.extui %lt3A_341 : i1 to i32
      %cond3A_343 = arith.constant 0 : i32
      %cond3A_344 = arith.cmpi ne, %convert_element_type3A_342, %cond3A_343 : i32
      scf.if %cond3A_344 {
        %add3A_363 = arith.constant 1 : i32
        %add3A_364 = arith.addi %cond3A_15, %add3A_363 : i32
        %mul3A_365 = arith.constant 32 : i32
        %mul3A_366 = arith.muli %add3A_364, %mul3A_365 : i32
        %add3A_367 = arith.addi %add3A, %mul3A_366 : i32
        %mul3A_368 = arith.constant 256 : i32
        %mul3A_369 = arith.muli %add3A_367, %mul3A_368 : i32
        %dma_start3A_370 = arith.constant 0 : i32
        %dma_start3A_371 = tpu.memref_slice %arg2[%dma_start3A_370, %mul3A_369] : memref<32x1000000xf32, #tpu.memory_space<hbm>> -> memref<32x256xf32, #tpu.memory_space<hbm>>
        %dma_start3A_372 = arith.constant 0 : i32
        %dma_start3A_373 = tpu.memref_slice %arg2[%dma_start3A_372, %mul3A_369] : memref<32x1000000xf32, #tpu.memory_space<hbm>> -> memref<32x256xf32, #tpu.memory_space<hbm>>
        tpu.enqueue_dma source(%dma_start3A_373 : memref<32x256xf32, #tpu.memory_space<hbm>>) target(%arg9 : memref<32x256xf32, #tpu.memory_space<vmem>>) target_semaphore(%arg25 : memref<!tpu.dma_semaphore, #tpu.memory_space<semaphore_mem>>)
      } else {
      }
      %add3A_345 = arith.constant 16 : i32
      %add3A_346 = vector.broadcast %add3A_345 : i32 to vector<16xi32>
      %add3A_347 = arith.addi %iota3A, %add3A_346 : vector<16xi32>
      %scan3A_348 = arith.constant 0 : i32
      %scan3A_349 = arith.constant 0 : i32
      %scan3A_350 = arith.constant 32 : i32
      %scan3A_351 = arith.addi %scan3A_349, %scan3A_350 : i32
      %scan3A_352 = arith.constant 1 : i32
      scf.for %scan3A_363 = %scan3A_349 to %scan3A_351 step %scan3A_352  : i32 {
        %mul3A_364 = arith.constant 8 : i32
        %mul3A_365 = arith.muli %mul3A_364, %scan3A_363 : i32
        %add3A_366 = vector.broadcast %mul3A_365 : i32 to vector<16xi32>
        %add3A_367 = arith.addi %add3A_366, %iota3A : vector<16xi32>
        %add3A_368 = arith.constant 0 : i32
        %add3A_369 = vector.broadcast %add3A_368 : i32 to vector<16xi32>
        %add3A_370 = arith.addi %add3A_367, %add3A_369 : vector<16xi32>
        %and3A_371 = arith.constant 255 : i32
        %and3A_372 = vector.broadcast %and3A_371 : i32 to vector<16xi32>
        %and3A_373 = arith.andi %add3A_370, %and3A_372 : vector<16xi32>
        %shift_right_logical3A_374 = arith.constant 2 : i32
        %shift_right_logical3A_375 = vector.broadcast %shift_right_logical3A_374 : i32 to vector<16xi32>
        %shift_right_logical3A_376 = arith.shrui %and3A_373, %shift_right_logical3A_375 : vector<16xi32>
        %and3A_377 = arith.constant 3 : i32
        %and3A_378 = vector.broadcast %and3A_377 : i32 to vector<16xi32>
        %and3A_379 = arith.andi %and3A_373, %and3A_378 : vector<16xi32>
        %shift_left3A_380 = arith.constant 5 : i32
        %shift_left3A_381 = vector.broadcast %shift_left3A_380 : i32 to vector<16xi32>
        %shift_left3A_382 = arith.shli %and3A_379, %shift_left3A_381 : vector<16xi32>
        %gather3A = tpu.vector_load_idx %arg8[%iota3A, %and3A_373] : memref<32x256xf32, #tpu.memory_space<vmem>>[vector<16xi32>, vector<16xi32>], vector<16xf32>,
        %add3A_383 = arith.addi %shift_left3A_382, %iota3A : vector<16xi32>
        tpu.vector_store_idx %arg10[%shift_right_logical3A_376, %add3A_383], %gather3A : memref<64x128xf32, #tpu.memory_space<vmem>>[vector<16xi32>, vector<16xi32>], vector<16xf32>,
        %gather3A_384 = tpu.vector_load_idx %arg8[%add3A_347, %and3A_373] : memref<32x256xf32, #tpu.memory_space<vmem>>[vector<16xi32>, vector<16xi32>], vector<16xf32>,
        %add3A_385 = arith.addi %shift_left3A_382, %add3A_347 : vector<16xi32>
        tpu.vector_store_idx %arg10[%shift_right_logical3A_376, %add3A_385], %gather3A_384 : memref<64x128xf32, #tpu.memory_space<vmem>>[vector<16xi32>, vector<16xi32>], vector<16xf32>,
        %add3A_386 = arith.constant 1 : i32
        %add3A_387 = vector.broadcast %add3A_386 : i32 to vector<16xi32>
        %add3A_388 = arith.addi %add3A_367, %add3A_387 : vector<16xi32>
        %and3A_389 = arith.constant 255 : i32
        %and3A_390 = vector.broadcast %and3A_389 : i32 to vector<16xi32>
        %and3A_391 = arith.andi %add3A_388, %and3A_390 : vector<16xi32>
        %shift_right_logical3A_392 = arith.constant 2 : i32
        %shift_right_logical3A_393 = vector.broadcast %shift_right_logical3A_392 : i32 to vector<16xi32>
        %shift_right_logical3A_394 = arith.shrui %and3A_391, %shift_right_logical3A_393 : vector<16xi32>
        %and3A_395 = arith.constant 3 : i32
        %and3A_396 = vector.broadcast %and3A_395 : i32 to vector<16xi32>
        %and3A_397 = arith.andi %and3A_391, %and3A_396 : vector<16xi32>
        %shift_left3A_398 = arith.constant 5 : i32
        %shift_left3A_399 = vector.broadcast %shift_left3A_398 : i32 to vector<16xi32>
        %shift_left3A_400 = arith.shli %and3A_397, %shift_left3A_399 : vector<16xi32>
        %gather3A_401 = tpu.vector_load_idx %arg8[%iota3A, %and3A_391] : memref<32x256xf32, #tpu.memory_space<vmem>>[vector<16xi32>, vector<16xi32>], vector<16xf32>,
        %add3A_402 = arith.addi %shift_left3A_400, %iota3A : vector<16xi32>
        tpu.vector_store_idx %arg10[%shift_right_logical3A_394, %add3A_402], %gather3A_401 : memref<64x128xf32, #tpu.memory_space<vmem>>[vector<16xi32>, vector<16xi32>], vector<16xf32>,
        %gather3A_403 = tpu.vector_load_idx %arg8[%add3A_347, %and3A_391] : memref<32x256xf32, #tpu.memory_space<vmem>>[vector<16xi32>, vector<16xi32>], vector<16xf32>,
        %add3A_404 = arith.addi %shift_left3A_400, %add3A_347 : vector<16xi32>
        tpu.vector_store_idx %arg10[%shift_right_logical3A_394, %add3A_404], %gather3A_403 : memref<64x128xf32, #tpu.memory_space<vmem>>[vector<16xi32>, vector<16xi32>], vector<16xf32>,
        %add3A_405 = arith.constant 2 : i32
        %add3A_406 = vector.broadcast %add3A_405 : i32 to vector<16xi32>
        %add3A_407 = arith.addi %add3A_367, %add3A_406 : vector<16xi32>
        %and3A_408 = arith.constant 255 : i32
        %and3A_409 = vector.broadcast %and3A_408 : i32 to vector<16xi32>
        %and3A_410 = arith.andi %add3A_407, %and3A_409 : vector<16xi32>
        %shift_right_logical3A_411 = arith.constant 2 : i32
        %shift_right_logical3A_412 = vector.broadcast %shift_right_logical3A_411 : i32 to vector<16xi32>
        %shift_right_logical3A_413 = arith.shrui %and3A_410, %shift_right_logical3A_412 : vector<16xi32>
        %and3A_414 = arith.constant 3 : i32
        %and3A_415 = vector.broadcast %and3A_414 : i32 to vector<16xi32>
        %and3A_416 = arith.andi %and3A_410, %and3A_415 : vector<16xi32>
        %shift_left3A_417 = arith.constant 5 : i32
        %shift_left3A_418 = vector.broadcast %shift_left3A_417 : i32 to vector<16xi32>
        %shift_left3A_419 = arith.shli %and3A_416, %shift_left3A_418 : vector<16xi32>
        %gather3A_420 = tpu.vector_load_idx %arg8[%iota3A, %and3A_410] : memref<32x256xf32, #tpu.memory_space<vmem>>[vector<16xi32>, vector<16xi32>], vector<16xf32>,
        %add3A_421 = arith.addi %shift_left3A_419, %iota3A : vector<16xi32>
        tpu.vector_store_idx %arg10[%shift_right_logical3A_413, %add3A_421], %gather3A_420 : memref<64x128xf32, #tpu.memory_space<vmem>>[vector<16xi32>, vector<16xi32>], vector<16xf32>,
        %gather3A_422 = tpu.vector_load_idx %arg8[%add3A_347, %and3A_410] : memref<32x256xf32, #tpu.memory_space<vmem>>[vector<16xi32>, vector<16xi32>], vector<16xf32>,
        %add3A_423 = arith.addi %shift_left3A_419, %add3A_347 : vector<16xi32>
        tpu.vector_store_idx %arg10[%shift_right_logical3A_413, %add3A_423], %gather3A_422 : memref<64x128xf32, #tpu.memory_space<vmem>>[vector<16xi32>, vector<16xi32>], vector<16xf32>,
        %add3A_424 = arith.constant 3 : i32
        %add3A_425 = vector.broadcast %add3A_424 : i32 to vector<16xi32>
        %add3A_426 = arith.addi %add3A_367, %add3A_425 : vector<16xi32>
        %and3A_427 = arith.constant 255 : i32
        %and3A_428 = vector.broadcast %and3A_427 : i32 to vector<16xi32>
        %and3A_429 = arith.andi %add3A_426, %and3A_428 : vector<16xi32>
        %shift_right_logical3A_430 = arith.constant 2 : i32
        %shift_right_logical3A_431 = vector.broadcast %shift_right_logical3A_430 : i32 to vector<16xi32>
        %shift_right_logical3A_432 = arith.shrui %and3A_429, %shift_right_logical3A_431 : vector<16xi32>
        %and3A_433 = arith.constant 3 : i32
        %and3A_434 = vector.broadcast %and3A_433 : i32 to vector<16xi32>
        %and3A_435 = arith.andi %and3A_429, %and3A_434 : vector<16xi32>
        %shift_left3A_436 = arith.constant 5 : i32
        %shift_left3A_437 = vector.broadcast %shift_left3A_436 : i32 to vector<16xi32>
        %shift_left3A_438 = arith.shli %and3A_435, %shift_left3A_437 : vector<16xi32>
        %gather3A_439 = tpu.vector_load_idx %arg8[%iota3A, %and3A_429] : memref<32x256xf32, #tpu.memory_space<vmem>>[vector<16xi32>, vector<16xi32>], vector<16xf32>,
        %add3A_440 = arith.addi %shift_left3A_438, %iota3A : vector<16xi32>
        tpu.vector_store_idx %arg10[%shift_right_logical3A_432, %add3A_440], %gather3A_439 : memref<64x128xf32, #tpu.memory_space<vmem>>[vector<16xi32>, vector<16xi32>], vector<16xf32>,
        %gather3A_441 = tpu.vector_load_idx %arg8[%add3A_347, %and3A_429] : memref<32x256xf32, #tpu.memory_space<vmem>>[vector<16xi32>, vector<16xi32>], vector<16xf32>,
        %add3A_442 = arith.addi %shift_left3A_438, %add3A_347 : vector<16xi32>
        tpu.vector_store_idx %arg10[%shift_right_logical3A_432, %add3A_442], %gather3A_441 : memref<64x128xf32, #tpu.memory_space<vmem>>[vector<16xi32>, vector<16xi32>], vector<16xf32>,
        %add3A_443 = arith.constant 4 : i32
        %add3A_444 = vector.broadcast %add3A_443 : i32 to vector<16xi32>
        %add3A_445 = arith.addi %add3A_367, %add3A_444 : vector<16xi32>
        %and3A_446 = arith.constant 255 : i32
        %and3A_447 = vector.broadcast %and3A_446 : i32 to vector<16xi32>
        %and3A_448 = arith.andi %add3A_445, %and3A_447 : vector<16xi32>
        %shift_right_logical3A_449 = arith.constant 2 : i32
        %shift_right_logical3A_450 = vector.broadcast %shift_right_logical3A_449 : i32 to vector<16xi32>
        %shift_right_logical3A_451 = arith.shrui %and3A_448, %shift_right_logical3A_450 : vector<16xi32>
        %and3A_452 = arith.constant 3 : i32
        %and3A_453 = vector.broadcast %and3A_452 : i32 to vector<16xi32>
        %and3A_454 = arith.andi %and3A_448, %and3A_453 : vector<16xi32>
        %shift_left3A_455 = arith.constant 5 : i32
        %shift_left3A_456 = vector.broadcast %shift_left3A_455 : i32 to vector<16xi32>
        %shift_left3A_457 = arith.shli %and3A_454, %shift_left3A_456 : vector<16xi32>
        %gather3A_458 = tpu.vector_load_idx %arg8[%iota3A, %and3A_448] : memref<32x256xf32, #tpu.memory_space<vmem>>[vector<16xi32>, vector<16xi32>], vector<16xf32>,
        %add3A_459 = arith.addi %shift_left3A_457, %iota3A : vector<16xi32>
        tpu.vector_store_idx %arg10[%shift_right_logical3A_451, %add3A_459], %gather3A_458 : memref<64x128xf32, #tpu.memory_space<vmem>>[vector<16xi32>, vector<16xi32>], vector<16xf32>,
        %gather3A_460 = tpu.vector_load_idx %arg8[%add3A_347, %and3A_448] : memref<32x256xf32, #tpu.memory_space<vmem>>[vector<16xi32>, vector<16xi32>], vector<16xf32>,
        %add3A_461 = arith.addi %shift_left3A_457, %add3A_347 : vector<16xi32>
        tpu.vector_store_idx %arg10[%shift_right_logical3A_451, %add3A_461], %gather3A_460 : memref<64x128xf32, #tpu.memory_space<vmem>>[vector<16xi32>, vector<16xi32>], vector<16xf32>,
        %add3A_462 = arith.constant 5 : i32
        %add3A_463 = vector.broadcast %add3A_462 : i32 to vector<16xi32>
        %add3A_464 = arith.addi %add3A_367, %add3A_463 : vector<16xi32>
        %and3A_465 = arith.constant 255 : i32
        %and3A_466 = vector.broadcast %and3A_465 : i32 to vector<16xi32>
        %and3A_467 = arith.andi %add3A_464, %and3A_466 : vector<16xi32>
        %shift_right_logical3A_468 = arith.constant 2 : i32
        %shift_right_logical3A_469 = vector.broadcast %shift_right_logical3A_468 : i32 to vector<16xi32>
        %shift_right_logical3A_470 = arith.shrui %and3A_467, %shift_right_logical3A_469 : vector<16xi32>
        %and3A_471 = arith.constant 3 : i32
        %and3A_472 = vector.broadcast %and3A_471 : i32 to vector<16xi32>
        %and3A_473 = arith.andi %and3A_467, %and3A_472 : vector<16xi32>
        %shift_left3A_474 = arith.constant 5 : i32
        %shift_left3A_475 = vector.broadcast %shift_left3A_474 : i32 to vector<16xi32>
        %shift_left3A_476 = arith.shli %and3A_473, %shift_left3A_475 : vector<16xi32>
        %gather3A_477 = tpu.vector_load_idx %arg8[%iota3A, %and3A_467] : memref<32x256xf32, #tpu.memory_space<vmem>>[vector<16xi32>, vector<16xi32>], vector<16xf32>,
        %add3A_478 = arith.addi %shift_left3A_476, %iota3A : vector<16xi32>
        tpu.vector_store_idx %arg10[%shift_right_logical3A_470, %add3A_478], %gather3A_477 : memref<64x128xf32, #tpu.memory_space<vmem>>[vector<16xi32>, vector<16xi32>], vector<16xf32>,
        %gather3A_479 = tpu.vector_load_idx %arg8[%add3A_347, %and3A_467] : memref<32x256xf32, #tpu.memory_space<vmem>>[vector<16xi32>, vector<16xi32>], vector<16xf32>,
        %add3A_480 = arith.addi %shift_left3A_476, %add3A_347 : vector<16xi32>
        tpu.vector_store_idx %arg10[%shift_right_logical3A_470, %add3A_480], %gather3A_479 : memref<64x128xf32, #tpu.memory_space<vmem>>[vector<16xi32>, vector<16xi32>], vector<16xf32>,
        %add3A_481 = arith.constant 6 : i32
        %add3A_482 = vector.broadcast %add3A_481 : i32 to vector<16xi32>
        %add3A_483 = arith.addi %add3A_367, %add3A_482 : vector<16xi32>
        %and3A_484 = arith.constant 255 : i32
        %and3A_485 = vector.broadcast %and3A_484 : i32 to vector<16xi32>
        %and3A_486 = arith.andi %add3A_483, %and3A_485 : vector<16xi32>
        %shift_right_logical3A_487 = arith.constant 2 : i32
        %shift_right_logical3A_488 = vector.broadcast %shift_right_logical3A_487 : i32 to vector<16xi32>
        %shift_right_logical3A_489 = arith.shrui %and3A_486, %shift_right_logical3A_488 : vector<16xi32>
        %and3A_490 = arith.constant 3 : i32
        %and3A_491 = vector.broadcast %and3A_490 : i32 to vector<16xi32>
        %and3A_492 = arith.andi %and3A_486, %and3A_491 : vector<16xi32>
        %shift_left3A_493 = arith.constant 5 : i32
        %shift_left3A_494 = vector.broadcast %shift_left3A_493 : i32 to vector<16xi32>
        %shift_left3A_495 = arith.shli %and3A_492, %shift_left3A_494 : vector<16xi32>
        %gather3A_496 = tpu.vector_load_idx %arg8[%iota3A, %and3A_486] : memref<32x256xf32, #tpu.memory_space<vmem>>[vector<16xi32>, vector<16xi32>], vector<16xf32>,
        %add3A_497 = arith.addi %shift_left3A_495, %iota3A : vector<16xi32>
        tpu.vector_store_idx %arg10[%shift_right_logical3A_489, %add3A_497], %gather3A_496 : memref<64x128xf32, #tpu.memory_space<vmem>>[vector<16xi32>, vector<16xi32>], vector<16xf32>,
        %gather3A_498 = tpu.vector_load_idx %arg8[%add3A_347, %and3A_486] : memref<32x256xf32, #tpu.memory_space<vmem>>[vector<16xi32>, vector<16xi32>], vector<16xf32>,
        %add3A_499 = arith.addi %shift_left3A_495, %add3A_347 : vector<16xi32>
        tpu.vector_store_idx %arg10[%shift_right_logical3A_489, %add3A_499], %gather3A_498 : memref<64x128xf32, #tpu.memory_space<vmem>>[vector<16xi32>, vector<16xi32>], vector<16xf32>,
        %add3A_500 = arith.constant 7 : i32
        %add3A_501 = vector.broadcast %add3A_500 : i32 to vector<16xi32>
        %add3A_502 = arith.addi %add3A_367, %add3A_501 : vector<16xi32>
        %and3A_503 = arith.constant 255 : i32
        %and3A_504 = vector.broadcast %and3A_503 : i32 to vector<16xi32>
        %and3A_505 = arith.andi %add3A_502, %and3A_504 : vector<16xi32>
        %shift_right_logical3A_506 = arith.constant 2 : i32
        %shift_right_logical3A_507 = vector.broadcast %shift_right_logical3A_506 : i32 to vector<16xi32>
        %shift_right_logical3A_508 = arith.shrui %and3A_505, %shift_right_logical3A_507 : vector<16xi32>
        %and3A_509 = arith.constant 3 : i32
        %and3A_510 = vector.broadcast %and3A_509 : i32 to vector<16xi32>
        %and3A_511 = arith.andi %and3A_505, %and3A_510 : vector<16xi32>
        %shift_left3A_512 = arith.constant 5 : i32
        %shift_left3A_513 = vector.broadcast %shift_left3A_512 : i32 to vector<16xi32>
        %shift_left3A_514 = arith.shli %and3A_511, %shift_left3A_513 : vector<16xi32>
        %gather3A_515 = tpu.vector_load_idx %arg8[%iota3A, %and3A_505] : memref<32x256xf32, #tpu.memory_space<vmem>>[vector<16xi32>, vector<16xi32>], vector<16xf32>,
        %add3A_516 = arith.addi %shift_left3A_514, %iota3A : vector<16xi32>
        tpu.vector_store_idx %arg10[%shift_right_logical3A_508, %add3A_516], %gather3A_515 : memref<64x128xf32, #tpu.memory_space<vmem>>[vector<16xi32>, vector<16xi32>], vector<16xf32>,
        %gather3A_517 = tpu.vector_load_idx %arg8[%add3A_347, %and3A_505] : memref<32x256xf32, #tpu.memory_space<vmem>>[vector<16xi32>, vector<16xi32>], vector<16xf32>,
        %add3A_518 = arith.addi %shift_left3A_514, %add3A_347 : vector<16xi32>
        tpu.vector_store_idx %arg10[%shift_right_logical3A_508, %add3A_518], %gather3A_517 : memref<64x128xf32, #tpu.memory_space<vmem>>[vector<16xi32>, vector<16xi32>], vector<16xf32>,
      }
      %scan3A_353 = arith.constant 32 : i32
      %mul3A_354 = arith.constant 32 : i32
      %mul3A_355 = arith.muli %cond3A_15, %mul3A_354 : i32
      %add3A_356 = arith.addi %add3A, %mul3A_355 : i32
      %mul3A_357 = arith.constant 64 : i32
      %mul3A_358 = arith.muli %mul3A_357, %add3A_356 : i32
      %dma_start3A_359 = arith.constant 0 : i32
      %dma_start3A_360 = tpu.memref_slice %arg6[%mul3A_358, %dma_start3A_359] : memref<250000x128xf32, #tpu.memory_space<hbm>> -> memref<64x128xf32, #tpu.memory_space<hbm>>
      %dma_start3A_361 = arith.constant 0 : i32
      %dma_start3A_362 = tpu.memref_slice %arg6[%mul3A_358, %dma_start3A_361] : memref<250000x128xf32, #tpu.memory_space<hbm>> -> memref<64x128xf32, #tpu.memory_space<hbm>>
      tpu.enqueue_dma source(%arg10 : memref<64x128xf32, #tpu.memory_space<vmem>>) target(%dma_start3A_362 : memref<64x128xf32, #tpu.memory_space<hbm>>) target_semaphore(%arg26 : memref<!tpu.dma_semaphore, #tpu.memory_space<semaphore_mem>>)
    } else {
    }
    %lt3A_18 = arith.constant 1 : i32
    %lt3A_19 = arith.cmpi slt, %lt3A_18, %select_n3A : i32
    %convert_element_type3A_20 = arith.extui %lt3A_19 : i1 to i32
    %cond3A_21 = arith.constant 1 : i32
    %cond3A_22 = arith.constant 0 : i32
    %cond3A_23 = arith.cmpi ne, %convert_element_type3A_20, %cond3A_22 : i32
    scf.if %cond3A_23 {
      %dma_wait3A_333 = arith.constant 0 : i32
      %dma_wait3A_334 = arith.constant 0 : i32
      %dma_wait3A_335 = tpu.memref_slice %arg2[%dma_wait3A_333, %dma_wait3A_334] : memref<32x1000000xf32, #tpu.memory_space<hbm>> -> memref<32x256xf32, #tpu.memory_space<hbm>>
      %dma_wait3A_336 = arith.constant 0 : i32
      %dma_wait3A_337 = arith.constant 0 : i32
      %dma_wait3A_338 = tpu.memref_slice %arg2[%dma_wait3A_336, %dma_wait3A_337] : memref<32x1000000xf32, #tpu.memory_space<hbm>> -> memref<32x256xf32, #tpu.memory_space<hbm>>
      tpu.wait_dma2 semaphore(%arg25 : memref<!tpu.dma_semaphore, #tpu.memory_space<semaphore_mem>>) src(%dma_wait3A_338 : memref<32x256xf32, #tpu.memory_space<hbm>>) dst(%arg9 : memref<32x256xf32, #tpu.memory_space<vmem>>)
      %add3A_339 = arith.constant 1 : i32
      %add3A_340 = arith.addi %cond3A_21, %add3A_339 : i32
      %lt3A_341 = arith.cmpi slt, %add3A_340, %select_n3A : i32
      %convert_element_type3A_342 = arith.extui %lt3A_341 : i1 to i32
      %cond3A_343 = arith.constant 0 : i32
      %cond3A_344 = arith.cmpi ne, %convert_element_type3A_342, %cond3A_343 : i32
      scf.if %cond3A_344 {
        %add3A_363 = arith.constant 1 : i32
        %add3A_364 = arith.addi %cond3A_21, %add3A_363 : i32
        %mul3A_365 = arith.constant 32 : i32
        %mul3A_366 = arith.muli %add3A_364, %mul3A_365 : i32
        %add3A_367 = arith.addi %add3A, %mul3A_366 : i32
        %mul3A_368 = arith.constant 256 : i32
        %mul3A_369 = arith.muli %add3A_367, %mul3A_368 : i32
        %dma_start3A_370 = arith.constant 0 : i32
        %dma_start3A_371 = tpu.memref_slice %arg2[%dma_start3A_370, %mul3A_369] : memref<32x1000000xf32, #tpu.memory_space<hbm>> -> memref<32x256xf32, #tpu.memory_space<hbm>>
        %dma_start3A_372 = arith.constant 0 : i32
        %dma_start3A_373 = tpu.memref_slice %arg2[%dma_start3A_372, %mul3A_369] : memref<32x1000000xf32, #tpu.memory_space<hbm>> -> memref<32x256xf32, #tpu.memory_space<hbm>>
        tpu.enqueue_dma source(%dma_start3A_373 : memref<32x256xf32, #tpu.memory_space<hbm>>) target(%arg8 : memref<32x256xf32, #tpu.memory_space<vmem>>) target_semaphore(%arg24 : memref<!tpu.dma_semaphore, #tpu.memory_space<semaphore_mem>>)
      } else {
      }
      %add3A_345 = arith.constant 16 : i32
      %add3A_346 = vector.broadcast %add3A_345 : i32 to vector<16xi32>
      %add3A_347 = arith.addi %iota3A, %add3A_346 : vector<16xi32>
      %scan3A_348 = arith.constant 0 : i32
      %scan3A_349 = arith.constant 0 : i32
      %scan3A_350 = arith.constant 32 : i32
      %scan3A_351 = arith.addi %scan3A_349, %scan3A_350 : i32
      %scan3A_352 = arith.constant 1 : i32
      scf.for %scan3A_363 = %scan3A_349 to %scan3A_351 step %scan3A_352  : i32 {
        %mul3A_364 = arith.constant 8 : i32
        %mul3A_365 = arith.muli %mul3A_364, %scan3A_363 : i32
        %add3A_366 = vector.broadcast %mul3A_365 : i32 to vector<16xi32>
        %add3A_367 = arith.addi %add3A_366, %iota3A : vector<16xi32>
        %add3A_368 = arith.constant 0 : i32
        %add3A_369 = vector.broadcast %add3A_368 : i32 to vector<16xi32>
        %add3A_370 = arith.addi %add3A_367, %add3A_369 : vector<16xi32>
        %and3A_371 = arith.constant 255 : i32
        %and3A_372 = vector.broadcast %and3A_371 : i32 to vector<16xi32>
        %and3A_373 = arith.andi %add3A_370, %and3A_372 : vector<16xi32>
        %shift_right_logical3A_374 = arith.constant 2 : i32
        %shift_right_logical3A_375 = vector.broadcast %shift_right_logical3A_374 : i32 to vector<16xi32>
        %shift_right_logical3A_376 = arith.shrui %and3A_373, %shift_right_logical3A_375 : vector<16xi32>
        %and3A_377 = arith.constant 3 : i32
        %and3A_378 = vector.broadcast %and3A_377 : i32 to vector<16xi32>
        %and3A_379 = arith.andi %and3A_373, %and3A_378 : vector<16xi32>
        %shift_left3A_380 = arith.constant 5 : i32
        %shift_left3A_381 = vector.broadcast %shift_left3A_380 : i32 to vector<16xi32>
        %shift_left3A_382 = arith.shli %and3A_379, %shift_left3A_381 : vector<16xi32>
        %gather3A = tpu.vector_load_idx %arg9[%iota3A, %and3A_373] : memref<32x256xf32, #tpu.memory_space<vmem>>[vector<16xi32>, vector<16xi32>], vector<16xf32>,
        %add3A_383 = arith.addi %shift_left3A_382, %iota3A : vector<16xi32>
        tpu.vector_store_idx %arg11[%shift_right_logical3A_376, %add3A_383], %gather3A : memref<64x128xf32, #tpu.memory_space<vmem>>[vector<16xi32>, vector<16xi32>], vector<16xf32>,
        %gather3A_384 = tpu.vector_load_idx %arg9[%add3A_347, %and3A_373] : memref<32x256xf32, #tpu.memory_space<vmem>>[vector<16xi32>, vector<16xi32>], vector<16xf32>,
        %add3A_385 = arith.addi %shift_left3A_382, %add3A_347 : vector<16xi32>
        tpu.vector_store_idx %arg11[%shift_right_logical3A_376, %add3A_385], %gather3A_384 : memref<64x128xf32, #tpu.memory_space<vmem>>[vector<16xi32>, vector<16xi32>], vector<16xf32>,
        %add3A_386 = arith.constant 1 : i32
        %add3A_387 = vector.broadcast %add3A_386 : i32 to vector<16xi32>
        %add3A_388 = arith.addi %add3A_367, %add3A_387 : vector<16xi32>
        %and3A_389 = arith.constant 255 : i32
        %and3A_390 = vector.broadcast %and3A_389 : i32 to vector<16xi32>
        %and3A_391 = arith.andi %add3A_388, %and3A_390 : vector<16xi32>
        %shift_right_logical3A_392 = arith.constant 2 : i32
        %shift_right_logical3A_393 = vector.broadcast %shift_right_logical3A_392 : i32 to vector<16xi32>
        %shift_right_logical3A_394 = arith.shrui %and3A_391, %shift_right_logical3A_393 : vector<16xi32>
        %and3A_395 = arith.constant 3 : i32
        %and3A_396 = vector.broadcast %and3A_395 : i32 to vector<16xi32>
        %and3A_397 = arith.andi %and3A_391, %and3A_396 : vector<16xi32>
        %shift_left3A_398 = arith.constant 5 : i32
        %shift_left3A_399 = vector.broadcast %shift_left3A_398 : i32 to vector<16xi32>
        %shift_left3A_400 = arith.shli %and3A_397, %shift_left3A_399 : vector<16xi32>
        %gather3A_401 = tpu.vector_load_idx %arg9[%iota3A, %and3A_391] : memref<32x256xf32, #tpu.memory_space<vmem>>[vector<16xi32>, vector<16xi32>], vector<16xf32>,
        %add3A_402 = arith.addi %shift_left3A_400, %iota3A : vector<16xi32>
        tpu.vector_store_idx %arg11[%shift_right_logical3A_394, %add3A_402], %gather3A_401 : memref<64x128xf32, #tpu.memory_space<vmem>>[vector<16xi32>, vector<16xi32>], vector<16xf32>,
        %gather3A_403 = tpu.vector_load_idx %arg9[%add3A_347, %and3A_391] : memref<32x256xf32, #tpu.memory_space<vmem>>[vector<16xi32>, vector<16xi32>], vector<16xf32>,
        %add3A_404 = arith.addi %shift_left3A_400, %add3A_347 : vector<16xi32>
        tpu.vector_store_idx %arg11[%shift_right_logical3A_394, %add3A_404], %gather3A_403 : memref<64x128xf32, #tpu.memory_space<vmem>>[vector<16xi32>, vector<16xi32>], vector<16xf32>,
        %add3A_405 = arith.constant 2 : i32
        %add3A_406 = vector.broadcast %add3A_405 : i32 to vector<16xi32>
        %add3A_407 = arith.addi %add3A_367, %add3A_406 : vector<16xi32>
        %and3A_408 = arith.constant 255 : i32
        %and3A_409 = vector.broadcast %and3A_408 : i32 to vector<16xi32>
        %and3A_410 = arith.andi %add3A_407, %and3A_409 : vector<16xi32>
        %shift_right_logical3A_411 = arith.constant 2 : i32
        %shift_right_logical3A_412 = vector.broadcast %shift_right_logical3A_411 : i32 to vector<16xi32>
        %shift_right_logical3A_413 = arith.shrui %and3A_410, %shift_right_logical3A_412 : vector<16xi32>
        %and3A_414 = arith.constant 3 : i32
        %and3A_415 = vector.broadcast %and3A_414 : i32 to vector<16xi32>
        %and3A_416 = arith.andi %and3A_410, %and3A_415 : vector<16xi32>
        %shift_left3A_417 = arith.constant 5 : i32
        %shift_left3A_418 = vector.broadcast %shift_left3A_417 : i32 to vector<16xi32>
        %shift_left3A_419 = arith.shli %and3A_416, %shift_left3A_418 : vector<16xi32>
        %gather3A_420 = tpu.vector_load_idx %arg9[%iota3A, %and3A_410] : memref<32x256xf32, #tpu.memory_space<vmem>>[vector<16xi32>, vector<16xi32>], vector<16xf32>,
        %add3A_421 = arith.addi %shift_left3A_419, %iota3A : vector<16xi32>
        tpu.vector_store_idx %arg11[%shift_right_logical3A_413, %add3A_421], %gather3A_420 : memref<64x128xf32, #tpu.memory_space<vmem>>[vector<16xi32>, vector<16xi32>], vector<16xf32>,
        %gather3A_422 = tpu.vector_load_idx %arg9[%add3A_347, %and3A_410] : memref<32x256xf32, #tpu.memory_space<vmem>>[vector<16xi32>, vector<16xi32>], vector<16xf32>,
        %add3A_423 = arith.addi %shift_left3A_419, %add3A_347 : vector<16xi32>
        tpu.vector_store_idx %arg11[%shift_right_logical3A_413, %add3A_423], %gather3A_422 : memref<64x128xf32, #tpu.memory_space<vmem>>[vector<16xi32>, vector<16xi32>], vector<16xf32>,
        %add3A_424 = arith.constant 3 : i32
        %add3A_425 = vector.broadcast %add3A_424 : i32 to vector<16xi32>
        %add3A_426 = arith.addi %add3A_367, %add3A_425 : vector<16xi32>
        %and3A_427 = arith.constant 255 : i32
        %and3A_428 = vector.broadcast %and3A_427 : i32 to vector<16xi32>
        %and3A_429 = arith.andi %add3A_426, %and3A_428 : vector<16xi32>
        %shift_right_logical3A_430 = arith.constant 2 : i32
        %shift_right_logical3A_431 = vector.broadcast %shift_right_logical3A_430 : i32 to vector<16xi32>
        %shift_right_logical3A_432 = arith.shrui %and3A_429, %shift_right_logical3A_431 : vector<16xi32>
        %and3A_433 = arith.constant 3 : i32
        %and3A_434 = vector.broadcast %and3A_433 : i32 to vector<16xi32>
        %and3A_435 = arith.andi %and3A_429, %and3A_434 : vector<16xi32>
        %shift_left3A_436 = arith.constant 5 : i32
        %shift_left3A_437 = vector.broadcast %shift_left3A_436 : i32 to vector<16xi32>
        %shift_left3A_438 = arith.shli %and3A_435, %shift_left3A_437 : vector<16xi32>
        %gather3A_439 = tpu.vector_load_idx %arg9[%iota3A, %and3A_429] : memref<32x256xf32, #tpu.memory_space<vmem>>[vector<16xi32>, vector<16xi32>], vector<16xf32>,
        %add3A_440 = arith.addi %shift_left3A_438, %iota3A : vector<16xi32>
        tpu.vector_store_idx %arg11[%shift_right_logical3A_432, %add3A_440], %gather3A_439 : memref<64x128xf32, #tpu.memory_space<vmem>>[vector<16xi32>, vector<16xi32>], vector<16xf32>,
        %gather3A_441 = tpu.vector_load_idx %arg9[%add3A_347, %and3A_429] : memref<32x256xf32, #tpu.memory_space<vmem>>[vector<16xi32>, vector<16xi32>], vector<16xf32>,
        %add3A_442 = arith.addi %shift_left3A_438, %add3A_347 : vector<16xi32>
        tpu.vector_store_idx %arg11[%shift_right_logical3A_432, %add3A_442], %gather3A_441 : memref<64x128xf32, #tpu.memory_space<vmem>>[vector<16xi32>, vector<16xi32>], vector<16xf32>,
        %add3A_443 = arith.constant 4 : i32
        %add3A_444 = vector.broadcast %add3A_443 : i32 to vector<16xi32>
        %add3A_445 = arith.addi %add3A_367, %add3A_444 : vector<16xi32>
        %and3A_446 = arith.constant 255 : i32
        %and3A_447 = vector.broadcast %and3A_446 : i32 to vector<16xi32>
        %and3A_448 = arith.andi %add3A_445, %and3A_447 : vector<16xi32>
        %shift_right_logical3A_449 = arith.constant 2 : i32
        %shift_right_logical3A_450 = vector.broadcast %shift_right_logical3A_449 : i32 to vector<16xi32>
        %shift_right_logical3A_451 = arith.shrui %and3A_448, %shift_right_logical3A_450 : vector<16xi32>
        %and3A_452 = arith.constant 3 : i32
        %and3A_453 = vector.broadcast %and3A_452 : i32 to vector<16xi32>
        %and3A_454 = arith.andi %and3A_448, %and3A_453 : vector<16xi32>
        %shift_left3A_455 = arith.constant 5 : i32
        %shift_left3A_456 = vector.broadcast %shift_left3A_455 : i32 to vector<16xi32>
        %shift_left3A_457 = arith.shli %and3A_454, %shift_left3A_456 : vector<16xi32>
        %gather3A_458 = tpu.vector_load_idx %arg9[%iota3A, %and3A_448] : memref<32x256xf32, #tpu.memory_space<vmem>>[vector<16xi32>, vector<16xi32>], vector<16xf32>,
        %add3A_459 = arith.addi %shift_left3A_457, %iota3A : vector<16xi32>
        tpu.vector_store_idx %arg11[%shift_right_logical3A_451, %add3A_459], %gather3A_458 : memref<64x128xf32, #tpu.memory_space<vmem>>[vector<16xi32>, vector<16xi32>], vector<16xf32>,
        %gather3A_460 = tpu.vector_load_idx %arg9[%add3A_347, %and3A_448] : memref<32x256xf32, #tpu.memory_space<vmem>>[vector<16xi32>, vector<16xi32>], vector<16xf32>,
        %add3A_461 = arith.addi %shift_left3A_457, %add3A_347 : vector<16xi32>
        tpu.vector_store_idx %arg11[%shift_right_logical3A_451, %add3A_461], %gather3A_460 : memref<64x128xf32, #tpu.memory_space<vmem>>[vector<16xi32>, vector<16xi32>], vector<16xf32>,
        %add3A_462 = arith.constant 5 : i32
        %add3A_463 = vector.broadcast %add3A_462 : i32 to vector<16xi32>
        %add3A_464 = arith.addi %add3A_367, %add3A_463 : vector<16xi32>
        %and3A_465 = arith.constant 255 : i32
        %and3A_466 = vector.broadcast %and3A_465 : i32 to vector<16xi32>
        %and3A_467 = arith.andi %add3A_464, %and3A_466 : vector<16xi32>
        %shift_right_logical3A_468 = arith.constant 2 : i32
        %shift_right_logical3A_469 = vector.broadcast %shift_right_logical3A_468 : i32 to vector<16xi32>
        %shift_right_logical3A_470 = arith.shrui %and3A_467, %shift_right_logical3A_469 : vector<16xi32>
        %and3A_471 = arith.constant 3 : i32
        %and3A_472 = vector.broadcast %and3A_471 : i32 to vector<16xi32>
        %and3A_473 = arith.andi %and3A_467, %and3A_472 : vector<16xi32>
        %shift_left3A_474 = arith.constant 5 : i32
        %shift_left3A_475 = vector.broadcast %shift_left3A_474 : i32 to vector<16xi32>
        %shift_left3A_476 = arith.shli %and3A_473, %shift_left3A_475 : vector<16xi32>
        %gather3A_477 = tpu.vector_load_idx %arg9[%iota3A, %and3A_467] : memref<32x256xf32, #tpu.memory_space<vmem>>[vector<16xi32>, vector<16xi32>], vector<16xf32>,
        %add3A_478 = arith.addi %shift_left3A_476, %iota3A : vector<16xi32>
        tpu.vector_store_idx %arg11[%shift_right_logical3A_470, %add3A_478], %gather3A_477 : memref<64x128xf32, #tpu.memory_space<vmem>>[vector<16xi32>, vector<16xi32>], vector<16xf32>,
        %gather3A_479 = tpu.vector_load_idx %arg9[%add3A_347, %and3A_467] : memref<32x256xf32, #tpu.memory_space<vmem>>[vector<16xi32>, vector<16xi32>], vector<16xf32>,
        %add3A_480 = arith.addi %shift_left3A_476, %add3A_347 : vector<16xi32>
        tpu.vector_store_idx %arg11[%shift_right_logical3A_470, %add3A_480], %gather3A_479 : memref<64x128xf32, #tpu.memory_space<vmem>>[vector<16xi32>, vector<16xi32>], vector<16xf32>,
        %add3A_481 = arith.constant 6 : i32
        %add3A_482 = vector.broadcast %add3A_481 : i32 to vector<16xi32>
        %add3A_483 = arith.addi %add3A_367, %add3A_482 : vector<16xi32>
        %and3A_484 = arith.constant 255 : i32
        %and3A_485 = vector.broadcast %and3A_484 : i32 to vector<16xi32>
        %and3A_486 = arith.andi %add3A_483, %and3A_485 : vector<16xi32>
        %shift_right_logical3A_487 = arith.constant 2 : i32
        %shift_right_logical3A_488 = vector.broadcast %shift_right_logical3A_487 : i32 to vector<16xi32>
        %shift_right_logical3A_489 = arith.shrui %and3A_486, %shift_right_logical3A_488 : vector<16xi32>
        %and3A_490 = arith.constant 3 : i32
        %and3A_491 = vector.broadcast %and3A_490 : i32 to vector<16xi32>
        %and3A_492 = arith.andi %and3A_486, %and3A_491 : vector<16xi32>
        %shift_left3A_493 = arith.constant 5 : i32
        %shift_left3A_494 = vector.broadcast %shift_left3A_493 : i32 to vector<16xi32>
        %shift_left3A_495 = arith.shli %and3A_492, %shift_left3A_494 : vector<16xi32>
        %gather3A_496 = tpu.vector_load_idx %arg9[%iota3A, %and3A_486] : memref<32x256xf32, #tpu.memory_space<vmem>>[vector<16xi32>, vector<16xi32>], vector<16xf32>,
        %add3A_497 = arith.addi %shift_left3A_495, %iota3A : vector<16xi32>
        tpu.vector_store_idx %arg11[%shift_right_logical3A_489, %add3A_497], %gather3A_496 : memref<64x128xf32, #tpu.memory_space<vmem>>[vector<16xi32>, vector<16xi32>], vector<16xf32>,
        %gather3A_498 = tpu.vector_load_idx %arg9[%add3A_347, %and3A_486] : memref<32x256xf32, #tpu.memory_space<vmem>>[vector<16xi32>, vector<16xi32>], vector<16xf32>,
        %add3A_499 = arith.addi %shift_left3A_495, %add3A_347 : vector<16xi32>
        tpu.vector_store_idx %arg11[%shift_right_logical3A_489, %add3A_499], %gather3A_498 : memref<64x128xf32, #tpu.memory_space<vmem>>[vector<16xi32>, vector<16xi32>], vector<16xf32>,
        %add3A_500 = arith.constant 7 : i32
        %add3A_501 = vector.broadcast %add3A_500 : i32 to vector<16xi32>
        %add3A_502 = arith.addi %add3A_367, %add3A_501 : vector<16xi32>
        %and3A_503 = arith.constant 255 : i32
        %and3A_504 = vector.broadcast %and3A_503 : i32 to vector<16xi32>
        %and3A_505 = arith.andi %add3A_502, %and3A_504 : vector<16xi32>
        %shift_right_logical3A_506 = arith.constant 2 : i32
        %shift_right_logical3A_507 = vector.broadcast %shift_right_logical3A_506 : i32 to vector<16xi32>
        %shift_right_logical3A_508 = arith.shrui %and3A_505, %shift_right_logical3A_507 : vector<16xi32>
        %and3A_509 = arith.constant 3 : i32
        %and3A_510 = vector.broadcast %and3A_509 : i32 to vector<16xi32>
        %and3A_511 = arith.andi %and3A_505, %and3A_510 : vector<16xi32>
        %shift_left3A_512 = arith.constant 5 : i32
        %shift_left3A_513 = vector.broadcast %shift_left3A_512 : i32 to vector<16xi32>
        %shift_left3A_514 = arith.shli %and3A_511, %shift_left3A_513 : vector<16xi32>
        %gather3A_515 = tpu.vector_load_idx %arg9[%iota3A, %and3A_505] : memref<32x256xf32, #tpu.memory_space<vmem>>[vector<16xi32>, vector<16xi32>], vector<16xf32>,
        %add3A_516 = arith.addi %shift_left3A_514, %iota3A : vector<16xi32>
        tpu.vector_store_idx %arg11[%shift_right_logical3A_508, %add3A_516], %gather3A_515 : memref<64x128xf32, #tpu.memory_space<vmem>>[vector<16xi32>, vector<16xi32>], vector<16xf32>,
        %gather3A_517 = tpu.vector_load_idx %arg9[%add3A_347, %and3A_505] : memref<32x256xf32, #tpu.memory_space<vmem>>[vector<16xi32>, vector<16xi32>], vector<16xf32>,
        %add3A_518 = arith.addi %shift_left3A_514, %add3A_347 : vector<16xi32>
        tpu.vector_store_idx %arg11[%shift_right_logical3A_508, %add3A_518], %gather3A_517 : memref<64x128xf32, #tpu.memory_space<vmem>>[vector<16xi32>, vector<16xi32>], vector<16xf32>,
      }
      %scan3A_353 = arith.constant 32 : i32
      %mul3A_354 = arith.constant 32 : i32
      %mul3A_355 = arith.muli %cond3A_21, %mul3A_354 : i32
      %add3A_356 = arith.addi %add3A, %mul3A_355 : i32
      %mul3A_357 = arith.constant 64 : i32
      %mul3A_358 = arith.muli %mul3A_357, %add3A_356 : i32
      %dma_start3A_359 = arith.constant 0 : i32
      %dma_start3A_360 = tpu.memref_slice %arg6[%mul3A_358, %dma_start3A_359] : memref<250000x128xf32, #tpu.memory_space<hbm>> -> memref<64x128xf32, #tpu.memory_space<hbm>>
      %dma_start3A_361 = arith.constant 0 : i32
      %dma_start3A_362 = tpu.memref_slice %arg6[%mul3A_358, %dma_start3A_361] : memref<250000x128xf32, #tpu.memory_space<hbm>> -> memref<64x128xf32, #tpu.memory_space<hbm>>
      tpu.enqueue_dma source(%arg11 : memref<64x128xf32, #tpu.memory_space<vmem>>) target(%dma_start3A_362 : memref<64x128xf32, #tpu.memory_space<hbm>>) target_semaphore(%arg27 : memref<!tpu.dma_semaphore, #tpu.memory_space<semaphore_mem>>)
    } else {
    }
    %lt3A_24 = arith.constant 2 : i32
    %lt3A_25 = arith.cmpi slt, %lt3A_24, %select_n3A : i32
    %convert_element_type3A_26 = arith.extui %lt3A_25 : i1 to i32
    %cond3A_27 = arith.constant 2 : i32
    %cond3A_28 = arith.constant 0 : i32
    %cond3A_29 = arith.cmpi ne, %convert_element_type3A_26, %cond3A_28 : i32
    scf.if %cond3A_29 {
      %dma_wait3A_333 = arith.constant 0 : i32
      %dma_wait3A_334 = arith.constant 0 : i32
      %dma_wait3A_335 = tpu.memref_slice %arg2[%dma_wait3A_333, %dma_wait3A_334] : memref<32x1000000xf32, #tpu.memory_space<hbm>> -> memref<32x256xf32, #tpu.memory_space<hbm>>
      %dma_wait3A_336 = arith.constant 0 : i32
      %dma_wait3A_337 = arith.constant 0 : i32
      %dma_wait3A_338 = tpu.memref_slice %arg2[%dma_wait3A_336, %dma_wait3A_337] : memref<32x1000000xf32, #tpu.memory_space<hbm>> -> memref<32x256xf32, #tpu.memory_space<hbm>>
      tpu.wait_dma2 semaphore(%arg24 : memref<!tpu.dma_semaphore, #tpu.memory_space<semaphore_mem>>) src(%dma_wait3A_338 : memref<32x256xf32, #tpu.memory_space<hbm>>) dst(%arg8 : memref<32x256xf32, #tpu.memory_space<vmem>>)
      %add3A_339 = arith.constant 1 : i32
      %add3A_340 = arith.addi %cond3A_27, %add3A_339 : i32
      %lt3A_341 = arith.cmpi slt, %add3A_340, %select_n3A : i32
      %convert_element_type3A_342 = arith.extui %lt3A_341 : i1 to i32
      %cond3A_343 = arith.constant 0 : i32
      %cond3A_344 = arith.cmpi ne, %convert_element_type3A_342, %cond3A_343 : i32
      scf.if %cond3A_344 {
        %add3A_369 = arith.constant 1 : i32
        %add3A_370 = arith.addi %cond3A_27, %add3A_369 : i32
        %mul3A_371 = arith.constant 32 : i32
        %mul3A_372 = arith.muli %add3A_370, %mul3A_371 : i32
        %add3A_373 = arith.addi %add3A, %mul3A_372 : i32
        %mul3A_374 = arith.constant 256 : i32
        %mul3A_375 = arith.muli %add3A_373, %mul3A_374 : i32
        %dma_start3A_376 = arith.constant 0 : i32
        %dma_start3A_377 = tpu.memref_slice %arg2[%dma_start3A_376, %mul3A_375] : memref<32x1000000xf32, #tpu.memory_space<hbm>> -> memref<32x256xf32, #tpu.memory_space<hbm>>
        %dma_start3A_378 = arith.constant 0 : i32
        %dma_start3A_379 = tpu.memref_slice %arg2[%dma_start3A_378, %mul3A_375] : memref<32x1000000xf32, #tpu.memory_space<hbm>> -> memref<32x256xf32, #tpu.memory_space<hbm>>
        tpu.enqueue_dma source(%dma_start3A_379 : memref<32x256xf32, #tpu.memory_space<hbm>>) target(%arg9 : memref<32x256xf32, #tpu.memory_space<vmem>>) target_semaphore(%arg25 : memref<!tpu.dma_semaphore, #tpu.memory_space<semaphore_mem>>)
      } else {
      }
      %dma_wait3A_345 = arith.constant 0 : i32
      %dma_wait3A_346 = arith.constant 0 : i32
      %dma_wait3A_347 = tpu.memref_slice %arg6[%dma_wait3A_345, %dma_wait3A_346] : memref<250000x128xf32, #tpu.memory_space<hbm>> -> memref<64x128xf32, #tpu.memory_space<hbm>>
      %dma_wait3A_348 = arith.constant 0 : i32
      %dma_wait3A_349 = arith.constant 0 : i32
      %dma_wait3A_350 = tpu.memref_slice %arg6[%dma_wait3A_348, %dma_wait3A_349] : memref<250000x128xf32, #tpu.memory_space<hbm>> -> memref<64x128xf32, #tpu.memory_space<hbm>>
      tpu.wait_dma2 semaphore(%arg26 : memref<!tpu.dma_semaphore, #tpu.memory_space<semaphore_mem>>) src(%arg10 : memref<64x128xf32, #tpu.memory_space<vmem>>) dst(%dma_wait3A_350 : memref<64x128xf32, #tpu.memory_space<hbm>>)
      %add3A_351 = arith.constant 16 : i32
      %add3A_352 = vector.broadcast %add3A_351 : i32 to vector<16xi32>
      %add3A_353 = arith.addi %iota3A, %add3A_352 : vector<16xi32>
      %scan3A_354 = arith.constant 0 : i32
      %scan3A_355 = arith.constant 0 : i32
      %scan3A_356 = arith.constant 32 : i32
      %scan3A_357 = arith.addi %scan3A_355, %scan3A_356 : i32
      %scan3A_358 = arith.constant 1 : i32
      scf.for %scan3A_369 = %scan3A_355 to %scan3A_357 step %scan3A_358  : i32 {
        %mul3A_370 = arith.constant 8 : i32
        %mul3A_371 = arith.muli %mul3A_370, %scan3A_369 : i32
        %add3A_372 = vector.broadcast %mul3A_371 : i32 to vector<16xi32>
        %add3A_373 = arith.addi %add3A_372, %iota3A : vector<16xi32>
        %add3A_374 = arith.constant 0 : i32
        %add3A_375 = vector.broadcast %add3A_374 : i32 to vector<16xi32>
        %add3A_376 = arith.addi %add3A_373, %add3A_375 : vector<16xi32>
        %and3A_377 = arith.constant 255 : i32
        %and3A_378 = vector.broadcast %and3A_377 : i32 to vector<16xi32>
        %and3A_379 = arith.andi %add3A_376, %and3A_378 : vector<16xi32>
        %shift_right_logical3A_380 = arith.constant 2 : i32
        %shift_right_logical3A_381 = vector.broadcast %shift_right_logical3A_380 : i32 to vector<16xi32>
        %shift_right_logical3A_382 = arith.shrui %and3A_379, %shift_right_logical3A_381 : vector<16xi32>
        %and3A_383 = arith.constant 3 : i32
        %and3A_384 = vector.broadcast %and3A_383 : i32 to vector<16xi32>
        %and3A_385 = arith.andi %and3A_379, %and3A_384 : vector<16xi32>
        %shift_left3A_386 = arith.constant 5 : i32
        %shift_left3A_387 = vector.broadcast %shift_left3A_386 : i32 to vector<16xi32>
        %shift_left3A_388 = arith.shli %and3A_385, %shift_left3A_387 : vector<16xi32>
        %gather3A = tpu.vector_load_idx %arg8[%iota3A, %and3A_379] : memref<32x256xf32, #tpu.memory_space<vmem>>[vector<16xi32>, vector<16xi32>], vector<16xf32>,
        %add3A_389 = arith.addi %shift_left3A_388, %iota3A : vector<16xi32>
        tpu.vector_store_idx %arg10[%shift_right_logical3A_382, %add3A_389], %gather3A : memref<64x128xf32, #tpu.memory_space<vmem>>[vector<16xi32>, vector<16xi32>], vector<16xf32>,
        %gather3A_390 = tpu.vector_load_idx %arg8[%add3A_353, %and3A_379] : memref<32x256xf32, #tpu.memory_space<vmem>>[vector<16xi32>, vector<16xi32>], vector<16xf32>,
        %add3A_391 = arith.addi %shift_left3A_388, %add3A_353 : vector<16xi32>
        tpu.vector_store_idx %arg10[%shift_right_logical3A_382, %add3A_391], %gather3A_390 : memref<64x128xf32, #tpu.memory_space<vmem>>[vector<16xi32>, vector<16xi32>], vector<16xf32>,
        %add3A_392 = arith.constant 1 : i32
        %add3A_393 = vector.broadcast %add3A_392 : i32 to vector<16xi32>
        %add3A_394 = arith.addi %add3A_373, %add3A_393 : vector<16xi32>
        %and3A_395 = arith.constant 255 : i32
        %and3A_396 = vector.broadcast %and3A_395 : i32 to vector<16xi32>
        %and3A_397 = arith.andi %add3A_394, %and3A_396 : vector<16xi32>
        %shift_right_logical3A_398 = arith.constant 2 : i32
        %shift_right_logical3A_399 = vector.broadcast %shift_right_logical3A_398 : i32 to vector<16xi32>
        %shift_right_logical3A_400 = arith.shrui %and3A_397, %shift_right_logical3A_399 : vector<16xi32>
        %and3A_401 = arith.constant 3 : i32
        %and3A_402 = vector.broadcast %and3A_401 : i32 to vector<16xi32>
        %and3A_403 = arith.andi %and3A_397, %and3A_402 : vector<16xi32>
        %shift_left3A_404 = arith.constant 5 : i32
        %shift_left3A_405 = vector.broadcast %shift_left3A_404 : i32 to vector<16xi32>
        %shift_left3A_406 = arith.shli %and3A_403, %shift_left3A_405 : vector<16xi32>
        %gather3A_407 = tpu.vector_load_idx %arg8[%iota3A, %and3A_397] : memref<32x256xf32, #tpu.memory_space<vmem>>[vector<16xi32>, vector<16xi32>], vector<16xf32>,
        %add3A_408 = arith.addi %shift_left3A_406, %iota3A : vector<16xi32>
        tpu.vector_store_idx %arg10[%shift_right_logical3A_400, %add3A_408], %gather3A_407 : memref<64x128xf32, #tpu.memory_space<vmem>>[vector<16xi32>, vector<16xi32>], vector<16xf32>,
        %gather3A_409 = tpu.vector_load_idx %arg8[%add3A_353, %and3A_397] : memref<32x256xf32, #tpu.memory_space<vmem>>[vector<16xi32>, vector<16xi32>], vector<16xf32>,
        %add3A_410 = arith.addi %shift_left3A_406, %add3A_353 : vector<16xi32>
        tpu.vector_store_idx %arg10[%shift_right_logical3A_400, %add3A_410], %gather3A_409 : memref<64x128xf32, #tpu.memory_space<vmem>>[vector<16xi32>, vector<16xi32>], vector<16xf32>,
        %add3A_411 = arith.constant 2 : i32
        %add3A_412 = vector.broadcast %add3A_411 : i32 to vector<16xi32>
        %add3A_413 = arith.addi %add3A_373, %add3A_412 : vector<16xi32>
        %and3A_414 = arith.constant 255 : i32
        %and3A_415 = vector.broadcast %and3A_414 : i32 to vector<16xi32>
        %and3A_416 = arith.andi %add3A_413, %and3A_415 : vector<16xi32>
        %shift_right_logical3A_417 = arith.constant 2 : i32
        %shift_right_logical3A_418 = vector.broadcast %shift_right_logical3A_417 : i32 to vector<16xi32>
        %shift_right_logical3A_419 = arith.shrui %and3A_416, %shift_right_logical3A_418 : vector<16xi32>
        %and3A_420 = arith.constant 3 : i32
        %and3A_421 = vector.broadcast %and3A_420 : i32 to vector<16xi32>
        %and3A_422 = arith.andi %and3A_416, %and3A_421 : vector<16xi32>
        %shift_left3A_423 = arith.constant 5 : i32
        %shift_left3A_424 = vector.broadcast %shift_left3A_423 : i32 to vector<16xi32>
        %shift_left3A_425 = arith.shli %and3A_422, %shift_left3A_424 : vector<16xi32>
        %gather3A_426 = tpu.vector_load_idx %arg8[%iota3A, %and3A_416] : memref<32x256xf32, #tpu.memory_space<vmem>>[vector<16xi32>, vector<16xi32>], vector<16xf32>,
        %add3A_427 = arith.addi %shift_left3A_425, %iota3A : vector<16xi32>
        tpu.vector_store_idx %arg10[%shift_right_logical3A_419, %add3A_427], %gather3A_426 : memref<64x128xf32, #tpu.memory_space<vmem>>[vector<16xi32>, vector<16xi32>], vector<16xf32>,
        %gather3A_428 = tpu.vector_load_idx %arg8[%add3A_353, %and3A_416] : memref<32x256xf32, #tpu.memory_space<vmem>>[vector<16xi32>, vector<16xi32>], vector<16xf32>,
        %add3A_429 = arith.addi %shift_left3A_425, %add3A_353 : vector<16xi32>
        tpu.vector_store_idx %arg10[%shift_right_logical3A_419, %add3A_429], %gather3A_428 : memref<64x128xf32, #tpu.memory_space<vmem>>[vector<16xi32>, vector<16xi32>], vector<16xf32>,
        %add3A_430 = arith.constant 3 : i32
        %add3A_431 = vector.broadcast %add3A_430 : i32 to vector<16xi32>
        %add3A_432 = arith.addi %add3A_373, %add3A_431 : vector<16xi32>
        %and3A_433 = arith.constant 255 : i32
        %and3A_434 = vector.broadcast %and3A_433 : i32 to vector<16xi32>
        %and3A_435 = arith.andi %add3A_432, %and3A_434 : vector<16xi32>
        %shift_right_logical3A_436 = arith.constant 2 : i32
        %shift_right_logical3A_437 = vector.broadcast %shift_right_logical3A_436 : i32 to vector<16xi32>
        %shift_right_logical3A_438 = arith.shrui %and3A_435, %shift_right_logical3A_437 : vector<16xi32>
        %and3A_439 = arith.constant 3 : i32
        %and3A_440 = vector.broadcast %and3A_439 : i32 to vector<16xi32>
        %and3A_441 = arith.andi %and3A_435, %and3A_440 : vector<16xi32>
        %shift_left3A_442 = arith.constant 5 : i32
        %shift_left3A_443 = vector.broadcast %shift_left3A_442 : i32 to vector<16xi32>
        %shift_left3A_444 = arith.shli %and3A_441, %shift_left3A_443 : vector<16xi32>
        %gather3A_445 = tpu.vector_load_idx %arg8[%iota3A, %and3A_435] : memref<32x256xf32, #tpu.memory_space<vmem>>[vector<16xi32>, vector<16xi32>], vector<16xf32>,
        %add3A_446 = arith.addi %shift_left3A_444, %iota3A : vector<16xi32>
        tpu.vector_store_idx %arg10[%shift_right_logical3A_438, %add3A_446], %gather3A_445 : memref<64x128xf32, #tpu.memory_space<vmem>>[vector<16xi32>, vector<16xi32>], vector<16xf32>,
        %gather3A_447 = tpu.vector_load_idx %arg8[%add3A_353, %and3A_435] : memref<32x256xf32, #tpu.memory_space<vmem>>[vector<16xi32>, vector<16xi32>], vector<16xf32>,
        %add3A_448 = arith.addi %shift_left3A_444, %add3A_353 : vector<16xi32>
        tpu.vector_store_idx %arg10[%shift_right_logical3A_438, %add3A_448], %gather3A_447 : memref<64x128xf32, #tpu.memory_space<vmem>>[vector<16xi32>, vector<16xi32>], vector<16xf32>,
        %add3A_449 = arith.constant 4 : i32
        %add3A_450 = vector.broadcast %add3A_449 : i32 to vector<16xi32>
        %add3A_451 = arith.addi %add3A_373, %add3A_450 : vector<16xi32>
        %and3A_452 = arith.constant 255 : i32
        %and3A_453 = vector.broadcast %and3A_452 : i32 to vector<16xi32>
        %and3A_454 = arith.andi %add3A_451, %and3A_453 : vector<16xi32>
        %shift_right_logical3A_455 = arith.constant 2 : i32
        %shift_right_logical3A_456 = vector.broadcast %shift_right_logical3A_455 : i32 to vector<16xi32>
        %shift_right_logical3A_457 = arith.shrui %and3A_454, %shift_right_logical3A_456 : vector<16xi32>
        %and3A_458 = arith.constant 3 : i32
        %and3A_459 = vector.broadcast %and3A_458 : i32 to vector<16xi32>
        %and3A_460 = arith.andi %and3A_454, %and3A_459 : vector<16xi32>
        %shift_left3A_461 = arith.constant 5 : i32
        %shift_left3A_462 = vector.broadcast %shift_left3A_461 : i32 to vector<16xi32>
        %shift_left3A_463 = arith.shli %and3A_460, %shift_left3A_462 : vector<16xi32>
        %gather3A_464 = tpu.vector_load_idx %arg8[%iota3A, %and3A_454] : memref<32x256xf32, #tpu.memory_space<vmem>>[vector<16xi32>, vector<16xi32>], vector<16xf32>,
        %add3A_465 = arith.addi %shift_left3A_463, %iota3A : vector<16xi32>
        tpu.vector_store_idx %arg10[%shift_right_logical3A_457, %add3A_465], %gather3A_464 : memref<64x128xf32, #tpu.memory_space<vmem>>[vector<16xi32>, vector<16xi32>], vector<16xf32>,
        %gather3A_466 = tpu.vector_load_idx %arg8[%add3A_353, %and3A_454] : memref<32x256xf32, #tpu.memory_space<vmem>>[vector<16xi32>, vector<16xi32>], vector<16xf32>,
        %add3A_467 = arith.addi %shift_left3A_463, %add3A_353 : vector<16xi32>
        tpu.vector_store_idx %arg10[%shift_right_logical3A_457, %add3A_467], %gather3A_466 : memref<64x128xf32, #tpu.memory_space<vmem>>[vector<16xi32>, vector<16xi32>], vector<16xf32>,
        %add3A_468 = arith.constant 5 : i32
        %add3A_469 = vector.broadcast %add3A_468 : i32 to vector<16xi32>
        %add3A_470 = arith.addi %add3A_373, %add3A_469 : vector<16xi32>
        %and3A_471 = arith.constant 255 : i32
        %and3A_472 = vector.broadcast %and3A_471 : i32 to vector<16xi32>
        %and3A_473 = arith.andi %add3A_470, %and3A_472 : vector<16xi32>
        %shift_right_logical3A_474 = arith.constant 2 : i32
        %shift_right_logical3A_475 = vector.broadcast %shift_right_logical3A_474 : i32 to vector<16xi32>
        %shift_right_logical3A_476 = arith.shrui %and3A_473, %shift_right_logical3A_475 : vector<16xi32>
        %and3A_477 = arith.constant 3 : i32
        %and3A_478 = vector.broadcast %and3A_477 : i32 to vector<16xi32>
        %and3A_479 = arith.andi %and3A_473, %and3A_478 : vector<16xi32>
        %shift_left3A_480 = arith.constant 5 : i32
        %shift_left3A_481 = vector.broadcast %shift_left3A_480 : i32 to vector<16xi32>
        %shift_left3A_482 = arith.shli %and3A_479, %shift_left3A_481 : vector<16xi32>
        %gather3A_483 = tpu.vector_load_idx %arg8[%iota3A, %and3A_473] : memref<32x256xf32, #tpu.memory_space<vmem>>[vector<16xi32>, vector<16xi32>], vector<16xf32>,
        %add3A_484 = arith.addi %shift_left3A_482, %iota3A : vector<16xi32>
        tpu.vector_store_idx %arg10[%shift_right_logical3A_476, %add3A_484], %gather3A_483 : memref<64x128xf32, #tpu.memory_space<vmem>>[vector<16xi32>, vector<16xi32>], vector<16xf32>,
        %gather3A_485 = tpu.vector_load_idx %arg8[%add3A_353, %and3A_473] : memref<32x256xf32, #tpu.memory_space<vmem>>[vector<16xi32>, vector<16xi32>], vector<16xf32>,
        %add3A_486 = arith.addi %shift_left3A_482, %add3A_353 : vector<16xi32>
        tpu.vector_store_idx %arg10[%shift_right_logical3A_476, %add3A_486], %gather3A_485 : memref<64x128xf32, #tpu.memory_space<vmem>>[vector<16xi32>, vector<16xi32>], vector<16xf32>,
        %add3A_487 = arith.constant 6 : i32
        %add3A_488 = vector.broadcast %add3A_487 : i32 to vector<16xi32>
        %add3A_489 = arith.addi %add3A_373, %add3A_488 : vector<16xi32>
        %and3A_490 = arith.constant 255 : i32
        %and3A_491 = vector.broadcast %and3A_490 : i32 to vector<16xi32>
        %and3A_492 = arith.andi %add3A_489, %and3A_491 : vector<16xi32>
        %shift_right_logical3A_493 = arith.constant 2 : i32
        %shift_right_logical3A_494 = vector.broadcast %shift_right_logical3A_493 : i32 to vector<16xi32>
        %shift_right_logical3A_495 = arith.shrui %and3A_492, %shift_right_logical3A_494 : vector<16xi32>
        %and3A_496 = arith.constant 3 : i32
        %and3A_497 = vector.broadcast %and3A_496 : i32 to vector<16xi32>
        %and3A_498 = arith.andi %and3A_492, %and3A_497 : vector<16xi32>
        %shift_left3A_499 = arith.constant 5 : i32
        %shift_left3A_500 = vector.broadcast %shift_left3A_499 : i32 to vector<16xi32>
        %shift_left3A_501 = arith.shli %and3A_498, %shift_left3A_500 : vector<16xi32>
        %gather3A_502 = tpu.vector_load_idx %arg8[%iota3A, %and3A_492] : memref<32x256xf32, #tpu.memory_space<vmem>>[vector<16xi32>, vector<16xi32>], vector<16xf32>,
        %add3A_503 = arith.addi %shift_left3A_501, %iota3A : vector<16xi32>
        tpu.vector_store_idx %arg10[%shift_right_logical3A_495, %add3A_503], %gather3A_502 : memref<64x128xf32, #tpu.memory_space<vmem>>[vector<16xi32>, vector<16xi32>], vector<16xf32>,
        %gather3A_504 = tpu.vector_load_idx %arg8[%add3A_353, %and3A_492] : memref<32x256xf32, #tpu.memory_space<vmem>>[vector<16xi32>, vector<16xi32>], vector<16xf32>,
        %add3A_505 = arith.addi %shift_left3A_501, %add3A_353 : vector<16xi32>
        tpu.vector_store_idx %arg10[%shift_right_logical3A_495, %add3A_505], %gather3A_504 : memref<64x128xf32, #tpu.memory_space<vmem>>[vector<16xi32>, vector<16xi32>], vector<16xf32>,
        %add3A_506 = arith.constant 7 : i32
        %add3A_507 = vector.broadcast %add3A_506 : i32 to vector<16xi32>
        %add3A_508 = arith.addi %add3A_373, %add3A_507 : vector<16xi32>
        %and3A_509 = arith.constant 255 : i32
        %and3A_510 = vector.broadcast %and3A_509 : i32 to vector<16xi32>
        %and3A_511 = arith.andi %add3A_508, %and3A_510 : vector<16xi32>
        %shift_right_logical3A_512 = arith.constant 2 : i32
        %shift_right_logical3A_513 = vector.broadcast %shift_right_logical3A_512 : i32 to vector<16xi32>
        %shift_right_logical3A_514 = arith.shrui %and3A_511, %shift_right_logical3A_513 : vector<16xi32>
        %and3A_515 = arith.constant 3 : i32
        %and3A_516 = vector.broadcast %and3A_515 : i32 to vector<16xi32>
        %and3A_517 = arith.andi %and3A_511, %and3A_516 : vector<16xi32>
        %shift_left3A_518 = arith.constant 5 : i32
        %shift_left3A_519 = vector.broadcast %shift_left3A_518 : i32 to vector<16xi32>
        %shift_left3A_520 = arith.shli %and3A_517, %shift_left3A_519 : vector<16xi32>
        %gather3A_521 = tpu.vector_load_idx %arg8[%iota3A, %and3A_511] : memref<32x256xf32, #tpu.memory_space<vmem>>[vector<16xi32>, vector<16xi32>], vector<16xf32>,
        %add3A_522 = arith.addi %shift_left3A_520, %iota3A : vector<16xi32>
        tpu.vector_store_idx %arg10[%shift_right_logical3A_514, %add3A_522], %gather3A_521 : memref<64x128xf32, #tpu.memory_space<vmem>>[vector<16xi32>, vector<16xi32>], vector<16xf32>,
        %gather3A_523 = tpu.vector_load_idx %arg8[%add3A_353, %and3A_511] : memref<32x256xf32, #tpu.memory_space<vmem>>[vector<16xi32>, vector<16xi32>], vector<16xf32>,
        %add3A_524 = arith.addi %shift_left3A_520, %add3A_353 : vector<16xi32>
        tpu.vector_store_idx %arg10[%shift_right_logical3A_514, %add3A_524], %gather3A_523 : memref<64x128xf32, #tpu.memory_space<vmem>>[vector<16xi32>, vector<16xi32>], vector<16xf32>,
      }
      %scan3A_359 = arith.constant 32 : i32
      %mul3A_360 = arith.constant 32 : i32
      %mul3A_361 = arith.muli %cond3A_27, %mul3A_360 : i32
      %add3A_362 = arith.addi %add3A, %mul3A_361 : i32
      %mul3A_363 = arith.constant 64 : i32
      %mul3A_364 = arith.muli %mul3A_363, %add3A_362 : i32
      %dma_start3A_365 = arith.constant 0 : i32
      %dma_start3A_366 = tpu.memref_slice %arg6[%mul3A_364, %dma_start3A_365] : memref<250000x128xf32, #tpu.memory_space<hbm>> -> memref<64x128xf32, #tpu.memory_space<hbm>>
      %dma_start3A_367 = arith.constant 0 : i32
      %dma_start3A_368 = tpu.memref_slice %arg6[%mul3A_364, %dma_start3A_367] : memref<250000x128xf32, #tpu.memory_space<hbm>> -> memref<64x128xf32, #tpu.memory_space<hbm>>
      tpu.enqueue_dma source(%arg10 : memref<64x128xf32, #tpu.memory_space<vmem>>) target(%dma_start3A_368 : memref<64x128xf32, #tpu.memory_space<hbm>>) target_semaphore(%arg26 : memref<!tpu.dma_semaphore, #tpu.memory_space<semaphore_mem>>)
    } else {
    }
    %scan3A = arith.constant 0 : i32
    %scan3A_30 = arith.constant 0 : i32
    %scan3A_31 = arith.constant 60 : i32
    %scan3A_32 = arith.addi %scan3A_30, %scan3A_31 : i32
    %scan3A_33 = arith.constant 1 : i32
    scf.for %scan3A_333 = %scan3A_30 to %scan3A_32 step %scan3A_33  : i32 {
      %mul3A_334 = arith.constant 2 : i32
      %mul3A_335 = arith.muli %mul3A_334, %scan3A_333 : i32
      %add3A_336 = arith.constant 3 : i32
      %add3A_337 = arith.addi %mul3A_335, %add3A_336 : i32
      %lt3A_338 = arith.cmpi slt, %add3A_337, %select_n3A : i32
      %convert_element_type3A_339 = arith.extui %lt3A_338 : i1 to i32
      %cond3A_340 = arith.constant 0 : i32
      %cond3A_341 = arith.cmpi ne, %convert_element_type3A_339, %cond3A_340 : i32
      scf.if %cond3A_341 {
        %dma_wait3A_348 = arith.constant 0 : i32
        %dma_wait3A_349 = arith.constant 0 : i32
        %dma_wait3A_350 = tpu.memref_slice %arg2[%dma_wait3A_348, %dma_wait3A_349] : memref<32x1000000xf32, #tpu.memory_space<hbm>> -> memref<32x256xf32, #tpu.memory_space<hbm>>
        %dma_wait3A_351 = arith.constant 0 : i32
        %dma_wait3A_352 = arith.constant 0 : i32
        %dma_wait3A_353 = tpu.memref_slice %arg2[%dma_wait3A_351, %dma_wait3A_352] : memref<32x1000000xf32, #tpu.memory_space<hbm>> -> memref<32x256xf32, #tpu.memory_space<hbm>>
        tpu.wait_dma2 semaphore(%arg25 : memref<!tpu.dma_semaphore, #tpu.memory_space<semaphore_mem>>) src(%dma_wait3A_353 : memref<32x256xf32, #tpu.memory_space<hbm>>) dst(%arg9 : memref<32x256xf32, #tpu.memory_space<vmem>>)
        %add3A_354 = arith.constant 1 : i32
        %add3A_355 = arith.addi %add3A_337, %add3A_354 : i32
        %lt3A_356 = arith.cmpi slt, %add3A_355, %select_n3A : i32
        %convert_element_type3A_357 = arith.extui %lt3A_356 : i1 to i32
        %cond3A_358 = arith.constant 0 : i32
        %cond3A_359 = arith.cmpi ne, %convert_element_type3A_357, %cond3A_358 : i32
        scf.if %cond3A_359 {
          %add3A_384 = arith.constant 1 : i32
          %add3A_385 = arith.addi %add3A_337, %add3A_384 : i32
          %mul3A_386 = arith.constant 32 : i32
          %mul3A_387 = arith.muli %add3A_385, %mul3A_386 : i32
          %add3A_388 = arith.addi %add3A, %mul3A_387 : i32
          %mul3A_389 = arith.constant 256 : i32
          %mul3A_390 = arith.muli %add3A_388, %mul3A_389 : i32
          %dma_start3A_391 = arith.constant 0 : i32
          %dma_start3A_392 = tpu.memref_slice %arg2[%dma_start3A_391, %mul3A_390] : memref<32x1000000xf32, #tpu.memory_space<hbm>> -> memref<32x256xf32, #tpu.memory_space<hbm>>
          %dma_start3A_393 = arith.constant 0 : i32
          %dma_start3A_394 = tpu.memref_slice %arg2[%dma_start3A_393, %mul3A_390] : memref<32x1000000xf32, #tpu.memory_space<hbm>> -> memref<32x256xf32, #tpu.memory_space<hbm>>
          tpu.enqueue_dma source(%dma_start3A_394 : memref<32x256xf32, #tpu.memory_space<hbm>>) target(%arg8 : memref<32x256xf32, #tpu.memory_space<vmem>>) target_semaphore(%arg24 : memref<!tpu.dma_semaphore, #tpu.memory_space<semaphore_mem>>)
        } else {
        }
        %dma_wait3A_360 = arith.constant 0 : i32
        %dma_wait3A_361 = arith.constant 0 : i32
        %dma_wait3A_362 = tpu.memref_slice %arg6[%dma_wait3A_360, %dma_wait3A_361] : memref<250000x128xf32, #tpu.memory_space<hbm>> -> memref<64x128xf32, #tpu.memory_space<hbm>>
        %dma_wait3A_363 = arith.constant 0 : i32
        %dma_wait3A_364 = arith.constant 0 : i32
        %dma_wait3A_365 = tpu.memref_slice %arg6[%dma_wait3A_363, %dma_wait3A_364] : memref<250000x128xf32, #tpu.memory_space<hbm>> -> memref<64x128xf32, #tpu.memory_space<hbm>>
        tpu.wait_dma2 semaphore(%arg27 : memref<!tpu.dma_semaphore, #tpu.memory_space<semaphore_mem>>) src(%arg11 : memref<64x128xf32, #tpu.memory_space<vmem>>) dst(%dma_wait3A_365 : memref<64x128xf32, #tpu.memory_space<hbm>>)
        %add3A_366 = arith.constant 16 : i32
        %add3A_367 = vector.broadcast %add3A_366 : i32 to vector<16xi32>
        %add3A_368 = arith.addi %iota3A, %add3A_367 : vector<16xi32>
        %scan3A_369 = arith.constant 0 : i32
        %scan3A_370 = arith.constant 0 : i32
        %scan3A_371 = arith.constant 32 : i32
        %scan3A_372 = arith.addi %scan3A_370, %scan3A_371 : i32
        %scan3A_373 = arith.constant 1 : i32
        scf.for %scan3A_384 = %scan3A_370 to %scan3A_372 step %scan3A_373  : i32 {
          %mul3A_385 = arith.constant 8 : i32
          %mul3A_386 = arith.muli %mul3A_385, %scan3A_384 : i32
          %add3A_387 = vector.broadcast %mul3A_386 : i32 to vector<16xi32>
          %add3A_388 = arith.addi %add3A_387, %iota3A : vector<16xi32>
          %add3A_389 = arith.constant 0 : i32
          %add3A_390 = vector.broadcast %add3A_389 : i32 to vector<16xi32>
          %add3A_391 = arith.addi %add3A_388, %add3A_390 : vector<16xi32>
          %and3A_392 = arith.constant 255 : i32
          %and3A_393 = vector.broadcast %and3A_392 : i32 to vector<16xi32>
          %and3A_394 = arith.andi %add3A_391, %and3A_393 : vector<16xi32>
          %shift_right_logical3A_395 = arith.constant 2 : i32
          %shift_right_logical3A_396 = vector.broadcast %shift_right_logical3A_395 : i32 to vector<16xi32>
          %shift_right_logical3A_397 = arith.shrui %and3A_394, %shift_right_logical3A_396 : vector<16xi32>
          %and3A_398 = arith.constant 3 : i32
          %and3A_399 = vector.broadcast %and3A_398 : i32 to vector<16xi32>
          %and3A_400 = arith.andi %and3A_394, %and3A_399 : vector<16xi32>
          %shift_left3A_401 = arith.constant 5 : i32
          %shift_left3A_402 = vector.broadcast %shift_left3A_401 : i32 to vector<16xi32>
          %shift_left3A_403 = arith.shli %and3A_400, %shift_left3A_402 : vector<16xi32>
          %gather3A = tpu.vector_load_idx %arg9[%iota3A, %and3A_394] : memref<32x256xf32, #tpu.memory_space<vmem>>[vector<16xi32>, vector<16xi32>], vector<16xf32>,
          %add3A_404 = arith.addi %shift_left3A_403, %iota3A : vector<16xi32>
          tpu.vector_store_idx %arg11[%shift_right_logical3A_397, %add3A_404], %gather3A : memref<64x128xf32, #tpu.memory_space<vmem>>[vector<16xi32>, vector<16xi32>], vector<16xf32>,
          %gather3A_405 = tpu.vector_load_idx %arg9[%add3A_368, %and3A_394] : memref<32x256xf32, #tpu.memory_space<vmem>>[vector<16xi32>, vector<16xi32>], vector<16xf32>,
          %add3A_406 = arith.addi %shift_left3A_403, %add3A_368 : vector<16xi32>
          tpu.vector_store_idx %arg11[%shift_right_logical3A_397, %add3A_406], %gather3A_405 : memref<64x128xf32, #tpu.memory_space<vmem>>[vector<16xi32>, vector<16xi32>], vector<16xf32>,
          %add3A_407 = arith.constant 1 : i32
          %add3A_408 = vector.broadcast %add3A_407 : i32 to vector<16xi32>
          %add3A_409 = arith.addi %add3A_388, %add3A_408 : vector<16xi32>
          %and3A_410 = arith.constant 255 : i32
          %and3A_411 = vector.broadcast %and3A_410 : i32 to vector<16xi32>
          %and3A_412 = arith.andi %add3A_409, %and3A_411 : vector<16xi32>
          %shift_right_logical3A_413 = arith.constant 2 : i32
          %shift_right_logical3A_414 = vector.broadcast %shift_right_logical3A_413 : i32 to vector<16xi32>
          %shift_right_logical3A_415 = arith.shrui %and3A_412, %shift_right_logical3A_414 : vector<16xi32>
          %and3A_416 = arith.constant 3 : i32
          %and3A_417 = vector.broadcast %and3A_416 : i32 to vector<16xi32>
          %and3A_418 = arith.andi %and3A_412, %and3A_417 : vector<16xi32>
          %shift_left3A_419 = arith.constant 5 : i32
          %shift_left3A_420 = vector.broadcast %shift_left3A_419 : i32 to vector<16xi32>
          %shift_left3A_421 = arith.shli %and3A_418, %shift_left3A_420 : vector<16xi32>
          %gather3A_422 = tpu.vector_load_idx %arg9[%iota3A, %and3A_412] : memref<32x256xf32, #tpu.memory_space<vmem>>[vector<16xi32>, vector<16xi32>], vector<16xf32>,
          %add3A_423 = arith.addi %shift_left3A_421, %iota3A : vector<16xi32>
          tpu.vector_store_idx %arg11[%shift_right_logical3A_415, %add3A_423], %gather3A_422 : memref<64x128xf32, #tpu.memory_space<vmem>>[vector<16xi32>, vector<16xi32>], vector<16xf32>,
          %gather3A_424 = tpu.vector_load_idx %arg9[%add3A_368, %and3A_412] : memref<32x256xf32, #tpu.memory_space<vmem>>[vector<16xi32>, vector<16xi32>], vector<16xf32>,
          %add3A_425 = arith.addi %shift_left3A_421, %add3A_368 : vector<16xi32>
          tpu.vector_store_idx %arg11[%shift_right_logical3A_415, %add3A_425], %gather3A_424 : memref<64x128xf32, #tpu.memory_space<vmem>>[vector<16xi32>, vector<16xi32>], vector<16xf32>,
          %add3A_426 = arith.constant 2 : i32
          %add3A_427 = vector.broadcast %add3A_426 : i32 to vector<16xi32>
          %add3A_428 = arith.addi %add3A_388, %add3A_427 : vector<16xi32>
          %and3A_429 = arith.constant 255 : i32
          %and3A_430 = vector.broadcast %and3A_429 : i32 to vector<16xi32>
          %and3A_431 = arith.andi %add3A_428, %and3A_430 : vector<16xi32>
          %shift_right_logical3A_432 = arith.constant 2 : i32
          %shift_right_logical3A_433 = vector.broadcast %shift_right_logical3A_432 : i32 to vector<16xi32>
          %shift_right_logical3A_434 = arith.shrui %and3A_431, %shift_right_logical3A_433 : vector<16xi32>
          %and3A_435 = arith.constant 3 : i32
          %and3A_436 = vector.broadcast %and3A_435 : i32 to vector<16xi32>
          %and3A_437 = arith.andi %and3A_431, %and3A_436 : vector<16xi32>
          %shift_left3A_438 = arith.constant 5 : i32
          %shift_left3A_439 = vector.broadcast %shift_left3A_438 : i32 to vector<16xi32>
          %shift_left3A_440 = arith.shli %and3A_437, %shift_left3A_439 : vector<16xi32>
          %gather3A_441 = tpu.vector_load_idx %arg9[%iota3A, %and3A_431] : memref<32x256xf32, #tpu.memory_space<vmem>>[vector<16xi32>, vector<16xi32>], vector<16xf32>,
          %add3A_442 = arith.addi %shift_left3A_440, %iota3A : vector<16xi32>
          tpu.vector_store_idx %arg11[%shift_right_logical3A_434, %add3A_442], %gather3A_441 : memref<64x128xf32, #tpu.memory_space<vmem>>[vector<16xi32>, vector<16xi32>], vector<16xf32>,
          %gather3A_443 = tpu.vector_load_idx %arg9[%add3A_368, %and3A_431] : memref<32x256xf32, #tpu.memory_space<vmem>>[vector<16xi32>, vector<16xi32>], vector<16xf32>,
          %add3A_444 = arith.addi %shift_left3A_440, %add3A_368 : vector<16xi32>
          tpu.vector_store_idx %arg11[%shift_right_logical3A_434, %add3A_444], %gather3A_443 : memref<64x128xf32, #tpu.memory_space<vmem>>[vector<16xi32>, vector<16xi32>], vector<16xf32>,
          %add3A_445 = arith.constant 3 : i32
          %add3A_446 = vector.broadcast %add3A_445 : i32 to vector<16xi32>
          %add3A_447 = arith.addi %add3A_388, %add3A_446 : vector<16xi32>
          %and3A_448 = arith.constant 255 : i32
          %and3A_449 = vector.broadcast %and3A_448 : i32 to vector<16xi32>
          %and3A_450 = arith.andi %add3A_447, %and3A_449 : vector<16xi32>
          %shift_right_logical3A_451 = arith.constant 2 : i32
          %shift_right_logical3A_452 = vector.broadcast %shift_right_logical3A_451 : i32 to vector<16xi32>
          %shift_right_logical3A_453 = arith.shrui %and3A_450, %shift_right_logical3A_452 : vector<16xi32>
          %and3A_454 = arith.constant 3 : i32
          %and3A_455 = vector.broadcast %and3A_454 : i32 to vector<16xi32>
          %and3A_456 = arith.andi %and3A_450, %and3A_455 : vector<16xi32>
          %shift_left3A_457 = arith.constant 5 : i32
          %shift_left3A_458 = vector.broadcast %shift_left3A_457 : i32 to vector<16xi32>
          %shift_left3A_459 = arith.shli %and3A_456, %shift_left3A_458 : vector<16xi32>
          %gather3A_460 = tpu.vector_load_idx %arg9[%iota3A, %and3A_450] : memref<32x256xf32, #tpu.memory_space<vmem>>[vector<16xi32>, vector<16xi32>], vector<16xf32>,
          %add3A_461 = arith.addi %shift_left3A_459, %iota3A : vector<16xi32>
          tpu.vector_store_idx %arg11[%shift_right_logical3A_453, %add3A_461], %gather3A_460 : memref<64x128xf32, #tpu.memory_space<vmem>>[vector<16xi32>, vector<16xi32>], vector<16xf32>,
          %gather3A_462 = tpu.vector_load_idx %arg9[%add3A_368, %and3A_450] : memref<32x256xf32, #tpu.memory_space<vmem>>[vector<16xi32>, vector<16xi32>], vector<16xf32>,
          %add3A_463 = arith.addi %shift_left3A_459, %add3A_368 : vector<16xi32>
          tpu.vector_store_idx %arg11[%shift_right_logical3A_453, %add3A_463], %gather3A_462 : memref<64x128xf32, #tpu.memory_space<vmem>>[vector<16xi32>, vector<16xi32>], vector<16xf32>,
          %add3A_464 = arith.constant 4 : i32
          %add3A_465 = vector.broadcast %add3A_464 : i32 to vector<16xi32>
          %add3A_466 = arith.addi %add3A_388, %add3A_465 : vector<16xi32>
          %and3A_467 = arith.constant 255 : i32
          %and3A_468 = vector.broadcast %and3A_467 : i32 to vector<16xi32>
          %and3A_469 = arith.andi %add3A_466, %and3A_468 : vector<16xi32>
          %shift_right_logical3A_470 = arith.constant 2 : i32
          %shift_right_logical3A_471 = vector.broadcast %shift_right_logical3A_470 : i32 to vector<16xi32>
          %shift_right_logical3A_472 = arith.shrui %and3A_469, %shift_right_logical3A_471 : vector<16xi32>
          %and3A_473 = arith.constant 3 : i32
          %and3A_474 = vector.broadcast %and3A_473 : i32 to vector<16xi32>
          %and3A_475 = arith.andi %and3A_469, %and3A_474 : vector<16xi32>
          %shift_left3A_476 = arith.constant 5 : i32
          %shift_left3A_477 = vector.broadcast %shift_left3A_476 : i32 to vector<16xi32>
          %shift_left3A_478 = arith.shli %and3A_475, %shift_left3A_477 : vector<16xi32>
          %gather3A_479 = tpu.vector_load_idx %arg9[%iota3A, %and3A_469] : memref<32x256xf32, #tpu.memory_space<vmem>>[vector<16xi32>, vector<16xi32>], vector<16xf32>,
          %add3A_480 = arith.addi %shift_left3A_478, %iota3A : vector<16xi32>
          tpu.vector_store_idx %arg11[%shift_right_logical3A_472, %add3A_480], %gather3A_479 : memref<64x128xf32, #tpu.memory_space<vmem>>[vector<16xi32>, vector<16xi32>], vector<16xf32>,
          %gather3A_481 = tpu.vector_load_idx %arg9[%add3A_368, %and3A_469] : memref<32x256xf32, #tpu.memory_space<vmem>>[vector<16xi32>, vector<16xi32>], vector<16xf32>,
          %add3A_482 = arith.addi %shift_left3A_478, %add3A_368 : vector<16xi32>
          tpu.vector_store_idx %arg11[%shift_right_logical3A_472, %add3A_482], %gather3A_481 : memref<64x128xf32, #tpu.memory_space<vmem>>[vector<16xi32>, vector<16xi32>], vector<16xf32>,
          %add3A_483 = arith.constant 5 : i32
          %add3A_484 = vector.broadcast %add3A_483 : i32 to vector<16xi32>
          %add3A_485 = arith.addi %add3A_388, %add3A_484 : vector<16xi32>
          %and3A_486 = arith.constant 255 : i32
          %and3A_487 = vector.broadcast %and3A_486 : i32 to vector<16xi32>
          %and3A_488 = arith.andi %add3A_485, %and3A_487 : vector<16xi32>
          %shift_right_logical3A_489 = arith.constant 2 : i32
          %shift_right_logical3A_490 = vector.broadcast %shift_right_logical3A_489 : i32 to vector<16xi32>
          %shift_right_logical3A_491 = arith.shrui %and3A_488, %shift_right_logical3A_490 : vector<16xi32>
          %and3A_492 = arith.constant 3 : i32
          %and3A_493 = vector.broadcast %and3A_492 : i32 to vector<16xi32>
          %and3A_494 = arith.andi %and3A_488, %and3A_493 : vector<16xi32>
          %shift_left3A_495 = arith.constant 5 : i32
          %shift_left3A_496 = vector.broadcast %shift_left3A_495 : i32 to vector<16xi32>
          %shift_left3A_497 = arith.shli %and3A_494, %shift_left3A_496 : vector<16xi32>
          %gather3A_498 = tpu.vector_load_idx %arg9[%iota3A, %and3A_488] : memref<32x256xf32, #tpu.memory_space<vmem>>[vector<16xi32>, vector<16xi32>], vector<16xf32>,
          %add3A_499 = arith.addi %shift_left3A_497, %iota3A : vector<16xi32>
          tpu.vector_store_idx %arg11[%shift_right_logical3A_491, %add3A_499], %gather3A_498 : memref<64x128xf32, #tpu.memory_space<vmem>>[vector<16xi32>, vector<16xi32>], vector<16xf32>,
          %gather3A_500 = tpu.vector_load_idx %arg9[%add3A_368, %and3A_488] : memref<32x256xf32, #tpu.memory_space<vmem>>[vector<16xi32>, vector<16xi32>], vector<16xf32>,
          %add3A_501 = arith.addi %shift_left3A_497, %add3A_368 : vector<16xi32>
          tpu.vector_store_idx %arg11[%shift_right_logical3A_491, %add3A_501], %gather3A_500 : memref<64x128xf32, #tpu.memory_space<vmem>>[vector<16xi32>, vector<16xi32>], vector<16xf32>,
          %add3A_502 = arith.constant 6 : i32
          %add3A_503 = vector.broadcast %add3A_502 : i32 to vector<16xi32>
          %add3A_504 = arith.addi %add3A_388, %add3A_503 : vector<16xi32>
          %and3A_505 = arith.constant 255 : i32
          %and3A_506 = vector.broadcast %and3A_505 : i32 to vector<16xi32>
          %and3A_507 = arith.andi %add3A_504, %and3A_506 : vector<16xi32>
          %shift_right_logical3A_508 = arith.constant 2 : i32
          %shift_right_logical3A_509 = vector.broadcast %shift_right_logical3A_508 : i32 to vector<16xi32>
          %shift_right_logical3A_510 = arith.shrui %and3A_507, %shift_right_logical3A_509 : vector<16xi32>
          %and3A_511 = arith.constant 3 : i32
          %and3A_512 = vector.broadcast %and3A_511 : i32 to vector<16xi32>
          %and3A_513 = arith.andi %and3A_507, %and3A_512 : vector<16xi32>
          %shift_left3A_514 = arith.constant 5 : i32
          %shift_left3A_515 = vector.broadcast %shift_left3A_514 : i32 to vector<16xi32>
          %shift_left3A_516 = arith.shli %and3A_513, %shift_left3A_515 : vector<16xi32>
          %gather3A_517 = tpu.vector_load_idx %arg9[%iota3A, %and3A_507] : memref<32x256xf32, #tpu.memory_space<vmem>>[vector<16xi32>, vector<16xi32>], vector<16xf32>,
          %add3A_518 = arith.addi %shift_left3A_516, %iota3A : vector<16xi32>
          tpu.vector_store_idx %arg11[%shift_right_logical3A_510, %add3A_518], %gather3A_517 : memref<64x128xf32, #tpu.memory_space<vmem>>[vector<16xi32>, vector<16xi32>], vector<16xf32>,
          %gather3A_519 = tpu.vector_load_idx %arg9[%add3A_368, %and3A_507] : memref<32x256xf32, #tpu.memory_space<vmem>>[vector<16xi32>, vector<16xi32>], vector<16xf32>,
          %add3A_520 = arith.addi %shift_left3A_516, %add3A_368 : vector<16xi32>
          tpu.vector_store_idx %arg11[%shift_right_logical3A_510, %add3A_520], %gather3A_519 : memref<64x128xf32, #tpu.memory_space<vmem>>[vector<16xi32>, vector<16xi32>], vector<16xf32>,
          %add3A_521 = arith.constant 7 : i32
          %add3A_522 = vector.broadcast %add3A_521 : i32 to vector<16xi32>
          %add3A_523 = arith.addi %add3A_388, %add3A_522 : vector<16xi32>
          %and3A_524 = arith.constant 255 : i32
          %and3A_525 = vector.broadcast %and3A_524 : i32 to vector<16xi32>
          %and3A_526 = arith.andi %add3A_523, %and3A_525 : vector<16xi32>
          %shift_right_logical3A_527 = arith.constant 2 : i32
          %shift_right_logical3A_528 = vector.broadcast %shift_right_logical3A_527 : i32 to vector<16xi32>
          %shift_right_logical3A_529 = arith.shrui %and3A_526, %shift_right_logical3A_528 : vector<16xi32>
          %and3A_530 = arith.constant 3 : i32
          %and3A_531 = vector.broadcast %and3A_530 : i32 to vector<16xi32>
          %and3A_532 = arith.andi %and3A_526, %and3A_531 : vector<16xi32>
          %shift_left3A_533 = arith.constant 5 : i32
          %shift_left3A_534 = vector.broadcast %shift_left3A_533 : i32 to vector<16xi32>
          %shift_left3A_535 = arith.shli %and3A_532, %shift_left3A_534 : vector<16xi32>
          %gather3A_536 = tpu.vector_load_idx %arg9[%iota3A, %and3A_526] : memref<32x256xf32, #tpu.memory_space<vmem>>[vector<16xi32>, vector<16xi32>], vector<16xf32>,
          %add3A_537 = arith.addi %shift_left3A_535, %iota3A : vector<16xi32>
          tpu.vector_store_idx %arg11[%shift_right_logical3A_529, %add3A_537], %gather3A_536 : memref<64x128xf32, #tpu.memory_space<vmem>>[vector<16xi32>, vector<16xi32>], vector<16xf32>,
          %gather3A_538 = tpu.vector_load_idx %arg9[%add3A_368, %and3A_526] : memref<32x256xf32, #tpu.memory_space<vmem>>[vector<16xi32>, vector<16xi32>], vector<16xf32>,
          %add3A_539 = arith.addi %shift_left3A_535, %add3A_368 : vector<16xi32>
          tpu.vector_store_idx %arg11[%shift_right_logical3A_529, %add3A_539], %gather3A_538 : memref<64x128xf32, #tpu.memory_space<vmem>>[vector<16xi32>, vector<16xi32>], vector<16xf32>,
        }
        %scan3A_374 = arith.constant 32 : i32
        %mul3A_375 = arith.constant 32 : i32
        %mul3A_376 = arith.muli %add3A_337, %mul3A_375 : i32
        %add3A_377 = arith.addi %add3A, %mul3A_376 : i32
        %mul3A_378 = arith.constant 64 : i32
        %mul3A_379 = arith.muli %mul3A_378, %add3A_377 : i32
        %dma_start3A_380 = arith.constant 0 : i32
        %dma_start3A_381 = tpu.memref_slice %arg6[%mul3A_379, %dma_start3A_380] : memref<250000x128xf32, #tpu.memory_space<hbm>> -> memref<64x128xf32, #tpu.memory_space<hbm>>
        %dma_start3A_382 = arith.constant 0 : i32
        %dma_start3A_383 = tpu.memref_slice %arg6[%mul3A_379, %dma_start3A_382] : memref<250000x128xf32, #tpu.memory_space<hbm>> -> memref<64x128xf32, #tpu.memory_space<hbm>>
        tpu.enqueue_dma source(%arg11 : memref<64x128xf32, #tpu.memory_space<vmem>>) target(%dma_start3A_383 : memref<64x128xf32, #tpu.memory_space<hbm>>) target_semaphore(%arg27 : memref<!tpu.dma_semaphore, #tpu.memory_space<semaphore_mem>>)
      } else {
      }
      %add3A_342 = arith.constant 1 : i32
      %add3A_343 = arith.addi %add3A_337, %add3A_342 : i32
      %lt3A_344 = arith.cmpi slt, %add3A_343, %select_n3A : i32
      %convert_element_type3A_345 = arith.extui %lt3A_344 : i1 to i32
      %cond3A_346 = arith.constant 0 : i32
      %cond3A_347 = arith.cmpi ne, %convert_element_type3A_345, %cond3A_346 : i32
      scf.if %cond3A_347 {
        %dma_wait3A_348 = arith.constant 0 : i32
        %dma_wait3A_349 = arith.constant 0 : i32
        %dma_wait3A_350 = tpu.memref_slice %arg2[%dma_wait3A_348, %dma_wait3A_349] : memref<32x1000000xf32, #tpu.memory_space<hbm>> -> memref<32x256xf32, #tpu.memory_space<hbm>>
        %dma_wait3A_351 = arith.constant 0 : i32
        %dma_wait3A_352 = arith.constant 0 : i32
        %dma_wait3A_353 = tpu.memref_slice %arg2[%dma_wait3A_351, %dma_wait3A_352] : memref<32x1000000xf32, #tpu.memory_space<hbm>> -> memref<32x256xf32, #tpu.memory_space<hbm>>
        tpu.wait_dma2 semaphore(%arg24 : memref<!tpu.dma_semaphore, #tpu.memory_space<semaphore_mem>>) src(%dma_wait3A_353 : memref<32x256xf32, #tpu.memory_space<hbm>>) dst(%arg8 : memref<32x256xf32, #tpu.memory_space<vmem>>)
        %add3A_354 = arith.constant 1 : i32
        %add3A_355 = arith.addi %add3A_343, %add3A_354 : i32
        %lt3A_356 = arith.cmpi slt, %add3A_355, %select_n3A : i32
        %convert_element_type3A_357 = arith.extui %lt3A_356 : i1 to i32
        %cond3A_358 = arith.constant 0 : i32
        %cond3A_359 = arith.cmpi ne, %convert_element_type3A_357, %cond3A_358 : i32
        scf.if %cond3A_359 {
          %add3A_384 = arith.constant 1 : i32
          %add3A_385 = arith.addi %add3A_343, %add3A_384 : i32
          %mul3A_386 = arith.constant 32 : i32
          %mul3A_387 = arith.muli %add3A_385, %mul3A_386 : i32
          %add3A_388 = arith.addi %add3A, %mul3A_387 : i32
          %mul3A_389 = arith.constant 256 : i32
          %mul3A_390 = arith.muli %add3A_388, %mul3A_389 : i32
          %dma_start3A_391 = arith.constant 0 : i32
          %dma_start3A_392 = tpu.memref_slice %arg2[%dma_start3A_391, %mul3A_390] : memref<32x1000000xf32, #tpu.memory_space<hbm>> -> memref<32x256xf32, #tpu.memory_space<hbm>>
          %dma_start3A_393 = arith.constant 0 : i32
          %dma_start3A_394 = tpu.memref_slice %arg2[%dma_start3A_393, %mul3A_390] : memref<32x1000000xf32, #tpu.memory_space<hbm>> -> memref<32x256xf32, #tpu.memory_space<hbm>>
          tpu.enqueue_dma source(%dma_start3A_394 : memref<32x256xf32, #tpu.memory_space<hbm>>) target(%arg9 : memref<32x256xf32, #tpu.memory_space<vmem>>) target_semaphore(%arg25 : memref<!tpu.dma_semaphore, #tpu.memory_space<semaphore_mem>>)
        } else {
        }
        %dma_wait3A_360 = arith.constant 0 : i32
        %dma_wait3A_361 = arith.constant 0 : i32
        %dma_wait3A_362 = tpu.memref_slice %arg6[%dma_wait3A_360, %dma_wait3A_361] : memref<250000x128xf32, #tpu.memory_space<hbm>> -> memref<64x128xf32, #tpu.memory_space<hbm>>
        %dma_wait3A_363 = arith.constant 0 : i32
        %dma_wait3A_364 = arith.constant 0 : i32
        %dma_wait3A_365 = tpu.memref_slice %arg6[%dma_wait3A_363, %dma_wait3A_364] : memref<250000x128xf32, #tpu.memory_space<hbm>> -> memref<64x128xf32, #tpu.memory_space<hbm>>
        tpu.wait_dma2 semaphore(%arg26 : memref<!tpu.dma_semaphore, #tpu.memory_space<semaphore_mem>>) src(%arg10 : memref<64x128xf32, #tpu.memory_space<vmem>>) dst(%dma_wait3A_365 : memref<64x128xf32, #tpu.memory_space<hbm>>)
        %add3A_366 = arith.constant 16 : i32
        %add3A_367 = vector.broadcast %add3A_366 : i32 to vector<16xi32>
        %add3A_368 = arith.addi %iota3A, %add3A_367 : vector<16xi32>
        %scan3A_369 = arith.constant 0 : i32
        %scan3A_370 = arith.constant 0 : i32
        %scan3A_371 = arith.constant 32 : i32
        %scan3A_372 = arith.addi %scan3A_370, %scan3A_371 : i32
        %scan3A_373 = arith.constant 1 : i32
        scf.for %scan3A_384 = %scan3A_370 to %scan3A_372 step %scan3A_373  : i32 {
          %mul3A_385 = arith.constant 8 : i32
          %mul3A_386 = arith.muli %mul3A_385, %scan3A_384 : i32
          %add3A_387 = vector.broadcast %mul3A_386 : i32 to vector<16xi32>
          %add3A_388 = arith.addi %add3A_387, %iota3A : vector<16xi32>
          %add3A_389 = arith.constant 0 : i32
          %add3A_390 = vector.broadcast %add3A_389 : i32 to vector<16xi32>
          %add3A_391 = arith.addi %add3A_388, %add3A_390 : vector<16xi32>
          %and3A_392 = arith.constant 255 : i32
          %and3A_393 = vector.broadcast %and3A_392 : i32 to vector<16xi32>
          %and3A_394 = arith.andi %add3A_391, %and3A_393 : vector<16xi32>
          %shift_right_logical3A_395 = arith.constant 2 : i32
          %shift_right_logical3A_396 = vector.broadcast %shift_right_logical3A_395 : i32 to vector<16xi32>
          %shift_right_logical3A_397 = arith.shrui %and3A_394, %shift_right_logical3A_396 : vector<16xi32>
          %and3A_398 = arith.constant 3 : i32
          %and3A_399 = vector.broadcast %and3A_398 : i32 to vector<16xi32>
          %and3A_400 = arith.andi %and3A_394, %and3A_399 : vector<16xi32>
          %shift_left3A_401 = arith.constant 5 : i32
          %shift_left3A_402 = vector.broadcast %shift_left3A_401 : i32 to vector<16xi32>
          %shift_left3A_403 = arith.shli %and3A_400, %shift_left3A_402 : vector<16xi32>
          %gather3A = tpu.vector_load_idx %arg8[%iota3A, %and3A_394] : memref<32x256xf32, #tpu.memory_space<vmem>>[vector<16xi32>, vector<16xi32>], vector<16xf32>,
          %add3A_404 = arith.addi %shift_left3A_403, %iota3A : vector<16xi32>
          tpu.vector_store_idx %arg10[%shift_right_logical3A_397, %add3A_404], %gather3A : memref<64x128xf32, #tpu.memory_space<vmem>>[vector<16xi32>, vector<16xi32>], vector<16xf32>,
          %gather3A_405 = tpu.vector_load_idx %arg8[%add3A_368, %and3A_394] : memref<32x256xf32, #tpu.memory_space<vmem>>[vector<16xi32>, vector<16xi32>], vector<16xf32>,
          %add3A_406 = arith.addi %shift_left3A_403, %add3A_368 : vector<16xi32>
          tpu.vector_store_idx %arg10[%shift_right_logical3A_397, %add3A_406], %gather3A_405 : memref<64x128xf32, #tpu.memory_space<vmem>>[vector<16xi32>, vector<16xi32>], vector<16xf32>,
          %add3A_407 = arith.constant 1 : i32
          %add3A_408 = vector.broadcast %add3A_407 : i32 to vector<16xi32>
          %add3A_409 = arith.addi %add3A_388, %add3A_408 : vector<16xi32>
          %and3A_410 = arith.constant 255 : i32
          %and3A_411 = vector.broadcast %and3A_410 : i32 to vector<16xi32>
          %and3A_412 = arith.andi %add3A_409, %and3A_411 : vector<16xi32>
          %shift_right_logical3A_413 = arith.constant 2 : i32
          %shift_right_logical3A_414 = vector.broadcast %shift_right_logical3A_413 : i32 to vector<16xi32>
          %shift_right_logical3A_415 = arith.shrui %and3A_412, %shift_right_logical3A_414 : vector<16xi32>
          %and3A_416 = arith.constant 3 : i32
          %and3A_417 = vector.broadcast %and3A_416 : i32 to vector<16xi32>
          %and3A_418 = arith.andi %and3A_412, %and3A_417 : vector<16xi32>
          %shift_left3A_419 = arith.constant 5 : i32
          %shift_left3A_420 = vector.broadcast %shift_left3A_419 : i32 to vector<16xi32>
          %shift_left3A_421 = arith.shli %and3A_418, %shift_left3A_420 : vector<16xi32>
          %gather3A_422 = tpu.vector_load_idx %arg8[%iota3A, %and3A_412] : memref<32x256xf32, #tpu.memory_space<vmem>>[vector<16xi32>, vector<16xi32>], vector<16xf32>,
          %add3A_423 = arith.addi %shift_left3A_421, %iota3A : vector<16xi32>
          tpu.vector_store_idx %arg10[%shift_right_logical3A_415, %add3A_423], %gather3A_422 : memref<64x128xf32, #tpu.memory_space<vmem>>[vector<16xi32>, vector<16xi32>], vector<16xf32>,
          %gather3A_424 = tpu.vector_load_idx %arg8[%add3A_368, %and3A_412] : memref<32x256xf32, #tpu.memory_space<vmem>>[vector<16xi32>, vector<16xi32>], vector<16xf32>,
          %add3A_425 = arith.addi %shift_left3A_421, %add3A_368 : vector<16xi32>
          tpu.vector_store_idx %arg10[%shift_right_logical3A_415, %add3A_425], %gather3A_424 : memref<64x128xf32, #tpu.memory_space<vmem>>[vector<16xi32>, vector<16xi32>], vector<16xf32>,
          %add3A_426 = arith.constant 2 : i32
          %add3A_427 = vector.broadcast %add3A_426 : i32 to vector<16xi32>
          %add3A_428 = arith.addi %add3A_388, %add3A_427 : vector<16xi32>
          %and3A_429 = arith.constant 255 : i32
          %and3A_430 = vector.broadcast %and3A_429 : i32 to vector<16xi32>
          %and3A_431 = arith.andi %add3A_428, %and3A_430 : vector<16xi32>
          %shift_right_logical3A_432 = arith.constant 2 : i32
          %shift_right_logical3A_433 = vector.broadcast %shift_right_logical3A_432 : i32 to vector<16xi32>
          %shift_right_logical3A_434 = arith.shrui %and3A_431, %shift_right_logical3A_433 : vector<16xi32>
          %and3A_435 = arith.constant 3 : i32
          %and3A_436 = vector.broadcast %and3A_435 : i32 to vector<16xi32>
          %and3A_437 = arith.andi %and3A_431, %and3A_436 : vector<16xi32>
          %shift_left3A_438 = arith.constant 5 : i32
          %shift_left3A_439 = vector.broadcast %shift_left3A_438 : i32 to vector<16xi32>
          %shift_left3A_440 = arith.shli %and3A_437, %shift_left3A_439 : vector<16xi32>
          %gather3A_441 = tpu.vector_load_idx %arg8[%iota3A, %and3A_431] : memref<32x256xf32, #tpu.memory_space<vmem>>[vector<16xi32>, vector<16xi32>], vector<16xf32>,
          %add3A_442 = arith.addi %shift_left3A_440, %iota3A : vector<16xi32>
          tpu.vector_store_idx %arg10[%shift_right_logical3A_434, %add3A_442], %gather3A_441 : memref<64x128xf32, #tpu.memory_space<vmem>>[vector<16xi32>, vector<16xi32>], vector<16xf32>,
          %gather3A_443 = tpu.vector_load_idx %arg8[%add3A_368, %and3A_431] : memref<32x256xf32, #tpu.memory_space<vmem>>[vector<16xi32>, vector<16xi32>], vector<16xf32>,
          %add3A_444 = arith.addi %shift_left3A_440, %add3A_368 : vector<16xi32>
          tpu.vector_store_idx %arg10[%shift_right_logical3A_434, %add3A_444], %gather3A_443 : memref<64x128xf32, #tpu.memory_space<vmem>>[vector<16xi32>, vector<16xi32>], vector<16xf32>,
          %add3A_445 = arith.constant 3 : i32
          %add3A_446 = vector.broadcast %add3A_445 : i32 to vector<16xi32>
          %add3A_447 = arith.addi %add3A_388, %add3A_446 : vector<16xi32>
          %and3A_448 = arith.constant 255 : i32
          %and3A_449 = vector.broadcast %and3A_448 : i32 to vector<16xi32>
          %and3A_450 = arith.andi %add3A_447, %and3A_449 : vector<16xi32>
          %shift_right_logical3A_451 = arith.constant 2 : i32
          %shift_right_logical3A_452 = vector.broadcast %shift_right_logical3A_451 : i32 to vector<16xi32>
          %shift_right_logical3A_453 = arith.shrui %and3A_450, %shift_right_logical3A_452 : vector<16xi32>
          %and3A_454 = arith.constant 3 : i32
          %and3A_455 = vector.broadcast %and3A_454 : i32 to vector<16xi32>
          %and3A_456 = arith.andi %and3A_450, %and3A_455 : vector<16xi32>
          %shift_left3A_457 = arith.constant 5 : i32
          %shift_left3A_458 = vector.broadcast %shift_left3A_457 : i32 to vector<16xi32>
          %shift_left3A_459 = arith.shli %and3A_456, %shift_left3A_458 : vector<16xi32>
          %gather3A_460 = tpu.vector_load_idx %arg8[%iota3A, %and3A_450] : memref<32x256xf32, #tpu.memory_space<vmem>>[vector<16xi32>, vector<16xi32>], vector<16xf32>,
          %add3A_461 = arith.addi %shift_left3A_459, %iota3A : vector<16xi32>
          tpu.vector_store_idx %arg10[%shift_right_logical3A_453, %add3A_461], %gather3A_460 : memref<64x128xf32, #tpu.memory_space<vmem>>[vector<16xi32>, vector<16xi32>], vector<16xf32>,
          %gather3A_462 = tpu.vector_load_idx %arg8[%add3A_368, %and3A_450] : memref<32x256xf32, #tpu.memory_space<vmem>>[vector<16xi32>, vector<16xi32>], vector<16xf32>,
          %add3A_463 = arith.addi %shift_left3A_459, %add3A_368 : vector<16xi32>
          tpu.vector_store_idx %arg10[%shift_right_logical3A_453, %add3A_463], %gather3A_462 : memref<64x128xf32, #tpu.memory_space<vmem>>[vector<16xi32>, vector<16xi32>], vector<16xf32>,
          %add3A_464 = arith.constant 4 : i32
          %add3A_465 = vector.broadcast %add3A_464 : i32 to vector<16xi32>
          %add3A_466 = arith.addi %add3A_388, %add3A_465 : vector<16xi32>
          %and3A_467 = arith.constant 255 : i32
          %and3A_468 = vector.broadcast %and3A_467 : i32 to vector<16xi32>
          %and3A_469 = arith.andi %add3A_466, %and3A_468 : vector<16xi32>
          %shift_right_logical3A_470 = arith.constant 2 : i32
          %shift_right_logical3A_471 = vector.broadcast %shift_right_logical3A_470 : i32 to vector<16xi32>
          %shift_right_logical3A_472 = arith.shrui %and3A_469, %shift_right_logical3A_471 : vector<16xi32>
          %and3A_473 = arith.constant 3 : i32
          %and3A_474 = vector.broadcast %and3A_473 : i32 to vector<16xi32>
          %and3A_475 = arith.andi %and3A_469, %and3A_474 : vector<16xi32>
          %shift_left3A_476 = arith.constant 5 : i32
          %shift_left3A_477 = vector.broadcast %shift_left3A_476 : i32 to vector<16xi32>
          %shift_left3A_478 = arith.shli %and3A_475, %shift_left3A_477 : vector<16xi32>
          %gather3A_479 = tpu.vector_load_idx %arg8[%iota3A, %and3A_469] : memref<32x256xf32, #tpu.memory_space<vmem>>[vector<16xi32>, vector<16xi32>], vector<16xf32>,
          %add3A_480 = arith.addi %shift_left3A_478, %iota3A : vector<16xi32>
          tpu.vector_store_idx %arg10[%shift_right_logical3A_472, %add3A_480], %gather3A_479 : memref<64x128xf32, #tpu.memory_space<vmem>>[vector<16xi32>, vector<16xi32>], vector<16xf32>,
          %gather3A_481 = tpu.vector_load_idx %arg8[%add3A_368, %and3A_469] : memref<32x256xf32, #tpu.memory_space<vmem>>[vector<16xi32>, vector<16xi32>], vector<16xf32>,
          %add3A_482 = arith.addi %shift_left3A_478, %add3A_368 : vector<16xi32>
          tpu.vector_store_idx %arg10[%shift_right_logical3A_472, %add3A_482], %gather3A_481 : memref<64x128xf32, #tpu.memory_space<vmem>>[vector<16xi32>, vector<16xi32>], vector<16xf32>,
          %add3A_483 = arith.constant 5 : i32
          %add3A_484 = vector.broadcast %add3A_483 : i32 to vector<16xi32>
          %add3A_485 = arith.addi %add3A_388, %add3A_484 : vector<16xi32>
          %and3A_486 = arith.constant 255 : i32
          %and3A_487 = vector.broadcast %and3A_486 : i32 to vector<16xi32>
          %and3A_488 = arith.andi %add3A_485, %and3A_487 : vector<16xi32>
          %shift_right_logical3A_489 = arith.constant 2 : i32
          %shift_right_logical3A_490 = vector.broadcast %shift_right_logical3A_489 : i32 to vector<16xi32>
          %shift_right_logical3A_491 = arith.shrui %and3A_488, %shift_right_logical3A_490 : vector<16xi32>
          %and3A_492 = arith.constant 3 : i32
          %and3A_493 = vector.broadcast %and3A_492 : i32 to vector<16xi32>
          %and3A_494 = arith.andi %and3A_488, %and3A_493 : vector<16xi32>
          %shift_left3A_495 = arith.constant 5 : i32
          %shift_left3A_496 = vector.broadcast %shift_left3A_495 : i32 to vector<16xi32>
          %shift_left3A_497 = arith.shli %and3A_494, %shift_left3A_496 : vector<16xi32>
          %gather3A_498 = tpu.vector_load_idx %arg8[%iota3A, %and3A_488] : memref<32x256xf32, #tpu.memory_space<vmem>>[vector<16xi32>, vector<16xi32>], vector<16xf32>,
          %add3A_499 = arith.addi %shift_left3A_497, %iota3A : vector<16xi32>
          tpu.vector_store_idx %arg10[%shift_right_logical3A_491, %add3A_499], %gather3A_498 : memref<64x128xf32, #tpu.memory_space<vmem>>[vector<16xi32>, vector<16xi32>], vector<16xf32>,
          %gather3A_500 = tpu.vector_load_idx %arg8[%add3A_368, %and3A_488] : memref<32x256xf32, #tpu.memory_space<vmem>>[vector<16xi32>, vector<16xi32>], vector<16xf32>,
          %add3A_501 = arith.addi %shift_left3A_497, %add3A_368 : vector<16xi32>
          tpu.vector_store_idx %arg10[%shift_right_logical3A_491, %add3A_501], %gather3A_500 : memref<64x128xf32, #tpu.memory_space<vmem>>[vector<16xi32>, vector<16xi32>], vector<16xf32>,
          %add3A_502 = arith.constant 6 : i32
          %add3A_503 = vector.broadcast %add3A_502 : i32 to vector<16xi32>
          %add3A_504 = arith.addi %add3A_388, %add3A_503 : vector<16xi32>
          %and3A_505 = arith.constant 255 : i32
          %and3A_506 = vector.broadcast %and3A_505 : i32 to vector<16xi32>
          %and3A_507 = arith.andi %add3A_504, %and3A_506 : vector<16xi32>
          %shift_right_logical3A_508 = arith.constant 2 : i32
          %shift_right_logical3A_509 = vector.broadcast %shift_right_logical3A_508 : i32 to vector<16xi32>
          %shift_right_logical3A_510 = arith.shrui %and3A_507, %shift_right_logical3A_509 : vector<16xi32>
          %and3A_511 = arith.constant 3 : i32
          %and3A_512 = vector.broadcast %and3A_511 : i32 to vector<16xi32>
          %and3A_513 = arith.andi %and3A_507, %and3A_512 : vector<16xi32>
          %shift_left3A_514 = arith.constant 5 : i32
          %shift_left3A_515 = vector.broadcast %shift_left3A_514 : i32 to vector<16xi32>
          %shift_left3A_516 = arith.shli %and3A_513, %shift_left3A_515 : vector<16xi32>
          %gather3A_517 = tpu.vector_load_idx %arg8[%iota3A, %and3A_507] : memref<32x256xf32, #tpu.memory_space<vmem>>[vector<16xi32>, vector<16xi32>], vector<16xf32>,
          %add3A_518 = arith.addi %shift_left3A_516, %iota3A : vector<16xi32>
          tpu.vector_store_idx %arg10[%shift_right_logical3A_510, %add3A_518], %gather3A_517 : memref<64x128xf32, #tpu.memory_space<vmem>>[vector<16xi32>, vector<16xi32>], vector<16xf32>,
          %gather3A_519 = tpu.vector_load_idx %arg8[%add3A_368, %and3A_507] : memref<32x256xf32, #tpu.memory_space<vmem>>[vector<16xi32>, vector<16xi32>], vector<16xf32>,
          %add3A_520 = arith.addi %shift_left3A_516, %add3A_368 : vector<16xi32>
          tpu.vector_store_idx %arg10[%shift_right_logical3A_510, %add3A_520], %gather3A_519 : memref<64x128xf32, #tpu.memory_space<vmem>>[vector<16xi32>, vector<16xi32>], vector<16xf32>,
          %add3A_521 = arith.constant 7 : i32
          %add3A_522 = vector.broadcast %add3A_521 : i32 to vector<16xi32>
          %add3A_523 = arith.addi %add3A_388, %add3A_522 : vector<16xi32>
          %and3A_524 = arith.constant 255 : i32
          %and3A_525 = vector.broadcast %and3A_524 : i32 to vector<16xi32>
          %and3A_526 = arith.andi %add3A_523, %and3A_525 : vector<16xi32>
          %shift_right_logical3A_527 = arith.constant 2 : i32
          %shift_right_logical3A_528 = vector.broadcast %shift_right_logical3A_527 : i32 to vector<16xi32>
          %shift_right_logical3A_529 = arith.shrui %and3A_526, %shift_right_logical3A_528 : vector<16xi32>
          %and3A_530 = arith.constant 3 : i32
          %and3A_531 = vector.broadcast %and3A_530 : i32 to vector<16xi32>
          %and3A_532 = arith.andi %and3A_526, %and3A_531 : vector<16xi32>
          %shift_left3A_533 = arith.constant 5 : i32
          %shift_left3A_534 = vector.broadcast %shift_left3A_533 : i32 to vector<16xi32>
          %shift_left3A_535 = arith.shli %and3A_532, %shift_left3A_534 : vector<16xi32>
          %gather3A_536 = tpu.vector_load_idx %arg8[%iota3A, %and3A_526] : memref<32x256xf32, #tpu.memory_space<vmem>>[vector<16xi32>, vector<16xi32>], vector<16xf32>,
          %add3A_537 = arith.addi %shift_left3A_535, %iota3A : vector<16xi32>
          tpu.vector_store_idx %arg10[%shift_right_logical3A_529, %add3A_537], %gather3A_536 : memref<64x128xf32, #tpu.memory_space<vmem>>[vector<16xi32>, vector<16xi32>], vector<16xf32>,
          %gather3A_538 = tpu.vector_load_idx %arg8[%add3A_368, %and3A_526] : memref<32x256xf32, #tpu.memory_space<vmem>>[vector<16xi32>, vector<16xi32>], vector<16xf32>,
          %add3A_539 = arith.addi %shift_left3A_535, %add3A_368 : vector<16xi32>
          tpu.vector_store_idx %arg10[%shift_right_logical3A_529, %add3A_539], %gather3A_538 : memref<64x128xf32, #tpu.memory_space<vmem>>[vector<16xi32>, vector<16xi32>], vector<16xf32>,
        }
        %scan3A_374 = arith.constant 32 : i32
        %mul3A_375 = arith.constant 32 : i32
        %mul3A_376 = arith.muli %add3A_343, %mul3A_375 : i32
        %add3A_377 = arith.addi %add3A, %mul3A_376 : i32
        %mul3A_378 = arith.constant 64 : i32
        %mul3A_379 = arith.muli %mul3A_378, %add3A_377 : i32
        %dma_start3A_380 = arith.constant 0 : i32
        %dma_start3A_381 = tpu.memref_slice %arg6[%mul3A_379, %dma_start3A_380] : memref<250000x128xf32, #tpu.memory_space<hbm>> -> memref<64x128xf32, #tpu.memory_space<hbm>>
        %dma_start3A_382 = arith.constant 0 : i32
        %dma_start3A_383 = tpu.memref_slice %arg6[%mul3A_379, %dma_start3A_382] : memref<250000x128xf32, #tpu.memory_space<hbm>> -> memref<64x128xf32, #tpu.memory_space<hbm>>
        tpu.enqueue_dma source(%arg10 : memref<64x128xf32, #tpu.memory_space<vmem>>) target(%dma_start3A_383 : memref<64x128xf32, #tpu.memory_space<hbm>>) target_semaphore(%arg26 : memref<!tpu.dma_semaphore, #tpu.memory_space<semaphore_mem>>)
      } else {
      }
    }
    %scan3A_34 = arith.constant 60 : i32
    %dma_wait3A = arith.constant 0 : i32
    %dma_wait3A_35 = arith.constant 0 : i32
    %dma_wait3A_36 = tpu.memref_slice %arg6[%dma_wait3A, %dma_wait3A_35] : memref<250000x128xf32, #tpu.memory_space<hbm>> -> memref<64x128xf32, #tpu.memory_space<hbm>>
    %dma_wait3A_37 = arith.constant 0 : i32
    %dma_wait3A_38 = arith.constant 0 : i32
    %dma_wait3A_39 = tpu.memref_slice %arg6[%dma_wait3A_37, %dma_wait3A_38] : memref<250000x128xf32, #tpu.memory_space<hbm>> -> memref<64x128xf32, #tpu.memory_space<hbm>>
    tpu.wait_dma2 semaphore(%arg26 : memref<!tpu.dma_semaphore, #tpu.memory_space<semaphore_mem>>) src(%arg10 : memref<64x128xf32, #tpu.memory_space<vmem>>) dst(%dma_wait3A_39 : memref<64x128xf32, #tpu.memory_space<hbm>>)
    %dma_wait3A_40 = arith.constant 0 : i32
    %dma_wait3A_41 = arith.constant 0 : i32
    %dma_wait3A_42 = tpu.memref_slice %arg6[%dma_wait3A_40, %dma_wait3A_41] : memref<250000x128xf32, #tpu.memory_space<hbm>> -> memref<64x128xf32, #tpu.memory_space<hbm>>
    %dma_wait3A_43 = arith.constant 0 : i32
    %dma_wait3A_44 = arith.constant 0 : i32
    %dma_wait3A_45 = tpu.memref_slice %arg6[%dma_wait3A_43, %dma_wait3A_44] : memref<250000x128xf32, #tpu.memory_space<hbm>> -> memref<64x128xf32, #tpu.memory_space<hbm>>
    tpu.wait_dma2 semaphore(%arg27 : memref<!tpu.dma_semaphore, #tpu.memory_space<semaphore_mem>>) src(%arg11 : memref<64x128xf32, #tpu.memory_space<vmem>>) dst(%dma_wait3A_45 : memref<64x128xf32, #tpu.memory_space<hbm>>)
    %eq3A_46 = arith.constant 31 : i32
    %eq3A_47 = arith.cmpi eq, %add3A, %eq3A_46 : i32
    %convert_element_type3A_48 = arith.extui %eq3A_47 : i1 to i32
    %cond3A_49 = arith.constant 0 : i32
    %cond3A_50 = arith.cmpi ne, %convert_element_type3A_48, %cond3A_49 : i32
    scf.if %cond3A_50 {
      "tpu.region"() ({
        %run_scoped3A = tpu.sem_alloc : memref<!tpu.dma_semaphore, #tpu.memory_space<semaphore_mem>>
        %dma_start3A_342 = arith.constant 0 : i32
        %dma_start3A_343 = arith.constant 0 : i32
        %dma_start3A_344 = tpu.memref_slice %arg18[%dma_start3A_342, %dma_start3A_343] : memref<128x128xf32, #tpu.memory_space<vmem>> -> memref<32x128xf32, #tpu.memory_space<vmem>>
        %dma_start3A_345 = arith.constant 0 : i32
        %dma_start3A_346 = arith.constant 0 : i32
        %dma_start3A_347 = tpu.memref_slice %arg18[%dma_start3A_345, %dma_start3A_346] : memref<128x128xf32, #tpu.memory_space<vmem>> -> memref<32x128xf32, #tpu.memory_space<vmem>>
        tpu.enqueue_dma source(%arg3 : memref<32x128xf32, #tpu.memory_space<hbm>>) target(%dma_start3A_347 : memref<32x128xf32, #tpu.memory_space<vmem>>) target_semaphore(%run_scoped3A : memref<!tpu.dma_semaphore, #tpu.memory_space<semaphore_mem>>)
        %dma_wait3A_348 = arith.constant 0 : i32
        %dma_wait3A_349 = arith.constant 0 : i32
        %dma_wait3A_350 = tpu.memref_slice %arg18[%dma_wait3A_348, %dma_wait3A_349] : memref<128x128xf32, #tpu.memory_space<vmem>> -> memref<32x128xf32, #tpu.memory_space<vmem>>
        %dma_wait3A_351 = arith.constant 0 : i32
        %dma_wait3A_352 = arith.constant 0 : i32
        %dma_wait3A_353 = tpu.memref_slice %arg18[%dma_wait3A_351, %dma_wait3A_352] : memref<128x128xf32, #tpu.memory_space<vmem>> -> memref<32x128xf32, #tpu.memory_space<vmem>>
        tpu.wait_dma2 semaphore(%run_scoped3A : memref<!tpu.dma_semaphore, #tpu.memory_space<semaphore_mem>>) src(%arg3 : memref<32x128xf32, #tpu.memory_space<hbm>>) dst(%dma_wait3A_353 : memref<32x128xf32, #tpu.memory_space<vmem>>)
        tpu.yield
      }) : () -> ()
      %add3A_333 = arith.constant 16 : i32
      %add3A_334 = vector.broadcast %add3A_333 : i32 to vector<16xi32>
      %add3A_335 = arith.addi %iota3A, %add3A_334 : vector<16xi32>
      %scan3A_336 = arith.constant 0 : i32
      %scan3A_337 = arith.constant 0 : i32
      %scan3A_338 = arith.constant 8 : i32
      %scan3A_339 = arith.addi %scan3A_337, %scan3A_338 : i32
      %scan3A_340 = arith.constant 1 : i32
      scf.for %scan3A_342 = %scan3A_337 to %scan3A_339 step %scan3A_340  : i32 {
        %mul3A_343 = arith.constant 8 : i32
        %mul3A_344 = arith.muli %mul3A_343, %scan3A_342 : i32
        %add3A_345 = vector.broadcast %mul3A_344 : i32 to vector<16xi32>
        %add3A_346 = arith.addi %add3A_345, %iota3A : vector<16xi32>
        %add3A_347 = arith.constant 0 : i32
        %add3A_348 = vector.broadcast %add3A_347 : i32 to vector<16xi32>
        %add3A_349 = arith.addi %add3A_346, %add3A_348 : vector<16xi32>
        %and3A_350 = arith.constant 63 : i32
        %and3A_351 = vector.broadcast %and3A_350 : i32 to vector<16xi32>
        %and3A_352 = arith.andi %add3A_349, %and3A_351 : vector<16xi32>
        %shift_right_logical3A_353 = arith.constant 2 : i32
        %shift_right_logical3A_354 = vector.broadcast %shift_right_logical3A_353 : i32 to vector<16xi32>
        %shift_right_logical3A_355 = arith.shrui %and3A_352, %shift_right_logical3A_354 : vector<16xi32>
        %and3A_356 = arith.constant 3 : i32
        %and3A_357 = vector.broadcast %and3A_356 : i32 to vector<16xi32>
        %and3A_358 = arith.andi %and3A_352, %and3A_357 : vector<16xi32>
        %shift_left3A_359 = arith.constant 5 : i32
        %shift_left3A_360 = vector.broadcast %shift_left3A_359 : i32 to vector<16xi32>
        %shift_left3A_361 = arith.shli %and3A_358, %shift_left3A_360 : vector<16xi32>
        %gather3A = tpu.vector_load_idx %arg18[%iota3A, %and3A_352] : memref<128x128xf32, #tpu.memory_space<vmem>>[vector<16xi32>, vector<16xi32>], vector<16xf32>,
        %add3A_362 = arith.addi %shift_left3A_361, %iota3A : vector<16xi32>
        tpu.vector_store_idx %arg10[%shift_right_logical3A_355, %add3A_362], %gather3A : memref<64x128xf32, #tpu.memory_space<vmem>>[vector<16xi32>, vector<16xi32>], vector<16xf32>,
        %gather3A_363 = tpu.vector_load_idx %arg18[%add3A_335, %and3A_352] : memref<128x128xf32, #tpu.memory_space<vmem>>[vector<16xi32>, vector<16xi32>], vector<16xf32>,
        %add3A_364 = arith.addi %shift_left3A_361, %add3A_335 : vector<16xi32>
        tpu.vector_store_idx %arg10[%shift_right_logical3A_355, %add3A_364], %gather3A_363 : memref<64x128xf32, #tpu.memory_space<vmem>>[vector<16xi32>, vector<16xi32>], vector<16xf32>,
        %add3A_365 = arith.constant 1 : i32
        %add3A_366 = vector.broadcast %add3A_365 : i32 to vector<16xi32>
        %add3A_367 = arith.addi %add3A_346, %add3A_366 : vector<16xi32>
        %and3A_368 = arith.constant 63 : i32
        %and3A_369 = vector.broadcast %and3A_368 : i32 to vector<16xi32>
        %and3A_370 = arith.andi %add3A_367, %and3A_369 : vector<16xi32>
        %shift_right_logical3A_371 = arith.constant 2 : i32
        %shift_right_logical3A_372 = vector.broadcast %shift_right_logical3A_371 : i32 to vector<16xi32>
        %shift_right_logical3A_373 = arith.shrui %and3A_370, %shift_right_logical3A_372 : vector<16xi32>
        %and3A_374 = arith.constant 3 : i32
        %and3A_375 = vector.broadcast %and3A_374 : i32 to vector<16xi32>
        %and3A_376 = arith.andi %and3A_370, %and3A_375 : vector<16xi32>
        %shift_left3A_377 = arith.constant 5 : i32
        %shift_left3A_378 = vector.broadcast %shift_left3A_377 : i32 to vector<16xi32>
        %shift_left3A_379 = arith.shli %and3A_376, %shift_left3A_378 : vector<16xi32>
        %gather3A_380 = tpu.vector_load_idx %arg18[%iota3A, %and3A_370] : memref<128x128xf32, #tpu.memory_space<vmem>>[vector<16xi32>, vector<16xi32>], vector<16xf32>,
        %add3A_381 = arith.addi %shift_left3A_379, %iota3A : vector<16xi32>
        tpu.vector_store_idx %arg10[%shift_right_logical3A_373, %add3A_381], %gather3A_380 : memref<64x128xf32, #tpu.memory_space<vmem>>[vector<16xi32>, vector<16xi32>], vector<16xf32>,
        %gather3A_382 = tpu.vector_load_idx %arg18[%add3A_335, %and3A_370] : memref<128x128xf32, #tpu.memory_space<vmem>>[vector<16xi32>, vector<16xi32>], vector<16xf32>,
        %add3A_383 = arith.addi %shift_left3A_379, %add3A_335 : vector<16xi32>
        tpu.vector_store_idx %arg10[%shift_right_logical3A_373, %add3A_383], %gather3A_382 : memref<64x128xf32, #tpu.memory_space<vmem>>[vector<16xi32>, vector<16xi32>], vector<16xf32>,
        %add3A_384 = arith.constant 2 : i32
        %add3A_385 = vector.broadcast %add3A_384 : i32 to vector<16xi32>
        %add3A_386 = arith.addi %add3A_346, %add3A_385 : vector<16xi32>
        %and3A_387 = arith.constant 63 : i32
        %and3A_388 = vector.broadcast %and3A_387 : i32 to vector<16xi32>
        %and3A_389 = arith.andi %add3A_386, %and3A_388 : vector<16xi32>
        %shift_right_logical3A_390 = arith.constant 2 : i32
        %shift_right_logical3A_391 = vector.broadcast %shift_right_logical3A_390 : i32 to vector<16xi32>
        %shift_right_logical3A_392 = arith.shrui %and3A_389, %shift_right_logical3A_391 : vector<16xi32>
        %and3A_393 = arith.constant 3 : i32
        %and3A_394 = vector.broadcast %and3A_393 : i32 to vector<16xi32>
        %and3A_395 = arith.andi %and3A_389, %and3A_394 : vector<16xi32>
        %shift_left3A_396 = arith.constant 5 : i32
        %shift_left3A_397 = vector.broadcast %shift_left3A_396 : i32 to vector<16xi32>
        %shift_left3A_398 = arith.shli %and3A_395, %shift_left3A_397 : vector<16xi32>
        %gather3A_399 = tpu.vector_load_idx %arg18[%iota3A, %and3A_389] : memref<128x128xf32, #tpu.memory_space<vmem>>[vector<16xi32>, vector<16xi32>], vector<16xf32>,
        %add3A_400 = arith.addi %shift_left3A_398, %iota3A : vector<16xi32>
        tpu.vector_store_idx %arg10[%shift_right_logical3A_392, %add3A_400], %gather3A_399 : memref<64x128xf32, #tpu.memory_space<vmem>>[vector<16xi32>, vector<16xi32>], vector<16xf32>,
        %gather3A_401 = tpu.vector_load_idx %arg18[%add3A_335, %and3A_389] : memref<128x128xf32, #tpu.memory_space<vmem>>[vector<16xi32>, vector<16xi32>], vector<16xf32>,
        %add3A_402 = arith.addi %shift_left3A_398, %add3A_335 : vector<16xi32>
        tpu.vector_store_idx %arg10[%shift_right_logical3A_392, %add3A_402], %gather3A_401 : memref<64x128xf32, #tpu.memory_space<vmem>>[vector<16xi32>, vector<16xi32>], vector<16xf32>,
        %add3A_403 = arith.constant 3 : i32
        %add3A_404 = vector.broadcast %add3A_403 : i32 to vector<16xi32>
        %add3A_405 = arith.addi %add3A_346, %add3A_404 : vector<16xi32>
        %and3A_406 = arith.constant 63 : i32
        %and3A_407 = vector.broadcast %and3A_406 : i32 to vector<16xi32>
        %and3A_408 = arith.andi %add3A_405, %and3A_407 : vector<16xi32>
        %shift_right_logical3A_409 = arith.constant 2 : i32
        %shift_right_logical3A_410 = vector.broadcast %shift_right_logical3A_409 : i32 to vector<16xi32>
        %shift_right_logical3A_411 = arith.shrui %and3A_408, %shift_right_logical3A_410 : vector<16xi32>
        %and3A_412 = arith.constant 3 : i32
        %and3A_413 = vector.broadcast %and3A_412 : i32 to vector<16xi32>
        %and3A_414 = arith.andi %and3A_408, %and3A_413 : vector<16xi32>
        %shift_left3A_415 = arith.constant 5 : i32
        %shift_left3A_416 = vector.broadcast %shift_left3A_415 : i32 to vector<16xi32>
        %shift_left3A_417 = arith.shli %and3A_414, %shift_left3A_416 : vector<16xi32>
        %gather3A_418 = tpu.vector_load_idx %arg18[%iota3A, %and3A_408] : memref<128x128xf32, #tpu.memory_space<vmem>>[vector<16xi32>, vector<16xi32>], vector<16xf32>,
        %add3A_419 = arith.addi %shift_left3A_417, %iota3A : vector<16xi32>
        tpu.vector_store_idx %arg10[%shift_right_logical3A_411, %add3A_419], %gather3A_418 : memref<64x128xf32, #tpu.memory_space<vmem>>[vector<16xi32>, vector<16xi32>], vector<16xf32>,
        %gather3A_420 = tpu.vector_load_idx %arg18[%add3A_335, %and3A_408] : memref<128x128xf32, #tpu.memory_space<vmem>>[vector<16xi32>, vector<16xi32>], vector<16xf32>,
        %add3A_421 = arith.addi %shift_left3A_417, %add3A_335 : vector<16xi32>
        tpu.vector_store_idx %arg10[%shift_right_logical3A_411, %add3A_421], %gather3A_420 : memref<64x128xf32, #tpu.memory_space<vmem>>[vector<16xi32>, vector<16xi32>], vector<16xf32>,
        %add3A_422 = arith.constant 4 : i32
        %add3A_423 = vector.broadcast %add3A_422 : i32 to vector<16xi32>
        %add3A_424 = arith.addi %add3A_346, %add3A_423 : vector<16xi32>
        %and3A_425 = arith.constant 63 : i32
        %and3A_426 = vector.broadcast %and3A_425 : i32 to vector<16xi32>
        %and3A_427 = arith.andi %add3A_424, %and3A_426 : vector<16xi32>
        %shift_right_logical3A_428 = arith.constant 2 : i32
        %shift_right_logical3A_429 = vector.broadcast %shift_right_logical3A_428 : i32 to vector<16xi32>
        %shift_right_logical3A_430 = arith.shrui %and3A_427, %shift_right_logical3A_429 : vector<16xi32>
        %and3A_431 = arith.constant 3 : i32
        %and3A_432 = vector.broadcast %and3A_431 : i32 to vector<16xi32>
        %and3A_433 = arith.andi %and3A_427, %and3A_432 : vector<16xi32>
        %shift_left3A_434 = arith.constant 5 : i32
        %shift_left3A_435 = vector.broadcast %shift_left3A_434 : i32 to vector<16xi32>
        %shift_left3A_436 = arith.shli %and3A_433, %shift_left3A_435 : vector<16xi32>
        %gather3A_437 = tpu.vector_load_idx %arg18[%iota3A, %and3A_427] : memref<128x128xf32, #tpu.memory_space<vmem>>[vector<16xi32>, vector<16xi32>], vector<16xf32>,
        %add3A_438 = arith.addi %shift_left3A_436, %iota3A : vector<16xi32>
        tpu.vector_store_idx %arg10[%shift_right_logical3A_430, %add3A_438], %gather3A_437 : memref<64x128xf32, #tpu.memory_space<vmem>>[vector<16xi32>, vector<16xi32>], vector<16xf32>,
        %gather3A_439 = tpu.vector_load_idx %arg18[%add3A_335, %and3A_427] : memref<128x128xf32, #tpu.memory_space<vmem>>[vector<16xi32>, vector<16xi32>], vector<16xf32>,
        %add3A_440 = arith.addi %shift_left3A_436, %add3A_335 : vector<16xi32>
        tpu.vector_store_idx %arg10[%shift_right_logical3A_430, %add3A_440], %gather3A_439 : memref<64x128xf32, #tpu.memory_space<vmem>>[vector<16xi32>, vector<16xi32>], vector<16xf32>,
        %add3A_441 = arith.constant 5 : i32
        %add3A_442 = vector.broadcast %add3A_441 : i32 to vector<16xi32>
        %add3A_443 = arith.addi %add3A_346, %add3A_442 : vector<16xi32>
        %and3A_444 = arith.constant 63 : i32
        %and3A_445 = vector.broadcast %and3A_444 : i32 to vector<16xi32>
        %and3A_446 = arith.andi %add3A_443, %and3A_445 : vector<16xi32>
        %shift_right_logical3A_447 = arith.constant 2 : i32
        %shift_right_logical3A_448 = vector.broadcast %shift_right_logical3A_447 : i32 to vector<16xi32>
        %shift_right_logical3A_449 = arith.shrui %and3A_446, %shift_right_logical3A_448 : vector<16xi32>
        %and3A_450 = arith.constant 3 : i32
        %and3A_451 = vector.broadcast %and3A_450 : i32 to vector<16xi32>
        %and3A_452 = arith.andi %and3A_446, %and3A_451 : vector<16xi32>
        %shift_left3A_453 = arith.constant 5 : i32
        %shift_left3A_454 = vector.broadcast %shift_left3A_453 : i32 to vector<16xi32>
        %shift_left3A_455 = arith.shli %and3A_452, %shift_left3A_454 : vector<16xi32>
        %gather3A_456 = tpu.vector_load_idx %arg18[%iota3A, %and3A_446] : memref<128x128xf32, #tpu.memory_space<vmem>>[vector<16xi32>, vector<16xi32>], vector<16xf32>,
        %add3A_457 = arith.addi %shift_left3A_455, %iota3A : vector<16xi32>
        tpu.vector_store_idx %arg10[%shift_right_logical3A_449, %add3A_457], %gather3A_456 : memref<64x128xf32, #tpu.memory_space<vmem>>[vector<16xi32>, vector<16xi32>], vector<16xf32>,
        %gather3A_458 = tpu.vector_load_idx %arg18[%add3A_335, %and3A_446] : memref<128x128xf32, #tpu.memory_space<vmem>>[vector<16xi32>, vector<16xi32>], vector<16xf32>,
        %add3A_459 = arith.addi %shift_left3A_455, %add3A_335 : vector<16xi32>
        tpu.vector_store_idx %arg10[%shift_right_logical3A_449, %add3A_459], %gather3A_458 : memref<64x128xf32, #tpu.memory_space<vmem>>[vector<16xi32>, vector<16xi32>], vector<16xf32>,
        %add3A_460 = arith.constant 6 : i32
        %add3A_461 = vector.broadcast %add3A_460 : i32 to vector<16xi32>
        %add3A_462 = arith.addi %add3A_346, %add3A_461 : vector<16xi32>
        %and3A_463 = arith.constant 63 : i32
        %and3A_464 = vector.broadcast %and3A_463 : i32 to vector<16xi32>
        %and3A_465 = arith.andi %add3A_462, %and3A_464 : vector<16xi32>
        %shift_right_logical3A_466 = arith.constant 2 : i32
        %shift_right_logical3A_467 = vector.broadcast %shift_right_logical3A_466 : i32 to vector<16xi32>
        %shift_right_logical3A_468 = arith.shrui %and3A_465, %shift_right_logical3A_467 : vector<16xi32>
        %and3A_469 = arith.constant 3 : i32
        %and3A_470 = vector.broadcast %and3A_469 : i32 to vector<16xi32>
        %and3A_471 = arith.andi %and3A_465, %and3A_470 : vector<16xi32>
        %shift_left3A_472 = arith.constant 5 : i32
        %shift_left3A_473 = vector.broadcast %shift_left3A_472 : i32 to vector<16xi32>
        %shift_left3A_474 = arith.shli %and3A_471, %shift_left3A_473 : vector<16xi32>
        %gather3A_475 = tpu.vector_load_idx %arg18[%iota3A, %and3A_465] : memref<128x128xf32, #tpu.memory_space<vmem>>[vector<16xi32>, vector<16xi32>], vector<16xf32>,
        %add3A_476 = arith.addi %shift_left3A_474, %iota3A : vector<16xi32>
        tpu.vector_store_idx %arg10[%shift_right_logical3A_468, %add3A_476], %gather3A_475 : memref<64x128xf32, #tpu.memory_space<vmem>>[vector<16xi32>, vector<16xi32>], vector<16xf32>,
        %gather3A_477 = tpu.vector_load_idx %arg18[%add3A_335, %and3A_465] : memref<128x128xf32, #tpu.memory_space<vmem>>[vector<16xi32>, vector<16xi32>], vector<16xf32>,
        %add3A_478 = arith.addi %shift_left3A_474, %add3A_335 : vector<16xi32>
        tpu.vector_store_idx %arg10[%shift_right_logical3A_468, %add3A_478], %gather3A_477 : memref<64x128xf32, #tpu.memory_space<vmem>>[vector<16xi32>, vector<16xi32>], vector<16xf32>,
        %add3A_479 = arith.constant 7 : i32
        %add3A_480 = vector.broadcast %add3A_479 : i32 to vector<16xi32>
        %add3A_481 = arith.addi %add3A_346, %add3A_480 : vector<16xi32>
        %and3A_482 = arith.constant 63 : i32
        %and3A_483 = vector.broadcast %and3A_482 : i32 to vector<16xi32>
        %and3A_484 = arith.andi %add3A_481, %and3A_483 : vector<16xi32>
        %shift_right_logical3A_485 = arith.constant 2 : i32
        %shift_right_logical3A_486 = vector.broadcast %shift_right_logical3A_485 : i32 to vector<16xi32>
        %shift_right_logical3A_487 = arith.shrui %and3A_484, %shift_right_logical3A_486 : vector<16xi32>
        %and3A_488 = arith.constant 3 : i32
        %and3A_489 = vector.broadcast %and3A_488 : i32 to vector<16xi32>
        %and3A_490 = arith.andi %and3A_484, %and3A_489 : vector<16xi32>
        %shift_left3A_491 = arith.constant 5 : i32
        %shift_left3A_492 = vector.broadcast %shift_left3A_491 : i32 to vector<16xi32>
        %shift_left3A_493 = arith.shli %and3A_490, %shift_left3A_492 : vector<16xi32>
        %gather3A_494 = tpu.vector_load_idx %arg18[%iota3A, %and3A_484] : memref<128x128xf32, #tpu.memory_space<vmem>>[vector<16xi32>, vector<16xi32>], vector<16xf32>,
        %add3A_495 = arith.addi %shift_left3A_493, %iota3A : vector<16xi32>
        tpu.vector_store_idx %arg10[%shift_right_logical3A_487, %add3A_495], %gather3A_494 : memref<64x128xf32, #tpu.memory_space<vmem>>[vector<16xi32>, vector<16xi32>], vector<16xf32>,
        %gather3A_496 = tpu.vector_load_idx %arg18[%add3A_335, %and3A_484] : memref<128x128xf32, #tpu.memory_space<vmem>>[vector<16xi32>, vector<16xi32>], vector<16xf32>,
        %add3A_497 = arith.addi %shift_left3A_493, %add3A_335 : vector<16xi32>
        tpu.vector_store_idx %arg10[%shift_right_logical3A_487, %add3A_497], %gather3A_496 : memref<64x128xf32, #tpu.memory_space<vmem>>[vector<16xi32>, vector<16xi32>], vector<16xf32>,
      }
      %scan3A_341 = arith.constant 8 : i32
      "tpu.region"() ({
        %run_scoped3A = tpu.sem_alloc : memref<!tpu.dma_semaphore, #tpu.memory_space<semaphore_mem>>
        %dma_start3A_342 = arith.constant 0 : i32
        %dma_start3A_343 = arith.constant 0 : i32
        %dma_start3A_344 = tpu.memref_slice %arg10[%dma_start3A_342, %dma_start3A_343] : memref<64x128xf32, #tpu.memory_space<vmem>> -> memref<16x128xf32, #tpu.memory_space<vmem>>
        %dma_start3A_345 = arith.constant 249984 : i32
        %dma_start3A_346 = arith.constant 0 : i32
        %dma_start3A_347 = tpu.memref_slice %arg6[%dma_start3A_345, %dma_start3A_346] : memref<250000x128xf32, #tpu.memory_space<hbm>> -> memref<16x128xf32, #tpu.memory_space<hbm>>
        %dma_start3A_348 = arith.constant 249984 : i32
        %dma_start3A_349 = arith.constant 0 : i32
        %dma_start3A_350 = tpu.memref_slice %arg6[%dma_start3A_348, %dma_start3A_349] : memref<250000x128xf32, #tpu.memory_space<hbm>> -> memref<16x128xf32, #tpu.memory_space<hbm>>
        %dma_start3A_351 = arith.constant 0 : i32
        %dma_start3A_352 = arith.constant 0 : i32
        %dma_start3A_353 = tpu.memref_slice %arg10[%dma_start3A_351, %dma_start3A_352] : memref<64x128xf32, #tpu.memory_space<vmem>> -> memref<16x128xf32, #tpu.memory_space<vmem>>
        tpu.enqueue_dma source(%dma_start3A_353 : memref<16x128xf32, #tpu.memory_space<vmem>>) target(%dma_start3A_350 : memref<16x128xf32, #tpu.memory_space<hbm>>) target_semaphore(%run_scoped3A : memref<!tpu.dma_semaphore, #tpu.memory_space<semaphore_mem>>)
        %dma_wait3A_354 = arith.constant 0 : i32
        %dma_wait3A_355 = arith.constant 0 : i32
        %dma_wait3A_356 = tpu.memref_slice %arg10[%dma_wait3A_354, %dma_wait3A_355] : memref<64x128xf32, #tpu.memory_space<vmem>> -> memref<16x128xf32, #tpu.memory_space<vmem>>
        %dma_wait3A_357 = arith.constant 249984 : i32
        %dma_wait3A_358 = arith.constant 0 : i32
        %dma_wait3A_359 = tpu.memref_slice %arg6[%dma_wait3A_357, %dma_wait3A_358] : memref<250000x128xf32, #tpu.memory_space<hbm>> -> memref<16x128xf32, #tpu.memory_space<hbm>>
        %dma_wait3A_360 = arith.constant 249984 : i32
        %dma_wait3A_361 = arith.constant 0 : i32
        %dma_wait3A_362 = tpu.memref_slice %arg6[%dma_wait3A_360, %dma_wait3A_361] : memref<250000x128xf32, #tpu.memory_space<hbm>> -> memref<16x128xf32, #tpu.memory_space<hbm>>
        %dma_wait3A_363 = arith.constant 0 : i32
        %dma_wait3A_364 = arith.constant 0 : i32
        %dma_wait3A_365 = tpu.memref_slice %arg10[%dma_wait3A_363, %dma_wait3A_364] : memref<64x128xf32, #tpu.memory_space<vmem>> -> memref<16x128xf32, #tpu.memory_space<vmem>>
        tpu.wait_dma2 semaphore(%run_scoped3A : memref<!tpu.dma_semaphore, #tpu.memory_space<semaphore_mem>>) src(%dma_wait3A_365 : memref<16x128xf32, #tpu.memory_space<vmem>>) dst(%dma_wait3A_362 : memref<16x128xf32, #tpu.memory_space<hbm>>)
        tpu.yield
      }) : () -> ()
    } else {
    }
    %barrier3A = arith.constant 0 : index
    tpu.barrier barrier_id(%barrier3A)
    %eq3A_51 = arith.constant 0 : i32
    %eq3A_52 = arith.cmpi eq, %arg1, %eq3A_51 : i32
    %convert_element_type3A_53 = arith.extui %eq3A_52 : i1 to i32
    %cond3A_54 = arith.constant 0 : i32
    %cond3A_55 = arith.cmpi ne, %convert_element_type3A_53, %cond3A_54 : i32
    scf.if %cond3A_55 {
      %broadcast_in_dim3A = arith.constant 6076945 : i32
      %broadcast_in_dim3A_333 = vector.broadcast %broadcast_in_dim3A : i32 to vector<16xi32>
      %swap3A_334 = arith.constant 0 : i32
      %swap3A_335 = arith.index_cast %swap3A_334 : i32 to index
      %swap3A_336 = arith.constant 0 : index
      %swap3A_337 = tpu.vector_load %arg22[%swap3A_335, %swap3A_336] {strides = array<i32>} : memref<1x128xi32, #tpu.memory_space<vmem>>, vector<16xi32>,
      tpu.vector_store %arg22[%swap3A_335, %swap3A_336], %broadcast_in_dim3A_333 {strides = array<i32>} : memref<1x128xi32, #tpu.memory_space<vmem>>, vector<16xi32>,
      "tpu.region"() ({
        %run_scoped3A = tpu.sem_alloc : memref<!tpu.dma_semaphore, #tpu.memory_space<semaphore_mem>>
        %dma_start3A_346 = arith.constant 0 : i32
        %dma_start3A_347 = tpu.memref_slice %arg7[%arg0, %dma_start3A_346] : memref<8x128xi32, #tpu.memory_space<hbm>> -> memref<1x128xi32, #tpu.memory_space<hbm>>
        %dma_start3A_348 = arith.constant 0 : i32
        %dma_start3A_349 = tpu.memref_slice %arg7[%arg0, %dma_start3A_348] : memref<8x128xi32, #tpu.memory_space<hbm>> -> memref<1x128xi32, #tpu.memory_space<hbm>>
        tpu.enqueue_dma source(%arg22 : memref<1x128xi32, #tpu.memory_space<vmem>>) target(%dma_start3A_349 : memref<1x128xi32, #tpu.memory_space<hbm>>) target_semaphore(%run_scoped3A : memref<!tpu.dma_semaphore, #tpu.memory_space<semaphore_mem>>)
        %dma_wait3A_350 = arith.constant 0 : i32
        %dma_wait3A_351 = tpu.memref_slice %arg7[%arg0, %dma_wait3A_350] : memref<8x128xi32, #tpu.memory_space<hbm>> -> memref<1x128xi32, #tpu.memory_space<hbm>>
        %dma_wait3A_352 = arith.constant 0 : i32
        %dma_wait3A_353 = tpu.memref_slice %arg7[%arg0, %dma_wait3A_352] : memref<8x128xi32, #tpu.memory_space<hbm>> -> memref<1x128xi32, #tpu.memory_space<hbm>>
        tpu.wait_dma2 semaphore(%run_scoped3A : memref<!tpu.dma_semaphore, #tpu.memory_space<semaphore_mem>>) src(%arg22 : memref<1x128xi32, #tpu.memory_space<vmem>>) dst(%dma_wait3A_353 : memref<1x128xi32, #tpu.memory_space<hbm>>)
        tpu.yield
      }) : () -> ()
      %sub3A = arith.constant 1 : i32
      %sub3A_338 = arith.subi %sub3A, %arg0 : i32
      %while3A = arith.constant 0 : i32
      %while3A_339 = scf.while (%while3A_346 = %while3A) : (i32) -> i32 {
        %ne3A = arith.constant 97231120 : i32
        %ne3A_347 = arith.cmpi ne, %while3A_346, %ne3A : i32
        scf.condition(%ne3A_347) %while3A_346 : i32
      } do {
      ^bb0(%while3A_346: i32):
        "tpu.region"() ({
          %run_scoped3A = tpu.sem_alloc : memref<!tpu.dma_semaphore, #tpu.memory_space<semaphore_mem>>
          %dma_start3A_354 = arith.constant 0 : i32
          %dma_start3A_355 = tpu.memref_slice %arg7[%sub3A_338, %dma_start3A_354] : memref<8x128xi32, #tpu.memory_space<hbm>> -> memref<1x128xi32, #tpu.memory_space<hbm>>
          %dma_start3A_356 = arith.constant 0 : i32
          %dma_start3A_357 = tpu.memref_slice %arg7[%sub3A_338, %dma_start3A_356] : memref<8x128xi32, #tpu.memory_space<hbm>> -> memref<1x128xi32, #tpu.memory_space<hbm>>
          tpu.enqueue_dma source(%dma_start3A_357 : memref<1x128xi32, #tpu.memory_space<hbm>>) target(%arg23 : memref<1x128xi32, #tpu.memory_space<vmem>>) target_semaphore(%run_scoped3A : memref<!tpu.dma_semaphore, #tpu.memory_space<semaphore_mem>>)
          %dma_wait3A_358 = arith.constant 0 : i32
          %dma_wait3A_359 = tpu.memref_slice %arg7[%sub3A_338, %dma_wait3A_358] : memref<8x128xi32, #tpu.memory_space<hbm>> -> memref<1x128xi32, #tpu.memory_space<hbm>>
          %dma_wait3A_360 = arith.constant 0 : i32
          %dma_wait3A_361 = tpu.memref_slice %arg7[%sub3A_338, %dma_wait3A_360] : memref<8x128xi32, #tpu.memory_space<hbm>> -> memref<1x128xi32, #tpu.memory_space<hbm>>
          tpu.wait_dma2 semaphore(%run_scoped3A : memref<!tpu.dma_semaphore, #tpu.memory_space<semaphore_mem>>) src(%dma_wait3A_361 : memref<1x128xi32, #tpu.memory_space<hbm>>) dst(%arg23 : memref<1x128xi32, #tpu.memory_space<vmem>>)
          tpu.yield
        }) : () -> ()
        %get3A_347 = arith.constant 0 : i32
        %get3A_348 = arith.index_cast %get3A_347 : i32 to index
        %get3A_349 = arith.constant 0 : index
        %get3A_350 = tpu.vector_load %arg23[%get3A_348, %get3A_349] {strides = array<i32>} : memref<1x128xi32, #tpu.memory_space<vmem>>, vector<16xi32>,
        %reduce_sum3A = arith.constant true
        %reduce_sum3A_351 = vector.broadcast %reduce_sum3A : i1 to vector<16xi1>
        %reduce_sum3A_352 = tpu.scan <sum>, %get3A_350 masked %reduce_sum3A_351 : vector<16xi32>, vector<16xi1> -> vector<16xi32>
        %reduce_sum3A_353 = vector.extract %reduce_sum3A_352[15] : i32 from vector<16xi32>
        scf.yield %reduce_sum3A_353 : i32
      }
      %broadcast_in_dim3A_340 = arith.constant 0 : i32
      %broadcast_in_dim3A_341 = vector.broadcast %broadcast_in_dim3A_340 : i32 to vector<16xi32>
      %swap3A_342 = arith.constant 0 : i32
      %swap3A_343 = arith.index_cast %swap3A_342 : i32 to index
      %swap3A_344 = arith.constant 0 : index
      %swap3A_345 = tpu.vector_load %arg22[%swap3A_343, %swap3A_344] {strides = array<i32>} : memref<1x128xi32, #tpu.memory_space<vmem>>, vector<16xi32>,
      tpu.vector_store %arg22[%swap3A_343, %swap3A_344], %broadcast_in_dim3A_341 {strides = array<i32>} : memref<1x128xi32, #tpu.memory_space<vmem>>, vector<16xi32>,
      "tpu.region"() ({
        %run_scoped3A = tpu.sem_alloc : memref<!tpu.dma_semaphore, #tpu.memory_space<semaphore_mem>>
        %dma_start3A_346 = arith.constant 0 : i32
        %dma_start3A_347 = tpu.memref_slice %arg7[%sub3A_338, %dma_start3A_346] : memref<8x128xi32, #tpu.memory_space<hbm>> -> memref<1x128xi32, #tpu.memory_space<hbm>>
        %dma_start3A_348 = arith.constant 0 : i32
        %dma_start3A_349 = tpu.memref_slice %arg7[%sub3A_338, %dma_start3A_348] : memref<8x128xi32, #tpu.memory_space<hbm>> -> memref<1x128xi32, #tpu.memory_space<hbm>>
        tpu.enqueue_dma source(%arg22 : memref<1x128xi32, #tpu.memory_space<vmem>>) target(%dma_start3A_349 : memref<1x128xi32, #tpu.memory_space<hbm>>) target_semaphore(%run_scoped3A : memref<!tpu.dma_semaphore, #tpu.memory_space<semaphore_mem>>)
        %dma_wait3A_350 = arith.constant 0 : i32
        %dma_wait3A_351 = tpu.memref_slice %arg7[%sub3A_338, %dma_wait3A_350] : memref<8x128xi32, #tpu.memory_space<hbm>> -> memref<1x128xi32, #tpu.memory_space<hbm>>
        %dma_wait3A_352 = arith.constant 0 : i32
        %dma_wait3A_353 = tpu.memref_slice %arg7[%sub3A_338, %dma_wait3A_352] : memref<8x128xi32, #tpu.memory_space<hbm>> -> memref<1x128xi32, #tpu.memory_space<hbm>>
        tpu.wait_dma2 semaphore(%run_scoped3A : memref<!tpu.dma_semaphore, #tpu.memory_space<semaphore_mem>>) src(%arg22 : memref<1x128xi32, #tpu.memory_space<vmem>>) dst(%dma_wait3A_353 : memref<1x128xi32, #tpu.memory_space<hbm>>)
        tpu.yield
      }) : () -> ()
    } else {
    }
    %barrier3A_56 = arith.constant 0 : index
    tpu.barrier barrier_id(%barrier3A_56)
    %add3A_57 = arith.constant 0 : i32
    %add3A_58 = arith.addi %add3A, %add3A_57 : i32
    %shift_right_logical3A = arith.constant 7 : i32
    %shift_right_logical3A_59 = arith.shrui %add3A_58, %shift_right_logical3A : i32
    %and3A = arith.constant 127 : i32
    %and3A_60 = arith.andi %add3A_58, %and3A : i32
    %mul3A_61 = arith.constant 16384 : i32
    %mul3A_62 = arith.muli %shift_right_logical3A_59, %mul3A_61 : i32
    %mul3A_63 = arith.constant 128 : i32
    %mul3A_64 = arith.muli %and3A_60, %mul3A_63 : i32
    %add3A_65 = arith.addi %mul3A_62, %mul3A_64 : i32
    %dma_start3A_66 = tpu.memref_slice %arg4[%add3A_65] : memref<819200xi32, #tpu.memory_space<hbm>> -> memref<128xi32, #tpu.memory_space<hbm>>
    %dma_start3A_67 = tpu.memref_slice %arg4[%add3A_65] : memref<819200xi32, #tpu.memory_space<hbm>> -> memref<128xi32, #tpu.memory_space<hbm>>
    tpu.enqueue_dma source(%dma_start3A_67 : memref<128xi32, #tpu.memory_space<hbm>>) target(%arg12 : memref<128xi32, #tpu.memory_space<vmem>>) target_semaphore(%arg28 : memref<!tpu.dma_semaphore, #tpu.memory_space<semaphore_mem>>)
    %add3A_68 = arith.constant 32 : i32
    %add3A_69 = arith.addi %add3A, %add3A_68 : i32
    %shift_right_logical3A_70 = arith.constant 7 : i32
    %shift_right_logical3A_71 = arith.shrui %add3A_69, %shift_right_logical3A_70 : i32
    %and3A_72 = arith.constant 127 : i32
    %and3A_73 = arith.andi %add3A_69, %and3A_72 : i32
    %mul3A_74 = arith.constant 16384 : i32
    %mul3A_75 = arith.muli %shift_right_logical3A_71, %mul3A_74 : i32
    %mul3A_76 = arith.constant 128 : i32
    %mul3A_77 = arith.muli %and3A_73, %mul3A_76 : i32
    %add3A_78 = arith.addi %mul3A_75, %mul3A_77 : i32
    %dma_start3A_79 = tpu.memref_slice %arg4[%add3A_78] : memref<819200xi32, #tpu.memory_space<hbm>> -> memref<128xi32, #tpu.memory_space<hbm>>
    %dma_start3A_80 = tpu.memref_slice %arg4[%add3A_78] : memref<819200xi32, #tpu.memory_space<hbm>> -> memref<128xi32, #tpu.memory_space<hbm>>
    tpu.enqueue_dma source(%dma_start3A_80 : memref<128xi32, #tpu.memory_space<hbm>>) target(%arg13 : memref<128xi32, #tpu.memory_space<vmem>>) target_semaphore(%arg29 : memref<!tpu.dma_semaphore, #tpu.memory_space<semaphore_mem>>)
    %dma_wait3A_81 = arith.constant 0 : i32
    %dma_wait3A_82 = tpu.memref_slice %arg4[%dma_wait3A_81] : memref<819200xi32, #tpu.memory_space<hbm>> -> memref<128xi32, #tpu.memory_space<hbm>>
    %dma_wait3A_83 = arith.constant 0 : i32
    %dma_wait3A_84 = tpu.memref_slice %arg4[%dma_wait3A_83] : memref<819200xi32, #tpu.memory_space<hbm>> -> memref<128xi32, #tpu.memory_space<hbm>>
    tpu.wait_dma2 semaphore(%arg28 : memref<!tpu.dma_semaphore, #tpu.memory_space<semaphore_mem>>) src(%dma_wait3A_84 : memref<128xi32, #tpu.memory_space<hbm>>) dst(%arg12 : memref<128xi32, #tpu.memory_space<vmem>>)
    %get3A = arith.constant 0 : index
    %get3A_85 = tpu.vector_load %arg12[%get3A] {strides = array<i32>} : memref<128xi32, #tpu.memory_space<vmem>>, vector<16xi32>,
    %shift_right_logical3A_86 = arith.constant 2 : i32
    %shift_right_logical3A_87 = vector.broadcast %shift_right_logical3A_86 : i32 to vector<16xi32>
    %shift_right_logical3A_88 = arith.shrui %get3A_85, %shift_right_logical3A_87 : vector<16xi32>
    %swap3A = arith.constant 0 : index
    %swap3A_89 = tpu.vector_load %arg14[%swap3A] {strides = array<i32>} : memref<128xi32, #tpu.memory_space<vmem>>, vector<16xi32>,
    tpu.vector_store %arg14[%swap3A], %shift_right_logical3A_88 {strides = array<i32>} : memref<128xi32, #tpu.memory_space<vmem>>, vector<16xi32>,
    %and3A_90 = arith.constant 3 : i32
    %and3A_91 = vector.broadcast %and3A_90 : i32 to vector<16xi32>
    %and3A_92 = arith.andi %get3A_85, %and3A_91 : vector<16xi32>
    %shift_left3A = arith.constant 5 : i32
    %shift_left3A_93 = vector.broadcast %shift_left3A : i32 to vector<16xi32>
    %shift_left3A_94 = arith.shli %and3A_92, %shift_left3A_93 : vector<16xi32>
    %swap3A_95 = arith.constant 0 : index
    %swap3A_96 = tpu.vector_load %arg16[%swap3A_95] {strides = array<i32>} : memref<128xi32, #tpu.memory_space<vmem>>, vector<16xi32>,
    tpu.vector_store %arg16[%swap3A_95], %shift_left3A_94 {strides = array<i32>} : memref<128xi32, #tpu.memory_space<vmem>>, vector<16xi32>,
    %get3A_97 = arith.constant 16 : index
    %get3A_98 = tpu.vector_load %arg12[%get3A_97] {strides = array<i32>} : memref<128xi32, #tpu.memory_space<vmem>>, vector<16xi32>,
    %shift_right_logical3A_99 = arith.constant 2 : i32
    %shift_right_logical3A_100 = vector.broadcast %shift_right_logical3A_99 : i32 to vector<16xi32>
    %shift_right_logical3A_101 = arith.shrui %get3A_98, %shift_right_logical3A_100 : vector<16xi32>
    %swap3A_102 = arith.constant 16 : index
    %swap3A_103 = tpu.vector_load %arg14[%swap3A_102] {strides = array<i32>} : memref<128xi32, #tpu.memory_space<vmem>>, vector<16xi32>,
    tpu.vector_store %arg14[%swap3A_102], %shift_right_logical3A_101 {strides = array<i32>} : memref<128xi32, #tpu.memory_space<vmem>>, vector<16xi32>,
    %and3A_104 = arith.constant 3 : i32
    %and3A_105 = vector.broadcast %and3A_104 : i32 to vector<16xi32>
    %and3A_106 = arith.andi %get3A_98, %and3A_105 : vector<16xi32>
    %shift_left3A_107 = arith.constant 5 : i32
    %shift_left3A_108 = vector.broadcast %shift_left3A_107 : i32 to vector<16xi32>
    %shift_left3A_109 = arith.shli %and3A_106, %shift_left3A_108 : vector<16xi32>
    %swap3A_110 = arith.constant 16 : index
    %swap3A_111 = tpu.vector_load %arg16[%swap3A_110] {strides = array<i32>} : memref<128xi32, #tpu.memory_space<vmem>>, vector<16xi32>,
    tpu.vector_store %arg16[%swap3A_110], %shift_left3A_109 {strides = array<i32>} : memref<128xi32, #tpu.memory_space<vmem>>, vector<16xi32>,
    %get3A_112 = arith.constant 32 : index
    %get3A_113 = tpu.vector_load %arg12[%get3A_112] {strides = array<i32>} : memref<128xi32, #tpu.memory_space<vmem>>, vector<16xi32>,
    %shift_right_logical3A_114 = arith.constant 2 : i32
    %shift_right_logical3A_115 = vector.broadcast %shift_right_logical3A_114 : i32 to vector<16xi32>
    %shift_right_logical3A_116 = arith.shrui %get3A_113, %shift_right_logical3A_115 : vector<16xi32>
    %swap3A_117 = arith.constant 32 : index
    %swap3A_118 = tpu.vector_load %arg14[%swap3A_117] {strides = array<i32>} : memref<128xi32, #tpu.memory_space<vmem>>, vector<16xi32>,
    tpu.vector_store %arg14[%swap3A_117], %shift_right_logical3A_116 {strides = array<i32>} : memref<128xi32, #tpu.memory_space<vmem>>, vector<16xi32>,
    %and3A_119 = arith.constant 3 : i32
    %and3A_120 = vector.broadcast %and3A_119 : i32 to vector<16xi32>
    %and3A_121 = arith.andi %get3A_113, %and3A_120 : vector<16xi32>
    %shift_left3A_122 = arith.constant 5 : i32
    %shift_left3A_123 = vector.broadcast %shift_left3A_122 : i32 to vector<16xi32>
    %shift_left3A_124 = arith.shli %and3A_121, %shift_left3A_123 : vector<16xi32>
    %swap3A_125 = arith.constant 32 : index
    %swap3A_126 = tpu.vector_load %arg16[%swap3A_125] {strides = array<i32>} : memref<128xi32, #tpu.memory_space<vmem>>, vector<16xi32>,
    tpu.vector_store %arg16[%swap3A_125], %shift_left3A_124 {strides = array<i32>} : memref<128xi32, #tpu.memory_space<vmem>>, vector<16xi32>,
    %get3A_127 = arith.constant 48 : index
    %get3A_128 = tpu.vector_load %arg12[%get3A_127] {strides = array<i32>} : memref<128xi32, #tpu.memory_space<vmem>>, vector<16xi32>,
    %shift_right_logical3A_129 = arith.constant 2 : i32
    %shift_right_logical3A_130 = vector.broadcast %shift_right_logical3A_129 : i32 to vector<16xi32>
    %shift_right_logical3A_131 = arith.shrui %get3A_128, %shift_right_logical3A_130 : vector<16xi32>
    %swap3A_132 = arith.constant 48 : index
    %swap3A_133 = tpu.vector_load %arg14[%swap3A_132] {strides = array<i32>} : memref<128xi32, #tpu.memory_space<vmem>>, vector<16xi32>,
    tpu.vector_store %arg14[%swap3A_132], %shift_right_logical3A_131 {strides = array<i32>} : memref<128xi32, #tpu.memory_space<vmem>>, vector<16xi32>,
    %and3A_134 = arith.constant 3 : i32
    %and3A_135 = vector.broadcast %and3A_134 : i32 to vector<16xi32>
    %and3A_136 = arith.andi %get3A_128, %and3A_135 : vector<16xi32>
    %shift_left3A_137 = arith.constant 5 : i32
    %shift_left3A_138 = vector.broadcast %shift_left3A_137 : i32 to vector<16xi32>
    %shift_left3A_139 = arith.shli %and3A_136, %shift_left3A_138 : vector<16xi32>
    %swap3A_140 = arith.constant 48 : index
    %swap3A_141 = tpu.vector_load %arg16[%swap3A_140] {strides = array<i32>} : memref<128xi32, #tpu.memory_space<vmem>>, vector<16xi32>,
    tpu.vector_store %arg16[%swap3A_140], %shift_left3A_139 {strides = array<i32>} : memref<128xi32, #tpu.memory_space<vmem>>, vector<16xi32>,
    %get3A_142 = arith.constant 64 : index
    %get3A_143 = tpu.vector_load %arg12[%get3A_142] {strides = array<i32>} : memref<128xi32, #tpu.memory_space<vmem>>, vector<16xi32>,
    %shift_right_logical3A_144 = arith.constant 2 : i32
    %shift_right_logical3A_145 = vector.broadcast %shift_right_logical3A_144 : i32 to vector<16xi32>
    %shift_right_logical3A_146 = arith.shrui %get3A_143, %shift_right_logical3A_145 : vector<16xi32>
    %swap3A_147 = arith.constant 64 : index
    %swap3A_148 = tpu.vector_load %arg14[%swap3A_147] {strides = array<i32>} : memref<128xi32, #tpu.memory_space<vmem>>, vector<16xi32>,
    tpu.vector_store %arg14[%swap3A_147], %shift_right_logical3A_146 {strides = array<i32>} : memref<128xi32, #tpu.memory_space<vmem>>, vector<16xi32>,
    %and3A_149 = arith.constant 3 : i32
    %and3A_150 = vector.broadcast %and3A_149 : i32 to vector<16xi32>
    %and3A_151 = arith.andi %get3A_143, %and3A_150 : vector<16xi32>
    %shift_left3A_152 = arith.constant 5 : i32
    %shift_left3A_153 = vector.broadcast %shift_left3A_152 : i32 to vector<16xi32>
    %shift_left3A_154 = arith.shli %and3A_151, %shift_left3A_153 : vector<16xi32>
    %swap3A_155 = arith.constant 64 : index
    %swap3A_156 = tpu.vector_load %arg16[%swap3A_155] {strides = array<i32>} : memref<128xi32, #tpu.memory_space<vmem>>, vector<16xi32>,
    tpu.vector_store %arg16[%swap3A_155], %shift_left3A_154 {strides = array<i32>} : memref<128xi32, #tpu.memory_space<vmem>>, vector<16xi32>,
    %get3A_157 = arith.constant 80 : index
    %get3A_158 = tpu.vector_load %arg12[%get3A_157] {strides = array<i32>} : memref<128xi32, #tpu.memory_space<vmem>>, vector<16xi32>,
    %shift_right_logical3A_159 = arith.constant 2 : i32
    %shift_right_logical3A_160 = vector.broadcast %shift_right_logical3A_159 : i32 to vector<16xi32>
    %shift_right_logical3A_161 = arith.shrui %get3A_158, %shift_right_logical3A_160 : vector<16xi32>
    %swap3A_162 = arith.constant 80 : index
    %swap3A_163 = tpu.vector_load %arg14[%swap3A_162] {strides = array<i32>} : memref<128xi32, #tpu.memory_space<vmem>>, vector<16xi32>,
    tpu.vector_store %arg14[%swap3A_162], %shift_right_logical3A_161 {strides = array<i32>} : memref<128xi32, #tpu.memory_space<vmem>>, vector<16xi32>,
    %and3A_164 = arith.constant 3 : i32
    %and3A_165 = vector.broadcast %and3A_164 : i32 to vector<16xi32>
    %and3A_166 = arith.andi %get3A_158, %and3A_165 : vector<16xi32>
    %shift_left3A_167 = arith.constant 5 : i32
    %shift_left3A_168 = vector.broadcast %shift_left3A_167 : i32 to vector<16xi32>
    %shift_left3A_169 = arith.shli %and3A_166, %shift_left3A_168 : vector<16xi32>
    %swap3A_170 = arith.constant 80 : index
    %swap3A_171 = tpu.vector_load %arg16[%swap3A_170] {strides = array<i32>} : memref<128xi32, #tpu.memory_space<vmem>>, vector<16xi32>,
    tpu.vector_store %arg16[%swap3A_170], %shift_left3A_169 {strides = array<i32>} : memref<128xi32, #tpu.memory_space<vmem>>, vector<16xi32>,
    %get3A_172 = arith.constant 96 : index
    %get3A_173 = tpu.vector_load %arg12[%get3A_172] {strides = array<i32>} : memref<128xi32, #tpu.memory_space<vmem>>, vector<16xi32>,
    %shift_right_logical3A_174 = arith.constant 2 : i32
    %shift_right_logical3A_175 = vector.broadcast %shift_right_logical3A_174 : i32 to vector<16xi32>
    %shift_right_logical3A_176 = arith.shrui %get3A_173, %shift_right_logical3A_175 : vector<16xi32>
    %swap3A_177 = arith.constant 96 : index
    %swap3A_178 = tpu.vector_load %arg14[%swap3A_177] {strides = array<i32>} : memref<128xi32, #tpu.memory_space<vmem>>, vector<16xi32>,
    tpu.vector_store %arg14[%swap3A_177], %shift_right_logical3A_176 {strides = array<i32>} : memref<128xi32, #tpu.memory_space<vmem>>, vector<16xi32>,
    %and3A_179 = arith.constant 3 : i32
    %and3A_180 = vector.broadcast %and3A_179 : i32 to vector<16xi32>
    %and3A_181 = arith.andi %get3A_173, %and3A_180 : vector<16xi32>
    %shift_left3A_182 = arith.constant 5 : i32
    %shift_left3A_183 = vector.broadcast %shift_left3A_182 : i32 to vector<16xi32>
    %shift_left3A_184 = arith.shli %and3A_181, %shift_left3A_183 : vector<16xi32>
    %swap3A_185 = arith.constant 96 : index
    %swap3A_186 = tpu.vector_load %arg16[%swap3A_185] {strides = array<i32>} : memref<128xi32, #tpu.memory_space<vmem>>, vector<16xi32>,
    tpu.vector_store %arg16[%swap3A_185], %shift_left3A_184 {strides = array<i32>} : memref<128xi32, #tpu.memory_space<vmem>>, vector<16xi32>,
    %get3A_187 = arith.constant 112 : index
    %get3A_188 = tpu.vector_load %arg12[%get3A_187] {strides = array<i32>} : memref<128xi32, #tpu.memory_space<vmem>>, vector<16xi32>,
    %shift_right_logical3A_189 = arith.constant 2 : i32
    %shift_right_logical3A_190 = vector.broadcast %shift_right_logical3A_189 : i32 to vector<16xi32>
    %shift_right_logical3A_191 = arith.shrui %get3A_188, %shift_right_logical3A_190 : vector<16xi32>
    %swap3A_192 = arith.constant 112 : index
    %swap3A_193 = tpu.vector_load %arg14[%swap3A_192] {strides = array<i32>} : memref<128xi32, #tpu.memory_space<vmem>>, vector<16xi32>,
    tpu.vector_store %arg14[%swap3A_192], %shift_right_logical3A_191 {strides = array<i32>} : memref<128xi32, #tpu.memory_space<vmem>>, vector<16xi32>,
    %and3A_194 = arith.constant 3 : i32
    %and3A_195 = vector.broadcast %and3A_194 : i32 to vector<16xi32>
    %and3A_196 = arith.andi %get3A_188, %and3A_195 : vector<16xi32>
    %shift_left3A_197 = arith.constant 5 : i32
    %shift_left3A_198 = vector.broadcast %shift_left3A_197 : i32 to vector<16xi32>
    %shift_left3A_199 = arith.shli %and3A_196, %shift_left3A_198 : vector<16xi32>
    %swap3A_200 = arith.constant 112 : index
    %swap3A_201 = tpu.vector_load %arg16[%swap3A_200] {strides = array<i32>} : memref<128xi32, #tpu.memory_space<vmem>>, vector<16xi32>,
    tpu.vector_store %arg16[%swap3A_200], %shift_left3A_199 {strides = array<i32>} : memref<128xi32, #tpu.memory_space<vmem>>, vector<16xi32>,
    %dma_start3A_202 = arith.constant 0 : i32
    %dma_start3A_203 = arith.constant 0 : i32
    %dma_start3A_204 = tpu.memref_slice %arg6[%dma_start3A_202, %dma_start3A_203] : memref<250000x128xf32, #tpu.memory_space<hbm>> -> memref<250000x128xf32, #tpu.memory_space<hbm>>
    tpu.enqueue_indirect_dma source(%dma_start3A_204 : memref<250000x128xf32, #tpu.memory_space<hbm>>) target(%arg18 : memref<128x128xf32, #tpu.memory_space<vmem>>) offsets(%arg14 : memref<128xi32, #tpu.memory_space<vmem>>) semaphore(%arg30 : memref<!tpu.dma_semaphore, #tpu.memory_space<semaphore_mem>>)
    %add3A_205 = arith.constant 0 : i32
    %add3A_206 = arith.constant 1 : i32
    %add3A_207 = arith.addi %add3A_205, %add3A_206 : i32
    %lt3A_208 = arith.constant 200 : i32
    %lt3A_209 = arith.cmpi slt, %add3A_207, %lt3A_208 : i32
    %convert_element_type3A_210 = arith.extui %lt3A_209 : i1 to i32
    %cond3A_211 = arith.constant 0 : i32
    %cond3A_212 = arith.constant 0 : i32
    %cond3A_213 = arith.cmpi ne, %convert_element_type3A_210, %cond3A_212 : i32
    scf.if %cond3A_213 {
      %dma_wait3A_333 = arith.constant 0 : i32
      %dma_wait3A_334 = tpu.memref_slice %arg4[%dma_wait3A_333] : memref<819200xi32, #tpu.memory_space<hbm>> -> memref<128xi32, #tpu.memory_space<hbm>>
      %dma_wait3A_335 = arith.constant 0 : i32
      %dma_wait3A_336 = tpu.memref_slice %arg4[%dma_wait3A_335] : memref<819200xi32, #tpu.memory_space<hbm>> -> memref<128xi32, #tpu.memory_space<hbm>>
      tpu.wait_dma2 semaphore(%arg29 : memref<!tpu.dma_semaphore, #tpu.memory_space<semaphore_mem>>) src(%dma_wait3A_336 : memref<128xi32, #tpu.memory_space<hbm>>) dst(%arg13 : memref<128xi32, #tpu.memory_space<vmem>>)
      %get3A_337 = arith.constant 0 : index
      %get3A_338 = tpu.vector_load %arg13[%get3A_337] {strides = array<i32>} : memref<128xi32, #tpu.memory_space<vmem>>, vector<16xi32>,
      %shift_right_logical3A_339 = arith.constant 2 : i32
      %shift_right_logical3A_340 = vector.broadcast %shift_right_logical3A_339 : i32 to vector<16xi32>
      %shift_right_logical3A_341 = arith.shrui %get3A_338, %shift_right_logical3A_340 : vector<16xi32>
      %swap3A_342 = arith.constant 0 : index
      %swap3A_343 = tpu.vector_load %arg15[%swap3A_342] {strides = array<i32>} : memref<128xi32, #tpu.memory_space<vmem>>, vector<16xi32>,
      tpu.vector_store %arg15[%swap3A_342], %shift_right_logical3A_341 {strides = array<i32>} : memref<128xi32, #tpu.memory_space<vmem>>, vector<16xi32>,
      %and3A_344 = arith.constant 3 : i32
      %and3A_345 = vector.broadcast %and3A_344 : i32 to vector<16xi32>
      %and3A_346 = arith.andi %get3A_338, %and3A_345 : vector<16xi32>
      %shift_left3A_347 = arith.constant 5 : i32
      %shift_left3A_348 = vector.broadcast %shift_left3A_347 : i32 to vector<16xi32>
      %shift_left3A_349 = arith.shli %and3A_346, %shift_left3A_348 : vector<16xi32>
      %swap3A_350 = arith.constant 0 : index
      %swap3A_351 = tpu.vector_load %arg17[%swap3A_350] {strides = array<i32>} : memref<128xi32, #tpu.memory_space<vmem>>, vector<16xi32>,
      tpu.vector_store %arg17[%swap3A_350], %shift_left3A_349 {strides = array<i32>} : memref<128xi32, #tpu.memory_space<vmem>>, vector<16xi32>,
      %get3A_352 = arith.constant 16 : index
      %get3A_353 = tpu.vector_load %arg13[%get3A_352] {strides = array<i32>} : memref<128xi32, #tpu.memory_space<vmem>>, vector<16xi32>,
      %shift_right_logical3A_354 = arith.constant 2 : i32
      %shift_right_logical3A_355 = vector.broadcast %shift_right_logical3A_354 : i32 to vector<16xi32>
      %shift_right_logical3A_356 = arith.shrui %get3A_353, %shift_right_logical3A_355 : vector<16xi32>
      %swap3A_357 = arith.constant 16 : index
      %swap3A_358 = tpu.vector_load %arg15[%swap3A_357] {strides = array<i32>} : memref<128xi32, #tpu.memory_space<vmem>>, vector<16xi32>,
      tpu.vector_store %arg15[%swap3A_357], %shift_right_logical3A_356 {strides = array<i32>} : memref<128xi32, #tpu.memory_space<vmem>>, vector<16xi32>,
      %and3A_359 = arith.constant 3 : i32
      %and3A_360 = vector.broadcast %and3A_359 : i32 to vector<16xi32>
      %and3A_361 = arith.andi %get3A_353, %and3A_360 : vector<16xi32>
      %shift_left3A_362 = arith.constant 5 : i32
      %shift_left3A_363 = vector.broadcast %shift_left3A_362 : i32 to vector<16xi32>
      %shift_left3A_364 = arith.shli %and3A_361, %shift_left3A_363 : vector<16xi32>
      %swap3A_365 = arith.constant 16 : index
      %swap3A_366 = tpu.vector_load %arg17[%swap3A_365] {strides = array<i32>} : memref<128xi32, #tpu.memory_space<vmem>>, vector<16xi32>,
      tpu.vector_store %arg17[%swap3A_365], %shift_left3A_364 {strides = array<i32>} : memref<128xi32, #tpu.memory_space<vmem>>, vector<16xi32>,
      %get3A_367 = arith.constant 32 : index
      %get3A_368 = tpu.vector_load %arg13[%get3A_367] {strides = array<i32>} : memref<128xi32, #tpu.memory_space<vmem>>, vector<16xi32>,
      %shift_right_logical3A_369 = arith.constant 2 : i32
      %shift_right_logical3A_370 = vector.broadcast %shift_right_logical3A_369 : i32 to vector<16xi32>
      %shift_right_logical3A_371 = arith.shrui %get3A_368, %shift_right_logical3A_370 : vector<16xi32>
      %swap3A_372 = arith.constant 32 : index
      %swap3A_373 = tpu.vector_load %arg15[%swap3A_372] {strides = array<i32>} : memref<128xi32, #tpu.memory_space<vmem>>, vector<16xi32>,
      tpu.vector_store %arg15[%swap3A_372], %shift_right_logical3A_371 {strides = array<i32>} : memref<128xi32, #tpu.memory_space<vmem>>, vector<16xi32>,
      %and3A_374 = arith.constant 3 : i32
      %and3A_375 = vector.broadcast %and3A_374 : i32 to vector<16xi32>
      %and3A_376 = arith.andi %get3A_368, %and3A_375 : vector<16xi32>
      %shift_left3A_377 = arith.constant 5 : i32
      %shift_left3A_378 = vector.broadcast %shift_left3A_377 : i32 to vector<16xi32>
      %shift_left3A_379 = arith.shli %and3A_376, %shift_left3A_378 : vector<16xi32>
      %swap3A_380 = arith.constant 32 : index
      %swap3A_381 = tpu.vector_load %arg17[%swap3A_380] {strides = array<i32>} : memref<128xi32, #tpu.memory_space<vmem>>, vector<16xi32>,
      tpu.vector_store %arg17[%swap3A_380], %shift_left3A_379 {strides = array<i32>} : memref<128xi32, #tpu.memory_space<vmem>>, vector<16xi32>,
      %get3A_382 = arith.constant 48 : index
      %get3A_383 = tpu.vector_load %arg13[%get3A_382] {strides = array<i32>} : memref<128xi32, #tpu.memory_space<vmem>>, vector<16xi32>,
      %shift_right_logical3A_384 = arith.constant 2 : i32
      %shift_right_logical3A_385 = vector.broadcast %shift_right_logical3A_384 : i32 to vector<16xi32>
      %shift_right_logical3A_386 = arith.shrui %get3A_383, %shift_right_logical3A_385 : vector<16xi32>
      %swap3A_387 = arith.constant 48 : index
      %swap3A_388 = tpu.vector_load %arg15[%swap3A_387] {strides = array<i32>} : memref<128xi32, #tpu.memory_space<vmem>>, vector<16xi32>,
      tpu.vector_store %arg15[%swap3A_387], %shift_right_logical3A_386 {strides = array<i32>} : memref<128xi32, #tpu.memory_space<vmem>>, vector<16xi32>,
      %and3A_389 = arith.constant 3 : i32
      %and3A_390 = vector.broadcast %and3A_389 : i32 to vector<16xi32>
      %and3A_391 = arith.andi %get3A_383, %and3A_390 : vector<16xi32>
      %shift_left3A_392 = arith.constant 5 : i32
      %shift_left3A_393 = vector.broadcast %shift_left3A_392 : i32 to vector<16xi32>
      %shift_left3A_394 = arith.shli %and3A_391, %shift_left3A_393 : vector<16xi32>
      %swap3A_395 = arith.constant 48 : index
      %swap3A_396 = tpu.vector_load %arg17[%swap3A_395] {strides = array<i32>} : memref<128xi32, #tpu.memory_space<vmem>>, vector<16xi32>,
      tpu.vector_store %arg17[%swap3A_395], %shift_left3A_394 {strides = array<i32>} : memref<128xi32, #tpu.memory_space<vmem>>, vector<16xi32>,
      %get3A_397 = arith.constant 64 : index
      %get3A_398 = tpu.vector_load %arg13[%get3A_397] {strides = array<i32>} : memref<128xi32, #tpu.memory_space<vmem>>, vector<16xi32>,
      %shift_right_logical3A_399 = arith.constant 2 : i32
      %shift_right_logical3A_400 = vector.broadcast %shift_right_logical3A_399 : i32 to vector<16xi32>
      %shift_right_logical3A_401 = arith.shrui %get3A_398, %shift_right_logical3A_400 : vector<16xi32>
      %swap3A_402 = arith.constant 64 : index
      %swap3A_403 = tpu.vector_load %arg15[%swap3A_402] {strides = array<i32>} : memref<128xi32, #tpu.memory_space<vmem>>, vector<16xi32>,
      tpu.vector_store %arg15[%swap3A_402], %shift_right_logical3A_401 {strides = array<i32>} : memref<128xi32, #tpu.memory_space<vmem>>, vector<16xi32>,
      %and3A_404 = arith.constant 3 : i32
      %and3A_405 = vector.broadcast %and3A_404 : i32 to vector<16xi32>
      %and3A_406 = arith.andi %get3A_398, %and3A_405 : vector<16xi32>
      %shift_left3A_407 = arith.constant 5 : i32
      %shift_left3A_408 = vector.broadcast %shift_left3A_407 : i32 to vector<16xi32>
      %shift_left3A_409 = arith.shli %and3A_406, %shift_left3A_408 : vector<16xi32>
      %swap3A_410 = arith.constant 64 : index
      %swap3A_411 = tpu.vector_load %arg17[%swap3A_410] {strides = array<i32>} : memref<128xi32, #tpu.memory_space<vmem>>, vector<16xi32>,
      tpu.vector_store %arg17[%swap3A_410], %shift_left3A_409 {strides = array<i32>} : memref<128xi32, #tpu.memory_space<vmem>>, vector<16xi32>,
      %get3A_412 = arith.constant 80 : index
      %get3A_413 = tpu.vector_load %arg13[%get3A_412] {strides = array<i32>} : memref<128xi32, #tpu.memory_space<vmem>>, vector<16xi32>,
      %shift_right_logical3A_414 = arith.constant 2 : i32
      %shift_right_logical3A_415 = vector.broadcast %shift_right_logical3A_414 : i32 to vector<16xi32>
      %shift_right_logical3A_416 = arith.shrui %get3A_413, %shift_right_logical3A_415 : vector<16xi32>
      %swap3A_417 = arith.constant 80 : index
      %swap3A_418 = tpu.vector_load %arg15[%swap3A_417] {strides = array<i32>} : memref<128xi32, #tpu.memory_space<vmem>>, vector<16xi32>,
      tpu.vector_store %arg15[%swap3A_417], %shift_right_logical3A_416 {strides = array<i32>} : memref<128xi32, #tpu.memory_space<vmem>>, vector<16xi32>,
      %and3A_419 = arith.constant 3 : i32
      %and3A_420 = vector.broadcast %and3A_419 : i32 to vector<16xi32>
      %and3A_421 = arith.andi %get3A_413, %and3A_420 : vector<16xi32>
      %shift_left3A_422 = arith.constant 5 : i32
      %shift_left3A_423 = vector.broadcast %shift_left3A_422 : i32 to vector<16xi32>
      %shift_left3A_424 = arith.shli %and3A_421, %shift_left3A_423 : vector<16xi32>
      %swap3A_425 = arith.constant 80 : index
      %swap3A_426 = tpu.vector_load %arg17[%swap3A_425] {strides = array<i32>} : memref<128xi32, #tpu.memory_space<vmem>>, vector<16xi32>,
      tpu.vector_store %arg17[%swap3A_425], %shift_left3A_424 {strides = array<i32>} : memref<128xi32, #tpu.memory_space<vmem>>, vector<16xi32>,
      %get3A_427 = arith.constant 96 : index
      %get3A_428 = tpu.vector_load %arg13[%get3A_427] {strides = array<i32>} : memref<128xi32, #tpu.memory_space<vmem>>, vector<16xi32>,
      %shift_right_logical3A_429 = arith.constant 2 : i32
      %shift_right_logical3A_430 = vector.broadcast %shift_right_logical3A_429 : i32 to vector<16xi32>
      %shift_right_logical3A_431 = arith.shrui %get3A_428, %shift_right_logical3A_430 : vector<16xi32>
      %swap3A_432 = arith.constant 96 : index
      %swap3A_433 = tpu.vector_load %arg15[%swap3A_432] {strides = array<i32>} : memref<128xi32, #tpu.memory_space<vmem>>, vector<16xi32>,
      tpu.vector_store %arg15[%swap3A_432], %shift_right_logical3A_431 {strides = array<i32>} : memref<128xi32, #tpu.memory_space<vmem>>, vector<16xi32>,
      %and3A_434 = arith.constant 3 : i32
      %and3A_435 = vector.broadcast %and3A_434 : i32 to vector<16xi32>
      %and3A_436 = arith.andi %get3A_428, %and3A_435 : vector<16xi32>
      %shift_left3A_437 = arith.constant 5 : i32
      %shift_left3A_438 = vector.broadcast %shift_left3A_437 : i32 to vector<16xi32>
      %shift_left3A_439 = arith.shli %and3A_436, %shift_left3A_438 : vector<16xi32>
      %swap3A_440 = arith.constant 96 : index
      %swap3A_441 = tpu.vector_load %arg17[%swap3A_440] {strides = array<i32>} : memref<128xi32, #tpu.memory_space<vmem>>, vector<16xi32>,
      tpu.vector_store %arg17[%swap3A_440], %shift_left3A_439 {strides = array<i32>} : memref<128xi32, #tpu.memory_space<vmem>>, vector<16xi32>,
      %get3A_442 = arith.constant 112 : index
      %get3A_443 = tpu.vector_load %arg13[%get3A_442] {strides = array<i32>} : memref<128xi32, #tpu.memory_space<vmem>>, vector<16xi32>,
      %shift_right_logical3A_444 = arith.constant 2 : i32
      %shift_right_logical3A_445 = vector.broadcast %shift_right_logical3A_444 : i32 to vector<16xi32>
      %shift_right_logical3A_446 = arith.shrui %get3A_443, %shift_right_logical3A_445 : vector<16xi32>
      %swap3A_447 = arith.constant 112 : index
      %swap3A_448 = tpu.vector_load %arg15[%swap3A_447] {strides = array<i32>} : memref<128xi32, #tpu.memory_space<vmem>>, vector<16xi32>,
      tpu.vector_store %arg15[%swap3A_447], %shift_right_logical3A_446 {strides = array<i32>} : memref<128xi32, #tpu.memory_space<vmem>>, vector<16xi32>,
      %and3A_449 = arith.constant 3 : i32
      %and3A_450 = vector.broadcast %and3A_449 : i32 to vector<16xi32>
      %and3A_451 = arith.andi %get3A_443, %and3A_450 : vector<16xi32>
      %shift_left3A_452 = arith.constant 5 : i32
      %shift_left3A_453 = vector.broadcast %shift_left3A_452 : i32 to vector<16xi32>
      %shift_left3A_454 = arith.shli %and3A_451, %shift_left3A_453 : vector<16xi32>
      %swap3A_455 = arith.constant 112 : index
      %swap3A_456 = tpu.vector_load %arg17[%swap3A_455] {strides = array<i32>} : memref<128xi32, #tpu.memory_space<vmem>>, vector<16xi32>,
      tpu.vector_store %arg17[%swap3A_455], %shift_left3A_454 {strides = array<i32>} : memref<128xi32, #tpu.memory_space<vmem>>, vector<16xi32>,
      %dma_start3A_457 = arith.constant 0 : i32
      %dma_start3A_458 = arith.constant 0 : i32
      %dma_start3A_459 = tpu.memref_slice %arg6[%dma_start3A_457, %dma_start3A_458] : memref<250000x128xf32, #tpu.memory_space<hbm>> -> memref<250000x128xf32, #tpu.memory_space<hbm>>
      tpu.enqueue_indirect_dma source(%dma_start3A_459 : memref<250000x128xf32, #tpu.memory_space<hbm>>) target(%arg19 : memref<128x128xf32, #tpu.memory_space<vmem>>) offsets(%arg15 : memref<128xi32, #tpu.memory_space<vmem>>) semaphore(%arg31 : memref<!tpu.dma_semaphore, #tpu.memory_space<semaphore_mem>>)
      %add3A_460 = arith.constant 2 : i32
      %add3A_461 = arith.addi %cond3A_211, %add3A_460 : i32
      %lt3A_462 = arith.constant 200 : i32
      %lt3A_463 = arith.cmpi slt, %add3A_461, %lt3A_462 : i32
      %convert_element_type3A_464 = arith.extui %lt3A_463 : i1 to i32
      %cond3A_465 = arith.constant 0 : i32
      %cond3A_466 = arith.cmpi ne, %convert_element_type3A_464, %cond3A_465 : i32
      scf.if %cond3A_466 {
        %add3A_467 = arith.constant 2 : i32
        %add3A_468 = arith.addi %cond3A_211, %add3A_467 : i32
        %mul3A_469 = arith.constant 32 : i32
        %mul3A_470 = arith.muli %add3A_468, %mul3A_469 : i32
        %add3A_471 = arith.addi %add3A, %mul3A_470 : i32
        %shift_right_logical3A_472 = arith.constant 7 : i32
        %shift_right_logical3A_473 = arith.shrui %add3A_471, %shift_right_logical3A_472 : i32
        %and3A_474 = arith.constant 127 : i32
        %and3A_475 = arith.andi %add3A_471, %and3A_474 : i32
        %mul3A_476 = arith.constant 16384 : i32
        %mul3A_477 = arith.muli %shift_right_logical3A_473, %mul3A_476 : i32
        %mul3A_478 = arith.constant 128 : i32
        %mul3A_479 = arith.muli %and3A_475, %mul3A_478 : i32
        %add3A_480 = arith.addi %mul3A_477, %mul3A_479 : i32
        %dma_start3A_481 = tpu.memref_slice %arg4[%add3A_480] : memref<819200xi32, #tpu.memory_space<hbm>> -> memref<128xi32, #tpu.memory_space<hbm>>
        %dma_start3A_482 = tpu.memref_slice %arg4[%add3A_480] : memref<819200xi32, #tpu.memory_space<hbm>> -> memref<128xi32, #tpu.memory_space<hbm>>
        tpu.enqueue_dma source(%dma_start3A_482 : memref<128xi32, #tpu.memory_space<hbm>>) target(%arg12 : memref<128xi32, #tpu.memory_space<vmem>>) target_semaphore(%arg28 : memref<!tpu.dma_semaphore, #tpu.memory_space<semaphore_mem>>)
      } else {
      }
    } else {
    }
    %dma_wait3A_214 = arith.constant 0 : i32
    %dma_wait3A_215 = arith.constant 0 : i32
    %dma_wait3A_216 = tpu.memref_slice %arg6[%dma_wait3A_214, %dma_wait3A_215] : memref<250000x128xf32, #tpu.memory_space<hbm>> -> memref<128x128xf32, #tpu.memory_space<hbm>>
    %dma_wait3A_217 = arith.constant 0 : i32
    %dma_wait3A_218 = arith.constant 0 : i32
    %dma_wait3A_219 = tpu.memref_slice %arg6[%dma_wait3A_217, %dma_wait3A_218] : memref<250000x128xf32, #tpu.memory_space<hbm>> -> memref<128x128xf32, #tpu.memory_space<hbm>>
    tpu.wait_dma2 semaphore(%arg30 : memref<!tpu.dma_semaphore, #tpu.memory_space<semaphore_mem>>) src(%dma_wait3A_219 : memref<128x128xf32, #tpu.memory_space<hbm>>) dst(%arg18 : memref<128x128xf32, #tpu.memory_space<vmem>>)
    %get3A_220 = arith.constant 0 : index
    %get3A_221 = tpu.vector_load %arg16[%get3A_220] {strides = array<i32>} : memref<128xi32, #tpu.memory_space<vmem>>, vector<16xi32>,
    %get3A_222 = arith.constant 16 : index
    %get3A_223 = tpu.vector_load %arg16[%get3A_222] {strides = array<i32>} : memref<128xi32, #tpu.memory_space<vmem>>, vector<16xi32>,
    %get3A_224 = arith.constant 32 : index
    %get3A_225 = tpu.vector_load %arg16[%get3A_224] {strides = array<i32>} : memref<128xi32, #tpu.memory_space<vmem>>, vector<16xi32>,
    %get3A_226 = arith.constant 48 : index
    %get3A_227 = tpu.vector_load %arg16[%get3A_226] {strides = array<i32>} : memref<128xi32, #tpu.memory_space<vmem>>, vector<16xi32>,
    %get3A_228 = arith.constant 64 : index
    %get3A_229 = tpu.vector_load %arg16[%get3A_228] {strides = array<i32>} : memref<128xi32, #tpu.memory_space<vmem>>, vector<16xi32>,
    %get3A_230 = arith.constant 80 : index
    %get3A_231 = tpu.vector_load %arg16[%get3A_230] {strides = array<i32>} : memref<128xi32, #tpu.memory_space<vmem>>, vector<16xi32>,
    %get3A_232 = arith.constant 96 : index
    %get3A_233 = tpu.vector_load %arg16[%get3A_232] {strides = array<i32>} : memref<128xi32, #tpu.memory_space<vmem>>, vector<16xi32>,
    %get3A_234 = arith.constant 112 : index
    %get3A_235 = tpu.vector_load %arg16[%get3A_234] {strides = array<i32>} : memref<128xi32, #tpu.memory_space<vmem>>, vector<16xi32>,
    %scan3A_236 = arith.constant 0 : i32
    %scan3A_237 = arith.constant 16 : i32
    %scan3A_238 = arith.addi %scan3A_236, %scan3A_237 : i32
    %scan3A_239 = arith.constant 1 : i32
    scf.for %scan3A_333 = %scan3A_236 to %scan3A_238 step %scan3A_239  : i32 {
      %mul3A_334 = arith.constant 2 : i32
      %mul3A_335 = arith.muli %mul3A_334, %scan3A_333 : i32
      %add3A_336 = arith.constant 0 : i32
      %add3A_337 = arith.addi %mul3A_335, %add3A_336 : i32
      %add3A_338 = vector.broadcast %add3A_337 : i32 to vector<16xi32>
      %add3A_339 = arith.addi %add3A_338, %iota3A : vector<16xi32>
      %and3A_340 = arith.constant 31 : i32
      %and3A_341 = vector.broadcast %and3A_340 : i32 to vector<16xi32>
      %and3A_342 = arith.andi %add3A_339, %and3A_341 : vector<16xi32>
      %add3A_343 = arith.constant 0 : i32
      %add3A_344 = vector.broadcast %add3A_343 : i32 to vector<16xi32>
      %add3A_345 = arith.addi %iota3A, %add3A_344 : vector<16xi32>
      %add3A_346 = arith.addi %get3A_221, %and3A_342 : vector<16xi32>
      %gather3A = tpu.vector_load_idx %arg18[%add3A_345, %add3A_346] : memref<128x128xf32, #tpu.memory_space<vmem>>[vector<16xi32>, vector<16xi32>], vector<16xf32>,
      tpu.vector_store_idx %arg20[%and3A_342, %add3A_345], %gather3A : memref<32x128xf32, #tpu.memory_space<vmem>>[vector<16xi32>, vector<16xi32>], vector<16xf32>,
      %add3A_347 = arith.constant 16 : i32
      %add3A_348 = vector.broadcast %add3A_347 : i32 to vector<16xi32>
      %add3A_349 = arith.addi %iota3A, %add3A_348 : vector<16xi32>
      %add3A_350 = arith.addi %get3A_223, %and3A_342 : vector<16xi32>
      %gather3A_351 = tpu.vector_load_idx %arg18[%add3A_349, %add3A_350] : memref<128x128xf32, #tpu.memory_space<vmem>>[vector<16xi32>, vector<16xi32>], vector<16xf32>,
      tpu.vector_store_idx %arg20[%and3A_342, %add3A_349], %gather3A_351 : memref<32x128xf32, #tpu.memory_space<vmem>>[vector<16xi32>, vector<16xi32>], vector<16xf32>,
      %add3A_352 = arith.constant 32 : i32
      %add3A_353 = vector.broadcast %add3A_352 : i32 to vector<16xi32>
      %add3A_354 = arith.addi %iota3A, %add3A_353 : vector<16xi32>
      %add3A_355 = arith.addi %get3A_225, %and3A_342 : vector<16xi32>
      %gather3A_356 = tpu.vector_load_idx %arg18[%add3A_354, %add3A_355] : memref<128x128xf32, #tpu.memory_space<vmem>>[vector<16xi32>, vector<16xi32>], vector<16xf32>,
      tpu.vector_store_idx %arg20[%and3A_342, %add3A_354], %gather3A_356 : memref<32x128xf32, #tpu.memory_space<vmem>>[vector<16xi32>, vector<16xi32>], vector<16xf32>,
      %add3A_357 = arith.constant 48 : i32
      %add3A_358 = vector.broadcast %add3A_357 : i32 to vector<16xi32>
      %add3A_359 = arith.addi %iota3A, %add3A_358 : vector<16xi32>
      %add3A_360 = arith.addi %get3A_227, %and3A_342 : vector<16xi32>
      %gather3A_361 = tpu.vector_load_idx %arg18[%add3A_359, %add3A_360] : memref<128x128xf32, #tpu.memory_space<vmem>>[vector<16xi32>, vector<16xi32>], vector<16xf32>,
      tpu.vector_store_idx %arg20[%and3A_342, %add3A_359], %gather3A_361 : memref<32x128xf32, #tpu.memory_space<vmem>>[vector<16xi32>, vector<16xi32>], vector<16xf32>,
      %add3A_362 = arith.constant 64 : i32
      %add3A_363 = vector.broadcast %add3A_362 : i32 to vector<16xi32>
      %add3A_364 = arith.addi %iota3A, %add3A_363 : vector<16xi32>
      %add3A_365 = arith.addi %get3A_229, %and3A_342 : vector<16xi32>
      %gather3A_366 = tpu.vector_load_idx %arg18[%add3A_364, %add3A_365] : memref<128x128xf32, #tpu.memory_space<vmem>>[vector<16xi32>, vector<16xi32>], vector<16xf32>,
      tpu.vector_store_idx %arg20[%and3A_342, %add3A_364], %gather3A_366 : memref<32x128xf32, #tpu.memory_space<vmem>>[vector<16xi32>, vector<16xi32>], vector<16xf32>,
      %add3A_367 = arith.constant 80 : i32
      %add3A_368 = vector.broadcast %add3A_367 : i32 to vector<16xi32>
      %add3A_369 = arith.addi %iota3A, %add3A_368 : vector<16xi32>
      %add3A_370 = arith.addi %get3A_231, %and3A_342 : vector<16xi32>
      %gather3A_371 = tpu.vector_load_idx %arg18[%add3A_369, %add3A_370] : memref<128x128xf32, #tpu.memory_space<vmem>>[vector<16xi32>, vector<16xi32>], vector<16xf32>,
      tpu.vector_store_idx %arg20[%and3A_342, %add3A_369], %gather3A_371 : memref<32x128xf32, #tpu.memory_space<vmem>>[vector<16xi32>, vector<16xi32>], vector<16xf32>,
      %add3A_372 = arith.constant 96 : i32
      %add3A_373 = vector.broadcast %add3A_372 : i32 to vector<16xi32>
      %add3A_374 = arith.addi %iota3A, %add3A_373 : vector<16xi32>
      %add3A_375 = arith.addi %get3A_233, %and3A_342 : vector<16xi32>
      %gather3A_376 = tpu.vector_load_idx %arg18[%add3A_374, %add3A_375] : memref<128x128xf32, #tpu.memory_space<vmem>>[vector<16xi32>, vector<16xi32>], vector<16xf32>,
      tpu.vector_store_idx %arg20[%and3A_342, %add3A_374], %gather3A_376 : memref<32x128xf32, #tpu.memory_space<vmem>>[vector<16xi32>, vector<16xi32>], vector<16xf32>,
      %add3A_377 = arith.constant 112 : i32
      %add3A_378 = vector.broadcast %add3A_377 : i32 to vector<16xi32>
      %add3A_379 = arith.addi %iota3A, %add3A_378 : vector<16xi32>
      %add3A_380 = arith.addi %get3A_235, %and3A_342 : vector<16xi32>
      %gather3A_381 = tpu.vector_load_idx %arg18[%add3A_379, %add3A_380] : memref<128x128xf32, #tpu.memory_space<vmem>>[vector<16xi32>, vector<16xi32>], vector<16xf32>,
      tpu.vector_store_idx %arg20[%and3A_342, %add3A_379], %gather3A_381 : memref<32x128xf32, #tpu.memory_space<vmem>>[vector<16xi32>, vector<16xi32>], vector<16xf32>,
      %mul3A_382 = arith.constant 2 : i32
      %mul3A_383 = arith.muli %mul3A_382, %scan3A_333 : i32
      %add3A_384 = arith.constant 1 : i32
      %add3A_385 = arith.addi %mul3A_383, %add3A_384 : i32
      %add3A_386 = vector.broadcast %add3A_385 : i32 to vector<16xi32>
      %add3A_387 = arith.addi %add3A_386, %iota3A : vector<16xi32>
      %and3A_388 = arith.constant 31 : i32
      %and3A_389 = vector.broadcast %and3A_388 : i32 to vector<16xi32>
      %and3A_390 = arith.andi %add3A_387, %and3A_389 : vector<16xi32>
      %add3A_391 = arith.constant 0 : i32
      %add3A_392 = vector.broadcast %add3A_391 : i32 to vector<16xi32>
      %add3A_393 = arith.addi %iota3A, %add3A_392 : vector<16xi32>
      %add3A_394 = arith.addi %get3A_221, %and3A_390 : vector<16xi32>
      %gather3A_395 = tpu.vector_load_idx %arg18[%add3A_393, %add3A_394] : memref<128x128xf32, #tpu.memory_space<vmem>>[vector<16xi32>, vector<16xi32>], vector<16xf32>,
      tpu.vector_store_idx %arg20[%and3A_390, %add3A_393], %gather3A_395 : memref<32x128xf32, #tpu.memory_space<vmem>>[vector<16xi32>, vector<16xi32>], vector<16xf32>,
      %add3A_396 = arith.constant 16 : i32
      %add3A_397 = vector.broadcast %add3A_396 : i32 to vector<16xi32>
      %add3A_398 = arith.addi %iota3A, %add3A_397 : vector<16xi32>
      %add3A_399 = arith.addi %get3A_223, %and3A_390 : vector<16xi32>
      %gather3A_400 = tpu.vector_load_idx %arg18[%add3A_398, %add3A_399] : memref<128x128xf32, #tpu.memory_space<vmem>>[vector<16xi32>, vector<16xi32>], vector<16xf32>,
      tpu.vector_store_idx %arg20[%and3A_390, %add3A_398], %gather3A_400 : memref<32x128xf32, #tpu.memory_space<vmem>>[vector<16xi32>, vector<16xi32>], vector<16xf32>,
      %add3A_401 = arith.constant 32 : i32
      %add3A_402 = vector.broadcast %add3A_401 : i32 to vector<16xi32>
      %add3A_403 = arith.addi %iota3A, %add3A_402 : vector<16xi32>
      %add3A_404 = arith.addi %get3A_225, %and3A_390 : vector<16xi32>
      %gather3A_405 = tpu.vector_load_idx %arg18[%add3A_403, %add3A_404] : memref<128x128xf32, #tpu.memory_space<vmem>>[vector<16xi32>, vector<16xi32>], vector<16xf32>,
      tpu.vector_store_idx %arg20[%and3A_390, %add3A_403], %gather3A_405 : memref<32x128xf32, #tpu.memory_space<vmem>>[vector<16xi32>, vector<16xi32>], vector<16xf32>,
      %add3A_406 = arith.constant 48 : i32
      %add3A_407 = vector.broadcast %add3A_406 : i32 to vector<16xi32>
      %add3A_408 = arith.addi %iota3A, %add3A_407 : vector<16xi32>
      %add3A_409 = arith.addi %get3A_227, %and3A_390 : vector<16xi32>
      %gather3A_410 = tpu.vector_load_idx %arg18[%add3A_408, %add3A_409] : memref<128x128xf32, #tpu.memory_space<vmem>>[vector<16xi32>, vector<16xi32>], vector<16xf32>,
      tpu.vector_store_idx %arg20[%and3A_390, %add3A_408], %gather3A_410 : memref<32x128xf32, #tpu.memory_space<vmem>>[vector<16xi32>, vector<16xi32>], vector<16xf32>,
      %add3A_411 = arith.constant 64 : i32
      %add3A_412 = vector.broadcast %add3A_411 : i32 to vector<16xi32>
      %add3A_413 = arith.addi %iota3A, %add3A_412 : vector<16xi32>
      %add3A_414 = arith.addi %get3A_229, %and3A_390 : vector<16xi32>
      %gather3A_415 = tpu.vector_load_idx %arg18[%add3A_413, %add3A_414] : memref<128x128xf32, #tpu.memory_space<vmem>>[vector<16xi32>, vector<16xi32>], vector<16xf32>,
      tpu.vector_store_idx %arg20[%and3A_390, %add3A_413], %gather3A_415 : memref<32x128xf32, #tpu.memory_space<vmem>>[vector<16xi32>, vector<16xi32>], vector<16xf32>,
      %add3A_416 = arith.constant 80 : i32
      %add3A_417 = vector.broadcast %add3A_416 : i32 to vector<16xi32>
      %add3A_418 = arith.addi %iota3A, %add3A_417 : vector<16xi32>
      %add3A_419 = arith.addi %get3A_231, %and3A_390 : vector<16xi32>
      %gather3A_420 = tpu.vector_load_idx %arg18[%add3A_418, %add3A_419] : memref<128x128xf32, #tpu.memory_space<vmem>>[vector<16xi32>, vector<16xi32>], vector<16xf32>,
      tpu.vector_store_idx %arg20[%and3A_390, %add3A_418], %gather3A_420 : memref<32x128xf32, #tpu.memory_space<vmem>>[vector<16xi32>, vector<16xi32>], vector<16xf32>,
      %add3A_421 = arith.constant 96 : i32
      %add3A_422 = vector.broadcast %add3A_421 : i32 to vector<16xi32>
      %add3A_423 = arith.addi %iota3A, %add3A_422 : vector<16xi32>
      %add3A_424 = arith.addi %get3A_233, %and3A_390 : vector<16xi32>
      %gather3A_425 = tpu.vector_load_idx %arg18[%add3A_423, %add3A_424] : memref<128x128xf32, #tpu.memory_space<vmem>>[vector<16xi32>, vector<16xi32>], vector<16xf32>,
      tpu.vector_store_idx %arg20[%and3A_390, %add3A_423], %gather3A_425 : memref<32x128xf32, #tpu.memory_space<vmem>>[vector<16xi32>, vector<16xi32>], vector<16xf32>,
      %add3A_426 = arith.constant 112 : i32
      %add3A_427 = vector.broadcast %add3A_426 : i32 to vector<16xi32>
      %add3A_428 = arith.addi %iota3A, %add3A_427 : vector<16xi32>
      %add3A_429 = arith.addi %get3A_235, %and3A_390 : vector<16xi32>
      %gather3A_430 = tpu.vector_load_idx %arg18[%add3A_428, %add3A_429] : memref<128x128xf32, #tpu.memory_space<vmem>>[vector<16xi32>, vector<16xi32>], vector<16xf32>,
      tpu.vector_store_idx %arg20[%and3A_390, %add3A_428], %gather3A_430 : memref<32x128xf32, #tpu.memory_space<vmem>>[vector<16xi32>, vector<16xi32>], vector<16xf32>,
    }
    %scan3A_240 = arith.constant 16 : i32
    %mul3A_241 = arith.constant 0 : i32
    %mul3A_242 = arith.constant 32 : i32
    %mul3A_243 = arith.muli %mul3A_241, %mul3A_242 : i32
    %add3A_244 = arith.addi %add3A, %mul3A_243 : i32
    %shift_right_logical3A_245 = arith.constant 7 : i32
    %shift_right_logical3A_246 = arith.shrui %add3A_244, %shift_right_logical3A_245 : i32
    %and3A_247 = arith.constant 127 : i32
    %and3A_248 = arith.andi %add3A_244, %and3A_247 : i32
    %mul3A_249 = arith.constant 128 : i32
    %mul3A_250 = arith.muli %and3A_248, %mul3A_249 : i32
    %dma_start3A_251 = arith.constant 0 : i32
    %dma_start3A_252 = tpu.memref_slice %arg5[%shift_right_logical3A_246, %dma_start3A_251, %mul3A_250] : memref<50x32x16384xf32, #tpu.memory_space<hbm>> -> memref<1x32x128xf32, #tpu.memory_space<hbm>>
    %dma_start3A_253 = tpu.memref_squeeze %dma_start3A_252 : memref<1x32x128xf32, #tpu.memory_space<hbm>> -> memref<32x128xf32, #tpu.memory_space<hbm>>
    %dma_start3A_254 = arith.constant 0 : i32
    %dma_start3A_255 = tpu.memref_slice %arg5[%shift_right_logical3A_246, %dma_start3A_254, %mul3A_250] : memref<50x32x16384xf32, #tpu.memory_space<hbm>> -> memref<1x32x128xf32, #tpu.memory_space<hbm>>
    %dma_start3A_256 = tpu.memref_squeeze %dma_start3A_255 : memref<1x32x128xf32, #tpu.memory_space<hbm>> -> memref<32x128xf32, #tpu.memory_space<hbm>>
    tpu.enqueue_dma source(%arg20 : memref<32x128xf32, #tpu.memory_space<vmem>>) target(%dma_start3A_256 : memref<32x128xf32, #tpu.memory_space<hbm>>) target_semaphore(%arg32 : memref<!tpu.dma_semaphore, #tpu.memory_space<semaphore_mem>>)
    %add3A_257 = arith.constant 1 : i32
    %add3A_258 = arith.constant 1 : i32
    %add3A_259 = arith.addi %add3A_257, %add3A_258 : i32
    %lt3A_260 = arith.constant 200 : i32
    %lt3A_261 = arith.cmpi slt, %add3A_259, %lt3A_260 : i32
    %convert_element_type3A_262 = arith.extui %lt3A_261 : i1 to i32
    %cond3A_263 = arith.constant 1 : i32
    %cond3A_264 = arith.constant 0 : i32
    %cond3A_265 = arith.cmpi ne, %convert_element_type3A_262, %cond3A_264 : i32
    scf.if %cond3A_265 {
      %dma_wait3A_333 = arith.constant 0 : i32
      %dma_wait3A_334 = tpu.memref_slice %arg4[%dma_wait3A_333] : memref<819200xi32, #tpu.memory_space<hbm>> -> memref<128xi32, #tpu.memory_space<hbm>>
      %dma_wait3A_335 = arith.constant 0 : i32
      %dma_wait3A_336 = tpu.memref_slice %arg4[%dma_wait3A_335] : memref<819200xi32, #tpu.memory_space<hbm>> -> memref<128xi32, #tpu.memory_space<hbm>>
      tpu.wait_dma2 semaphore(%arg28 : memref<!tpu.dma_semaphore, #tpu.memory_space<semaphore_mem>>) src(%dma_wait3A_336 : memref<128xi32, #tpu.memory_space<hbm>>) dst(%arg12 : memref<128xi32, #tpu.memory_space<vmem>>)
      %get3A_337 = arith.constant 0 : index
      %get3A_338 = tpu.vector_load %arg12[%get3A_337] {strides = array<i32>} : memref<128xi32, #tpu.memory_space<vmem>>, vector<16xi32>,
      %shift_right_logical3A_339 = arith.constant 2 : i32
      %shift_right_logical3A_340 = vector.broadcast %shift_right_logical3A_339 : i32 to vector<16xi32>
      %shift_right_logical3A_341 = arith.shrui %get3A_338, %shift_right_logical3A_340 : vector<16xi32>
      %swap3A_342 = arith.constant 0 : index
      %swap3A_343 = tpu.vector_load %arg14[%swap3A_342] {strides = array<i32>} : memref<128xi32, #tpu.memory_space<vmem>>, vector<16xi32>,
      tpu.vector_store %arg14[%swap3A_342], %shift_right_logical3A_341 {strides = array<i32>} : memref<128xi32, #tpu.memory_space<vmem>>, vector<16xi32>,
      %and3A_344 = arith.constant 3 : i32
      %and3A_345 = vector.broadcast %and3A_344 : i32 to vector<16xi32>
      %and3A_346 = arith.andi %get3A_338, %and3A_345 : vector<16xi32>
      %shift_left3A_347 = arith.constant 5 : i32
      %shift_left3A_348 = vector.broadcast %shift_left3A_347 : i32 to vector<16xi32>
      %shift_left3A_349 = arith.shli %and3A_346, %shift_left3A_348 : vector<16xi32>
      %swap3A_350 = arith.constant 0 : index
      %swap3A_351 = tpu.vector_load %arg16[%swap3A_350] {strides = array<i32>} : memref<128xi32, #tpu.memory_space<vmem>>, vector<16xi32>,
      tpu.vector_store %arg16[%swap3A_350], %shift_left3A_349 {strides = array<i32>} : memref<128xi32, #tpu.memory_space<vmem>>, vector<16xi32>,
      %get3A_352 = arith.constant 16 : index
      %get3A_353 = tpu.vector_load %arg12[%get3A_352] {strides = array<i32>} : memref<128xi32, #tpu.memory_space<vmem>>, vector<16xi32>,
      %shift_right_logical3A_354 = arith.constant 2 : i32
      %shift_right_logical3A_355 = vector.broadcast %shift_right_logical3A_354 : i32 to vector<16xi32>
      %shift_right_logical3A_356 = arith.shrui %get3A_353, %shift_right_logical3A_355 : vector<16xi32>
      %swap3A_357 = arith.constant 16 : index
      %swap3A_358 = tpu.vector_load %arg14[%swap3A_357] {strides = array<i32>} : memref<128xi32, #tpu.memory_space<vmem>>, vector<16xi32>,
      tpu.vector_store %arg14[%swap3A_357], %shift_right_logical3A_356 {strides = array<i32>} : memref<128xi32, #tpu.memory_space<vmem>>, vector<16xi32>,
      %and3A_359 = arith.constant 3 : i32
      %and3A_360 = vector.broadcast %and3A_359 : i32 to vector<16xi32>
      %and3A_361 = arith.andi %get3A_353, %and3A_360 : vector<16xi32>
      %shift_left3A_362 = arith.constant 5 : i32
      %shift_left3A_363 = vector.broadcast %shift_left3A_362 : i32 to vector<16xi32>
      %shift_left3A_364 = arith.shli %and3A_361, %shift_left3A_363 : vector<16xi32>
      %swap3A_365 = arith.constant 16 : index
      %swap3A_366 = tpu.vector_load %arg16[%swap3A_365] {strides = array<i32>} : memref<128xi32, #tpu.memory_space<vmem>>, vector<16xi32>,
      tpu.vector_store %arg16[%swap3A_365], %shift_left3A_364 {strides = array<i32>} : memref<128xi32, #tpu.memory_space<vmem>>, vector<16xi32>,
      %get3A_367 = arith.constant 32 : index
      %get3A_368 = tpu.vector_load %arg12[%get3A_367] {strides = array<i32>} : memref<128xi32, #tpu.memory_space<vmem>>, vector<16xi32>,
      %shift_right_logical3A_369 = arith.constant 2 : i32
      %shift_right_logical3A_370 = vector.broadcast %shift_right_logical3A_369 : i32 to vector<16xi32>
      %shift_right_logical3A_371 = arith.shrui %get3A_368, %shift_right_logical3A_370 : vector<16xi32>
      %swap3A_372 = arith.constant 32 : index
      %swap3A_373 = tpu.vector_load %arg14[%swap3A_372] {strides = array<i32>} : memref<128xi32, #tpu.memory_space<vmem>>, vector<16xi32>,
      tpu.vector_store %arg14[%swap3A_372], %shift_right_logical3A_371 {strides = array<i32>} : memref<128xi32, #tpu.memory_space<vmem>>, vector<16xi32>,
      %and3A_374 = arith.constant 3 : i32
      %and3A_375 = vector.broadcast %and3A_374 : i32 to vector<16xi32>
      %and3A_376 = arith.andi %get3A_368, %and3A_375 : vector<16xi32>
      %shift_left3A_377 = arith.constant 5 : i32
      %shift_left3A_378 = vector.broadcast %shift_left3A_377 : i32 to vector<16xi32>
      %shift_left3A_379 = arith.shli %and3A_376, %shift_left3A_378 : vector<16xi32>
      %swap3A_380 = arith.constant 32 : index
      %swap3A_381 = tpu.vector_load %arg16[%swap3A_380] {strides = array<i32>} : memref<128xi32, #tpu.memory_space<vmem>>, vector<16xi32>,
      tpu.vector_store %arg16[%swap3A_380], %shift_left3A_379 {strides = array<i32>} : memref<128xi32, #tpu.memory_space<vmem>>, vector<16xi32>,
      %get3A_382 = arith.constant 48 : index
      %get3A_383 = tpu.vector_load %arg12[%get3A_382] {strides = array<i32>} : memref<128xi32, #tpu.memory_space<vmem>>, vector<16xi32>,
      %shift_right_logical3A_384 = arith.constant 2 : i32
      %shift_right_logical3A_385 = vector.broadcast %shift_right_logical3A_384 : i32 to vector<16xi32>
      %shift_right_logical3A_386 = arith.shrui %get3A_383, %shift_right_logical3A_385 : vector<16xi32>
      %swap3A_387 = arith.constant 48 : index
      %swap3A_388 = tpu.vector_load %arg14[%swap3A_387] {strides = array<i32>} : memref<128xi32, #tpu.memory_space<vmem>>, vector<16xi32>,
      tpu.vector_store %arg14[%swap3A_387], %shift_right_logical3A_386 {strides = array<i32>} : memref<128xi32, #tpu.memory_space<vmem>>, vector<16xi32>,
      %and3A_389 = arith.constant 3 : i32
      %and3A_390 = vector.broadcast %and3A_389 : i32 to vector<16xi32>
      %and3A_391 = arith.andi %get3A_383, %and3A_390 : vector<16xi32>
      %shift_left3A_392 = arith.constant 5 : i32
      %shift_left3A_393 = vector.broadcast %shift_left3A_392 : i32 to vector<16xi32>
      %shift_left3A_394 = arith.shli %and3A_391, %shift_left3A_393 : vector<16xi32>
      %swap3A_395 = arith.constant 48 : index
      %swap3A_396 = tpu.vector_load %arg16[%swap3A_395] {strides = array<i32>} : memref<128xi32, #tpu.memory_space<vmem>>, vector<16xi32>,
      tpu.vector_store %arg16[%swap3A_395], %shift_left3A_394 {strides = array<i32>} : memref<128xi32, #tpu.memory_space<vmem>>, vector<16xi32>,
      %get3A_397 = arith.constant 64 : index
      %get3A_398 = tpu.vector_load %arg12[%get3A_397] {strides = array<i32>} : memref<128xi32, #tpu.memory_space<vmem>>, vector<16xi32>,
      %shift_right_logical3A_399 = arith.constant 2 : i32
      %shift_right_logical3A_400 = vector.broadcast %shift_right_logical3A_399 : i32 to vector<16xi32>
      %shift_right_logical3A_401 = arith.shrui %get3A_398, %shift_right_logical3A_400 : vector<16xi32>
      %swap3A_402 = arith.constant 64 : index
      %swap3A_403 = tpu.vector_load %arg14[%swap3A_402] {strides = array<i32>} : memref<128xi32, #tpu.memory_space<vmem>>, vector<16xi32>,
      tpu.vector_store %arg14[%swap3A_402], %shift_right_logical3A_401 {strides = array<i32>} : memref<128xi32, #tpu.memory_space<vmem>>, vector<16xi32>,
      %and3A_404 = arith.constant 3 : i32
      %and3A_405 = vector.broadcast %and3A_404 : i32 to vector<16xi32>
      %and3A_406 = arith.andi %get3A_398, %and3A_405 : vector<16xi32>
      %shift_left3A_407 = arith.constant 5 : i32
      %shift_left3A_408 = vector.broadcast %shift_left3A_407 : i32 to vector<16xi32>
      %shift_left3A_409 = arith.shli %and3A_406, %shift_left3A_408 : vector<16xi32>
      %swap3A_410 = arith.constant 64 : index
      %swap3A_411 = tpu.vector_load %arg16[%swap3A_410] {strides = array<i32>} : memref<128xi32, #tpu.memory_space<vmem>>, vector<16xi32>,
      tpu.vector_store %arg16[%swap3A_410], %shift_left3A_409 {strides = array<i32>} : memref<128xi32, #tpu.memory_space<vmem>>, vector<16xi32>,
      %get3A_412 = arith.constant 80 : index
      %get3A_413 = tpu.vector_load %arg12[%get3A_412] {strides = array<i32>} : memref<128xi32, #tpu.memory_space<vmem>>, vector<16xi32>,
      %shift_right_logical3A_414 = arith.constant 2 : i32
      %shift_right_logical3A_415 = vector.broadcast %shift_right_logical3A_414 : i32 to vector<16xi32>
      %shift_right_logical3A_416 = arith.shrui %get3A_413, %shift_right_logical3A_415 : vector<16xi32>
      %swap3A_417 = arith.constant 80 : index
      %swap3A_418 = tpu.vector_load %arg14[%swap3A_417] {strides = array<i32>} : memref<128xi32, #tpu.memory_space<vmem>>, vector<16xi32>,
      tpu.vector_store %arg14[%swap3A_417], %shift_right_logical3A_416 {strides = array<i32>} : memref<128xi32, #tpu.memory_space<vmem>>, vector<16xi32>,
      %and3A_419 = arith.constant 3 : i32
      %and3A_420 = vector.broadcast %and3A_419 : i32 to vector<16xi32>
      %and3A_421 = arith.andi %get3A_413, %and3A_420 : vector<16xi32>
      %shift_left3A_422 = arith.constant 5 : i32
      %shift_left3A_423 = vector.broadcast %shift_left3A_422 : i32 to vector<16xi32>
      %shift_left3A_424 = arith.shli %and3A_421, %shift_left3A_423 : vector<16xi32>
      %swap3A_425 = arith.constant 80 : index
      %swap3A_426 = tpu.vector_load %arg16[%swap3A_425] {strides = array<i32>} : memref<128xi32, #tpu.memory_space<vmem>>, vector<16xi32>,
      tpu.vector_store %arg16[%swap3A_425], %shift_left3A_424 {strides = array<i32>} : memref<128xi32, #tpu.memory_space<vmem>>, vector<16xi32>,
      %get3A_427 = arith.constant 96 : index
      %get3A_428 = tpu.vector_load %arg12[%get3A_427] {strides = array<i32>} : memref<128xi32, #tpu.memory_space<vmem>>, vector<16xi32>,
      %shift_right_logical3A_429 = arith.constant 2 : i32
      %shift_right_logical3A_430 = vector.broadcast %shift_right_logical3A_429 : i32 to vector<16xi32>
      %shift_right_logical3A_431 = arith.shrui %get3A_428, %shift_right_logical3A_430 : vector<16xi32>
      %swap3A_432 = arith.constant 96 : index
      %swap3A_433 = tpu.vector_load %arg14[%swap3A_432] {strides = array<i32>} : memref<128xi32, #tpu.memory_space<vmem>>, vector<16xi32>,
      tpu.vector_store %arg14[%swap3A_432], %shift_right_logical3A_431 {strides = array<i32>} : memref<128xi32, #tpu.memory_space<vmem>>, vector<16xi32>,
      %and3A_434 = arith.constant 3 : i32
      %and3A_435 = vector.broadcast %and3A_434 : i32 to vector<16xi32>
      %and3A_436 = arith.andi %get3A_428, %and3A_435 : vector<16xi32>
      %shift_left3A_437 = arith.constant 5 : i32
      %shift_left3A_438 = vector.broadcast %shift_left3A_437 : i32 to vector<16xi32>
      %shift_left3A_439 = arith.shli %and3A_436, %shift_left3A_438 : vector<16xi32>
      %swap3A_440 = arith.constant 96 : index
      %swap3A_441 = tpu.vector_load %arg16[%swap3A_440] {strides = array<i32>} : memref<128xi32, #tpu.memory_space<vmem>>, vector<16xi32>,
      tpu.vector_store %arg16[%swap3A_440], %shift_left3A_439 {strides = array<i32>} : memref<128xi32, #tpu.memory_space<vmem>>, vector<16xi32>,
      %get3A_442 = arith.constant 112 : index
      %get3A_443 = tpu.vector_load %arg12[%get3A_442] {strides = array<i32>} : memref<128xi32, #tpu.memory_space<vmem>>, vector<16xi32>,
      %shift_right_logical3A_444 = arith.constant 2 : i32
      %shift_right_logical3A_445 = vector.broadcast %shift_right_logical3A_444 : i32 to vector<16xi32>
      %shift_right_logical3A_446 = arith.shrui %get3A_443, %shift_right_logical3A_445 : vector<16xi32>
      %swap3A_447 = arith.constant 112 : index
      %swap3A_448 = tpu.vector_load %arg14[%swap3A_447] {strides = array<i32>} : memref<128xi32, #tpu.memory_space<vmem>>, vector<16xi32>,
      tpu.vector_store %arg14[%swap3A_447], %shift_right_logical3A_446 {strides = array<i32>} : memref<128xi32, #tpu.memory_space<vmem>>, vector<16xi32>,
      %and3A_449 = arith.constant 3 : i32
      %and3A_450 = vector.broadcast %and3A_449 : i32 to vector<16xi32>
      %and3A_451 = arith.andi %get3A_443, %and3A_450 : vector<16xi32>
      %shift_left3A_452 = arith.constant 5 : i32
      %shift_left3A_453 = vector.broadcast %shift_left3A_452 : i32 to vector<16xi32>
      %shift_left3A_454 = arith.shli %and3A_451, %shift_left3A_453 : vector<16xi32>
      %swap3A_455 = arith.constant 112 : index
      %swap3A_456 = tpu.vector_load %arg16[%swap3A_455] {strides = array<i32>} : memref<128xi32, #tpu.memory_space<vmem>>, vector<16xi32>,
      tpu.vector_store %arg16[%swap3A_455], %shift_left3A_454 {strides = array<i32>} : memref<128xi32, #tpu.memory_space<vmem>>, vector<16xi32>,
      %dma_start3A_457 = arith.constant 0 : i32
      %dma_start3A_458 = arith.constant 0 : i32
      %dma_start3A_459 = tpu.memref_slice %arg6[%dma_start3A_457, %dma_start3A_458] : memref<250000x128xf32, #tpu.memory_space<hbm>> -> memref<250000x128xf32, #tpu.memory_space<hbm>>
      tpu.enqueue_indirect_dma source(%dma_start3A_459 : memref<250000x128xf32, #tpu.memory_space<hbm>>) target(%arg18 : memref<128x128xf32, #tpu.memory_space<vmem>>) offsets(%arg14 : memref<128xi32, #tpu.memory_space<vmem>>) semaphore(%arg30 : memref<!tpu.dma_semaphore, #tpu.memory_space<semaphore_mem>>)
      %add3A_460 = arith.constant 2 : i32
      %add3A_461 = arith.addi %cond3A_263, %add3A_460 : i32
      %lt3A_462 = arith.constant 200 : i32
      %lt3A_463 = arith.cmpi slt, %add3A_461, %lt3A_462 : i32
      %convert_element_type3A_464 = arith.extui %lt3A_463 : i1 to i32
      %cond3A_465 = arith.constant 0 : i32
      %cond3A_466 = arith.cmpi ne, %convert_element_type3A_464, %cond3A_465 : i32
      scf.if %cond3A_466 {
        %add3A_467 = arith.constant 2 : i32
        %add3A_468 = arith.addi %cond3A_263, %add3A_467 : i32
        %mul3A_469 = arith.constant 32 : i32
        %mul3A_470 = arith.muli %add3A_468, %mul3A_469 : i32
        %add3A_471 = arith.addi %add3A, %mul3A_470 : i32
        %shift_right_logical3A_472 = arith.constant 7 : i32
        %shift_right_logical3A_473 = arith.shrui %add3A_471, %shift_right_logical3A_472 : i32
        %and3A_474 = arith.constant 127 : i32
        %and3A_475 = arith.andi %add3A_471, %and3A_474 : i32
        %mul3A_476 = arith.constant 16384 : i32
        %mul3A_477 = arith.muli %shift_right_logical3A_473, %mul3A_476 : i32
        %mul3A_478 = arith.constant 128 : i32
        %mul3A_479 = arith.muli %and3A_475, %mul3A_478 : i32
        %add3A_480 = arith.addi %mul3A_477, %mul3A_479 : i32
        %dma_start3A_481 = tpu.memref_slice %arg4[%add3A_480] : memref<819200xi32, #tpu.memory_space<hbm>> -> memref<128xi32, #tpu.memory_space<hbm>>
        %dma_start3A_482 = tpu.memref_slice %arg4[%add3A_480] : memref<819200xi32, #tpu.memory_space<hbm>> -> memref<128xi32, #tpu.memory_space<hbm>>
        tpu.enqueue_dma source(%dma_start3A_482 : memref<128xi32, #tpu.memory_space<hbm>>) target(%arg13 : memref<128xi32, #tpu.memory_space<vmem>>) target_semaphore(%arg29 : memref<!tpu.dma_semaphore, #tpu.memory_space<semaphore_mem>>)
      } else {
      }
    } else {
    }
    %dma_wait3A_266 = arith.constant 0 : i32
    %dma_wait3A_267 = arith.constant 0 : i32
    %dma_wait3A_268 = tpu.memref_slice %arg6[%dma_wait3A_266, %dma_wait3A_267] : memref<250000x128xf32, #tpu.memory_space<hbm>> -> memref<128x128xf32, #tpu.memory_space<hbm>>
    %dma_wait3A_269 = arith.constant 0 : i32
    %dma_wait3A_270 = arith.constant 0 : i32
    %dma_wait3A_271 = tpu.memref_slice %arg6[%dma_wait3A_269, %dma_wait3A_270] : memref<250000x128xf32, #tpu.memory_space<hbm>> -> memref<128x128xf32, #tpu.memory_space<hbm>>
    tpu.wait_dma2 semaphore(%arg31 : memref<!tpu.dma_semaphore, #tpu.memory_space<semaphore_mem>>) src(%dma_wait3A_271 : memref<128x128xf32, #tpu.memory_space<hbm>>) dst(%arg19 : memref<128x128xf32, #tpu.memory_space<vmem>>)
    %get3A_272 = arith.constant 0 : index
    %get3A_273 = tpu.vector_load %arg17[%get3A_272] {strides = array<i32>} : memref<128xi32, #tpu.memory_space<vmem>>, vector<16xi32>,
    %get3A_274 = arith.constant 16 : index
    %get3A_275 = tpu.vector_load %arg17[%get3A_274] {strides = array<i32>} : memref<128xi32, #tpu.memory_space<vmem>>, vector<16xi32>,
    %get3A_276 = arith.constant 32 : index
    %get3A_277 = tpu.vector_load %arg17[%get3A_276] {strides = array<i32>} : memref<128xi32, #tpu.memory_space<vmem>>, vector<16xi32>,
    %get3A_278 = arith.constant 48 : index
    %get3A_279 = tpu.vector_load %arg17[%get3A_278] {strides = array<i32>} : memref<128xi32, #tpu.memory_space<vmem>>, vector<16xi32>,
    %get3A_280 = arith.constant 64 : index
    %get3A_281 = tpu.vector_load %arg17[%get3A_280] {strides = array<i32>} : memref<128xi32, #tpu.memory_space<vmem>>, vector<16xi32>,
    %get3A_282 = arith.constant 80 : index
    %get3A_283 = tpu.vector_load %arg17[%get3A_282] {strides = array<i32>} : memref<128xi32, #tpu.memory_space<vmem>>, vector<16xi32>,
    %get3A_284 = arith.constant 96 : index
    %get3A_285 = tpu.vector_load %arg17[%get3A_284] {strides = array<i32>} : memref<128xi32, #tpu.memory_space<vmem>>, vector<16xi32>,
    %get3A_286 = arith.constant 112 : index
    %get3A_287 = tpu.vector_load %arg17[%get3A_286] {strides = array<i32>} : memref<128xi32, #tpu.memory_space<vmem>>, vector<16xi32>,
    %scan3A_288 = arith.constant 0 : i32
    %scan3A_289 = arith.constant 16 : i32
    %scan3A_290 = arith.addi %scan3A_288, %scan3A_289 : i32
    %scan3A_291 = arith.constant 1 : i32
    scf.for %scan3A_333 = %scan3A_288 to %scan3A_290 step %scan3A_291  : i32 {
      %mul3A_334 = arith.constant 2 : i32
      %mul3A_335 = arith.muli %mul3A_334, %scan3A_333 : i32
      %add3A_336 = arith.constant 0 : i32
      %add3A_337 = arith.addi %mul3A_335, %add3A_336 : i32
      %add3A_338 = vector.broadcast %add3A_337 : i32 to vector<16xi32>
      %add3A_339 = arith.addi %add3A_338, %iota3A : vector<16xi32>
      %and3A_340 = arith.constant 31 : i32
      %and3A_341 = vector.broadcast %and3A_340 : i32 to vector<16xi32>
      %and3A_342 = arith.andi %add3A_339, %and3A_341 : vector<16xi32>
      %add3A_343 = arith.constant 0 : i32
      %add3A_344 = vector.broadcast %add3A_343 : i32 to vector<16xi32>
      %add3A_345 = arith.addi %iota3A, %add3A_344 : vector<16xi32>
      %add3A_346 = arith.addi %get3A_273, %and3A_342 : vector<16xi32>
      %gather3A = tpu.vector_load_idx %arg19[%add3A_345, %add3A_346] : memref<128x128xf32, #tpu.memory_space<vmem>>[vector<16xi32>, vector<16xi32>], vector<16xf32>,
      tpu.vector_store_idx %arg21[%and3A_342, %add3A_345], %gather3A : memref<32x128xf32, #tpu.memory_space<vmem>>[vector<16xi32>, vector<16xi32>], vector<16xf32>,
      %add3A_347 = arith.constant 16 : i32
      %add3A_348 = vector.broadcast %add3A_347 : i32 to vector<16xi32>
      %add3A_349 = arith.addi %iota3A, %add3A_348 : vector<16xi32>
      %add3A_350 = arith.addi %get3A_275, %and3A_342 : vector<16xi32>
      %gather3A_351 = tpu.vector_load_idx %arg19[%add3A_349, %add3A_350] : memref<128x128xf32, #tpu.memory_space<vmem>>[vector<16xi32>, vector<16xi32>], vector<16xf32>,
      tpu.vector_store_idx %arg21[%and3A_342, %add3A_349], %gather3A_351 : memref<32x128xf32, #tpu.memory_space<vmem>>[vector<16xi32>, vector<16xi32>], vector<16xf32>,
      %add3A_352 = arith.constant 32 : i32
      %add3A_353 = vector.broadcast %add3A_352 : i32 to vector<16xi32>
      %add3A_354 = arith.addi %iota3A, %add3A_353 : vector<16xi32>
      %add3A_355 = arith.addi %get3A_277, %and3A_342 : vector<16xi32>
      %gather3A_356 = tpu.vector_load_idx %arg19[%add3A_354, %add3A_355] : memref<128x128xf32, #tpu.memory_space<vmem>>[vector<16xi32>, vector<16xi32>], vector<16xf32>,
      tpu.vector_store_idx %arg21[%and3A_342, %add3A_354], %gather3A_356 : memref<32x128xf32, #tpu.memory_space<vmem>>[vector<16xi32>, vector<16xi32>], vector<16xf32>,
      %add3A_357 = arith.constant 48 : i32
      %add3A_358 = vector.broadcast %add3A_357 : i32 to vector<16xi32>
      %add3A_359 = arith.addi %iota3A, %add3A_358 : vector<16xi32>
      %add3A_360 = arith.addi %get3A_279, %and3A_342 : vector<16xi32>
      %gather3A_361 = tpu.vector_load_idx %arg19[%add3A_359, %add3A_360] : memref<128x128xf32, #tpu.memory_space<vmem>>[vector<16xi32>, vector<16xi32>], vector<16xf32>,
      tpu.vector_store_idx %arg21[%and3A_342, %add3A_359], %gather3A_361 : memref<32x128xf32, #tpu.memory_space<vmem>>[vector<16xi32>, vector<16xi32>], vector<16xf32>,
      %add3A_362 = arith.constant 64 : i32
      %add3A_363 = vector.broadcast %add3A_362 : i32 to vector<16xi32>
      %add3A_364 = arith.addi %iota3A, %add3A_363 : vector<16xi32>
      %add3A_365 = arith.addi %get3A_281, %and3A_342 : vector<16xi32>
      %gather3A_366 = tpu.vector_load_idx %arg19[%add3A_364, %add3A_365] : memref<128x128xf32, #tpu.memory_space<vmem>>[vector<16xi32>, vector<16xi32>], vector<16xf32>,
      tpu.vector_store_idx %arg21[%and3A_342, %add3A_364], %gather3A_366 : memref<32x128xf32, #tpu.memory_space<vmem>>[vector<16xi32>, vector<16xi32>], vector<16xf32>,
      %add3A_367 = arith.constant 80 : i32
      %add3A_368 = vector.broadcast %add3A_367 : i32 to vector<16xi32>
      %add3A_369 = arith.addi %iota3A, %add3A_368 : vector<16xi32>
      %add3A_370 = arith.addi %get3A_283, %and3A_342 : vector<16xi32>
      %gather3A_371 = tpu.vector_load_idx %arg19[%add3A_369, %add3A_370] : memref<128x128xf32, #tpu.memory_space<vmem>>[vector<16xi32>, vector<16xi32>], vector<16xf32>,
      tpu.vector_store_idx %arg21[%and3A_342, %add3A_369], %gather3A_371 : memref<32x128xf32, #tpu.memory_space<vmem>>[vector<16xi32>, vector<16xi32>], vector<16xf32>,
      %add3A_372 = arith.constant 96 : i32
      %add3A_373 = vector.broadcast %add3A_372 : i32 to vector<16xi32>
      %add3A_374 = arith.addi %iota3A, %add3A_373 : vector<16xi32>
      %add3A_375 = arith.addi %get3A_285, %and3A_342 : vector<16xi32>
      %gather3A_376 = tpu.vector_load_idx %arg19[%add3A_374, %add3A_375] : memref<128x128xf32, #tpu.memory_space<vmem>>[vector<16xi32>, vector<16xi32>], vector<16xf32>,
      tpu.vector_store_idx %arg21[%and3A_342, %add3A_374], %gather3A_376 : memref<32x128xf32, #tpu.memory_space<vmem>>[vector<16xi32>, vector<16xi32>], vector<16xf32>,
      %add3A_377 = arith.constant 112 : i32
      %add3A_378 = vector.broadcast %add3A_377 : i32 to vector<16xi32>
      %add3A_379 = arith.addi %iota3A, %add3A_378 : vector<16xi32>
      %add3A_380 = arith.addi %get3A_287, %and3A_342 : vector<16xi32>
      %gather3A_381 = tpu.vector_load_idx %arg19[%add3A_379, %add3A_380] : memref<128x128xf32, #tpu.memory_space<vmem>>[vector<16xi32>, vector<16xi32>], vector<16xf32>,
      tpu.vector_store_idx %arg21[%and3A_342, %add3A_379], %gather3A_381 : memref<32x128xf32, #tpu.memory_space<vmem>>[vector<16xi32>, vector<16xi32>], vector<16xf32>,
      %mul3A_382 = arith.constant 2 : i32
      %mul3A_383 = arith.muli %mul3A_382, %scan3A_333 : i32
      %add3A_384 = arith.constant 1 : i32
      %add3A_385 = arith.addi %mul3A_383, %add3A_384 : i32
      %add3A_386 = vector.broadcast %add3A_385 : i32 to vector<16xi32>
      %add3A_387 = arith.addi %add3A_386, %iota3A : vector<16xi32>
      %and3A_388 = arith.constant 31 : i32
      %and3A_389 = vector.broadcast %and3A_388 : i32 to vector<16xi32>
      %and3A_390 = arith.andi %add3A_387, %and3A_389 : vector<16xi32>
      %add3A_391 = arith.constant 0 : i32
      %add3A_392 = vector.broadcast %add3A_391 : i32 to vector<16xi32>
      %add3A_393 = arith.addi %iota3A, %add3A_392 : vector<16xi32>
      %add3A_394 = arith.addi %get3A_273, %and3A_390 : vector<16xi32>
      %gather3A_395 = tpu.vector_load_idx %arg19[%add3A_393, %add3A_394] : memref<128x128xf32, #tpu.memory_space<vmem>>[vector<16xi32>, vector<16xi32>], vector<16xf32>,
      tpu.vector_store_idx %arg21[%and3A_390, %add3A_393], %gather3A_395 : memref<32x128xf32, #tpu.memory_space<vmem>>[vector<16xi32>, vector<16xi32>], vector<16xf32>,
      %add3A_396 = arith.constant 16 : i32
      %add3A_397 = vector.broadcast %add3A_396 : i32 to vector<16xi32>
      %add3A_398 = arith.addi %iota3A, %add3A_397 : vector<16xi32>
      %add3A_399 = arith.addi %get3A_275, %and3A_390 : vector<16xi32>
      %gather3A_400 = tpu.vector_load_idx %arg19[%add3A_398, %add3A_399] : memref<128x128xf32, #tpu.memory_space<vmem>>[vector<16xi32>, vector<16xi32>], vector<16xf32>,
      tpu.vector_store_idx %arg21[%and3A_390, %add3A_398], %gather3A_400 : memref<32x128xf32, #tpu.memory_space<vmem>>[vector<16xi32>, vector<16xi32>], vector<16xf32>,
      %add3A_401 = arith.constant 32 : i32
      %add3A_402 = vector.broadcast %add3A_401 : i32 to vector<16xi32>
      %add3A_403 = arith.addi %iota3A, %add3A_402 : vector<16xi32>
      %add3A_404 = arith.addi %get3A_277, %and3A_390 : vector<16xi32>
      %gather3A_405 = tpu.vector_load_idx %arg19[%add3A_403, %add3A_404] : memref<128x128xf32, #tpu.memory_space<vmem>>[vector<16xi32>, vector<16xi32>], vector<16xf32>,
      tpu.vector_store_idx %arg21[%and3A_390, %add3A_403], %gather3A_405 : memref<32x128xf32, #tpu.memory_space<vmem>>[vector<16xi32>, vector<16xi32>], vector<16xf32>,
      %add3A_406 = arith.constant 48 : i32
      %add3A_407 = vector.broadcast %add3A_406 : i32 to vector<16xi32>
      %add3A_408 = arith.addi %iota3A, %add3A_407 : vector<16xi32>
      %add3A_409 = arith.addi %get3A_279, %and3A_390 : vector<16xi32>
      %gather3A_410 = tpu.vector_load_idx %arg19[%add3A_408, %add3A_409] : memref<128x128xf32, #tpu.memory_space<vmem>>[vector<16xi32>, vector<16xi32>], vector<16xf32>,
      tpu.vector_store_idx %arg21[%and3A_390, %add3A_408], %gather3A_410 : memref<32x128xf32, #tpu.memory_space<vmem>>[vector<16xi32>, vector<16xi32>], vector<16xf32>,
      %add3A_411 = arith.constant 64 : i32
      %add3A_412 = vector.broadcast %add3A_411 : i32 to vector<16xi32>
      %add3A_413 = arith.addi %iota3A, %add3A_412 : vector<16xi32>
      %add3A_414 = arith.addi %get3A_281, %and3A_390 : vector<16xi32>
      %gather3A_415 = tpu.vector_load_idx %arg19[%add3A_413, %add3A_414] : memref<128x128xf32, #tpu.memory_space<vmem>>[vector<16xi32>, vector<16xi32>], vector<16xf32>,
      tpu.vector_store_idx %arg21[%and3A_390, %add3A_413], %gather3A_415 : memref<32x128xf32, #tpu.memory_space<vmem>>[vector<16xi32>, vector<16xi32>], vector<16xf32>,
      %add3A_416 = arith.constant 80 : i32
      %add3A_417 = vector.broadcast %add3A_416 : i32 to vector<16xi32>
      %add3A_418 = arith.addi %iota3A, %add3A_417 : vector<16xi32>
      %add3A_419 = arith.addi %get3A_283, %and3A_390 : vector<16xi32>
      %gather3A_420 = tpu.vector_load_idx %arg19[%add3A_418, %add3A_419] : memref<128x128xf32, #tpu.memory_space<vmem>>[vector<16xi32>, vector<16xi32>], vector<16xf32>,
      tpu.vector_store_idx %arg21[%and3A_390, %add3A_418], %gather3A_420 : memref<32x128xf32, #tpu.memory_space<vmem>>[vector<16xi32>, vector<16xi32>], vector<16xf32>,
      %add3A_421 = arith.constant 96 : i32
      %add3A_422 = vector.broadcast %add3A_421 : i32 to vector<16xi32>
      %add3A_423 = arith.addi %iota3A, %add3A_422 : vector<16xi32>
      %add3A_424 = arith.addi %get3A_285, %and3A_390 : vector<16xi32>
      %gather3A_425 = tpu.vector_load_idx %arg19[%add3A_423, %add3A_424] : memref<128x128xf32, #tpu.memory_space<vmem>>[vector<16xi32>, vector<16xi32>], vector<16xf32>,
      tpu.vector_store_idx %arg21[%and3A_390, %add3A_423], %gather3A_425 : memref<32x128xf32, #tpu.memory_space<vmem>>[vector<16xi32>, vector<16xi32>], vector<16xf32>,
      %add3A_426 = arith.constant 112 : i32
      %add3A_427 = vector.broadcast %add3A_426 : i32 to vector<16xi32>
      %add3A_428 = arith.addi %iota3A, %add3A_427 : vector<16xi32>
      %add3A_429 = arith.addi %get3A_287, %and3A_390 : vector<16xi32>
      %gather3A_430 = tpu.vector_load_idx %arg19[%add3A_428, %add3A_429] : memref<128x128xf32, #tpu.memory_space<vmem>>[vector<16xi32>, vector<16xi32>], vector<16xf32>,
      tpu.vector_store_idx %arg21[%and3A_390, %add3A_428], %gather3A_430 : memref<32x128xf32, #tpu.memory_space<vmem>>[vector<16xi32>, vector<16xi32>], vector<16xf32>,
    }
    %scan3A_292 = arith.constant 16 : i32
    %mul3A_293 = arith.constant 1 : i32
    %mul3A_294 = arith.constant 32 : i32
    %mul3A_295 = arith.muli %mul3A_293, %mul3A_294 : i32
    %add3A_296 = arith.addi %add3A, %mul3A_295 : i32
    %shift_right_logical3A_297 = arith.constant 7 : i32
    %shift_right_logical3A_298 = arith.shrui %add3A_296, %shift_right_logical3A_297 : i32
    %and3A_299 = arith.constant 127 : i32
    %and3A_300 = arith.andi %add3A_296, %and3A_299 : i32
    %mul3A_301 = arith.constant 128 : i32
    %mul3A_302 = arith.muli %and3A_300, %mul3A_301 : i32
    %dma_start3A_303 = arith.constant 0 : i32
    %dma_start3A_304 = tpu.memref_slice %arg5[%shift_right_logical3A_298, %dma_start3A_303, %mul3A_302] : memref<50x32x16384xf32, #tpu.memory_space<hbm>> -> memref<1x32x128xf32, #tpu.memory_space<hbm>>
    %dma_start3A_305 = tpu.memref_squeeze %dma_start3A_304 : memref<1x32x128xf32, #tpu.memory_space<hbm>> -> memref<32x128xf32, #tpu.memory_space<hbm>>
    %dma_start3A_306 = arith.constant 0 : i32
    %dma_start3A_307 = tpu.memref_slice %arg5[%shift_right_logical3A_298, %dma_start3A_306, %mul3A_302] : memref<50x32x16384xf32, #tpu.memory_space<hbm>> -> memref<1x32x128xf32, #tpu.memory_space<hbm>>
    %dma_start3A_308 = tpu.memref_squeeze %dma_start3A_307 : memref<1x32x128xf32, #tpu.memory_space<hbm>> -> memref<32x128xf32, #tpu.memory_space<hbm>>
    tpu.enqueue_dma source(%arg21 : memref<32x128xf32, #tpu.memory_space<vmem>>) target(%dma_start3A_308 : memref<32x128xf32, #tpu.memory_space<hbm>>) target_semaphore(%arg33 : memref<!tpu.dma_semaphore, #tpu.memory_space<semaphore_mem>>)
    %scan3A_309 = arith.constant 0 : i32
    %scan3A_310 = arith.constant 0 : i32
    %scan3A_311 = arith.constant 99 : i32
    %scan3A_312 = arith.addi %scan3A_310, %scan3A_311 : i32
    %scan3A_313 = arith.constant 1 : i32
    scf.for %scan3A_333 = %scan3A_310 to %scan3A_312 step %scan3A_313  : i32 {
      %mul3A_334 = arith.constant 2 : i32
      %mul3A_335 = arith.muli %mul3A_334, %scan3A_333 : i32
      %add3A_336 = arith.constant 2 : i32
      %add3A_337 = arith.addi %mul3A_335, %add3A_336 : i32
      %add3A_338 = arith.constant 1 : i32
      %add3A_339 = arith.addi %add3A_337, %add3A_338 : i32
      %lt3A_340 = arith.constant 200 : i32
      %lt3A_341 = arith.cmpi slt, %add3A_339, %lt3A_340 : i32
      %convert_element_type3A_342 = arith.extui %lt3A_341 : i1 to i32
      %cond3A_343 = arith.constant 0 : i32
      %cond3A_344 = arith.cmpi ne, %convert_element_type3A_342, %cond3A_343 : i32
      scf.if %cond3A_344 {
        %dma_wait3A_456 = arith.constant 0 : i32
        %dma_wait3A_457 = tpu.memref_slice %arg4[%dma_wait3A_456] : memref<819200xi32, #tpu.memory_space<hbm>> -> memref<128xi32, #tpu.memory_space<hbm>>
        %dma_wait3A_458 = arith.constant 0 : i32
        %dma_wait3A_459 = tpu.memref_slice %arg4[%dma_wait3A_458] : memref<819200xi32, #tpu.memory_space<hbm>> -> memref<128xi32, #tpu.memory_space<hbm>>
        tpu.wait_dma2 semaphore(%arg29 : memref<!tpu.dma_semaphore, #tpu.memory_space<semaphore_mem>>) src(%dma_wait3A_459 : memref<128xi32, #tpu.memory_space<hbm>>) dst(%arg13 : memref<128xi32, #tpu.memory_space<vmem>>)
        %get3A_460 = arith.constant 0 : index
        %get3A_461 = tpu.vector_load %arg13[%get3A_460] {strides = array<i32>} : memref<128xi32, #tpu.memory_space<vmem>>, vector<16xi32>,
        %shift_right_logical3A_462 = arith.constant 2 : i32
        %shift_right_logical3A_463 = vector.broadcast %shift_right_logical3A_462 : i32 to vector<16xi32>
        %shift_right_logical3A_464 = arith.shrui %get3A_461, %shift_right_logical3A_463 : vector<16xi32>
        %swap3A_465 = arith.constant 0 : index
        %swap3A_466 = tpu.vector_load %arg15[%swap3A_465] {strides = array<i32>} : memref<128xi32, #tpu.memory_space<vmem>>, vector<16xi32>,
        tpu.vector_store %arg15[%swap3A_465], %shift_right_logical3A_464 {strides = array<i32>} : memref<128xi32, #tpu.memory_space<vmem>>, vector<16xi32>,
        %and3A_467 = arith.constant 3 : i32
        %and3A_468 = vector.broadcast %and3A_467 : i32 to vector<16xi32>
        %and3A_469 = arith.andi %get3A_461, %and3A_468 : vector<16xi32>
        %shift_left3A_470 = arith.constant 5 : i32
        %shift_left3A_471 = vector.broadcast %shift_left3A_470 : i32 to vector<16xi32>
        %shift_left3A_472 = arith.shli %and3A_469, %shift_left3A_471 : vector<16xi32>
        %swap3A_473 = arith.constant 0 : index
        %swap3A_474 = tpu.vector_load %arg17[%swap3A_473] {strides = array<i32>} : memref<128xi32, #tpu.memory_space<vmem>>, vector<16xi32>,
        tpu.vector_store %arg17[%swap3A_473], %shift_left3A_472 {strides = array<i32>} : memref<128xi32, #tpu.memory_space<vmem>>, vector<16xi32>,
        %get3A_475 = arith.constant 16 : index
        %get3A_476 = tpu.vector_load %arg13[%get3A_475] {strides = array<i32>} : memref<128xi32, #tpu.memory_space<vmem>>, vector<16xi32>,
        %shift_right_logical3A_477 = arith.constant 2 : i32
        %shift_right_logical3A_478 = vector.broadcast %shift_right_logical3A_477 : i32 to vector<16xi32>
        %shift_right_logical3A_479 = arith.shrui %get3A_476, %shift_right_logical3A_478 : vector<16xi32>
        %swap3A_480 = arith.constant 16 : index
        %swap3A_481 = tpu.vector_load %arg15[%swap3A_480] {strides = array<i32>} : memref<128xi32, #tpu.memory_space<vmem>>, vector<16xi32>,
        tpu.vector_store %arg15[%swap3A_480], %shift_right_logical3A_479 {strides = array<i32>} : memref<128xi32, #tpu.memory_space<vmem>>, vector<16xi32>,
        %and3A_482 = arith.constant 3 : i32
        %and3A_483 = vector.broadcast %and3A_482 : i32 to vector<16xi32>
        %and3A_484 = arith.andi %get3A_476, %and3A_483 : vector<16xi32>
        %shift_left3A_485 = arith.constant 5 : i32
        %shift_left3A_486 = vector.broadcast %shift_left3A_485 : i32 to vector<16xi32>
        %shift_left3A_487 = arith.shli %and3A_484, %shift_left3A_486 : vector<16xi32>
        %swap3A_488 = arith.constant 16 : index
        %swap3A_489 = tpu.vector_load %arg17[%swap3A_488] {strides = array<i32>} : memref<128xi32, #tpu.memory_space<vmem>>, vector<16xi32>,
        tpu.vector_store %arg17[%swap3A_488], %shift_left3A_487 {strides = array<i32>} : memref<128xi32, #tpu.memory_space<vmem>>, vector<16xi32>,
        %get3A_490 = arith.constant 32 : index
        %get3A_491 = tpu.vector_load %arg13[%get3A_490] {strides = array<i32>} : memref<128xi32, #tpu.memory_space<vmem>>, vector<16xi32>,
        %shift_right_logical3A_492 = arith.constant 2 : i32
        %shift_right_logical3A_493 = vector.broadcast %shift_right_logical3A_492 : i32 to vector<16xi32>
        %shift_right_logical3A_494 = arith.shrui %get3A_491, %shift_right_logical3A_493 : vector<16xi32>
        %swap3A_495 = arith.constant 32 : index
        %swap3A_496 = tpu.vector_load %arg15[%swap3A_495] {strides = array<i32>} : memref<128xi32, #tpu.memory_space<vmem>>, vector<16xi32>,
        tpu.vector_store %arg15[%swap3A_495], %shift_right_logical3A_494 {strides = array<i32>} : memref<128xi32, #tpu.memory_space<vmem>>, vector<16xi32>,
        %and3A_497 = arith.constant 3 : i32
        %and3A_498 = vector.broadcast %and3A_497 : i32 to vector<16xi32>
        %and3A_499 = arith.andi %get3A_491, %and3A_498 : vector<16xi32>
        %shift_left3A_500 = arith.constant 5 : i32
        %shift_left3A_501 = vector.broadcast %shift_left3A_500 : i32 to vector<16xi32>
        %shift_left3A_502 = arith.shli %and3A_499, %shift_left3A_501 : vector<16xi32>
        %swap3A_503 = arith.constant 32 : index
        %swap3A_504 = tpu.vector_load %arg17[%swap3A_503] {strides = array<i32>} : memref<128xi32, #tpu.memory_space<vmem>>, vector<16xi32>,
        tpu.vector_store %arg17[%swap3A_503], %shift_left3A_502 {strides = array<i32>} : memref<128xi32, #tpu.memory_space<vmem>>, vector<16xi32>,
        %get3A_505 = arith.constant 48 : index
        %get3A_506 = tpu.vector_load %arg13[%get3A_505] {strides = array<i32>} : memref<128xi32, #tpu.memory_space<vmem>>, vector<16xi32>,
        %shift_right_logical3A_507 = arith.constant 2 : i32
        %shift_right_logical3A_508 = vector.broadcast %shift_right_logical3A_507 : i32 to vector<16xi32>
        %shift_right_logical3A_509 = arith.shrui %get3A_506, %shift_right_logical3A_508 : vector<16xi32>
        %swap3A_510 = arith.constant 48 : index
        %swap3A_511 = tpu.vector_load %arg15[%swap3A_510] {strides = array<i32>} : memref<128xi32, #tpu.memory_space<vmem>>, vector<16xi32>,
        tpu.vector_store %arg15[%swap3A_510], %shift_right_logical3A_509 {strides = array<i32>} : memref<128xi32, #tpu.memory_space<vmem>>, vector<16xi32>,
        %and3A_512 = arith.constant 3 : i32
        %and3A_513 = vector.broadcast %and3A_512 : i32 to vector<16xi32>
        %and3A_514 = arith.andi %get3A_506, %and3A_513 : vector<16xi32>
        %shift_left3A_515 = arith.constant 5 : i32
        %shift_left3A_516 = vector.broadcast %shift_left3A_515 : i32 to vector<16xi32>
        %shift_left3A_517 = arith.shli %and3A_514, %shift_left3A_516 : vector<16xi32>
        %swap3A_518 = arith.constant 48 : index
        %swap3A_519 = tpu.vector_load %arg17[%swap3A_518] {strides = array<i32>} : memref<128xi32, #tpu.memory_space<vmem>>, vector<16xi32>,
        tpu.vector_store %arg17[%swap3A_518], %shift_left3A_517 {strides = array<i32>} : memref<128xi32, #tpu.memory_space<vmem>>, vector<16xi32>,
        %get3A_520 = arith.constant 64 : index
        %get3A_521 = tpu.vector_load %arg13[%get3A_520] {strides = array<i32>} : memref<128xi32, #tpu.memory_space<vmem>>, vector<16xi32>,
        %shift_right_logical3A_522 = arith.constant 2 : i32
        %shift_right_logical3A_523 = vector.broadcast %shift_right_logical3A_522 : i32 to vector<16xi32>
        %shift_right_logical3A_524 = arith.shrui %get3A_521, %shift_right_logical3A_523 : vector<16xi32>
        %swap3A_525 = arith.constant 64 : index
        %swap3A_526 = tpu.vector_load %arg15[%swap3A_525] {strides = array<i32>} : memref<128xi32, #tpu.memory_space<vmem>>, vector<16xi32>,
        tpu.vector_store %arg15[%swap3A_525], %shift_right_logical3A_524 {strides = array<i32>} : memref<128xi32, #tpu.memory_space<vmem>>, vector<16xi32>,
        %and3A_527 = arith.constant 3 : i32
        %and3A_528 = vector.broadcast %and3A_527 : i32 to vector<16xi32>
        %and3A_529 = arith.andi %get3A_521, %and3A_528 : vector<16xi32>
        %shift_left3A_530 = arith.constant 5 : i32
        %shift_left3A_531 = vector.broadcast %shift_left3A_530 : i32 to vector<16xi32>
        %shift_left3A_532 = arith.shli %and3A_529, %shift_left3A_531 : vector<16xi32>
        %swap3A_533 = arith.constant 64 : index
        %swap3A_534 = tpu.vector_load %arg17[%swap3A_533] {strides = array<i32>} : memref<128xi32, #tpu.memory_space<vmem>>, vector<16xi32>,
        tpu.vector_store %arg17[%swap3A_533], %shift_left3A_532 {strides = array<i32>} : memref<128xi32, #tpu.memory_space<vmem>>, vector<16xi32>,
        %get3A_535 = arith.constant 80 : index
        %get3A_536 = tpu.vector_load %arg13[%get3A_535] {strides = array<i32>} : memref<128xi32, #tpu.memory_space<vmem>>, vector<16xi32>,
        %shift_right_logical3A_537 = arith.constant 2 : i32
        %shift_right_logical3A_538 = vector.broadcast %shift_right_logical3A_537 : i32 to vector<16xi32>
        %shift_right_logical3A_539 = arith.shrui %get3A_536, %shift_right_logical3A_538 : vector<16xi32>
        %swap3A_540 = arith.constant 80 : index
        %swap3A_541 = tpu.vector_load %arg15[%swap3A_540] {strides = array<i32>} : memref<128xi32, #tpu.memory_space<vmem>>, vector<16xi32>,
        tpu.vector_store %arg15[%swap3A_540], %shift_right_logical3A_539 {strides = array<i32>} : memref<128xi32, #tpu.memory_space<vmem>>, vector<16xi32>,
        %and3A_542 = arith.constant 3 : i32
        %and3A_543 = vector.broadcast %and3A_542 : i32 to vector<16xi32>
        %and3A_544 = arith.andi %get3A_536, %and3A_543 : vector<16xi32>
        %shift_left3A_545 = arith.constant 5 : i32
        %shift_left3A_546 = vector.broadcast %shift_left3A_545 : i32 to vector<16xi32>
        %shift_left3A_547 = arith.shli %and3A_544, %shift_left3A_546 : vector<16xi32>
        %swap3A_548 = arith.constant 80 : index
        %swap3A_549 = tpu.vector_load %arg17[%swap3A_548] {strides = array<i32>} : memref<128xi32, #tpu.memory_space<vmem>>, vector<16xi32>,
        tpu.vector_store %arg17[%swap3A_548], %shift_left3A_547 {strides = array<i32>} : memref<128xi32, #tpu.memory_space<vmem>>, vector<16xi32>,
        %get3A_550 = arith.constant 96 : index
        %get3A_551 = tpu.vector_load %arg13[%get3A_550] {strides = array<i32>} : memref<128xi32, #tpu.memory_space<vmem>>, vector<16xi32>,
        %shift_right_logical3A_552 = arith.constant 2 : i32
        %shift_right_logical3A_553 = vector.broadcast %shift_right_logical3A_552 : i32 to vector<16xi32>
        %shift_right_logical3A_554 = arith.shrui %get3A_551, %shift_right_logical3A_553 : vector<16xi32>
        %swap3A_555 = arith.constant 96 : index
        %swap3A_556 = tpu.vector_load %arg15[%swap3A_555] {strides = array<i32>} : memref<128xi32, #tpu.memory_space<vmem>>, vector<16xi32>,
        tpu.vector_store %arg15[%swap3A_555], %shift_right_logical3A_554 {strides = array<i32>} : memref<128xi32, #tpu.memory_space<vmem>>, vector<16xi32>,
        %and3A_557 = arith.constant 3 : i32
        %and3A_558 = vector.broadcast %and3A_557 : i32 to vector<16xi32>
        %and3A_559 = arith.andi %get3A_551, %and3A_558 : vector<16xi32>
        %shift_left3A_560 = arith.constant 5 : i32
        %shift_left3A_561 = vector.broadcast %shift_left3A_560 : i32 to vector<16xi32>
        %shift_left3A_562 = arith.shli %and3A_559, %shift_left3A_561 : vector<16xi32>
        %swap3A_563 = arith.constant 96 : index
        %swap3A_564 = tpu.vector_load %arg17[%swap3A_563] {strides = array<i32>} : memref<128xi32, #tpu.memory_space<vmem>>, vector<16xi32>,
        tpu.vector_store %arg17[%swap3A_563], %shift_left3A_562 {strides = array<i32>} : memref<128xi32, #tpu.memory_space<vmem>>, vector<16xi32>,
        %get3A_565 = arith.constant 112 : index
        %get3A_566 = tpu.vector_load %arg13[%get3A_565] {strides = array<i32>} : memref<128xi32, #tpu.memory_space<vmem>>, vector<16xi32>,
        %shift_right_logical3A_567 = arith.constant 2 : i32
        %shift_right_logical3A_568 = vector.broadcast %shift_right_logical3A_567 : i32 to vector<16xi32>
        %shift_right_logical3A_569 = arith.shrui %get3A_566, %shift_right_logical3A_568 : vector<16xi32>
        %swap3A_570 = arith.constant 112 : index
        %swap3A_571 = tpu.vector_load %arg15[%swap3A_570] {strides = array<i32>} : memref<128xi32, #tpu.memory_space<vmem>>, vector<16xi32>,
        tpu.vector_store %arg15[%swap3A_570], %shift_right_logical3A_569 {strides = array<i32>} : memref<128xi32, #tpu.memory_space<vmem>>, vector<16xi32>,
        %and3A_572 = arith.constant 3 : i32
        %and3A_573 = vector.broadcast %and3A_572 : i32 to vector<16xi32>
        %and3A_574 = arith.andi %get3A_566, %and3A_573 : vector<16xi32>
        %shift_left3A_575 = arith.constant 5 : i32
        %shift_left3A_576 = vector.broadcast %shift_left3A_575 : i32 to vector<16xi32>
        %shift_left3A_577 = arith.shli %and3A_574, %shift_left3A_576 : vector<16xi32>
        %swap3A_578 = arith.constant 112 : index
        %swap3A_579 = tpu.vector_load %arg17[%swap3A_578] {strides = array<i32>} : memref<128xi32, #tpu.memory_space<vmem>>, vector<16xi32>,
        tpu.vector_store %arg17[%swap3A_578], %shift_left3A_577 {strides = array<i32>} : memref<128xi32, #tpu.memory_space<vmem>>, vector<16xi32>,
        %dma_start3A_580 = arith.constant 0 : i32
        %dma_start3A_581 = arith.constant 0 : i32
        %dma_start3A_582 = tpu.memref_slice %arg6[%dma_start3A_580, %dma_start3A_581] : memref<250000x128xf32, #tpu.memory_space<hbm>> -> memref<250000x128xf32, #tpu.memory_space<hbm>>
        tpu.enqueue_indirect_dma source(%dma_start3A_582 : memref<250000x128xf32, #tpu.memory_space<hbm>>) target(%arg19 : memref<128x128xf32, #tpu.memory_space<vmem>>) offsets(%arg15 : memref<128xi32, #tpu.memory_space<vmem>>) semaphore(%arg31 : memref<!tpu.dma_semaphore, #tpu.memory_space<semaphore_mem>>)
        %add3A_583 = arith.constant 2 : i32
        %add3A_584 = arith.addi %add3A_337, %add3A_583 : i32
        %lt3A_585 = arith.constant 200 : i32
        %lt3A_586 = arith.cmpi slt, %add3A_584, %lt3A_585 : i32
        %convert_element_type3A_587 = arith.extui %lt3A_586 : i1 to i32
        %cond3A_588 = arith.constant 0 : i32
        %cond3A_589 = arith.cmpi ne, %convert_element_type3A_587, %cond3A_588 : i32
        scf.if %cond3A_589 {
          %add3A_590 = arith.constant 2 : i32
          %add3A_591 = arith.addi %add3A_337, %add3A_590 : i32
          %mul3A_592 = arith.constant 32 : i32
          %mul3A_593 = arith.muli %add3A_591, %mul3A_592 : i32
          %add3A_594 = arith.addi %add3A, %mul3A_593 : i32
          %shift_right_logical3A_595 = arith.constant 7 : i32
          %shift_right_logical3A_596 = arith.shrui %add3A_594, %shift_right_logical3A_595 : i32
          %and3A_597 = arith.constant 127 : i32
          %and3A_598 = arith.andi %add3A_594, %and3A_597 : i32
          %mul3A_599 = arith.constant 16384 : i32
          %mul3A_600 = arith.muli %shift_right_logical3A_596, %mul3A_599 : i32
          %mul3A_601 = arith.constant 128 : i32
          %mul3A_602 = arith.muli %and3A_598, %mul3A_601 : i32
          %add3A_603 = arith.addi %mul3A_600, %mul3A_602 : i32
          %dma_start3A_604 = tpu.memref_slice %arg4[%add3A_603] : memref<819200xi32, #tpu.memory_space<hbm>> -> memref<128xi32, #tpu.memory_space<hbm>>
          %dma_start3A_605 = tpu.memref_slice %arg4[%add3A_603] : memref<819200xi32, #tpu.memory_space<hbm>> -> memref<128xi32, #tpu.memory_space<hbm>>
          tpu.enqueue_dma source(%dma_start3A_605 : memref<128xi32, #tpu.memory_space<hbm>>) target(%arg12 : memref<128xi32, #tpu.memory_space<vmem>>) target_semaphore(%arg28 : memref<!tpu.dma_semaphore, #tpu.memory_space<semaphore_mem>>)
        } else {
        }
      } else {
      }
      %dma_wait3A_345 = arith.constant 0 : i32
      %dma_wait3A_346 = arith.constant 0 : i32
      %dma_wait3A_347 = tpu.memref_slice %arg6[%dma_wait3A_345, %dma_wait3A_346] : memref<250000x128xf32, #tpu.memory_space<hbm>> -> memref<128x128xf32, #tpu.memory_space<hbm>>
      %dma_wait3A_348 = arith.constant 0 : i32
      %dma_wait3A_349 = arith.constant 0 : i32
      %dma_wait3A_350 = tpu.memref_slice %arg6[%dma_wait3A_348, %dma_wait3A_349] : memref<250000x128xf32, #tpu.memory_space<hbm>> -> memref<128x128xf32, #tpu.memory_space<hbm>>
      tpu.wait_dma2 semaphore(%arg30 : memref<!tpu.dma_semaphore, #tpu.memory_space<semaphore_mem>>) src(%dma_wait3A_350 : memref<128x128xf32, #tpu.memory_space<hbm>>) dst(%arg18 : memref<128x128xf32, #tpu.memory_space<vmem>>)
      %dma_wait3A_351 = arith.constant 0 : i32
      %dma_wait3A_352 = arith.constant 0 : i32
      %dma_wait3A_353 = arith.constant 0 : i32
      %dma_wait3A_354 = tpu.memref_slice %arg5[%dma_wait3A_351, %dma_wait3A_352, %dma_wait3A_353] : memref<50x32x16384xf32, #tpu.memory_space<hbm>> -> memref<1x32x128xf32, #tpu.memory_space<hbm>>
      %dma_wait3A_355 = tpu.memref_squeeze %dma_wait3A_354 : memref<1x32x128xf32, #tpu.memory_space<hbm>> -> memref<32x128xf32, #tpu.memory_space<hbm>>
      %dma_wait3A_356 = arith.constant 0 : i32
      %dma_wait3A_357 = arith.constant 0 : i32
      %dma_wait3A_358 = tpu.memref_slice %arg5[%dma_wait3A_351, %dma_wait3A_356, %dma_wait3A_357] : memref<50x32x16384xf32, #tpu.memory_space<hbm>> -> memref<1x32x128xf32, #tpu.memory_space<hbm>>
      %dma_wait3A_359 = tpu.memref_squeeze %dma_wait3A_358 : memref<1x32x128xf32, #tpu.memory_space<hbm>> -> memref<32x128xf32, #tpu.memory_space<hbm>>
      tpu.wait_dma2 semaphore(%arg32 : memref<!tpu.dma_semaphore, #tpu.memory_space<semaphore_mem>>) src(%arg20 : memref<32x128xf32, #tpu.memory_space<vmem>>) dst(%dma_wait3A_359 : memref<32x128xf32, #tpu.memory_space<hbm>>)
      %get3A_360 = arith.constant 0 : index
      %get3A_361 = tpu.vector_load %arg16[%get3A_360] {strides = array<i32>} : memref<128xi32, #tpu.memory_space<vmem>>, vector<16xi32>,
      %get3A_362 = arith.constant 16 : index
      %get3A_363 = tpu.vector_load %arg16[%get3A_362] {strides = array<i32>} : memref<128xi32, #tpu.memory_space<vmem>>, vector<16xi32>,
      %get3A_364 = arith.constant 32 : index
      %get3A_365 = tpu.vector_load %arg16[%get3A_364] {strides = array<i32>} : memref<128xi32, #tpu.memory_space<vmem>>, vector<16xi32>,
      %get3A_366 = arith.constant 48 : index
      %get3A_367 = tpu.vector_load %arg16[%get3A_366] {strides = array<i32>} : memref<128xi32, #tpu.memory_space<vmem>>, vector<16xi32>,
      %get3A_368 = arith.constant 64 : index
      %get3A_369 = tpu.vector_load %arg16[%get3A_368] {strides = array<i32>} : memref<128xi32, #tpu.memory_space<vmem>>, vector<16xi32>,
      %get3A_370 = arith.constant 80 : index
      %get3A_371 = tpu.vector_load %arg16[%get3A_370] {strides = array<i32>} : memref<128xi32, #tpu.memory_space<vmem>>, vector<16xi32>,
      %get3A_372 = arith.constant 96 : index
      %get3A_373 = tpu.vector_load %arg16[%get3A_372] {strides = array<i32>} : memref<128xi32, #tpu.memory_space<vmem>>, vector<16xi32>,
      %get3A_374 = arith.constant 112 : index
      %get3A_375 = tpu.vector_load %arg16[%get3A_374] {strides = array<i32>} : memref<128xi32, #tpu.memory_space<vmem>>, vector<16xi32>,
      %scan3A_376 = arith.constant 0 : i32
      %scan3A_377 = arith.constant 16 : i32
      %scan3A_378 = arith.addi %scan3A_376, %scan3A_377 : i32
      %scan3A_379 = arith.constant 1 : i32
      scf.for %scan3A_456 = %scan3A_376 to %scan3A_378 step %scan3A_379  : i32 {
        %mul3A_457 = arith.constant 2 : i32
        %mul3A_458 = arith.muli %mul3A_457, %scan3A_456 : i32
        %add3A_459 = arith.constant 0 : i32
        %add3A_460 = arith.addi %mul3A_458, %add3A_459 : i32
        %add3A_461 = vector.broadcast %add3A_460 : i32 to vector<16xi32>
        %add3A_462 = arith.addi %add3A_461, %iota3A : vector<16xi32>
        %and3A_463 = arith.constant 31 : i32
        %and3A_464 = vector.broadcast %and3A_463 : i32 to vector<16xi32>
        %and3A_465 = arith.andi %add3A_462, %and3A_464 : vector<16xi32>
        %add3A_466 = arith.constant 0 : i32
        %add3A_467 = vector.broadcast %add3A_466 : i32 to vector<16xi32>
        %add3A_468 = arith.addi %iota3A, %add3A_467 : vector<16xi32>
        %add3A_469 = arith.addi %get3A_361, %and3A_465 : vector<16xi32>
        %gather3A = tpu.vector_load_idx %arg18[%add3A_468, %add3A_469] : memref<128x128xf32, #tpu.memory_space<vmem>>[vector<16xi32>, vector<16xi32>], vector<16xf32>,
        tpu.vector_store_idx %arg20[%and3A_465, %add3A_468], %gather3A : memref<32x128xf32, #tpu.memory_space<vmem>>[vector<16xi32>, vector<16xi32>], vector<16xf32>,
        %add3A_470 = arith.constant 16 : i32
        %add3A_471 = vector.broadcast %add3A_470 : i32 to vector<16xi32>
        %add3A_472 = arith.addi %iota3A, %add3A_471 : vector<16xi32>
        %add3A_473 = arith.addi %get3A_363, %and3A_465 : vector<16xi32>
        %gather3A_474 = tpu.vector_load_idx %arg18[%add3A_472, %add3A_473] : memref<128x128xf32, #tpu.memory_space<vmem>>[vector<16xi32>, vector<16xi32>], vector<16xf32>,
        tpu.vector_store_idx %arg20[%and3A_465, %add3A_472], %gather3A_474 : memref<32x128xf32, #tpu.memory_space<vmem>>[vector<16xi32>, vector<16xi32>], vector<16xf32>,
        %add3A_475 = arith.constant 32 : i32
        %add3A_476 = vector.broadcast %add3A_475 : i32 to vector<16xi32>
        %add3A_477 = arith.addi %iota3A, %add3A_476 : vector<16xi32>
        %add3A_478 = arith.addi %get3A_365, %and3A_465 : vector<16xi32>
        %gather3A_479 = tpu.vector_load_idx %arg18[%add3A_477, %add3A_478] : memref<128x128xf32, #tpu.memory_space<vmem>>[vector<16xi32>, vector<16xi32>], vector<16xf32>,
        tpu.vector_store_idx %arg20[%and3A_465, %add3A_477], %gather3A_479 : memref<32x128xf32, #tpu.memory_space<vmem>>[vector<16xi32>, vector<16xi32>], vector<16xf32>,
        %add3A_480 = arith.constant 48 : i32
        %add3A_481 = vector.broadcast %add3A_480 : i32 to vector<16xi32>
        %add3A_482 = arith.addi %iota3A, %add3A_481 : vector<16xi32>
        %add3A_483 = arith.addi %get3A_367, %and3A_465 : vector<16xi32>
        %gather3A_484 = tpu.vector_load_idx %arg18[%add3A_482, %add3A_483] : memref<128x128xf32, #tpu.memory_space<vmem>>[vector<16xi32>, vector<16xi32>], vector<16xf32>,
        tpu.vector_store_idx %arg20[%and3A_465, %add3A_482], %gather3A_484 : memref<32x128xf32, #tpu.memory_space<vmem>>[vector<16xi32>, vector<16xi32>], vector<16xf32>,
        %add3A_485 = arith.constant 64 : i32
        %add3A_486 = vector.broadcast %add3A_485 : i32 to vector<16xi32>
        %add3A_487 = arith.addi %iota3A, %add3A_486 : vector<16xi32>
        %add3A_488 = arith.addi %get3A_369, %and3A_465 : vector<16xi32>
        %gather3A_489 = tpu.vector_load_idx %arg18[%add3A_487, %add3A_488] : memref<128x128xf32, #tpu.memory_space<vmem>>[vector<16xi32>, vector<16xi32>], vector<16xf32>,
        tpu.vector_store_idx %arg20[%and3A_465, %add3A_487], %gather3A_489 : memref<32x128xf32, #tpu.memory_space<vmem>>[vector<16xi32>, vector<16xi32>], vector<16xf32>,
        %add3A_490 = arith.constant 80 : i32
        %add3A_491 = vector.broadcast %add3A_490 : i32 to vector<16xi32>
        %add3A_492 = arith.addi %iota3A, %add3A_491 : vector<16xi32>
        %add3A_493 = arith.addi %get3A_371, %and3A_465 : vector<16xi32>
        %gather3A_494 = tpu.vector_load_idx %arg18[%add3A_492, %add3A_493] : memref<128x128xf32, #tpu.memory_space<vmem>>[vector<16xi32>, vector<16xi32>], vector<16xf32>,
        tpu.vector_store_idx %arg20[%and3A_465, %add3A_492], %gather3A_494 : memref<32x128xf32, #tpu.memory_space<vmem>>[vector<16xi32>, vector<16xi32>], vector<16xf32>,
        %add3A_495 = arith.constant 96 : i32
        %add3A_496 = vector.broadcast %add3A_495 : i32 to vector<16xi32>
        %add3A_497 = arith.addi %iota3A, %add3A_496 : vector<16xi32>
        %add3A_498 = arith.addi %get3A_373, %and3A_465 : vector<16xi32>
        %gather3A_499 = tpu.vector_load_idx %arg18[%add3A_497, %add3A_498] : memref<128x128xf32, #tpu.memory_space<vmem>>[vector<16xi32>, vector<16xi32>], vector<16xf32>,
        tpu.vector_store_idx %arg20[%and3A_465, %add3A_497], %gather3A_499 : memref<32x128xf32, #tpu.memory_space<vmem>>[vector<16xi32>, vector<16xi32>], vector<16xf32>,
        %add3A_500 = arith.constant 112 : i32
        %add3A_501 = vector.broadcast %add3A_500 : i32 to vector<16xi32>
        %add3A_502 = arith.addi %iota3A, %add3A_501 : vector<16xi32>
        %add3A_503 = arith.addi %get3A_375, %and3A_465 : vector<16xi32>
        %gather3A_504 = tpu.vector_load_idx %arg18[%add3A_502, %add3A_503] : memref<128x128xf32, #tpu.memory_space<vmem>>[vector<16xi32>, vector<16xi32>], vector<16xf32>,
        tpu.vector_store_idx %arg20[%and3A_465, %add3A_502], %gather3A_504 : memref<32x128xf32, #tpu.memory_space<vmem>>[vector<16xi32>, vector<16xi32>], vector<16xf32>,
        %mul3A_505 = arith.constant 2 : i32
        %mul3A_506 = arith.muli %mul3A_505, %scan3A_456 : i32
        %add3A_507 = arith.constant 1 : i32
        %add3A_508 = arith.addi %mul3A_506, %add3A_507 : i32
        %add3A_509 = vector.broadcast %add3A_508 : i32 to vector<16xi32>
        %add3A_510 = arith.addi %add3A_509, %iota3A : vector<16xi32>
        %and3A_511 = arith.constant 31 : i32
        %and3A_512 = vector.broadcast %and3A_511 : i32 to vector<16xi32>
        %and3A_513 = arith.andi %add3A_510, %and3A_512 : vector<16xi32>
        %add3A_514 = arith.constant 0 : i32
        %add3A_515 = vector.broadcast %add3A_514 : i32 to vector<16xi32>
        %add3A_516 = arith.addi %iota3A, %add3A_515 : vector<16xi32>
        %add3A_517 = arith.addi %get3A_361, %and3A_513 : vector<16xi32>
        %gather3A_518 = tpu.vector_load_idx %arg18[%add3A_516, %add3A_517] : memref<128x128xf32, #tpu.memory_space<vmem>>[vector<16xi32>, vector<16xi32>], vector<16xf32>,
        tpu.vector_store_idx %arg20[%and3A_513, %add3A_516], %gather3A_518 : memref<32x128xf32, #tpu.memory_space<vmem>>[vector<16xi32>, vector<16xi32>], vector<16xf32>,
        %add3A_519 = arith.constant 16 : i32
        %add3A_520 = vector.broadcast %add3A_519 : i32 to vector<16xi32>
        %add3A_521 = arith.addi %iota3A, %add3A_520 : vector<16xi32>
        %add3A_522 = arith.addi %get3A_363, %and3A_513 : vector<16xi32>
        %gather3A_523 = tpu.vector_load_idx %arg18[%add3A_521, %add3A_522] : memref<128x128xf32, #tpu.memory_space<vmem>>[vector<16xi32>, vector<16xi32>], vector<16xf32>,
        tpu.vector_store_idx %arg20[%and3A_513, %add3A_521], %gather3A_523 : memref<32x128xf32, #tpu.memory_space<vmem>>[vector<16xi32>, vector<16xi32>], vector<16xf32>,
        %add3A_524 = arith.constant 32 : i32
        %add3A_525 = vector.broadcast %add3A_524 : i32 to vector<16xi32>
        %add3A_526 = arith.addi %iota3A, %add3A_525 : vector<16xi32>
        %add3A_527 = arith.addi %get3A_365, %and3A_513 : vector<16xi32>
        %gather3A_528 = tpu.vector_load_idx %arg18[%add3A_526, %add3A_527] : memref<128x128xf32, #tpu.memory_space<vmem>>[vector<16xi32>, vector<16xi32>], vector<16xf32>,
        tpu.vector_store_idx %arg20[%and3A_513, %add3A_526], %gather3A_528 : memref<32x128xf32, #tpu.memory_space<vmem>>[vector<16xi32>, vector<16xi32>], vector<16xf32>,
        %add3A_529 = arith.constant 48 : i32
        %add3A_530 = vector.broadcast %add3A_529 : i32 to vector<16xi32>
        %add3A_531 = arith.addi %iota3A, %add3A_530 : vector<16xi32>
        %add3A_532 = arith.addi %get3A_367, %and3A_513 : vector<16xi32>
        %gather3A_533 = tpu.vector_load_idx %arg18[%add3A_531, %add3A_532] : memref<128x128xf32, #tpu.memory_space<vmem>>[vector<16xi32>, vector<16xi32>], vector<16xf32>,
        tpu.vector_store_idx %arg20[%and3A_513, %add3A_531], %gather3A_533 : memref<32x128xf32, #tpu.memory_space<vmem>>[vector<16xi32>, vector<16xi32>], vector<16xf32>,
        %add3A_534 = arith.constant 64 : i32
        %add3A_535 = vector.broadcast %add3A_534 : i32 to vector<16xi32>
        %add3A_536 = arith.addi %iota3A, %add3A_535 : vector<16xi32>
        %add3A_537 = arith.addi %get3A_369, %and3A_513 : vector<16xi32>
        %gather3A_538 = tpu.vector_load_idx %arg18[%add3A_536, %add3A_537] : memref<128x128xf32, #tpu.memory_space<vmem>>[vector<16xi32>, vector<16xi32>], vector<16xf32>,
        tpu.vector_store_idx %arg20[%and3A_513, %add3A_536], %gather3A_538 : memref<32x128xf32, #tpu.memory_space<vmem>>[vector<16xi32>, vector<16xi32>], vector<16xf32>,
        %add3A_539 = arith.constant 80 : i32
        %add3A_540 = vector.broadcast %add3A_539 : i32 to vector<16xi32>
        %add3A_541 = arith.addi %iota3A, %add3A_540 : vector<16xi32>
        %add3A_542 = arith.addi %get3A_371, %and3A_513 : vector<16xi32>
        %gather3A_543 = tpu.vector_load_idx %arg18[%add3A_541, %add3A_542] : memref<128x128xf32, #tpu.memory_space<vmem>>[vector<16xi32>, vector<16xi32>], vector<16xf32>,
        tpu.vector_store_idx %arg20[%and3A_513, %add3A_541], %gather3A_543 : memref<32x128xf32, #tpu.memory_space<vmem>>[vector<16xi32>, vector<16xi32>], vector<16xf32>,
        %add3A_544 = arith.constant 96 : i32
        %add3A_545 = vector.broadcast %add3A_544 : i32 to vector<16xi32>
        %add3A_546 = arith.addi %iota3A, %add3A_545 : vector<16xi32>
        %add3A_547 = arith.addi %get3A_373, %and3A_513 : vector<16xi32>
        %gather3A_548 = tpu.vector_load_idx %arg18[%add3A_546, %add3A_547] : memref<128x128xf32, #tpu.memory_space<vmem>>[vector<16xi32>, vector<16xi32>], vector<16xf32>,
        tpu.vector_store_idx %arg20[%and3A_513, %add3A_546], %gather3A_548 : memref<32x128xf32, #tpu.memory_space<vmem>>[vector<16xi32>, vector<16xi32>], vector<16xf32>,
        %add3A_549 = arith.constant 112 : i32
        %add3A_550 = vector.broadcast %add3A_549 : i32 to vector<16xi32>
        %add3A_551 = arith.addi %iota3A, %add3A_550 : vector<16xi32>
        %add3A_552 = arith.addi %get3A_375, %and3A_513 : vector<16xi32>
        %gather3A_553 = tpu.vector_load_idx %arg18[%add3A_551, %add3A_552] : memref<128x128xf32, #tpu.memory_space<vmem>>[vector<16xi32>, vector<16xi32>], vector<16xf32>,
        tpu.vector_store_idx %arg20[%and3A_513, %add3A_551], %gather3A_553 : memref<32x128xf32, #tpu.memory_space<vmem>>[vector<16xi32>, vector<16xi32>], vector<16xf32>,
      }
      %scan3A_380 = arith.constant 16 : i32
      %mul3A_381 = arith.constant 32 : i32
      %mul3A_382 = arith.muli %add3A_337, %mul3A_381 : i32
      %add3A_383 = arith.addi %add3A, %mul3A_382 : i32
      %shift_right_logical3A_384 = arith.constant 7 : i32
      %shift_right_logical3A_385 = arith.shrui %add3A_383, %shift_right_logical3A_384 : i32
      %and3A_386 = arith.constant 127 : i32
      %and3A_387 = arith.andi %add3A_383, %and3A_386 : i32
      %mul3A_388 = arith.constant 128 : i32
      %mul3A_389 = arith.muli %and3A_387, %mul3A_388 : i32
      %dma_start3A_390 = arith.constant 0 : i32
      %dma_start3A_391 = tpu.memref_slice %arg5[%shift_right_logical3A_385, %dma_start3A_390, %mul3A_389] : memref<50x32x16384xf32, #tpu.memory_space<hbm>> -> memref<1x32x128xf32, #tpu.memory_space<hbm>>
      %dma_start3A_392 = tpu.memref_squeeze %dma_start3A_391 : memref<1x32x128xf32, #tpu.memory_space<hbm>> -> memref<32x128xf32, #tpu.memory_space<hbm>>
      %dma_start3A_393 = arith.constant 0 : i32
      %dma_start3A_394 = tpu.memref_slice %arg5[%shift_right_logical3A_385, %dma_start3A_393, %mul3A_389] : memref<50x32x16384xf32, #tpu.memory_space<hbm>> -> memref<1x32x128xf32, #tpu.memory_space<hbm>>
      %dma_start3A_395 = tpu.memref_squeeze %dma_start3A_394 : memref<1x32x128xf32, #tpu.memory_space<hbm>> -> memref<32x128xf32, #tpu.memory_space<hbm>>
      tpu.enqueue_dma source(%arg20 : memref<32x128xf32, #tpu.memory_space<vmem>>) target(%dma_start3A_395 : memref<32x128xf32, #tpu.memory_space<hbm>>) target_semaphore(%arg32 : memref<!tpu.dma_semaphore, #tpu.memory_space<semaphore_mem>>)
      %add3A_396 = arith.constant 1 : i32
      %add3A_397 = arith.addi %add3A_337, %add3A_396 : i32
      %add3A_398 = arith.constant 1 : i32
      %add3A_399 = arith.addi %add3A_397, %add3A_398 : i32
      %lt3A_400 = arith.constant 200 : i32
      %lt3A_401 = arith.cmpi slt, %add3A_399, %lt3A_400 : i32
      %convert_element_type3A_402 = arith.extui %lt3A_401 : i1 to i32
      %cond3A_403 = arith.constant 0 : i32
      %cond3A_404 = arith.cmpi ne, %convert_element_type3A_402, %cond3A_403 : i32
      scf.if %cond3A_404 {
        %dma_wait3A_456 = arith.constant 0 : i32
        %dma_wait3A_457 = tpu.memref_slice %arg4[%dma_wait3A_456] : memref<819200xi32, #tpu.memory_space<hbm>> -> memref<128xi32, #tpu.memory_space<hbm>>
        %dma_wait3A_458 = arith.constant 0 : i32
        %dma_wait3A_459 = tpu.memref_slice %arg4[%dma_wait3A_458] : memref<819200xi32, #tpu.memory_space<hbm>> -> memref<128xi32, #tpu.memory_space<hbm>>
        tpu.wait_dma2 semaphore(%arg28 : memref<!tpu.dma_semaphore, #tpu.memory_space<semaphore_mem>>) src(%dma_wait3A_459 : memref<128xi32, #tpu.memory_space<hbm>>) dst(%arg12 : memref<128xi32, #tpu.memory_space<vmem>>)
        %get3A_460 = arith.constant 0 : index
        %get3A_461 = tpu.vector_load %arg12[%get3A_460] {strides = array<i32>} : memref<128xi32, #tpu.memory_space<vmem>>, vector<16xi32>,
        %shift_right_logical3A_462 = arith.constant 2 : i32
        %shift_right_logical3A_463 = vector.broadcast %shift_right_logical3A_462 : i32 to vector<16xi32>
        %shift_right_logical3A_464 = arith.shrui %get3A_461, %shift_right_logical3A_463 : vector<16xi32>
        %swap3A_465 = arith.constant 0 : index
        %swap3A_466 = tpu.vector_load %arg14[%swap3A_465] {strides = array<i32>} : memref<128xi32, #tpu.memory_space<vmem>>, vector<16xi32>,
        tpu.vector_store %arg14[%swap3A_465], %shift_right_logical3A_464 {strides = array<i32>} : memref<128xi32, #tpu.memory_space<vmem>>, vector<16xi32>,
        %and3A_467 = arith.constant 3 : i32
        %and3A_468 = vector.broadcast %and3A_467 : i32 to vector<16xi32>
        %and3A_469 = arith.andi %get3A_461, %and3A_468 : vector<16xi32>
        %shift_left3A_470 = arith.constant 5 : i32
        %shift_left3A_471 = vector.broadcast %shift_left3A_470 : i32 to vector<16xi32>
        %shift_left3A_472 = arith.shli %and3A_469, %shift_left3A_471 : vector<16xi32>
        %swap3A_473 = arith.constant 0 : index
        %swap3A_474 = tpu.vector_load %arg16[%swap3A_473] {strides = array<i32>} : memref<128xi32, #tpu.memory_space<vmem>>, vector<16xi32>,
        tpu.vector_store %arg16[%swap3A_473], %shift_left3A_472 {strides = array<i32>} : memref<128xi32, #tpu.memory_space<vmem>>, vector<16xi32>,
        %get3A_475 = arith.constant 16 : index
        %get3A_476 = tpu.vector_load %arg12[%get3A_475] {strides = array<i32>} : memref<128xi32, #tpu.memory_space<vmem>>, vector<16xi32>,
        %shift_right_logical3A_477 = arith.constant 2 : i32
        %shift_right_logical3A_478 = vector.broadcast %shift_right_logical3A_477 : i32 to vector<16xi32>
        %shift_right_logical3A_479 = arith.shrui %get3A_476, %shift_right_logical3A_478 : vector<16xi32>
        %swap3A_480 = arith.constant 16 : index
        %swap3A_481 = tpu.vector_load %arg14[%swap3A_480] {strides = array<i32>} : memref<128xi32, #tpu.memory_space<vmem>>, vector<16xi32>,
        tpu.vector_store %arg14[%swap3A_480], %shift_right_logical3A_479 {strides = array<i32>} : memref<128xi32, #tpu.memory_space<vmem>>, vector<16xi32>,
        %and3A_482 = arith.constant 3 : i32
        %and3A_483 = vector.broadcast %and3A_482 : i32 to vector<16xi32>
        %and3A_484 = arith.andi %get3A_476, %and3A_483 : vector<16xi32>
        %shift_left3A_485 = arith.constant 5 : i32
        %shift_left3A_486 = vector.broadcast %shift_left3A_485 : i32 to vector<16xi32>
        %shift_left3A_487 = arith.shli %and3A_484, %shift_left3A_486 : vector<16xi32>
        %swap3A_488 = arith.constant 16 : index
        %swap3A_489 = tpu.vector_load %arg16[%swap3A_488] {strides = array<i32>} : memref<128xi32, #tpu.memory_space<vmem>>, vector<16xi32>,
        tpu.vector_store %arg16[%swap3A_488], %shift_left3A_487 {strides = array<i32>} : memref<128xi32, #tpu.memory_space<vmem>>, vector<16xi32>,
        %get3A_490 = arith.constant 32 : index
        %get3A_491 = tpu.vector_load %arg12[%get3A_490] {strides = array<i32>} : memref<128xi32, #tpu.memory_space<vmem>>, vector<16xi32>,
        %shift_right_logical3A_492 = arith.constant 2 : i32
        %shift_right_logical3A_493 = vector.broadcast %shift_right_logical3A_492 : i32 to vector<16xi32>
        %shift_right_logical3A_494 = arith.shrui %get3A_491, %shift_right_logical3A_493 : vector<16xi32>
        %swap3A_495 = arith.constant 32 : index
        %swap3A_496 = tpu.vector_load %arg14[%swap3A_495] {strides = array<i32>} : memref<128xi32, #tpu.memory_space<vmem>>, vector<16xi32>,
        tpu.vector_store %arg14[%swap3A_495], %shift_right_logical3A_494 {strides = array<i32>} : memref<128xi32, #tpu.memory_space<vmem>>, vector<16xi32>,
        %and3A_497 = arith.constant 3 : i32
        %and3A_498 = vector.broadcast %and3A_497 : i32 to vector<16xi32>
        %and3A_499 = arith.andi %get3A_491, %and3A_498 : vector<16xi32>
        %shift_left3A_500 = arith.constant 5 : i32
        %shift_left3A_501 = vector.broadcast %shift_left3A_500 : i32 to vector<16xi32>
        %shift_left3A_502 = arith.shli %and3A_499, %shift_left3A_501 : vector<16xi32>
        %swap3A_503 = arith.constant 32 : index
        %swap3A_504 = tpu.vector_load %arg16[%swap3A_503] {strides = array<i32>} : memref<128xi32, #tpu.memory_space<vmem>>, vector<16xi32>,
        tpu.vector_store %arg16[%swap3A_503], %shift_left3A_502 {strides = array<i32>} : memref<128xi32, #tpu.memory_space<vmem>>, vector<16xi32>,
        %get3A_505 = arith.constant 48 : index
        %get3A_506 = tpu.vector_load %arg12[%get3A_505] {strides = array<i32>} : memref<128xi32, #tpu.memory_space<vmem>>, vector<16xi32>,
        %shift_right_logical3A_507 = arith.constant 2 : i32
        %shift_right_logical3A_508 = vector.broadcast %shift_right_logical3A_507 : i32 to vector<16xi32>
        %shift_right_logical3A_509 = arith.shrui %get3A_506, %shift_right_logical3A_508 : vector<16xi32>
        %swap3A_510 = arith.constant 48 : index
        %swap3A_511 = tpu.vector_load %arg14[%swap3A_510] {strides = array<i32>} : memref<128xi32, #tpu.memory_space<vmem>>, vector<16xi32>,
        tpu.vector_store %arg14[%swap3A_510], %shift_right_logical3A_509 {strides = array<i32>} : memref<128xi32, #tpu.memory_space<vmem>>, vector<16xi32>,
        %and3A_512 = arith.constant 3 : i32
        %and3A_513 = vector.broadcast %and3A_512 : i32 to vector<16xi32>
        %and3A_514 = arith.andi %get3A_506, %and3A_513 : vector<16xi32>
        %shift_left3A_515 = arith.constant 5 : i32
        %shift_left3A_516 = vector.broadcast %shift_left3A_515 : i32 to vector<16xi32>
        %shift_left3A_517 = arith.shli %and3A_514, %shift_left3A_516 : vector<16xi32>
        %swap3A_518 = arith.constant 48 : index
        %swap3A_519 = tpu.vector_load %arg16[%swap3A_518] {strides = array<i32>} : memref<128xi32, #tpu.memory_space<vmem>>, vector<16xi32>,
        tpu.vector_store %arg16[%swap3A_518], %shift_left3A_517 {strides = array<i32>} : memref<128xi32, #tpu.memory_space<vmem>>, vector<16xi32>,
        %get3A_520 = arith.constant 64 : index
        %get3A_521 = tpu.vector_load %arg12[%get3A_520] {strides = array<i32>} : memref<128xi32, #tpu.memory_space<vmem>>, vector<16xi32>,
        %shift_right_logical3A_522 = arith.constant 2 : i32
        %shift_right_logical3A_523 = vector.broadcast %shift_right_logical3A_522 : i32 to vector<16xi32>
        %shift_right_logical3A_524 = arith.shrui %get3A_521, %shift_right_logical3A_523 : vector<16xi32>
        %swap3A_525 = arith.constant 64 : index
        %swap3A_526 = tpu.vector_load %arg14[%swap3A_525] {strides = array<i32>} : memref<128xi32, #tpu.memory_space<vmem>>, vector<16xi32>,
        tpu.vector_store %arg14[%swap3A_525], %shift_right_logical3A_524 {strides = array<i32>} : memref<128xi32, #tpu.memory_space<vmem>>, vector<16xi32>,
        %and3A_527 = arith.constant 3 : i32
        %and3A_528 = vector.broadcast %and3A_527 : i32 to vector<16xi32>
        %and3A_529 = arith.andi %get3A_521, %and3A_528 : vector<16xi32>
        %shift_left3A_530 = arith.constant 5 : i32
        %shift_left3A_531 = vector.broadcast %shift_left3A_530 : i32 to vector<16xi32>
        %shift_left3A_532 = arith.shli %and3A_529, %shift_left3A_531 : vector<16xi32>
        %swap3A_533 = arith.constant 64 : index
        %swap3A_534 = tpu.vector_load %arg16[%swap3A_533] {strides = array<i32>} : memref<128xi32, #tpu.memory_space<vmem>>, vector<16xi32>,
        tpu.vector_store %arg16[%swap3A_533], %shift_left3A_532 {strides = array<i32>} : memref<128xi32, #tpu.memory_space<vmem>>, vector<16xi32>,
        %get3A_535 = arith.constant 80 : index
        %get3A_536 = tpu.vector_load %arg12[%get3A_535] {strides = array<i32>} : memref<128xi32, #tpu.memory_space<vmem>>, vector<16xi32>,
        %shift_right_logical3A_537 = arith.constant 2 : i32
        %shift_right_logical3A_538 = vector.broadcast %shift_right_logical3A_537 : i32 to vector<16xi32>
        %shift_right_logical3A_539 = arith.shrui %get3A_536, %shift_right_logical3A_538 : vector<16xi32>
        %swap3A_540 = arith.constant 80 : index
        %swap3A_541 = tpu.vector_load %arg14[%swap3A_540] {strides = array<i32>} : memref<128xi32, #tpu.memory_space<vmem>>, vector<16xi32>,
        tpu.vector_store %arg14[%swap3A_540], %shift_right_logical3A_539 {strides = array<i32>} : memref<128xi32, #tpu.memory_space<vmem>>, vector<16xi32>,
        %and3A_542 = arith.constant 3 : i32
        %and3A_543 = vector.broadcast %and3A_542 : i32 to vector<16xi32>
        %and3A_544 = arith.andi %get3A_536, %and3A_543 : vector<16xi32>
        %shift_left3A_545 = arith.constant 5 : i32
        %shift_left3A_546 = vector.broadcast %shift_left3A_545 : i32 to vector<16xi32>
        %shift_left3A_547 = arith.shli %and3A_544, %shift_left3A_546 : vector<16xi32>
        %swap3A_548 = arith.constant 80 : index
        %swap3A_549 = tpu.vector_load %arg16[%swap3A_548] {strides = array<i32>} : memref<128xi32, #tpu.memory_space<vmem>>, vector<16xi32>,
        tpu.vector_store %arg16[%swap3A_548], %shift_left3A_547 {strides = array<i32>} : memref<128xi32, #tpu.memory_space<vmem>>, vector<16xi32>,
        %get3A_550 = arith.constant 96 : index
        %get3A_551 = tpu.vector_load %arg12[%get3A_550] {strides = array<i32>} : memref<128xi32, #tpu.memory_space<vmem>>, vector<16xi32>,
        %shift_right_logical3A_552 = arith.constant 2 : i32
        %shift_right_logical3A_553 = vector.broadcast %shift_right_logical3A_552 : i32 to vector<16xi32>
        %shift_right_logical3A_554 = arith.shrui %get3A_551, %shift_right_logical3A_553 : vector<16xi32>
        %swap3A_555 = arith.constant 96 : index
        %swap3A_556 = tpu.vector_load %arg14[%swap3A_555] {strides = array<i32>} : memref<128xi32, #tpu.memory_space<vmem>>, vector<16xi32>,
        tpu.vector_store %arg14[%swap3A_555], %shift_right_logical3A_554 {strides = array<i32>} : memref<128xi32, #tpu.memory_space<vmem>>, vector<16xi32>,
        %and3A_557 = arith.constant 3 : i32
        %and3A_558 = vector.broadcast %and3A_557 : i32 to vector<16xi32>
        %and3A_559 = arith.andi %get3A_551, %and3A_558 : vector<16xi32>
        %shift_left3A_560 = arith.constant 5 : i32
        %shift_left3A_561 = vector.broadcast %shift_left3A_560 : i32 to vector<16xi32>
        %shift_left3A_562 = arith.shli %and3A_559, %shift_left3A_561 : vector<16xi32>
        %swap3A_563 = arith.constant 96 : index
        %swap3A_564 = tpu.vector_load %arg16[%swap3A_563] {strides = array<i32>} : memref<128xi32, #tpu.memory_space<vmem>>, vector<16xi32>,
        tpu.vector_store %arg16[%swap3A_563], %shift_left3A_562 {strides = array<i32>} : memref<128xi32, #tpu.memory_space<vmem>>, vector<16xi32>,
        %get3A_565 = arith.constant 112 : index
        %get3A_566 = tpu.vector_load %arg12[%get3A_565] {strides = array<i32>} : memref<128xi32, #tpu.memory_space<vmem>>, vector<16xi32>,
        %shift_right_logical3A_567 = arith.constant 2 : i32
        %shift_right_logical3A_568 = vector.broadcast %shift_right_logical3A_567 : i32 to vector<16xi32>
        %shift_right_logical3A_569 = arith.shrui %get3A_566, %shift_right_logical3A_568 : vector<16xi32>
        %swap3A_570 = arith.constant 112 : index
        %swap3A_571 = tpu.vector_load %arg14[%swap3A_570] {strides = array<i32>} : memref<128xi32, #tpu.memory_space<vmem>>, vector<16xi32>,
        tpu.vector_store %arg14[%swap3A_570], %shift_right_logical3A_569 {strides = array<i32>} : memref<128xi32, #tpu.memory_space<vmem>>, vector<16xi32>,
        %and3A_572 = arith.constant 3 : i32
        %and3A_573 = vector.broadcast %and3A_572 : i32 to vector<16xi32>
        %and3A_574 = arith.andi %get3A_566, %and3A_573 : vector<16xi32>
        %shift_left3A_575 = arith.constant 5 : i32
        %shift_left3A_576 = vector.broadcast %shift_left3A_575 : i32 to vector<16xi32>
        %shift_left3A_577 = arith.shli %and3A_574, %shift_left3A_576 : vector<16xi32>
        %swap3A_578 = arith.constant 112 : index
        %swap3A_579 = tpu.vector_load %arg16[%swap3A_578] {strides = array<i32>} : memref<128xi32, #tpu.memory_space<vmem>>, vector<16xi32>,
        tpu.vector_store %arg16[%swap3A_578], %shift_left3A_577 {strides = array<i32>} : memref<128xi32, #tpu.memory_space<vmem>>, vector<16xi32>,
        %dma_start3A_580 = arith.constant 0 : i32
        %dma_start3A_581 = arith.constant 0 : i32
        %dma_start3A_582 = tpu.memref_slice %arg6[%dma_start3A_580, %dma_start3A_581] : memref<250000x128xf32, #tpu.memory_space<hbm>> -> memref<250000x128xf32, #tpu.memory_space<hbm>>
        tpu.enqueue_indirect_dma source(%dma_start3A_582 : memref<250000x128xf32, #tpu.memory_space<hbm>>) target(%arg18 : memref<128x128xf32, #tpu.memory_space<vmem>>) offsets(%arg14 : memref<128xi32, #tpu.memory_space<vmem>>) semaphore(%arg30 : memref<!tpu.dma_semaphore, #tpu.memory_space<semaphore_mem>>)
        %add3A_583 = arith.constant 2 : i32
        %add3A_584 = arith.addi %add3A_397, %add3A_583 : i32
        %lt3A_585 = arith.constant 200 : i32
        %lt3A_586 = arith.cmpi slt, %add3A_584, %lt3A_585 : i32
        %convert_element_type3A_587 = arith.extui %lt3A_586 : i1 to i32
        %cond3A_588 = arith.constant 0 : i32
        %cond3A_589 = arith.cmpi ne, %convert_element_type3A_587, %cond3A_588 : i32
        scf.if %cond3A_589 {
          %add3A_590 = arith.constant 2 : i32
          %add3A_591 = arith.addi %add3A_397, %add3A_590 : i32
          %mul3A_592 = arith.constant 32 : i32
          %mul3A_593 = arith.muli %add3A_591, %mul3A_592 : i32
          %add3A_594 = arith.addi %add3A, %mul3A_593 : i32
          %shift_right_logical3A_595 = arith.constant 7 : i32
          %shift_right_logical3A_596 = arith.shrui %add3A_594, %shift_right_logical3A_595 : i32
          %and3A_597 = arith.constant 127 : i32
          %and3A_598 = arith.andi %add3A_594, %and3A_597 : i32
          %mul3A_599 = arith.constant 16384 : i32
          %mul3A_600 = arith.muli %shift_right_logical3A_596, %mul3A_599 : i32
          %mul3A_601 = arith.constant 128 : i32
          %mul3A_602 = arith.muli %and3A_598, %mul3A_601 : i32
          %add3A_603 = arith.addi %mul3A_600, %mul3A_602 : i32
          %dma_start3A_604 = tpu.memref_slice %arg4[%add3A_603] : memref<819200xi32, #tpu.memory_space<hbm>> -> memref<128xi32, #tpu.memory_space<hbm>>
          %dma_start3A_605 = tpu.memref_slice %arg4[%add3A_603] : memref<819200xi32, #tpu.memory_space<hbm>> -> memref<128xi32, #tpu.memory_space<hbm>>
          tpu.enqueue_dma source(%dma_start3A_605 : memref<128xi32, #tpu.memory_space<hbm>>) target(%arg13 : memref<128xi32, #tpu.memory_space<vmem>>) target_semaphore(%arg29 : memref<!tpu.dma_semaphore, #tpu.memory_space<semaphore_mem>>)
        } else {
        }
      } else {
      }
      %dma_wait3A_405 = arith.constant 0 : i32
      %dma_wait3A_406 = arith.constant 0 : i32
      %dma_wait3A_407 = tpu.memref_slice %arg6[%dma_wait3A_405, %dma_wait3A_406] : memref<250000x128xf32, #tpu.memory_space<hbm>> -> memref<128x128xf32, #tpu.memory_space<hbm>>
      %dma_wait3A_408 = arith.constant 0 : i32
      %dma_wait3A_409 = arith.constant 0 : i32
      %dma_wait3A_410 = tpu.memref_slice %arg6[%dma_wait3A_408, %dma_wait3A_409] : memref<250000x128xf32, #tpu.memory_space<hbm>> -> memref<128x128xf32, #tpu.memory_space<hbm>>
      tpu.wait_dma2 semaphore(%arg31 : memref<!tpu.dma_semaphore, #tpu.memory_space<semaphore_mem>>) src(%dma_wait3A_410 : memref<128x128xf32, #tpu.memory_space<hbm>>) dst(%arg19 : memref<128x128xf32, #tpu.memory_space<vmem>>)
      %dma_wait3A_411 = arith.constant 0 : i32
      %dma_wait3A_412 = arith.constant 0 : i32
      %dma_wait3A_413 = arith.constant 0 : i32
      %dma_wait3A_414 = tpu.memref_slice %arg5[%dma_wait3A_411, %dma_wait3A_412, %dma_wait3A_413] : memref<50x32x16384xf32, #tpu.memory_space<hbm>> -> memref<1x32x128xf32, #tpu.memory_space<hbm>>
      %dma_wait3A_415 = tpu.memref_squeeze %dma_wait3A_414 : memref<1x32x128xf32, #tpu.memory_space<hbm>> -> memref<32x128xf32, #tpu.memory_space<hbm>>
      %dma_wait3A_416 = arith.constant 0 : i32
      %dma_wait3A_417 = arith.constant 0 : i32
      %dma_wait3A_418 = tpu.memref_slice %arg5[%dma_wait3A_411, %dma_wait3A_416, %dma_wait3A_417] : memref<50x32x16384xf32, #tpu.memory_space<hbm>> -> memref<1x32x128xf32, #tpu.memory_space<hbm>>
      %dma_wait3A_419 = tpu.memref_squeeze %dma_wait3A_418 : memref<1x32x128xf32, #tpu.memory_space<hbm>> -> memref<32x128xf32, #tpu.memory_space<hbm>>
      tpu.wait_dma2 semaphore(%arg33 : memref<!tpu.dma_semaphore, #tpu.memory_space<semaphore_mem>>) src(%arg21 : memref<32x128xf32, #tpu.memory_space<vmem>>) dst(%dma_wait3A_419 : memref<32x128xf32, #tpu.memory_space<hbm>>)
      %get3A_420 = arith.constant 0 : index
      %get3A_421 = tpu.vector_load %arg17[%get3A_420] {strides = array<i32>} : memref<128xi32, #tpu.memory_space<vmem>>, vector<16xi32>,
      %get3A_422 = arith.constant 16 : index
      %get3A_423 = tpu.vector_load %arg17[%get3A_422] {strides = array<i32>} : memref<128xi32, #tpu.memory_space<vmem>>, vector<16xi32>,
      %get3A_424 = arith.constant 32 : index
      %get3A_425 = tpu.vector_load %arg17[%get3A_424] {strides = array<i32>} : memref<128xi32, #tpu.memory_space<vmem>>, vector<16xi32>,
      %get3A_426 = arith.constant 48 : index
      %get3A_427 = tpu.vector_load %arg17[%get3A_426] {strides = array<i32>} : memref<128xi32, #tpu.memory_space<vmem>>, vector<16xi32>,
      %get3A_428 = arith.constant 64 : index
      %get3A_429 = tpu.vector_load %arg17[%get3A_428] {strides = array<i32>} : memref<128xi32, #tpu.memory_space<vmem>>, vector<16xi32>,
      %get3A_430 = arith.constant 80 : index
      %get3A_431 = tpu.vector_load %arg17[%get3A_430] {strides = array<i32>} : memref<128xi32, #tpu.memory_space<vmem>>, vector<16xi32>,
      %get3A_432 = arith.constant 96 : index
      %get3A_433 = tpu.vector_load %arg17[%get3A_432] {strides = array<i32>} : memref<128xi32, #tpu.memory_space<vmem>>, vector<16xi32>,
      %get3A_434 = arith.constant 112 : index
      %get3A_435 = tpu.vector_load %arg17[%get3A_434] {strides = array<i32>} : memref<128xi32, #tpu.memory_space<vmem>>, vector<16xi32>,
      %scan3A_436 = arith.constant 0 : i32
      %scan3A_437 = arith.constant 16 : i32
      %scan3A_438 = arith.addi %scan3A_436, %scan3A_437 : i32
      %scan3A_439 = arith.constant 1 : i32
      scf.for %scan3A_456 = %scan3A_436 to %scan3A_438 step %scan3A_439  : i32 {
        %mul3A_457 = arith.constant 2 : i32
        %mul3A_458 = arith.muli %mul3A_457, %scan3A_456 : i32
        %add3A_459 = arith.constant 0 : i32
        %add3A_460 = arith.addi %mul3A_458, %add3A_459 : i32
        %add3A_461 = vector.broadcast %add3A_460 : i32 to vector<16xi32>
        %add3A_462 = arith.addi %add3A_461, %iota3A : vector<16xi32>
        %and3A_463 = arith.constant 31 : i32
        %and3A_464 = vector.broadcast %and3A_463 : i32 to vector<16xi32>
        %and3A_465 = arith.andi %add3A_462, %and3A_464 : vector<16xi32>
        %add3A_466 = arith.constant 0 : i32
        %add3A_467 = vector.broadcast %add3A_466 : i32 to vector<16xi32>
        %add3A_468 = arith.addi %iota3A, %add3A_467 : vector<16xi32>
        %add3A_469 = arith.addi %get3A_421, %and3A_465 : vector<16xi32>
        %gather3A = tpu.vector_load_idx %arg19[%add3A_468, %add3A_469] : memref<128x128xf32, #tpu.memory_space<vmem>>[vector<16xi32>, vector<16xi32>], vector<16xf32>,
        tpu.vector_store_idx %arg21[%and3A_465, %add3A_468], %gather3A : memref<32x128xf32, #tpu.memory_space<vmem>>[vector<16xi32>, vector<16xi32>], vector<16xf32>,
        %add3A_470 = arith.constant 16 : i32
        %add3A_471 = vector.broadcast %add3A_470 : i32 to vector<16xi32>
        %add3A_472 = arith.addi %iota3A, %add3A_471 : vector<16xi32>
        %add3A_473 = arith.addi %get3A_423, %and3A_465 : vector<16xi32>
        %gather3A_474 = tpu.vector_load_idx %arg19[%add3A_472, %add3A_473] : memref<128x128xf32, #tpu.memory_space<vmem>>[vector<16xi32>, vector<16xi32>], vector<16xf32>,
        tpu.vector_store_idx %arg21[%and3A_465, %add3A_472], %gather3A_474 : memref<32x128xf32, #tpu.memory_space<vmem>>[vector<16xi32>, vector<16xi32>], vector<16xf32>,
        %add3A_475 = arith.constant 32 : i32
        %add3A_476 = vector.broadcast %add3A_475 : i32 to vector<16xi32>
        %add3A_477 = arith.addi %iota3A, %add3A_476 : vector<16xi32>
        %add3A_478 = arith.addi %get3A_425, %and3A_465 : vector<16xi32>
        %gather3A_479 = tpu.vector_load_idx %arg19[%add3A_477, %add3A_478] : memref<128x128xf32, #tpu.memory_space<vmem>>[vector<16xi32>, vector<16xi32>], vector<16xf32>,
        tpu.vector_store_idx %arg21[%and3A_465, %add3A_477], %gather3A_479 : memref<32x128xf32, #tpu.memory_space<vmem>>[vector<16xi32>, vector<16xi32>], vector<16xf32>,
        %add3A_480 = arith.constant 48 : i32
        %add3A_481 = vector.broadcast %add3A_480 : i32 to vector<16xi32>
        %add3A_482 = arith.addi %iota3A, %add3A_481 : vector<16xi32>
        %add3A_483 = arith.addi %get3A_427, %and3A_465 : vector<16xi32>
        %gather3A_484 = tpu.vector_load_idx %arg19[%add3A_482, %add3A_483] : memref<128x128xf32, #tpu.memory_space<vmem>>[vector<16xi32>, vector<16xi32>], vector<16xf32>,
        tpu.vector_store_idx %arg21[%and3A_465, %add3A_482], %gather3A_484 : memref<32x128xf32, #tpu.memory_space<vmem>>[vector<16xi32>, vector<16xi32>], vector<16xf32>,
        %add3A_485 = arith.constant 64 : i32
        %add3A_486 = vector.broadcast %add3A_485 : i32 to vector<16xi32>
        %add3A_487 = arith.addi %iota3A, %add3A_486 : vector<16xi32>
        %add3A_488 = arith.addi %get3A_429, %and3A_465 : vector<16xi32>
        %gather3A_489 = tpu.vector_load_idx %arg19[%add3A_487, %add3A_488] : memref<128x128xf32, #tpu.memory_space<vmem>>[vector<16xi32>, vector<16xi32>], vector<16xf32>,
        tpu.vector_store_idx %arg21[%and3A_465, %add3A_487], %gather3A_489 : memref<32x128xf32, #tpu.memory_space<vmem>>[vector<16xi32>, vector<16xi32>], vector<16xf32>,
        %add3A_490 = arith.constant 80 : i32
        %add3A_491 = vector.broadcast %add3A_490 : i32 to vector<16xi32>
        %add3A_492 = arith.addi %iota3A, %add3A_491 : vector<16xi32>
        %add3A_493 = arith.addi %get3A_431, %and3A_465 : vector<16xi32>
        %gather3A_494 = tpu.vector_load_idx %arg19[%add3A_492, %add3A_493] : memref<128x128xf32, #tpu.memory_space<vmem>>[vector<16xi32>, vector<16xi32>], vector<16xf32>,
        tpu.vector_store_idx %arg21[%and3A_465, %add3A_492], %gather3A_494 : memref<32x128xf32, #tpu.memory_space<vmem>>[vector<16xi32>, vector<16xi32>], vector<16xf32>,
        %add3A_495 = arith.constant 96 : i32
        %add3A_496 = vector.broadcast %add3A_495 : i32 to vector<16xi32>
        %add3A_497 = arith.addi %iota3A, %add3A_496 : vector<16xi32>
        %add3A_498 = arith.addi %get3A_433, %and3A_465 : vector<16xi32>
        %gather3A_499 = tpu.vector_load_idx %arg19[%add3A_497, %add3A_498] : memref<128x128xf32, #tpu.memory_space<vmem>>[vector<16xi32>, vector<16xi32>], vector<16xf32>,
        tpu.vector_store_idx %arg21[%and3A_465, %add3A_497], %gather3A_499 : memref<32x128xf32, #tpu.memory_space<vmem>>[vector<16xi32>, vector<16xi32>], vector<16xf32>,
        %add3A_500 = arith.constant 112 : i32
        %add3A_501 = vector.broadcast %add3A_500 : i32 to vector<16xi32>
        %add3A_502 = arith.addi %iota3A, %add3A_501 : vector<16xi32>
        %add3A_503 = arith.addi %get3A_435, %and3A_465 : vector<16xi32>
        %gather3A_504 = tpu.vector_load_idx %arg19[%add3A_502, %add3A_503] : memref<128x128xf32, #tpu.memory_space<vmem>>[vector<16xi32>, vector<16xi32>], vector<16xf32>,
        tpu.vector_store_idx %arg21[%and3A_465, %add3A_502], %gather3A_504 : memref<32x128xf32, #tpu.memory_space<vmem>>[vector<16xi32>, vector<16xi32>], vector<16xf32>,
        %mul3A_505 = arith.constant 2 : i32
        %mul3A_506 = arith.muli %mul3A_505, %scan3A_456 : i32
        %add3A_507 = arith.constant 1 : i32
        %add3A_508 = arith.addi %mul3A_506, %add3A_507 : i32
        %add3A_509 = vector.broadcast %add3A_508 : i32 to vector<16xi32>
        %add3A_510 = arith.addi %add3A_509, %iota3A : vector<16xi32>
        %and3A_511 = arith.constant 31 : i32
        %and3A_512 = vector.broadcast %and3A_511 : i32 to vector<16xi32>
        %and3A_513 = arith.andi %add3A_510, %and3A_512 : vector<16xi32>
        %add3A_514 = arith.constant 0 : i32
        %add3A_515 = vector.broadcast %add3A_514 : i32 to vector<16xi32>
        %add3A_516 = arith.addi %iota3A, %add3A_515 : vector<16xi32>
        %add3A_517 = arith.addi %get3A_421, %and3A_513 : vector<16xi32>
        %gather3A_518 = tpu.vector_load_idx %arg19[%add3A_516, %add3A_517] : memref<128x128xf32, #tpu.memory_space<vmem>>[vector<16xi32>, vector<16xi32>], vector<16xf32>,
        tpu.vector_store_idx %arg21[%and3A_513, %add3A_516], %gather3A_518 : memref<32x128xf32, #tpu.memory_space<vmem>>[vector<16xi32>, vector<16xi32>], vector<16xf32>,
        %add3A_519 = arith.constant 16 : i32
        %add3A_520 = vector.broadcast %add3A_519 : i32 to vector<16xi32>
        %add3A_521 = arith.addi %iota3A, %add3A_520 : vector<16xi32>
        %add3A_522 = arith.addi %get3A_423, %and3A_513 : vector<16xi32>
        %gather3A_523 = tpu.vector_load_idx %arg19[%add3A_521, %add3A_522] : memref<128x128xf32, #tpu.memory_space<vmem>>[vector<16xi32>, vector<16xi32>], vector<16xf32>,
        tpu.vector_store_idx %arg21[%and3A_513, %add3A_521], %gather3A_523 : memref<32x128xf32, #tpu.memory_space<vmem>>[vector<16xi32>, vector<16xi32>], vector<16xf32>,
        %add3A_524 = arith.constant 32 : i32
        %add3A_525 = vector.broadcast %add3A_524 : i32 to vector<16xi32>
        %add3A_526 = arith.addi %iota3A, %add3A_525 : vector<16xi32>
        %add3A_527 = arith.addi %get3A_425, %and3A_513 : vector<16xi32>
        %gather3A_528 = tpu.vector_load_idx %arg19[%add3A_526, %add3A_527] : memref<128x128xf32, #tpu.memory_space<vmem>>[vector<16xi32>, vector<16xi32>], vector<16xf32>,
        tpu.vector_store_idx %arg21[%and3A_513, %add3A_526], %gather3A_528 : memref<32x128xf32, #tpu.memory_space<vmem>>[vector<16xi32>, vector<16xi32>], vector<16xf32>,
        %add3A_529 = arith.constant 48 : i32
        %add3A_530 = vector.broadcast %add3A_529 : i32 to vector<16xi32>
        %add3A_531 = arith.addi %iota3A, %add3A_530 : vector<16xi32>
        %add3A_532 = arith.addi %get3A_427, %and3A_513 : vector<16xi32>
        %gather3A_533 = tpu.vector_load_idx %arg19[%add3A_531, %add3A_532] : memref<128x128xf32, #tpu.memory_space<vmem>>[vector<16xi32>, vector<16xi32>], vector<16xf32>,
        tpu.vector_store_idx %arg21[%and3A_513, %add3A_531], %gather3A_533 : memref<32x128xf32, #tpu.memory_space<vmem>>[vector<16xi32>, vector<16xi32>], vector<16xf32>,
        %add3A_534 = arith.constant 64 : i32
        %add3A_535 = vector.broadcast %add3A_534 : i32 to vector<16xi32>
        %add3A_536 = arith.addi %iota3A, %add3A_535 : vector<16xi32>
        %add3A_537 = arith.addi %get3A_429, %and3A_513 : vector<16xi32>
        %gather3A_538 = tpu.vector_load_idx %arg19[%add3A_536, %add3A_537] : memref<128x128xf32, #tpu.memory_space<vmem>>[vector<16xi32>, vector<16xi32>], vector<16xf32>,
        tpu.vector_store_idx %arg21[%and3A_513, %add3A_536], %gather3A_538 : memref<32x128xf32, #tpu.memory_space<vmem>>[vector<16xi32>, vector<16xi32>], vector<16xf32>,
        %add3A_539 = arith.constant 80 : i32
        %add3A_540 = vector.broadcast %add3A_539 : i32 to vector<16xi32>
        %add3A_541 = arith.addi %iota3A, %add3A_540 : vector<16xi32>
        %add3A_542 = arith.addi %get3A_431, %and3A_513 : vector<16xi32>
        %gather3A_543 = tpu.vector_load_idx %arg19[%add3A_541, %add3A_542] : memref<128x128xf32, #tpu.memory_space<vmem>>[vector<16xi32>, vector<16xi32>], vector<16xf32>,
        tpu.vector_store_idx %arg21[%and3A_513, %add3A_541], %gather3A_543 : memref<32x128xf32, #tpu.memory_space<vmem>>[vector<16xi32>, vector<16xi32>], vector<16xf32>,
        %add3A_544 = arith.constant 96 : i32
        %add3A_545 = vector.broadcast %add3A_544 : i32 to vector<16xi32>
        %add3A_546 = arith.addi %iota3A, %add3A_545 : vector<16xi32>
        %add3A_547 = arith.addi %get3A_433, %and3A_513 : vector<16xi32>
        %gather3A_548 = tpu.vector_load_idx %arg19[%add3A_546, %add3A_547] : memref<128x128xf32, #tpu.memory_space<vmem>>[vector<16xi32>, vector<16xi32>], vector<16xf32>,
        tpu.vector_store_idx %arg21[%and3A_513, %add3A_546], %gather3A_548 : memref<32x128xf32, #tpu.memory_space<vmem>>[vector<16xi32>, vector<16xi32>], vector<16xf32>,
        %add3A_549 = arith.constant 112 : i32
        %add3A_550 = vector.broadcast %add3A_549 : i32 to vector<16xi32>
        %add3A_551 = arith.addi %iota3A, %add3A_550 : vector<16xi32>
        %add3A_552 = arith.addi %get3A_435, %and3A_513 : vector<16xi32>
        %gather3A_553 = tpu.vector_load_idx %arg19[%add3A_551, %add3A_552] : memref<128x128xf32, #tpu.memory_space<vmem>>[vector<16xi32>, vector<16xi32>], vector<16xf32>,
        tpu.vector_store_idx %arg21[%and3A_513, %add3A_551], %gather3A_553 : memref<32x128xf32, #tpu.memory_space<vmem>>[vector<16xi32>, vector<16xi32>], vector<16xf32>,
      }
      %scan3A_440 = arith.constant 16 : i32
      %mul3A_441 = arith.constant 32 : i32
      %mul3A_442 = arith.muli %add3A_397, %mul3A_441 : i32
      %add3A_443 = arith.addi %add3A, %mul3A_442 : i32
      %shift_right_logical3A_444 = arith.constant 7 : i32
      %shift_right_logical3A_445 = arith.shrui %add3A_443, %shift_right_logical3A_444 : i32
      %and3A_446 = arith.constant 127 : i32
      %and3A_447 = arith.andi %add3A_443, %and3A_446 : i32
      %mul3A_448 = arith.constant 128 : i32
      %mul3A_449 = arith.muli %and3A_447, %mul3A_448 : i32
      %dma_start3A_450 = arith.constant 0 : i32
      %dma_start3A_451 = tpu.memref_slice %arg5[%shift_right_logical3A_445, %dma_start3A_450, %mul3A_449] : memref<50x32x16384xf32, #tpu.memory_space<hbm>> -> memref<1x32x128xf32, #tpu.memory_space<hbm>>
      %dma_start3A_452 = tpu.memref_squeeze %dma_start3A_451 : memref<1x32x128xf32, #tpu.memory_space<hbm>> -> memref<32x128xf32, #tpu.memory_space<hbm>>
      %dma_start3A_453 = arith.constant 0 : i32
      %dma_start3A_454 = tpu.memref_slice %arg5[%shift_right_logical3A_445, %dma_start3A_453, %mul3A_449] : memref<50x32x16384xf32, #tpu.memory_space<hbm>> -> memref<1x32x128xf32, #tpu.memory_space<hbm>>
      %dma_start3A_455 = tpu.memref_squeeze %dma_start3A_454 : memref<1x32x128xf32, #tpu.memory_space<hbm>> -> memref<32x128xf32, #tpu.memory_space<hbm>>
      tpu.enqueue_dma source(%arg21 : memref<32x128xf32, #tpu.memory_space<vmem>>) target(%dma_start3A_455 : memref<32x128xf32, #tpu.memory_space<hbm>>) target_semaphore(%arg33 : memref<!tpu.dma_semaphore, #tpu.memory_space<semaphore_mem>>)
    }
    %scan3A_314 = arith.constant 99 : i32
    %dma_wait3A_315 = arith.constant 0 : i32
    %dma_wait3A_316 = arith.constant 0 : i32
    %dma_wait3A_317 = arith.constant 0 : i32
    %dma_wait3A_318 = tpu.memref_slice %arg5[%dma_wait3A_315, %dma_wait3A_316, %dma_wait3A_317] : memref<50x32x16384xf32, #tpu.memory_space<hbm>> -> memref<1x32x128xf32, #tpu.memory_space<hbm>>
    %dma_wait3A_319 = tpu.memref_squeeze %dma_wait3A_318 : memref<1x32x128xf32, #tpu.memory_space<hbm>> -> memref<32x128xf32, #tpu.memory_space<hbm>>
    %dma_wait3A_320 = arith.constant 0 : i32
    %dma_wait3A_321 = arith.constant 0 : i32
    %dma_wait3A_322 = tpu.memref_slice %arg5[%dma_wait3A_315, %dma_wait3A_320, %dma_wait3A_321] : memref<50x32x16384xf32, #tpu.memory_space<hbm>> -> memref<1x32x128xf32, #tpu.memory_space<hbm>>
    %dma_wait3A_323 = tpu.memref_squeeze %dma_wait3A_322 : memref<1x32x128xf32, #tpu.memory_space<hbm>> -> memref<32x128xf32, #tpu.memory_space<hbm>>
    tpu.wait_dma2 semaphore(%arg32 : memref<!tpu.dma_semaphore, #tpu.memory_space<semaphore_mem>>) src(%arg20 : memref<32x128xf32, #tpu.memory_space<vmem>>) dst(%dma_wait3A_323 : memref<32x128xf32, #tpu.memory_space<hbm>>)
    %dma_wait3A_324 = arith.constant 0 : i32
    %dma_wait3A_325 = arith.constant 0 : i32
    %dma_wait3A_326 = arith.constant 0 : i32
    %dma_wait3A_327 = tpu.memref_slice %arg5[%dma_wait3A_324, %dma_wait3A_325, %dma_wait3A_326] : memref<50x32x16384xf32, #tpu.memory_space<hbm>> -> memref<1x32x128xf32, #tpu.memory_space<hbm>>
    %dma_wait3A_328 = tpu.memref_squeeze %dma_wait3A_327 : memref<1x32x128xf32, #tpu.memory_space<hbm>> -> memref<32x128xf32, #tpu.memory_space<hbm>>
    %dma_wait3A_329 = arith.constant 0 : i32
    %dma_wait3A_330 = arith.constant 0 : i32
    %dma_wait3A_331 = tpu.memref_slice %arg5[%dma_wait3A_324, %dma_wait3A_329, %dma_wait3A_330] : memref<50x32x16384xf32, #tpu.memory_space<hbm>> -> memref<1x32x128xf32, #tpu.memory_space<hbm>>
    %dma_wait3A_332 = tpu.memref_squeeze %dma_wait3A_331 : memref<1x32x128xf32, #tpu.memory_space<hbm>> -> memref<32x128xf32, #tpu.memory_space<hbm>>
    tpu.wait_dma2 semaphore(%arg33 : memref<!tpu.dma_semaphore, #tpu.memory_space<semaphore_mem>>) src(%arg21 : memref<32x128xf32, #tpu.memory_space<vmem>>) dst(%dma_wait3A_332 : memref<32x128xf32, #tpu.memory_space<hbm>>)
    return
  }
}

</mosaic_0001>

<sc_bundles>
// kernel: kernel.3.cloned.1.call-start
scs
__scs_entry_jumppad:
0x0: {  	(pc) =	sbr.rel $0x88, $3  }
0x1: {  	(tag) =	ssettag $0x0;
	lr =	simm.s32 $0x1  }
0x2: {  	[smem:$0x3F9F] =	sst lr;
	_ =	strace $0xD0000000  }
0x3: {  	_ = 	snop  }
0x4: {  	_ = 	snop  }
0x5: {  	_ = 	snop  }
0x6: {  	_ = 	snop  }
0x7: {  	_ = 	snop  }
__scs_overlays_trampoline_lowered:
0x8: {  	[smem:$0x3FAE] =	sst s0  }
0x9: {  	[smem:$0x3FAF] =	sst s1  }
0xa: {  	[smem:$0x3FB0] =	sst s2  }
0xb: {  	[smem:$0x3FB1] =	sst s3  }
0xc: {  	[smem:$0x3FB2] =	sst s4  }
0xd: {  	[smem:$0x3FB3] =	sst s5  }
0xe: {  	[smem:$0x3FB4] =	sst s6  }
0xf: {  	[smem:$0x3FB5] =	sst s7  }
0x10: {  	[smem:$0x3FB6] =	sst s8  }
0x11: {  	[smem:$0x3FB7] =	sst s9;
	s0 =	simm.s32 @!p0 $0x0  }
0x12: {  	s1 =	sld [smem:$0x3F9D];
	s0 =	simm.s32 @p0 $0x1  }
0x13: {  	[smem:$0x3FB8] =	sst s0;
	s0 =	simm.s32 @!p1 $0x0  }
0x14: {  	s2 =	sld [smem:$0x3F9C];
	s0 =	simm.s32 @p1 $0x1  }
0x15: {  	[smem:$0x3FB9] =	sst s0;
	s0 =	simm.s32 @!p2 $0x0  }
0x16: {  	s3 =	sld [smem:$0x3FDB];
	s0 =	simm.s32 @p2 $0x1  }
0x17: {  	s4 =	simm.s32 $0x1BF5;
	[smem:$0x3FBB] =	sst s0  }
0x18: {  	s0 =	sld [smem:$0x3F9E];
	_ =	swait.ge [sflag:s4], $0x0  }
0x19: {  	s7 =	sld [smem:$0x3F9F]  }
0x1a: {  	s8 =	sadd.s32 $0xFFFFE003, lr  }
0x1b: {  	s9 =	sadd.s32 $0xFFFFFEF7, lr;
	s5 =	simm.s32 $0xFFFFFFFF;
	p2 =	slt.u32 s8, $0xFFFFF086  }
0x1c: {  	p1 =	slt.u32 s9, $0xF7A;
	s5 =	simm.s32 @!p2 $0x0  }
0x1d: {  	s5 =	simm.s32 @p1 $0x1;
	p0 =	seq.s32 s7, s2  }
0x1e: {  	s7 =	smul.u32 @!p0 $0xF7A, s2;
	p2 =	seq.s32 @!p0 s5, $0x0  }
0x1f: {  	s9 =	smul.u32 $0xF7A, s1;
	s8 =	simm.s32 @!p0 $0x1BF5;
	p2 =	por !p2, p0  }
0x20: {  	[sflag:s8] =	ssyncset.s32 @!p0 $0xFFFFF086;
	s6 =	sadd.s32 @!p0 s3, s7;
	s7 =	simm.s32 @!p0 $0x108  }
0x21: {  	s3 =	sadd.s32 s3, s9;
	s6 =	sadd.s32 @!p0 $0x88, s6;
	s7 =	simm.s32 @p2 $0x1082  }
0x22: {  	[simem:s7], [sflag:s8] =	dma.local @!p0 [hbm:s6], $0xF7A  }
0x23: {  	s9 =	sor.u32 $0xD0000000, s2;
	s6 =	simm.s32 $0x108;
	_ =	swait.ge @!p0 [sflag:s8], $0x0  }
0x24: {  	s3 =	sadd.s32 $0x88, s3;
	s6 =	simm.s32 @!p1 $0x1082;
	[sflag:s4] =	ssyncset.s32 $0xFFFFF086  }
0x25: {  	[simem:s6], [sflag:s4] =	dma.local [hbm:s3], $0xF7A  }
0x26: {  	[smem:$0x3F9F] =	sst s1;
	(tag) =	ssettag s2;
	_ =	strace s9  }
0x27: {  	s1 =	sld [smem:$0x3FAF]  }
0x28: {  	s2 =	sld [smem:$0x3FB0]  }
0x29: {  	s4 =	sld [smem:$0x3FB2]  }
0x2a: {  	p0 =	seq.s32 s5, $0x0;
	s5 =	sld [smem:$0x3FB3]  }
0x2b: {  	s6 =	sld [smem:$0x3FB4]  }
0x2c: {  	s7 =	sld [smem:$0x3FB5]  }
0x2d: {  	s3 =	simm.s32 $0x108;
	s8 =	sld [smem:$0x3FB6]  }
0x2e: {  	s3 =	simm.s32 @!p0 $0x1082;
	s9 =	sld [smem:$0x3FB7]  }
0x2f: {  	lr =	sadd.s32 s0, s3;
	s0 =	sld [smem:$0x3FAE]  }
0x30: {  	s3 =	sld [smem:$0x3FB1]  }
0x31: {  	[smem:$0x3FBA] =	sst s10  }
0x32: {  	s10 =	sld [smem:$0x3FB8];
	_ =	sdelay $0x3  }
0x33: {  	p0 =	seq.s32 s10, $0x1;
	s10 =	sld [smem:$0x3FBA];
	_ =	sdelay $0x3  }
0x34: {  	[smem:$0x3FBA] =	sst s10  }
0x35: {  	s10 =	sld [smem:$0x3FB9];
	_ =	sdelay $0x3  }
0x36: {  	p1 =	seq.s32 s10, $0x1;
	s10 =	sld [smem:$0x3FBA];
	_ =	sdelay $0x3  }
0x37: {  	[smem:$0x3FBA] =	sst s10  }
0x38: {  	s10 =	sld [smem:$0x3FBB]  }
0x39: {  	_ = 	snop;
	(pc) =	sbr.ind lr, $3  }
0x3a: {  	_ = 	snop  }
0x3b: {  	_ = 	snop  }
0x3c: {  	p2 =	seq.s32 s10, $0x1;
	s10 =	sld [smem:$0x3FBA]  }
0x3d: {  	_ =	shalt  }
0x3e: {  	_ =	shalt  }
0x3f: {  	_ =	shalt  }
0x40: {  	_ =	shalt  }
0x41: {  	_ =	shalt  }
0x42: {  	_ =	shalt  }
0x43: {  	_ =	shalt  }
0x44: {  	_ =	shalt  }
0x45: {  	_ =	shalt  }
0x46: {  	_ =	shalt  }
0x47: {  	_ =	shalt  }
0x48: {  	_ =	shalt  }
0x49: {  	_ =	shalt  }
0x4a: {  	_ =	shalt  }
0x4b: {  	_ =	shalt  }
0x4c: {  	_ =	shalt  }
0x4d: {  	_ =	shalt  }
0x4e: {  	_ =	shalt  }
0x4f: {  	_ =	shalt  }
0x50: {  	_ =	shalt  }
0x51: {  	_ =	shalt  }
0x52: {  	_ =	shalt  }
0x53: {  	_ =	shalt  }
0x54: {  	_ =	shalt  }
0x55: {  	_ =	shalt  }
0x56: {  	_ =	shalt  }
0x57: {  	_ =	shalt  }
0x58: {  	_ =	shalt  }
0x59: {  	_ =	shalt  }
0x5a: {  	_ =	shalt  }
0x5b: {  	_ =	shalt  }
0x5c: {  	_ =	shalt  }
0x5d: {  	_ =	shalt  }
0x5e: {  	_ =	shalt  }
0x5f: {  	_ =	shalt  }
0x60: {  	_ =	shalt  }
0x61: {  	_ =	shalt  }
0x62: {  	_ =	shalt  }
0x63: {  	_ =	shalt  }
0x64: {  	_ =	shalt  }
0x65: {  	_ =	shalt  }
0x66: {  	_ =	shalt  }
0x67: {  	_ =	shalt  }
0x68: {  	_ =	shalt  }
0x69: {  	_ =	shalt  }
0x6a: {  	_ =	shalt  }
0x6b: {  	_ =	shalt  }
0x6c: {  	_ =	shalt  }
0x6d: {  	_ =	shalt  }
0x6e: {  	_ =	shalt  }
0x6f: {  	_ =	shalt  }
0x70: {  	_ =	shalt  }
0x71: {  	_ =	shalt  }
0x72: {  	_ =	shalt  }
0x73: {  	_ =	shalt  }
0x74: {  	_ =	shalt  }
0x75: {  	_ =	shalt  }
0x76: {  	_ =	shalt  }
0x77: {  	_ =	shalt  }
0x78: {  	_ =	shalt  }
0x79: {  	_ =	shalt  }
0x7a: {  	_ =	shalt  }
0x7b: {  	_ =	shalt  }
0x7c: {  	_ =	shalt  }
0x7d: {  	_ =	shalt  }
0x7e: {  	_ =	shalt  }
0x7f: {  	_ =	shalt  }
0x80: {  	_ =	shalt  }
0x81: {  	_ =	shalt  }
0x82: {  	_ =	shalt  }
0x83: {  	_ =	shalt  }
0x84: {  	_ =	shalt  }
0x85: {  	_ =	shalt  }
0x86: {  	_ =	shalt  }
0x87: {  	_ =	shalt  }
.Lfunc_end0:
.L_simem_size_0:
called_computation_lowered:
.L_overlay_start_0:
0x88: {  	s2 =	sld [smem:$0x3FD9]  }
0x89: {  	s3 =	sld [smem:$0x3FFE];
	_ =	sdelay $0x1  }
0x8a: {  	s1 =	srdreg.scid  }
0x8b: {  	s0 =	sand.u32 $0x1, s1  }
0x8c: {  	s17 =	sshll.u32 s0, $0xA;
	s2 =	sadd.s32 s3, s2  }
0x8d: {  	s3 =	sadd.s32 s2, s17  }
0x8e: {  	[smem:$0x3FC6] =	sst s3  }
0x8f: {  	_ = 	snop  }
0x90: {  	s3 =	sld [smem:$0x3FC8]  }
0x91: {  	s4 =	sld [smem:$0x3FD0];
	(tm) =	ssettm $0x1  }
0x92: {  	s5 =	sld [smem:$0x3FFB];
	_ =	sdelay $0x3  }
0x93: {  	_ =	strace s5  }
0x94: {  	s5 =	sld [smem:$0x3FFC];
	_ =	sdelay $0x3  }
0x95: {  	_ =	strace s5  }
0x96: {  	s5 =	sld [smem:$0x3FFD];
	_ =	sdelay $0x3  }
0x97: {  	_ =	strace s5  }
0x98: {  	_ =	strace $0x8FFFFFFF  }
0x99: {  	s18 =	sld [smem:$0x3FDB];
	_ =	sdelay $0x1  }
0x9a: {  	s6 =	simm.s32 $_scs_section_size  }
0x9b: {  	s7 =	simm.s32 $_size__tile_overlayer_lowered;
	s8 =	simm.s32 $_tile_overlayer_lowered  }
0x9c: {  	s21 =	simm.s32 $0x1BFF;
	s20 =	sshll.u32 s8, $0x1;
	s5 =	sadd.s32 s6, s18  }
0x9d: {  	s9 =	simm.s32 $0x0;
	s19 =	sshll.u32 s7, $0x1;
	s7 =	sadd.s32 s20, s5  }
0x9e: {  	[timem:s9], [sflag:s21] =	dma.local [hbm:s7], s19  }
0x9f: {  	_ =	swait.ge [sflag:s21], s19  }
0xa0: {  	s6 =	ssub.s32 $0x0, s19;
	[sflag:s21] =	ssyncset.done $0x0  }
0xa1: {  	[sflag:s21] =	ssyncadd.s32 s6;
	_ =	sdelay $0x1  }
0xa2: {  	s22 =	simm.s32 $0x1B8B  }
0xa3: {  	_ =	swait.ge [sflag:s22], $0x1  }
0xa4: {  	[sflag:s22] =	ssyncset.done $0x0  }
0xa5: {  	s24 =	simm.s32 $0x1B8E;
	s23 =	sld [smem:$0x3FFE];
	[sflag:s22] =	ssyncadd.s32 $0xFFFFFFFF  }
0xa6: {  	s25 =	simm.s32 $execute0_lowered;
	[smem:$0x3FD2] =	sst s24  }
0xa7: {  	s7 =	sshll.u32 s25, $0x1;
	_ =	strace $0x80000046;
	[dreg:$0x1] =	wrdreg $0xFFFFFFFF  }
0xa8: {  	s26 =	simm.s32 $_size_execute0_lowered;
	s5 =	sadd.s32 s5, s7;
	[dreg:$0x0] =	wrdreg $0x0  }
0xa9: {  	s7 =	sshll.u32 s26, $0x1;
	[dreg:$0x2] =	wrdreg s5  }
0xaa: {  	[dreg:$0x3] =	wrdreg s7  }
0xab: {  	[dreg:$0x4] =	wrdreg $0xC0  }
0xac: {  	_ =	task [dreg:s9], $0x5FFFF  }
0xad: {  	[dreg:$0x1] =	wrdreg $0xFFFFFFFF  }
0xae: {  	[dreg:$0x0] =	wrdreg $0x60  }
0xaf: {  	[dreg:$0x2] =	wrdreg s3  }
0xb0: {  	[dreg:$0x3] =	wrdreg s23  }
0xb1: {  	s28 =	sadd.s32 $0x800, s2;
	[dreg:$0x4] =	wrdreg s4  }
0xb2: {  	s2 =	sadd.s32 $0x3D1100, s2;
	[dreg:$0x5] =	wrdreg s28  }
0xb3: {  	[dreg:$0x6] =	wrdreg s2  }
0xb4: {  	[dreg:$0x7] =	wrdreg $0x9  }
0xb5: {  	_ =	task.clear_ibuf [dreg:s9], $0x8FFFF;
	_ =	strace $0x90000046  }
0xb6: {  	s29 =	simm.s32 $0x9;
	_ =	strace $0x80000048  }
0xb7: {  	_ =	swait.ge [sflag:s29], $0x1  }
0xb8: {  	[sflag:s29] =	ssyncadd.s32 $0xFFFFFFFF  }
0xb9: {  	_ =	strace $0x90000048  }
0xba: {  	_ =	sfence  }
0xbb: {  	s30 =	sld [smem:$0x0];
	_ =	sdelay $0x2  }
0xbc: {  	s31 =	sshll.u32 s1, $0xD;
	s1 =	sshrl.u32 s1, $0x2  }
0xbd: {  	s3 =	sand.u32 $0x4000, s31;
	s1 =	sadd.s32 s1, s30  }
0xbe: {  	s0 =	sor.u32 s3, s0;
	s1 =	sshll.u32 s1, $0x11  }
0xbf: {  	s0 =	sor.u32 s1, s0  }
0xc0: {  	s0 =	sadd.s32 $0x8F2B, s0  }
0xc1: {  	[sflag:s0] =	ssyncadd.remote.s32 $0x1  }
0xc2: {  	_ =	sfence.sel $0xFFFF  }
0xc3: {  	[dreg:$0x0] =	wrdreg $0xFFFFFFFF;
	(pc) =	sbr.abs _section_cstart, $3  }
0xc4: {  	[dreg:$0x1] =	wrdreg $0xFFFFFFFF  }
0xc5: {  	_ =	task.clear_ibuf [dreg:s9], $0x2FFFF;
	_ =	strace $0x9FFFFFFF  }
0xc6: {  	(tm) =	ssettm $0x7FFFFFFF  }
0xc7: {  	_ =	shalt  }
tec
execute0_lowered:
.L_overlay_start_1:
0x0: {  	(tag) =	ssettag $0x1  }
0x1: {  	v0 =	vimm.s32 $0xB80;
	vm0 =	vcmask $0x300  }
0x2: {  	vm1 =	vcmask $0x704;
	vm2 =	vcmask $0xB08;
	vm3 =	vcmask $0xF0C  }
0x3: {  	vm4 =	vcmask $0x1310;
	vm5 =	vcmask $0x1714;
	vm6 =	vcmask $0x1B18  }
0x4: {  	vm7 =	vcmask $0x1F1C;
	v1 =	vimm.s32 $0x1B80;
	vm8 =	vcmask $0x2320  }
0x5: {  	vm9 =	vcmask $0x2724;
	vm10 =	vcmask $0x2B28;
	vm11 =	vcmask $0x2F2C  }
0x6: {  	vm12 =	vcmask $0x3330;
	vm13 =	vcmask $0x3734;
	vm14 =	vcmask $0x3B38  }
0x7: {  	v3 =	vimm.s32 $0x6B4A2908;
	v4 =	vimm.s32 $0x6F4E2D0C;
	vm15 =	vcmask $0x1F10  }
0x8: {  	v5 =	vimm.s32 $0x63422100;
	v6 =	vimm.s32 $0x67462504;
	v7 =	vimm.s32 $0x73523110  }
0x9: {  	v8 =	vimm.s32 $0x77563514;
	v10 =	vimm.s32 $0x1B7A5938;
	v11 =	vimm.s32 $0x1F7E5D3C  }
0xa: {  	v12 =	vimm.s32 $0x23026140;
	v13 =	vimm.s32 $0x27066544;
	v14 =	vimm.s32 $0x47260564  }
0xb: {  	v15 =	vimm.s32 $0x5B3A1978;
	v17 =	vimm.s32 $0x53321170;
	v18 =	vimm.s32 $0x57361574  }
0xc: {  	v0 =	vsel vm0, $0x0, v0;
	v1 =	vsel vm0, $0x1000, v1;
	v3 =	vunpack.c.0.s8.s32 v3  }
0xd: {  	v4 =	vunpack.c.0.s8.s32 v4;
	v5 =	vunpack.c.0.s8.s32 v5;
	v6 =	vunpack.c.0.s8.s32 v6  }
0xe: {  	v7 =	vunpack.c.0.s8.s32 v7;
	v0 =	vsel vm1, $0x80, v0;
	v1 =	vsel vm1, $0x1080, v1  }
0xf: {  	v8 =	vunpack.c.0.s8.s32 v8;
	v0 =	vsel vm2, $0x100, v0;
	v1 =	vsel vm2, $0x1100, v1  }
0x10: {  	v10 =	vunpack.c.0.s8.s32 v10;
	v0 =	vsel vm3, $0x180, v0;
	v1 =	vsel vm3, $0x1180, v1  }
0x11: {  	v11 =	vunpack.c.0.s8.s32 v11;
	v0 =	vsel vm4, $0x200, v0;
	v1 =	vsel vm4, $0x1200, v1  }
0x12: {  	v14 =	vunpack.c.0.s8.s32 v14;
	v0 =	vsel vm5, $0x280, v0;
	v1 =	vsel vm5, $0x1280, v1  }
0x13: {  	s2 =	rddreg [dreg:$0x0];
	v15 =	vunpack.c.0.s8.s32 v15;
	v0 =	vsel vm6, $0x300, v0;
	v1 =	vsel vm6, $0x1300, v1  }
0x14: {  	s3 =	rddreg [dreg:$0x1];
	v17 =	vunpack.c.0.s8.s32 v17;
	v0 =	vsel vm7, $0x380, v0;
	v1 =	vsel vm7, $0x1380, v1  }
0x15: {  	s15 =	rddreg [dreg:$0x2];
	v18 =	vunpack.c.0.s8.s32 v18;
	v0 =	vsel vm8, $0x800, v0;
	v1 =	vsel vm8, $0x1800, v1  }
0x16: {  	s1 =	rddreg [dreg:$0x3];
	v3 =	vsel vm15, v4, v3;
	v0 =	vsel vm9, $0x880, v0;
	v1 =	vsel vm9, $0x1880, v1  }
0x17: {  	s16 =	rddreg [dreg:$0x4];
	s4 =	simm.s32 $0x0;
	s5 =	srdreg.scid;
	v4 =	vimm.s32 $0x7B5A3918;
	v0 =	vsel vm10, $0x900, v0;
	v1 =	vsel vm10, $0x1900, v1  }
0x18: {  	s0 =	stileid.u32;
	s30 =	simm.s32 $0x2000;
	s31 =	simm.s32 $0x4000;
	v5 =	vsel vm15, v6, v5;
	v0 =	vsel vm11, $0x980, v0;
	v1 =	vsel vm11, $0x1980, v1  }
0x19: {  	s28 =	simm.s32 $0x9;
	[smem:$0x7FF] =	sst s4;
	s5 =	sand.u32 $0x1, s5;
	v4 =	vunpack.c.0.s8.s32 v4;
	v2 =	vsel vm12, $0xA00, v0;
	v1 =	vsel vm12, $0x1A00, v1  }
0x1a: {  	s6 =	sshll.u32 s0, $0x1;
	s8 =	sadd.s32 $0x400, s3;
	s3 =	sadd.s32 $0x600, s3;
	v2 =	vsel vm13, $0xA80, v2;
	v6 =	vsel vm13, $0x1A80, v1;
	v1 =	vimm.s32 $0x7F5E3D1C  }
0x1b: {  	p0 =	seq.s32 s0, $0x0;
	_ =	strace $0x80000047;
	s7 =	ssub.s32 $0x2, s5;
	v9 =	vunpack.c.0.s8.s32 v1;
	v1 =	vsel vm14, $0xB00, v2;
	v2 =	vcombine.low v5, v3  }
0x1c: {  	[dreg:$0x6] =	wrdreg s8;
	s6 =	sor.u32 s5, s6;
	s14 =	sshll.u32 s5, $0x4;
	v3 =	vsel vm14, $0x1B00, v6;
	v5 =	vsel vm15, v8, v7;
	v6 =	vimm.s32 $0xB6A4928  }
0x1d: {  	s5 =	simm.s32 $0x6000;
	s23 =	sshrl.u32 s7, $0x1;
	s24 =	sshll.u32 s6, $0x8;
	v7 =	vimm.s32 $0xF6E4D2C;
	v8 =	vimm.s32 $0x3624120;
	v6 =	vunpack.c.0.s8.s32 v6  }
0x1e: {  	s11 =	sshll.u32 s6, $0xA;
	s10 =	sshll.u32 s6, $0x7;
	s12 =	sshll.u32 s6, $0x4;
	v7 =	vunpack.c.0.s8.s32 v7;
	v4 =	vsel vm15, v9, v4;
	v9 =	vimm.s32 $0x7664524  }
0x1f: {  	[dreg:$0xa] =	wrdreg s14;
	s14 =	sxor.u32 $0x10, s14;
	p1 =	sne.s32 s6, $0x1F;
	v0 =	vlaneseq.u32;
	v8 =	vunpack.c.0.s8.s32 v8;
	v9 =	vunpack.c.0.s8.s32 v9  }
0x20: {  	s9 =	ssub.s32 s7, s23;
	s7 =	simm.s32 $0x7B;
	s8 =	sadd.s32 s2, s24;
	v4 =	vcombine.low v5, v4;
	v5 =	vadd.s32 $0x1, v0;
	v6 =	vsel vm15, v7, v6  }
0x21: {  	s26 =	sor.u32 $0x8000, s11;
	[dreg:$0x8] =	wrdreg s11;
	s19 =	sadd.s32 s15, s10;
	v7 =	vsel vm15, v9, v8;
	v8 =	vimm.s32 $0x13725130;
	v9 =	vimm.s32 $0x17765534  }
0x22: {  	s17 =	sor.u32 $0x1000, s10;
	s12 =	sadd.s32 s3, s12;
	[dreg:$0xf] =	wrdreg s19;
	v6 =	vcombine.low v7, v6;
	v8 =	vunpack.c.0.s8.s32 v8;
	v9 =	vunpack.c.0.s8.s32 v9  }
0x23: {  	s11 =	sor.u32 $0x10000, s11;
	s2 =	sadd.s32 $0x2000, s8;
	[dreg:$0xc] =	wrdreg s12;
	v7 =	vsel vm15, v11, v10;
	v10 =	vimm.s32 $0x2B0A6948;
	v11 =	vimm.s32 $0x2F0E6D4C  }
0x24: {  	s7 =	simm.s32 @!p0 $0x7A;
	s25 =	sadd.s32 $0x4000, s8;
	[dreg:$0x7] =	wrdreg s2;
	v10 =	vunpack.c.0.s8.s32 v10;
	v11 =	vunpack.c.0.s8.s32 v11;
	v8 =	vsel vm15, v9, v8  }
0x25: {  	s13 =	sadd.s32 $0x6000, s8;
	s18 =	sadd.s32 $0x400, s12;
	[dreg:$0x9] =	wrdreg s25;
	v9 =	vunpack.c.0.s8.s32 v12;
	v12 =	vunpack.c.0.s8.s32 v13;
	v13 =	vimm.s32 $0x37167554  }
0x26: {  	s20 =	sadd.s32 $0x600, s12;
	s21 =	sadd.s32 s15, s17;
	[dreg:$0xb] =	wrdreg s13;
	v7 =	vcombine.low v8, v7;
	v8 =	vsel vm15, v11, v10;
	v10 =	vimm.s32 $0x3B1A7958  }
0x27: {  	s29 =	sadd.s32 $0x800, s12;
	p0 =	sne.s32 s0, $0x0;
	[dreg:$0xe] =	wrdreg s18;
	v11 =	vimm.s32 $0x3F1E7D5C;
	v9 =	vsel vm15, v12, v9;
	v10 =	vunpack.c.0.s8.s32 v10  }
0x28: {  	s22 =	sadd.s32 $0xA00, s12;
	s23 =	smax.u32 s9, $0x1;
	[dreg:$0x10] =	wrdreg s20;
	v11 =	vunpack.c.0.s8.s32 v11;
	v12 =	vimm.s32 $0x33127150;
	v8 =	vcombine.low v9, v8  }
0x29: {  	s24 =	sadd.s32 s1, s26;
	s26 =	sadd.s32 s14, s16;
	[dreg:$0x11] =	wrdreg s21;
	v9 =	vunpack.c.0.s8.s32 v12;
	v12 =	vunpack.c.0.s8.s32 v13;
	v13 =	vimm.s32 $0x4F2E0D6C  }
0x2a: {  	s19 =	simm.s32 $0x7A1400;
	s9 =	simm.s32 $0x4;
	[dreg:$0x13] =	wrdreg s22;
	v10 =	vsel vm15, v11, v10;
	v11 =	vimm.s32 $0x4B2A0968;
	v13 =	vunpack.c.0.s8.s32 v13  }
0x2b: {  	s14 =	simm.s32 $0x20000;
	s12 =	simm.s32 $0x8;
	[dreg:$0x14] =	wrdreg s23;
	v12 =	vsel vm15, v12, v9;
	v11 =	vunpack.c.0.s8.s32 v11;
	v9 =	vimm.s32 $0x43220160  }
0x2c: {  	s16 =	simm.s32 $0xA;
	s13 =	sshrl.u32 s17, $0x3;
	[dreg:$0x15] =	wrdreg s24;
	v16 =	vunpack.c.0.s8.s32 v9;
	v9 =	vimm.s32 $0x5F3E1D7C;
	v10 =	vcombine.low v12, v10  }
0x2d: {  	s25 =	sadd.s32 s1, s11;
	[dreg:$0x17] =	wrdreg s26;
	s17 =	simm.s32 $0x800;
	v19 =	vunpack.c.0.s8.s32 v9;
	v9 =	vadd.s32 $0x2, v0;
	v12 =	vsel vm15, v13, v11  }
0x2e: {  	s2 =	simm.s32 $0x2;
	s11 =	simm.s32 $0x8300;
	s18 =	simm.s32 $0x6;
	v11 =	vadd.s32 $0x3, v0;
	v13 =	vsel vm15, v14, v16;
	v16 =	vadd.s32 $0x6, v0  }
0x2f: {  	s22 =	simm.s32 $0xC300;
	s23 =	simm.s32 $0x7;
	[dreg:$0x12] =	wrdreg s29;
	v14 =	vsel vm15, v19, v15;
	v15 =	vsel vm15, v18, v17;
	v12 =	vcombine.low v13, v12  }
0x30: {  	s24 =	simm.s32 $0x10300;
	s3 =	sadd.s32 s3, s13;
	[dreg:$0x16] =	wrdreg s25;
	v17 =	vadd.s32 $0x7, v0;
	v18 =	vimm.s32 $0x5CBA11;
	v13 =	vcombine.low v15, v14  }
0x31: {  	s26 =	simm.s32 $0x11300;
	[dreg:$0xd] =	wrdreg s3;
	s3 =	simm.s32 $0x0;
	v19 =	vimm.s32 $0x0;
	v14 =	vadd.s32 $0x4, v0;
	v15 =	vadd.s32 $0x5, v0  }
.LBB2_1:
0x32: {  	[dreg:$0x18] =	wrdreg s3  }
0x33: {  	s0 =	rddreg [dreg:$0x4]  }
0x34: {  	v20 =	vimm.s32 @!p0 $0x0;
	s3 =	rddreg [dreg:$0xa]  }
0x35: {  	s13 =	simm.s32 @!p0 $0x12300;
	[tilespmem:$0x12300] =	vst @!p0 v20;
	s0 =	sadd.s32 @!p0 s3, s0;
	s3 =	simm.s32 @!p0 $0x0  }
0x36: {  	[hbm4b:s0+s3] =	stream.linear.scatter @!p0 [tilespmem:s13], [sflag:$0xB], $0x80, $0x38;
	[tilespmem:$0x12400] =	vst v63  }
0x37: {  	v20 =	vadd.s32 s4, v0;
	s0 =	simm.s32 @!p0 $0xB  }
0x38: {  	v21 =	vshll.u32 v20, $0x3;
	_ =	swait.ge @!p0 [sflag:s0], $0x80  }
0x39: {  	v22 =	vand.u32 $0x7F, v20;
	v21 =	vand.u32 $0x400, v21;
	[sflag:s0] =	ssyncset.done @!p0 $0x0  }
0x3a: {  	s25 =	simm.s32 $0x1;
	v21 =	vor.u32 v22, v21;
	[sflag:s0] =	ssyncadd.s32 @!p0 $0xFFFFFF80  }
0x3b: {  	v22 =	vor.u32 v1, v21;
	[tilespmem:s4], [sflag:$0x1] =	stream.strided.gather [hbm4b:s8+s17], $0x2000, s19, s17, $0x38;
	[tilespmem:$0x12400] =	vst v63  }
0x3c: {  	_ =	swait.ge [sflag:s25], $0x2000  }
0x3d: {  	[sflag:s25] =	ssyncset.done $0x0  }
0x3e: {  	v20 =	vshll.u32 v20, $0x5;
	s29 =	rddreg [dreg:$0x7];
	[sflag:s25] =	ssyncadd.s32 $0xFFFFE000  }
0x3f: {  	v20 =	vand.u32 $0x1F80, v20;
	[tilespmem:s30], [sflag:$0x2] =	stream.strided.gather [hbm4b:s29+s17], $0x2000, s19, s17, $0x38;
	[tilespmem:$0x12400] =	vst v63  }
0x40: {  	v23 =	vor.u32 v2, v20;
	v22 =	vld.idx.msk [tilespmem:v22+s4+$0x0], $0xffff  }
0x41: {  	v21 =	vor.u32 v3, v21;
	_ =	sdelay $0x1  }
0x42: {  	v24 =	vadd.s32 s4, v5  }
0x43: {  	v25 =	vshll.u32 v24, $0x3  }
0x44: {  	[tilespmem:v23+s31+$0x0] =	vst.idx.msk $0xffff, v22;
	v22 =	vand.u32 $0x7F, v24;
	v23 =	vand.u32 $0x400, v25  }
0x45: {  	v20 =	vor.u32 v4, v20;
	v21 =	vld.idx.msk [tilespmem:v21+s4+$0x0], $0xffff;
	v22 =	vor.u32 v22, v23  }
0x46: {  	v23 =	vor.u32 v1, v22;
	_ =	sdelay $0x2  }
0x47: {  	v24 =	vshll.u32 v24, $0x5  }
0x48: {  	[tilespmem:v20+s31+$0x0] =	vst.idx.msk $0xffff, v21;
	v20 =	vand.u32 $0x1F80, v24  }
0x49: {  	v21 =	vld.idx.msk [tilespmem:v23+s4+$0x0], $0xffff;
	v23 =	vor.u32 v6, v20  }
0x4a: {  	v22 =	vor.u32 v3, v22;
	_ =	sdelay $0x1  }
0x4b: {  	v24 =	vadd.s32 s4, v9  }
0x4c: {  	v25 =	vshll.u32 v24, $0x3  }
0x4d: {  	[tilespmem:v23+s31+$0x0] =	vst.idx.msk $0xffff, v21;
	v21 =	vand.u32 $0x7F, v24;
	v23 =	vand.u32 $0x400, v25  }
0x4e: {  	v20 =	vor.u32 v7, v20;
	v22 =	vld.idx.msk [tilespmem:v22+s4+$0x0], $0xffff;
	v21 =	vor.u32 v21, v23  }
0x4f: {  	v23 =	vor.u32 v1, v21;
	_ =	sdelay $0x2  }
0x50: {  	v24 =	vshll.u32 v24, $0x5  }
0x51: {  	[tilespmem:v20+s31+$0x0] =	vst.idx.msk $0xffff, v22;
	v20 =	vand.u32 $0x1F80, v24  }
0x52: {  	v22 =	vld.idx.msk [tilespmem:v23+s4+$0x0], $0xffff;
	v23 =	vor.u32 v8, v20  }
0x53: {  	v21 =	vor.u32 v3, v21;
	_ =	sdelay $0x1  }
0x54: {  	v24 =	vadd.s32 s4, v11  }
0x55: {  	v25 =	vshll.u32 v24, $0x3  }
0x56: {  	[tilespmem:v23+s31+$0x0] =	vst.idx.msk $0xffff, v22;
	v22 =	vand.u32 $0x7F, v24;
	v23 =	vand.u32 $0x400, v25  }
0x57: {  	v20 =	vor.u32 v10, v20;
	v21 =	vld.idx.msk [tilespmem:v21+s4+$0x0], $0xffff;
	v22 =	vor.u32 v22, v23  }
0x58: {  	v23 =	vor.u32 v1, v22;
	_ =	sdelay $0x2  }
0x59: {  	v24 =	vshll.u32 v24, $0x5  }
0x5a: {  	[tilespmem:v20+s31+$0x0] =	vst.idx.msk $0xffff, v21;
	v20 =	vand.u32 $0x1F80, v24  }
0x5b: {  	v21 =	vld.idx.msk [tilespmem:v23+s4+$0x0], $0xffff;
	v23 =	vor.u32 v12, v20  }
0x5c: {  	v22 =	vor.u32 v3, v22;
	_ =	sdelay $0x1  }
0x5d: {  	v24 =	vadd.s32 s4, v14  }
0x5e: {  	v25 =	vshll.u32 v24, $0x3  }
0x5f: {  	[tilespmem:v23+s31+$0x0] =	vst.idx.msk $0xffff, v21;
	v21 =	vand.u32 $0x7F, v24;
	v23 =	vand.u32 $0x400, v25  }
0x60: {  	v20 =	vor.u32 v13, v20;
	v22 =	vld.idx.msk [tilespmem:v22+s4+$0x0], $0xffff;
	v21 =	vor.u32 v21, v23  }
0x61: {  	v23 =	vor.u32 v1, v21;
	_ =	sdelay $0x2  }
0x62: {  	v24 =	vshll.u32 v24, $0x5  }
0x63: {  	[tilespmem:v20+s31+$0x0] =	vst.idx.msk $0xffff, v22;
	v20 =	vand.u32 $0x1F80, v24  }
0x64: {  	v22 =	vld.idx.msk [tilespmem:v23+s4+$0x0], $0xffff;
	v23 =	vor.u32 v2, v20  }
0x65: {  	v21 =	vor.u32 v3, v21;
	_ =	sdelay $0x1  }
0x66: {  	v24 =	vadd.s32 s4, v15  }
0x67: {  	v25 =	vshll.u32 v24, $0x3  }
0x68: {  	[tilespmem:v23+s31+$0x0] =	vst.idx.msk $0xffff, v22;
	v22 =	vand.u32 $0x7F, v24;
	v23 =	vand.u32 $0x400, v25  }
0x69: {  	v20 =	vor.u32 v4, v20;
	v21 =	vld.idx.msk [tilespmem:v21+s4+$0x0], $0xffff;
	v22 =	vor.u32 v22, v23  }
0x6a: {  	v23 =	vor.u32 v1, v22;
	_ =	sdelay $0x2  }
0x6b: {  	v24 =	vshll.u32 v24, $0x5  }
0x6c: {  	[tilespmem:v20+s31+$0x0] =	vst.idx.msk $0xffff, v21;
	v20 =	vand.u32 $0x1F80, v24  }
0x6d: {  	v21 =	vld.idx.msk [tilespmem:v23+s4+$0x0], $0xffff;
	v23 =	vor.u32 v6, v20  }
0x6e: {  	v22 =	vor.u32 v3, v22;
	_ =	sdelay $0x1  }
0x6f: {  	v24 =	vadd.s32 s4, v16  }
0x70: {  	v25 =	vshll.u32 v24, $0x3  }
0x71: {  	[tilespmem:v23+s31+$0x0] =	vst.idx.msk $0xffff, v21;
	v21 =	vand.u32 $0x7F, v24;
	v23 =	vand.u32 $0x400, v25  }
0x72: {  	v20 =	vor.u32 v7, v20;
	v22 =	vld.idx.msk [tilespmem:v22+s4+$0x0], $0xffff;
	v21 =	vor.u32 v21, v23  }
0x73: {  	v23 =	vor.u32 v1, v21;
	_ =	sdelay $0x2  }
0x74: {  	v24 =	vshll.u32 v24, $0x5  }
0x75: {  	[tilespmem:v20+s31+$0x0] =	vst.idx.msk $0xffff, v22;
	v20 =	vand.u32 $0x1F80, v24  }
0x76: {  	v22 =	vld.idx.msk [tilespmem:v23+s4+$0x0], $0xffff;
	v23 =	vor.u32 v8, v20  }
0x77: {  	v21 =	vor.u32 v3, v21;
	_ =	sdelay $0x1  }
0x78: {  	v24 =	vadd.s32 s4, v17  }
0x79: {  	v25 =	vshll.u32 v24, $0x3  }
0x7a: {  	[tilespmem:v23+s31+$0x0] =	vst.idx.msk $0xffff, v22;
	v22 =	vand.u32 $0x7F, v24;
	v23 =	vand.u32 $0x400, v25  }
0x7b: {  	v20 =	vor.u32 v10, v20;
	v21 =	vld.idx.msk [tilespmem:v21+s4+$0x0], $0xffff;
	v23 =	vor.u32 v22, v23  }
0x7c: {  	v22 =	vor.u32 v1, v23;
	_ =	sdelay $0x2  }
0x7d: {  	v24 =	vshll.u32 v24, $0x5  }
0x7e: {  	[tilespmem:v20+s31+$0x0] =	vst.idx.msk $0xffff, v21;
	v20 =	vand.u32 $0x1F80, v24  }
0x7f: {  	v22 =	vld.idx.msk [tilespmem:v22+s4+$0x0], $0xffff;
	v24 =	vor.u32 v12, v20  }
0x80: {  	v23 =	vor.u32 v3, v23;
	_ =	sdelay $0x1  }
0x81: {  	s13 =	simm.s32 $0x8  }
0x82: {  	s3 =	simm.s32 $0x10;
	v21 =	vadd.s32 s13, v0  }
.LBB2_2:
0x83: {  	p2 =	sne.s32 s3, $0xF8;
	v25 =	vshll.u32 v21, $0x3;
	[tilespmem:v24+s31+$0x0] =	vst.idx.msk $0xffff, v22  }
0x84: {  	v22 =	vand.u32 $0x7F, v21;
	v24 =	vand.u32 $0x400, v25;
	v23 =	vld.idx.msk [tilespmem:v23+s4+$0x0], $0xffff  }
0x85: {  	v20 =	vor.u32 v13, v20;
	v22 =	vor.u32 v22, v24  }
0x86: {  	v24 =	vor.u32 v1, v22;
	_ =	sdelay $0x3  }
0x87: {  	v21 =	vshll.u32 v21, $0x5;
	[tilespmem:v20+s31+$0x0] =	vst.idx.msk $0xffff, v23  }
0x88: {  	v21 =	vand.u32 $0x1F80, v21;
	v20 =	vld.idx.msk [tilespmem:v24+s4+$0x0], $0xffff  }
0x89: {  	v23 =	vor.u32 v2, v21  }
0x8a: {  	v22 =	vor.u32 v3, v22;
	_ =	sdelay $0x2  }
0x8b: {  	v24 =	vadd.s32 s13, v5  }
0x8c: {  	[tilespmem:v23+s31+$0x0] =	vst.idx.msk $0xffff, v20;
	v20 =	vshll.u32 v24, $0x3  }
0x8d: {  	v23 =	vand.u32 $0x7F, v24;
	v22 =	vld.idx.msk [tilespmem:v22+s4+$0x0], $0xffff;
	v20 =	vand.u32 $0x400, v20  }
0x8e: {  	v21 =	vor.u32 v4, v21;
	v20 =	vor.u32 v23, v20  }
0x8f: {  	v23 =	vor.u32 v1, v20;
	_ =	sdelay $0x3  }
0x90: {  	[tilespmem:v21+s31+$0x0] =	vst.idx.msk $0xffff, v22;
	v21 =	vshll.u32 v24, $0x5  }
0x91: {  	v22 =	vld.idx.msk [tilespmem:v23+s4+$0x0], $0xffff;
	v21 =	vand.u32 $0x1F80, v21  }
0x92: {  	v23 =	vor.u32 v6, v21  }
0x93: {  	v20 =	vor.u32 v3, v20;
	_ =	sdelay $0x2  }
0x94: {  	v24 =	vadd.s32 s13, v9  }
0x95: {  	[tilespmem:v23+s31+$0x0] =	vst.idx.msk $0xffff, v22;
	v22 =	vshll.u32 v24, $0x3  }
0x96: {  	v23 =	vand.u32 $0x7F, v24;
	v20 =	vld.idx.msk [tilespmem:v20+s4+$0x0], $0xffff;
	v22 =	vand.u32 $0x400, v22  }
0x97: {  	v21 =	vor.u32 v7, v21;
	v22 =	vor.u32 v23, v22  }
0x98: {  	v23 =	vor.u32 v1, v22;
	_ =	sdelay $0x3  }
0x99: {  	[tilespmem:v21+s31+$0x0] =	vst.idx.msk $0xffff, v20;
	v20 =	vshll.u32 v24, $0x5  }
0x9a: {  	v21 =	vld.idx.msk [tilespmem:v23+s4+$0x0], $0xffff;
	v20 =	vand.u32 $0x1F80, v20  }
0x9b: {  	v23 =	vor.u32 v8, v20  }
0x9c: {  	v22 =	vor.u32 v3, v22;
	_ =	sdelay $0x2  }
0x9d: {  	v24 =	vadd.s32 s13, v11  }
0x9e: {  	[tilespmem:v23+s31+$0x0] =	vst.idx.msk $0xffff, v21;
	v21 =	vshll.u32 v24, $0x3  }
0x9f: {  	v23 =	vand.u32 $0x7F, v24;
	v22 =	vld.idx.msk [tilespmem:v22+s4+$0x0], $0xffff;
	v21 =	vand.u32 $0x400, v21  }
0xa0: {  	v20 =	vor.u32 v10, v20;
	v21 =	vor.u32 v23, v21  }
0xa1: {  	v23 =	vor.u32 v1, v21;
	_ =	sdelay $0x3  }
0xa2: {  	[tilespmem:v20+s31+$0x0] =	vst.idx.msk $0xffff, v22;
	v20 =	vshll.u32 v24, $0x5  }
0xa3: {  	v22 =	vld.idx.msk [tilespmem:v23+s4+$0x0], $0xffff;
	v20 =	vand.u32 $0x1F80, v20  }
0xa4: {  	v23 =	vor.u32 v12, v20  }
0xa5: {  	v21 =	vor.u32 v3, v21;
	_ =	sdelay $0x2  }
0xa6: {  	v24 =	vadd.s32 s13, v14  }
0xa7: {  	[tilespmem:v23+s31+$0x0] =	vst.idx.msk $0xffff, v22;
	v22 =	vshll.u32 v24, $0x3  }
0xa8: {  	v23 =	vand.u32 $0x7F, v24;
	v21 =	vld.idx.msk [tilespmem:v21+s4+$0x0], $0xffff;
	v22 =	vand.u32 $0x400, v22  }
0xa9: {  	v20 =	vor.u32 v13, v20;
	v22 =	vor.u32 v23, v22  }
0xaa: {  	v23 =	vor.u32 v1, v22;
	_ =	sdelay $0x3  }
0xab: {  	[tilespmem:v20+s31+$0x0] =	vst.idx.msk $0xffff, v21;
	v20 =	vshll.u32 v24, $0x5  }
0xac: {  	v21 =	vld.idx.msk [tilespmem:v23+s4+$0x0], $0xffff;
	v20 =	vand.u32 $0x1F80, v20  }
0xad: {  	v23 =	vor.u32 v2, v20  }
0xae: {  	v22 =	vor.u32 v3, v22;
	_ =	sdelay $0x2  }
0xaf: {  	v24 =	vadd.s32 s13, v15  }
0xb0: {  	[tilespmem:v23+s31+$0x0] =	vst.idx.msk $0xffff, v21;
	v21 =	vshll.u32 v24, $0x3  }
0xb1: {  	v23 =	vand.u32 $0x7F, v24;
	v22 =	vld.idx.msk [tilespmem:v22+s4+$0x0], $0xffff;
	v21 =	vand.u32 $0x400, v21  }
0xb2: {  	v20 =	vor.u32 v4, v20;
	v21 =	vor.u32 v23, v21  }
0xb3: {  	v23 =	vor.u32 v1, v21;
	_ =	sdelay $0x3  }
0xb4: {  	[tilespmem:v20+s31+$0x0] =	vst.idx.msk $0xffff, v22;
	v20 =	vshll.u32 v24, $0x5  }
0xb5: {  	v22 =	vld.idx.msk [tilespmem:v23+s4+$0x0], $0xffff;
	v20 =	vand.u32 $0x1F80, v20  }
0xb6: {  	v23 =	vor.u32 v6, v20  }
0xb7: {  	v21 =	vor.u32 v3, v21;
	_ =	sdelay $0x2  }
0xb8: {  	v24 =	vadd.s32 s13, v16  }
0xb9: {  	[tilespmem:v23+s31+$0x0] =	vst.idx.msk $0xffff, v22;
	v22 =	vshll.u32 v24, $0x3  }
0xba: {  	v23 =	vand.u32 $0x7F, v24;
	v21 =	vld.idx.msk [tilespmem:v21+s4+$0x0], $0xffff;
	v22 =	vand.u32 $0x400, v22  }
0xbb: {  	v20 =	vor.u32 v7, v20;
	v22 =	vor.u32 v23, v22  }
0xbc: {  	v23 =	vor.u32 v1, v22;
	_ =	sdelay $0x3  }
0xbd: {  	[tilespmem:v20+s31+$0x0] =	vst.idx.msk $0xffff, v21;
	v20 =	vshll.u32 v24, $0x5  }
0xbe: {  	v21 =	vld.idx.msk [tilespmem:v23+s4+$0x0], $0xffff;
	v20 =	vand.u32 $0x1F80, v20  }
0xbf: {  	v23 =	vor.u32 v8, v20  }
0xc0: {  	v22 =	vor.u32 v3, v22;
	_ =	sdelay $0x2  }
0xc1: {  	v24 =	vadd.s32 s13, v17;
	s13 =	smov.u32 s3  }
0xc2: {  	[tilespmem:v23+s31+$0x0] =	vst.idx.msk $0xffff, v21;
	v21 =	vshll.u32 v24, $0x3  }
0xc3: {  	v23 =	vand.u32 $0x7F, v24;
	v22 =	vld.idx.msk [tilespmem:v22+s4+$0x0], $0xffff;
	v21 =	vand.u32 $0x400, v21  }
0xc4: {  	v20 =	vor.u32 v10, v20;
	v21 =	vor.u32 v23, v21  }
0xc5: {  	v23 =	vor.u32 v1, v21;
	_ =	sdelay $0x3  }
0xc6: {  	[tilespmem:v20+s31+$0x0] =	vst.idx.msk $0xffff, v22;
	v20 =	vshll.u32 v24, $0x5  }
0xc7: {  	v22 =	vld.idx.msk [tilespmem:v23+s4+$0x0], $0xffff;
	v20 =	vand.u32 $0x1F80, v20  }
.Ltmp0:
0xc8: {  	v24 =	vor.u32 v12, v20;
	(pc) =	sbr.rel @p2 .LBB2_2-.Ltmp0, $2  }
0xc9: {  	v23 =	vor.u32 v3, v21;
	_ =	sdelay $0x2  }
0xca: {  	s3 =	sadd.s32 $0x8, s3;
	v21 =	vadd.s32 s13, v0  }
0xcb: {  	_ =	sdelay $0x2  }
0xcc: {  	v25 =	vshll.u32 v21, $0x3  }
0xcd: {  	[tilespmem:v24+s31+$0x0] =	vst.idx.msk $0xffff, v22;
	v22 =	vand.u32 $0x7F, v21;
	v24 =	vand.u32 $0x400, v25  }
0xce: {  	v20 =	vor.u32 v13, v20;
	v23 =	vld.idx.msk [tilespmem:v23+s4+$0x0], $0xffff;
	v22 =	vor.u32 v22, v24  }
0xcf: {  	v24 =	vor.u32 v1, v22;
	_ =	sdelay $0x2  }
0xd0: {  	v21 =	vshll.u32 v21, $0x5  }
0xd1: {  	[tilespmem:v20+s31+$0x0] =	vst.idx.msk $0xffff, v23;
	v20 =	vand.u32 $0x1F80, v21  }
0xd2: {  	v23 =	vor.u32 v2, v20;
	v21 =	vld.idx.msk [tilespmem:v24+s4+$0x0], $0xffff  }
0xd3: {  	v22 =	vor.u32 v3, v22;
	_ =	sdelay $0x1  }
0xd4: {  	v24 =	vadd.s32 s13, v5  }
0xd5: {  	v25 =	vshll.u32 v24, $0x3  }
0xd6: {  	[tilespmem:v23+s31+$0x0] =	vst.idx.msk $0xffff, v21;
	v21 =	vand.u32 $0x7F, v24;
	v23 =	vand.u32 $0x400, v25  }
0xd7: {  	v20 =	vor.u32 v4, v20;
	v22 =	vld.idx.msk [tilespmem:v22+s4+$0x0], $0xffff;
	v21 =	vor.u32 v21, v23  }
0xd8: {  	v23 =	vor.u32 v1, v21;
	_ =	sdelay $0x2  }
0xd9: {  	v24 =	vshll.u32 v24, $0x5  }
0xda: {  	[tilespmem:v20+s31+$0x0] =	vst.idx.msk $0xffff, v22;
	v20 =	vand.u32 $0x1F80, v24  }
0xdb: {  	v22 =	vld.idx.msk [tilespmem:v23+s4+$0x0], $0xffff;
	v23 =	vor.u32 v6, v20  }
0xdc: {  	v21 =	vor.u32 v3, v21;
	_ =	sdelay $0x1  }
0xdd: {  	v24 =	vadd.s32 s13, v9  }
0xde: {  	v25 =	vshll.u32 v24, $0x3  }
0xdf: {  	[tilespmem:v23+s31+$0x0] =	vst.idx.msk $0xffff, v22;
	v22 =	vand.u32 $0x7F, v24;
	v23 =	vand.u32 $0x400, v25  }
0xe0: {  	v20 =	vor.u32 v7, v20;
	v21 =	vld.idx.msk [tilespmem:v21+s4+$0x0], $0xffff;
	v22 =	vor.u32 v22, v23  }
0xe1: {  	v23 =	vor.u32 v1, v22;
	_ =	sdelay $0x2  }
0xe2: {  	v24 =	vshll.u32 v24, $0x5  }
0xe3: {  	[tilespmem:v20+s31+$0x0] =	vst.idx.msk $0xffff, v21;
	v20 =	vand.u32 $0x1F80, v24  }
0xe4: {  	v21 =	vld.idx.msk [tilespmem:v23+s4+$0x0], $0xffff;
	v23 =	vor.u32 v8, v20  }
0xe5: {  	v22 =	vor.u32 v3, v22;
	_ =	sdelay $0x1  }
0xe6: {  	v24 =	vadd.s32 s13, v11  }
0xe7: {  	v25 =	vshll.u32 v24, $0x3  }
0xe8: {  	[tilespmem:v23+s31+$0x0] =	vst.idx.msk $0xffff, v21;
	v21 =	vand.u32 $0x7F, v24;
	v23 =	vand.u32 $0x400, v25  }
0xe9: {  	v20 =	vor.u32 v10, v20;
	v22 =	vld.idx.msk [tilespmem:v22+s4+$0x0], $0xffff;
	v21 =	vor.u32 v21, v23  }
0xea: {  	v23 =	vor.u32 v1, v21;
	_ =	sdelay $0x2  }
0xeb: {  	v24 =	vshll.u32 v24, $0x5  }
0xec: {  	[tilespmem:v20+s31+$0x0] =	vst.idx.msk $0xffff, v22;
	v20 =	vand.u32 $0x1F80, v24  }
0xed: {  	v22 =	vld.idx.msk [tilespmem:v23+s4+$0x0], $0xffff;
	v23 =	vor.u32 v12, v20  }
0xee: {  	v21 =	vor.u32 v3, v21;
	_ =	sdelay $0x1  }
0xef: {  	v24 =	vadd.s32 s13, v14  }
0xf0: {  	v25 =	vshll.u32 v24, $0x3  }
0xf1: {  	[tilespmem:v23+s31+$0x0] =	vst.idx.msk $0xffff, v22;
	v22 =	vand.u32 $0x7F, v24;
	v23 =	vand.u32 $0x400, v25  }
0xf2: {  	v20 =	vor.u32 v13, v20;
	v21 =	vld.idx.msk [tilespmem:v21+s4+$0x0], $0xffff;
	v22 =	vor.u32 v22, v23  }
0xf3: {  	v23 =	vor.u32 v1, v22;
	_ =	sdelay $0x2  }
0xf4: {  	v24 =	vshll.u32 v24, $0x5  }
0xf5: {  	[tilespmem:v20+s31+$0x0] =	vst.idx.msk $0xffff, v21;
	v20 =	vand.u32 $0x1F80, v24  }
0xf6: {  	v21 =	vld.idx.msk [tilespmem:v23+s4+$0x0], $0xffff;
	v23 =	vor.u32 v2, v20  }
0xf7: {  	v22 =	vor.u32 v3, v22;
	_ =	sdelay $0x1  }
0xf8: {  	v24 =	vadd.s32 s13, v15  }
0xf9: {  	v25 =	vshll.u32 v24, $0x3  }
0xfa: {  	[tilespmem:v23+s31+$0x0] =	vst.idx.msk $0xffff, v21;
	v21 =	vand.u32 $0x7F, v24;
	v23 =	vand.u32 $0x400, v25  }
0xfb: {  	v20 =	vor.u32 v4, v20;
	v22 =	vld.idx.msk [tilespmem:v22+s4+$0x0], $0xffff;
	v21 =	vor.u32 v21, v23  }
0xfc: {  	v23 =	vor.u32 v1, v21;
	_ =	sdelay $0x2  }
0xfd: {  	v24 =	vshll.u32 v24, $0x5  }
0xfe: {  	[tilespmem:v20+s31+$0x0] =	vst.idx.msk $0xffff, v22;
	v20 =	vand.u32 $0x1F80, v24  }
0xff: {  	v22 =	vld.idx.msk [tilespmem:v23+s4+$0x0], $0xffff;
	v23 =	vor.u32 v6, v20  }
0x100: {  	v21 =	vor.u32 v3, v21;
	_ =	sdelay $0x1  }
0x101: {  	v24 =	vadd.s32 s13, v16  }
0x102: {  	v25 =	vshll.u32 v24, $0x3  }
0x103: {  	[tilespmem:v23+s31+$0x0] =	vst.idx.msk $0xffff, v22;
	v22 =	vand.u32 $0x7F, v24;
	v23 =	vand.u32 $0x400, v25  }
0x104: {  	v20 =	vor.u32 v7, v20;
	v21 =	vld.idx.msk [tilespmem:v21+s4+$0x0], $0xffff;
	v22 =	vor.u32 v22, v23  }
0x105: {  	v23 =	vor.u32 v1, v22;
	_ =	sdelay $0x2  }
0x106: {  	v24 =	vshll.u32 v24, $0x5  }
0x107: {  	[tilespmem:v20+s31+$0x0] =	vst.idx.msk $0xffff, v21;
	v20 =	vand.u32 $0x1F80, v24  }
0x108: {  	v21 =	vld.idx.msk [tilespmem:v23+s4+$0x0], $0xffff;
	v23 =	vor.u32 v8, v20  }
0x109: {  	v22 =	vor.u32 v3, v22;
	_ =	sdelay $0x1  }
0x10a: {  	v24 =	vadd.s32 s13, v17  }
0x10b: {  	v25 =	vshll.u32 v24, $0x3  }
0x10c: {  	[tilespmem:v23+s31+$0x0] =	vst.idx.msk $0xffff, v21;
	v21 =	vand.u32 $0x7F, v24;
	v23 =	vand.u32 $0x400, v25  }
0x10d: {  	v20 =	vor.u32 v10, v20;
	v22 =	vld.idx.msk [tilespmem:v22+s4+$0x0], $0xffff;
	v21 =	vor.u32 v21, v23  }
0x10e: {  	v23 =	vor.u32 v1, v21;
	_ =	sdelay $0x2  }
0x10f: {  	v24 =	vshll.u32 v24, $0x5  }
0x110: {  	[tilespmem:v20+s31+$0x0] =	vst.idx.msk $0xffff, v22;
	v20 =	vand.u32 $0x1F80, v24  }
0x111: {  	v22 =	vld.idx.msk [tilespmem:v23+s4+$0x0], $0xffff;
	v23 =	vor.u32 v12, v20  }
0x112: {  	v21 =	vor.u32 v3, v21;
	_ =	sdelay $0x3  }
0x113: {  	[tilespmem:v23+s31+$0x0] =	vst.idx.msk $0xffff, v22  }
0x114: {  	v20 =	vor.u32 v13, v20;
	v21 =	vld.idx.msk [tilespmem:v21+s4+$0x0], $0xffff  }
0x115: {  	s0 =	simm.s32 $0x0  }
0x116: {  	v22 =	vadd.s32 s0, v0  }
0x117: {  	v23 =	vshll.u32 v22, $0x3  }
0x118: {  	s3 =	rddreg [dreg:$0x8];
	v24 =	vand.u32 $0x7F, v22;
	v23 =	vand.u32 $0x400, v23  }
0x119: {  	s15 =	sadd.s32 s3, s1;
	[tilespmem:v20+s31+$0x0] =	vst.idx.msk $0xffff, v21;
	v20 =	vor.u32 v24, v23  }
0x11a: {  	[hbm4b:s15+s0] =	stream.linear.scatter [tilespmem:s31], [sflag:$0x3], $0x2000, $0x38;
	v21 =	vor.u32 v1, v20;
	[tilespmem:$0x12400] =	vst v63  }
0x11b: {  	_ =	swait.ge [sflag:s2], $0x2000  }
0x11c: {  	[sflag:s2] =	ssyncset.done $0x0  }
0x11d: {  	v22 =	vshll.u32 v22, $0x5;
	s29 =	rddreg [dreg:$0x9];
	[sflag:s2] =	ssyncadd.s32 $0xFFFFE000  }
0x11e: {  	v22 =	vand.u32 $0x1F80, v22;
	[tilespmem:s0], [sflag:$0x1] =	stream.strided.gather [hbm4b:s29+s17], $0x2000, s19, s17, $0x38;
	[tilespmem:$0x12400] =	vst v63  }
0x11f: {  	v23 =	vor.u32 v2, v22;
	v21 =	vld.idx.msk [tilespmem:v21+s30+$0x0], $0xffff  }
0x120: {  	v20 =	vor.u32 v3, v20;
	_ =	sdelay $0x1  }
0x121: {  	v24 =	vadd.s32 s0, v5  }
0x122: {  	v25 =	vshll.u32 v24, $0x3  }
0x123: {  	[tilespmem:v23+s5+$0x0] =	vst.idx.msk $0xffff, v21;
	v21 =	vand.u32 $0x7F, v24;
	v23 =	vand.u32 $0x400, v25  }
0x124: {  	v22 =	vor.u32 v4, v22;
	v20 =	vld.idx.msk [tilespmem:v20+s30+$0x0], $0xffff;
	v21 =	vor.u32 v21, v23  }
0x125: {  	v23 =	vor.u32 v1, v21;
	_ =	sdelay $0x2  }
0x126: {  	v24 =	vshll.u32 v24, $0x5  }
0x127: {  	[tilespmem:v22+s5+$0x0] =	vst.idx.msk $0xffff, v20;
	v20 =	vand.u32 $0x1F80, v24  }
0x128: {  	v22 =	vld.idx.msk [tilespmem:v23+s30+$0x0], $0xffff;
	v23 =	vor.u32 v6, v20  }
0x129: {  	v21 =	vor.u32 v3, v21;
	_ =	sdelay $0x1  }
0x12a: {  	v24 =	vadd.s32 s0, v9  }
0x12b: {  	v25 =	vshll.u32 v24, $0x3  }
0x12c: {  	[tilespmem:v23+s5+$0x0] =	vst.idx.msk $0xffff, v22;
	v22 =	vand.u32 $0x7F, v24;
	v23 =	vand.u32 $0x400, v25  }
0x12d: {  	v20 =	vor.u32 v7, v20;
	v21 =	vld.idx.msk [tilespmem:v21+s30+$0x0], $0xffff;
	v22 =	vor.u32 v22, v23  }
0x12e: {  	v23 =	vor.u32 v1, v22;
	_ =	sdelay $0x2  }
0x12f: {  	v24 =	vshll.u32 v24, $0x5  }
0x130: {  	[tilespmem:v20+s5+$0x0] =	vst.idx.msk $0xffff, v21;
	v20 =	vand.u32 $0x1F80, v24  }
0x131: {  	v21 =	vld.idx.msk [tilespmem:v23+s30+$0x0], $0xffff;
	v23 =	vor.u32 v8, v20  }
0x132: {  	v22 =	vor.u32 v3, v22;
	_ =	sdelay $0x1  }
0x133: {  	v24 =	vadd.s32 s0, v11  }
0x134: {  	v25 =	vshll.u32 v24, $0x3  }
0x135: {  	[tilespmem:v23+s5+$0x0] =	vst.idx.msk $0xffff, v21;
	v21 =	vand.u32 $0x7F, v24;
	v23 =	vand.u32 $0x400, v25  }
0x136: {  	v20 =	vor.u32 v10, v20;
	v22 =	vld.idx.msk [tilespmem:v22+s30+$0x0], $0xffff;
	v21 =	vor.u32 v21, v23  }
0x137: {  	v23 =	vor.u32 v1, v21;
	_ =	sdelay $0x2  }
0x138: {  	v24 =	vshll.u32 v24, $0x5  }
0x139: {  	[tilespmem:v20+s5+$0x0] =	vst.idx.msk $0xffff, v22;
	v20 =	vand.u32 $0x1F80, v24  }
0x13a: {  	v22 =	vld.idx.msk [tilespmem:v23+s30+$0x0], $0xffff;
	v23 =	vor.u32 v12, v20  }
0x13b: {  	v21 =	vor.u32 v3, v21;
	_ =	sdelay $0x1  }
0x13c: {  	v24 =	vadd.s32 s0, v14  }
0x13d: {  	v25 =	vshll.u32 v24, $0x3  }
0x13e: {  	[tilespmem:v23+s5+$0x0] =	vst.idx.msk $0xffff, v22;
	v22 =	vand.u32 $0x7F, v24;
	v23 =	vand.u32 $0x400, v25  }
0x13f: {  	v20 =	vor.u32 v13, v20;
	v21 =	vld.idx.msk [tilespmem:v21+s30+$0x0], $0xffff;
	v22 =	vor.u32 v22, v23  }
0x140: {  	v23 =	vor.u32 v1, v22;
	_ =	sdelay $0x2  }
0x141: {  	v24 =	vshll.u32 v24, $0x5  }
0x142: {  	[tilespmem:v20+s5+$0x0] =	vst.idx.msk $0xffff, v21;
	v20 =	vand.u32 $0x1F80, v24  }
0x143: {  	v21 =	vld.idx.msk [tilespmem:v23+s30+$0x0], $0xffff;
	v23 =	vor.u32 v2, v20  }
0x144: {  	v22 =	vor.u32 v3, v22;
	_ =	sdelay $0x1  }
0x145: {  	v24 =	vadd.s32 s0, v15  }
0x146: {  	v25 =	vshll.u32 v24, $0x3  }
0x147: {  	[tilespmem:v23+s5+$0x0] =	vst.idx.msk $0xffff, v21;
	v21 =	vand.u32 $0x7F, v24;
	v23 =	vand.u32 $0x400, v25  }
0x148: {  	v20 =	vor.u32 v4, v20;
	v22 =	vld.idx.msk [tilespmem:v22+s30+$0x0], $0xffff;
	v21 =	vor.u32 v21, v23  }
0x149: {  	v23 =	vor.u32 v1, v21;
	_ =	sdelay $0x2  }
0x14a: {  	v24 =	vshll.u32 v24, $0x5  }
0x14b: {  	[tilespmem:v20+s5+$0x0] =	vst.idx.msk $0xffff, v22;
	v20 =	vand.u32 $0x1F80, v24  }
0x14c: {  	v22 =	vld.idx.msk [tilespmem:v23+s30+$0x0], $0xffff;
	v23 =	vor.u32 v6, v20  }
0x14d: {  	v21 =	vor.u32 v3, v21;
	_ =	sdelay $0x1  }
0x14e: {  	v24 =	vadd.s32 s0, v16  }
0x14f: {  	v25 =	vshll.u32 v24, $0x3  }
0x150: {  	[tilespmem:v23+s5+$0x0] =	vst.idx.msk $0xffff, v22;
	v22 =	vand.u32 $0x7F, v24;
	v23 =	vand.u32 $0x400, v25  }
0x151: {  	v20 =	vor.u32 v7, v20;
	v21 =	vld.idx.msk [tilespmem:v21+s30+$0x0], $0xffff;
	v22 =	vor.u32 v22, v23  }
0x152: {  	v23 =	vor.u32 v1, v22;
	_ =	sdelay $0x2  }
0x153: {  	v24 =	vshll.u32 v24, $0x5  }
0x154: {  	[tilespmem:v20+s5+$0x0] =	vst.idx.msk $0xffff, v21;
	v20 =	vand.u32 $0x1F80, v24  }
0x155: {  	v21 =	vld.idx.msk [tilespmem:v23+s30+$0x0], $0xffff;
	v23 =	vor.u32 v8, v20  }
0x156: {  	v22 =	vor.u32 v3, v22;
	_ =	sdelay $0x1  }
0x157: {  	v24 =	vadd.s32 s0, v17  }
0x158: {  	v25 =	vshll.u32 v24, $0x3  }
0x159: {  	[tilespmem:v23+s5+$0x0] =	vst.idx.msk $0xffff, v21;
	v21 =	vand.u32 $0x7F, v24;
	v23 =	vand.u32 $0x400, v25  }
0x15a: {  	v20 =	vor.u32 v10, v20;
	v22 =	vld.idx.msk [tilespmem:v22+s30+$0x0], $0xffff;
	v21 =	vor.u32 v21, v23  }
0x15b: {  	v23 =	vor.u32 v1, v21;
	_ =	sdelay $0x2  }
0x15c: {  	v24 =	vshll.u32 v24, $0x5  }
0x15d: {  	[tilespmem:v20+s5+$0x0] =	vst.idx.msk $0xffff, v22;
	v20 =	vand.u32 $0x1F80, v24  }
0x15e: {  	v22 =	vld.idx.msk [tilespmem:v23+s30+$0x0], $0xffff;
	v24 =	vor.u32 v12, v20  }
0x15f: {  	v23 =	vor.u32 v3, v21;
	_ =	sdelay $0x1  }
0x160: {  	s13 =	simm.s32 $0x8  }
0x161: {  	s3 =	simm.s32 $0x10;
	v21 =	vadd.s32 s13, v0  }
.LBB2_4:
0x162: {  	p2 =	sne.s32 s3, $0xF8;
	v25 =	vshll.u32 v21, $0x3;
	[tilespmem:v24+s5+$0x0] =	vst.idx.msk $0xffff, v22  }
0x163: {  	v22 =	vand.u32 $0x7F, v21;
	v24 =	vand.u32 $0x400, v25;
	v23 =	vld.idx.msk [tilespmem:v23+s30+$0x0], $0xffff  }
0x164: {  	v20 =	vor.u32 v13, v20;
	v22 =	vor.u32 v22, v24  }
0x165: {  	v24 =	vor.u32 v1, v22;
	_ =	sdelay $0x3  }
0x166: {  	v21 =	vshll.u32 v21, $0x5;
	[tilespmem:v20+s5+$0x0] =	vst.idx.msk $0xffff, v23  }
0x167: {  	v21 =	vand.u32 $0x1F80, v21;
	v20 =	vld.idx.msk [tilespmem:v24+s30+$0x0], $0xffff  }
0x168: {  	v23 =	vor.u32 v2, v21  }
0x169: {  	v22 =	vor.u32 v3, v22;
	_ =	sdelay $0x2  }
0x16a: {  	v24 =	vadd.s32 s13, v5  }
0x16b: {  	[tilespmem:v23+s5+$0x0] =	vst.idx.msk $0xffff, v20;
	v20 =	vshll.u32 v24, $0x3  }
0x16c: {  	v23 =	vand.u32 $0x7F, v24;
	v22 =	vld.idx.msk [tilespmem:v22+s30+$0x0], $0xffff;
	v20 =	vand.u32 $0x400, v20  }
0x16d: {  	v21 =	vor.u32 v4, v21;
	v20 =	vor.u32 v23, v20  }
0x16e: {  	v23 =	vor.u32 v1, v20;
	_ =	sdelay $0x3  }
0x16f: {  	[tilespmem:v21+s5+$0x0] =	vst.idx.msk $0xffff, v22;
	v21 =	vshll.u32 v24, $0x5  }
0x170: {  	v22 =	vld.idx.msk [tilespmem:v23+s30+$0x0], $0xffff;
	v21 =	vand.u32 $0x1F80, v21  }
0x171: {  	v23 =	vor.u32 v6, v21  }
0x172: {  	v20 =	vor.u32 v3, v20;
	_ =	sdelay $0x2  }
0x173: {  	v24 =	vadd.s32 s13, v9  }
0x174: {  	[tilespmem:v23+s5+$0x0] =	vst.idx.msk $0xffff, v22;
	v22 =	vshll.u32 v24, $0x3  }
0x175: {  	v23 =	vand.u32 $0x7F, v24;
	v20 =	vld.idx.msk [tilespmem:v20+s30+$0x0], $0xffff;
	v22 =	vand.u32 $0x400, v22  }
0x176: {  	v21 =	vor.u32 v7, v21;
	v22 =	vor.u32 v23, v22  }
0x177: {  	v23 =	vor.u32 v1, v22;
	_ =	sdelay $0x3  }
0x178: {  	[tilespmem:v21+s5+$0x0] =	vst.idx.msk $0xffff, v20;
	v20 =	vshll.u32 v24, $0x5  }
0x179: {  	v21 =	vld.idx.msk [tilespmem:v23+s30+$0x0], $0xffff;
	v20 =	vand.u32 $0x1F80, v20  }
0x17a: {  	v23 =	vor.u32 v8, v20  }
0x17b: {  	v22 =	vor.u32 v3, v22;
	_ =	sdelay $0x2  }
0x17c: {  	v24 =	vadd.s32 s13, v11  }
0x17d: {  	[tilespmem:v23+s5+$0x0] =	vst.idx.msk $0xffff, v21;
	v21 =	vshll.u32 v24, $0x3  }
0x17e: {  	v23 =	vand.u32 $0x7F, v24;
	v22 =	vld.idx.msk [tilespmem:v22+s30+$0x0], $0xffff;
	v21 =	vand.u32 $0x400, v21  }
0x17f: {  	v20 =	vor.u32 v10, v20;
	v21 =	vor.u32 v23, v21  }
0x180: {  	v23 =	vor.u32 v1, v21;
	_ =	sdelay $0x3  }
0x181: {  	[tilespmem:v20+s5+$0x0] =	vst.idx.msk $0xffff, v22;
	v20 =	vshll.u32 v24, $0x5  }
0x182: {  	v22 =	vld.idx.msk [tilespmem:v23+s30+$0x0], $0xffff;
	v20 =	vand.u32 $0x1F80, v20  }
0x183: {  	v23 =	vor.u32 v12, v20  }
0x184: {  	v21 =	vor.u32 v3, v21;
	_ =	sdelay $0x2  }
0x185: {  	v24 =	vadd.s32 s13, v14  }
0x186: {  	[tilespmem:v23+s5+$0x0] =	vst.idx.msk $0xffff, v22;
	v22 =	vshll.u32 v24, $0x3  }
0x187: {  	v23 =	vand.u32 $0x7F, v24;
	v21 =	vld.idx.msk [tilespmem:v21+s30+$0x0], $0xffff;
	v22 =	vand.u32 $0x400, v22  }
0x188: {  	v20 =	vor.u32 v13, v20;
	v22 =	vor.u32 v23, v22  }
0x189: {  	v23 =	vor.u32 v1, v22;
	_ =	sdelay $0x3  }
0x18a: {  	[tilespmem:v20+s5+$0x0] =	vst.idx.msk $0xffff, v21;
	v20 =	vshll.u32 v24, $0x5  }
0x18b: {  	v21 =	vld.idx.msk [tilespmem:v23+s30+$0x0], $0xffff;
	v20 =	vand.u32 $0x1F80, v20  }
0x18c: {  	v23 =	vor.u32 v2, v20  }
0x18d: {  	v22 =	vor.u32 v3, v22;
	_ =	sdelay $0x2  }
0x18e: {  	v24 =	vadd.s32 s13, v15  }
0x18f: {  	[tilespmem:v23+s5+$0x0] =	vst.idx.msk $0xffff, v21;
	v21 =	vshll.u32 v24, $0x3  }
0x190: {  	v23 =	vand.u32 $0x7F, v24;
	v22 =	vld.idx.msk [tilespmem:v22+s30+$0x0], $0xffff;
	v21 =	vand.u32 $0x400, v21  }
0x191: {  	v20 =	vor.u32 v4, v20;
	v21 =	vor.u32 v23, v21  }
0x192: {  	v23 =	vor.u32 v1, v21;
	_ =	sdelay $0x3  }
0x193: {  	[tilespmem:v20+s5+$0x0] =	vst.idx.msk $0xffff, v22;
	v20 =	vshll.u32 v24, $0x5  }
0x194: {  	v22 =	vld.idx.msk [tilespmem:v23+s30+$0x0], $0xffff;
	v20 =	vand.u32 $0x1F80, v20  }
0x195: {  	v23 =	vor.u32 v6, v20  }
0x196: {  	v21 =	vor.u32 v3, v21;
	_ =	sdelay $0x2  }
0x197: {  	v24 =	vadd.s32 s13, v16  }
0x198: {  	[tilespmem:v23+s5+$0x0] =	vst.idx.msk $0xffff, v22;
	v22 =	vshll.u32 v24, $0x3  }
0x199: {  	v23 =	vand.u32 $0x7F, v24;
	v21 =	vld.idx.msk [tilespmem:v21+s30+$0x0], $0xffff;
	v22 =	vand.u32 $0x400, v22  }
0x19a: {  	v20 =	vor.u32 v7, v20;
	v22 =	vor.u32 v23, v22  }
0x19b: {  	v23 =	vor.u32 v1, v22;
	_ =	sdelay $0x3  }
0x19c: {  	[tilespmem:v20+s5+$0x0] =	vst.idx.msk $0xffff, v21;
	v20 =	vshll.u32 v24, $0x5  }
0x19d: {  	v21 =	vld.idx.msk [tilespmem:v23+s30+$0x0], $0xffff;
	v20 =	vand.u32 $0x1F80, v20  }
0x19e: {  	v23 =	vor.u32 v8, v20  }
0x19f: {  	v22 =	vor.u32 v3, v22;
	_ =	sdelay $0x2  }
0x1a0: {  	v24 =	vadd.s32 s13, v17;
	s13 =	smov.u32 s3  }
0x1a1: {  	[tilespmem:v23+s5+$0x0] =	vst.idx.msk $0xffff, v21;
	v21 =	vshll.u32 v24, $0x3  }
0x1a2: {  	v23 =	vand.u32 $0x7F, v24;
	v22 =	vld.idx.msk [tilespmem:v22+s30+$0x0], $0xffff;
	v21 =	vand.u32 $0x400, v21  }
0x1a3: {  	v20 =	vor.u32 v10, v20;
	v21 =	vor.u32 v23, v21  }
0x1a4: {  	v23 =	vor.u32 v1, v21;
	_ =	sdelay $0x3  }
0x1a5: {  	[tilespmem:v20+s5+$0x0] =	vst.idx.msk $0xffff, v22;
	v20 =	vshll.u32 v24, $0x5  }
0x1a6: {  	v22 =	vld.idx.msk [tilespmem:v23+s30+$0x0], $0xffff;
	v20 =	vand.u32 $0x1F80, v20  }
.Ltmp1:
0x1a7: {  	v24 =	vor.u32 v12, v20;
	(pc) =	sbr.rel @p2 .LBB2_4-.Ltmp1, $2  }
0x1a8: {  	v23 =	vor.u32 v3, v21;
	_ =	sdelay $0x2  }
0x1a9: {  	s3 =	sadd.s32 $0x8, s3;
	v21 =	vadd.s32 s13, v0  }
0x1aa: {  	_ =	sdelay $0x2  }
0x1ab: {  	v25 =	vshll.u32 v21, $0x3  }
0x1ac: {  	[tilespmem:v24+s5+$0x0] =	vst.idx.msk $0xffff, v22;
	v22 =	vand.u32 $0x7F, v21;
	v24 =	vand.u32 $0x400, v25  }
0x1ad: {  	v20 =	vor.u32 v13, v20;
	v23 =	vld.idx.msk [tilespmem:v23+s30+$0x0], $0xffff;
	v22 =	vor.u32 v22, v24  }
0x1ae: {  	v24 =	vor.u32 v1, v22;
	_ =	sdelay $0x2  }
0x1af: {  	v21 =	vshll.u32 v21, $0x5  }
0x1b0: {  	[tilespmem:v20+s5+$0x0] =	vst.idx.msk $0xffff, v23;
	v20 =	vand.u32 $0x1F80, v21  }
0x1b1: {  	v23 =	vor.u32 v2, v20;
	v21 =	vld.idx.msk [tilespmem:v24+s30+$0x0], $0xffff  }
0x1b2: {  	v22 =	vor.u32 v3, v22;
	_ =	sdelay $0x1  }
0x1b3: {  	v24 =	vadd.s32 s13, v5  }
0x1b4: {  	v25 =	vshll.u32 v24, $0x3  }
0x1b5: {  	[tilespmem:v23+s5+$0x0] =	vst.idx.msk $0xffff, v21;
	v21 =	vand.u32 $0x7F, v24;
	v23 =	vand.u32 $0x400, v25  }
0x1b6: {  	v20 =	vor.u32 v4, v20;
	v22 =	vld.idx.msk [tilespmem:v22+s30+$0x0], $0xffff;
	v21 =	vor.u32 v21, v23  }
0x1b7: {  	v23 =	vor.u32 v1, v21;
	_ =	sdelay $0x2  }
0x1b8: {  	v24 =	vshll.u32 v24, $0x5  }
0x1b9: {  	[tilespmem:v20+s5+$0x0] =	vst.idx.msk $0xffff, v22;
	v20 =	vand.u32 $0x1F80, v24  }
0x1ba: {  	v22 =	vld.idx.msk [tilespmem:v23+s30+$0x0], $0xffff;
	v23 =	vor.u32 v6, v20  }
0x1bb: {  	v21 =	vor.u32 v3, v21;
	_ =	sdelay $0x1  }
0x1bc: {  	v24 =	vadd.s32 s13, v9  }
0x1bd: {  	v25 =	vshll.u32 v24, $0x3  }
0x1be: {  	[tilespmem:v23+s5+$0x0] =	vst.idx.msk $0xffff, v22;
	v22 =	vand.u32 $0x7F, v24;
	v23 =	vand.u32 $0x400, v25  }
0x1bf: {  	v20 =	vor.u32 v7, v20;
	v21 =	vld.idx.msk [tilespmem:v21+s30+$0x0], $0xffff;
	v22 =	vor.u32 v22, v23  }
0x1c0: {  	v23 =	vor.u32 v1, v22;
	_ =	sdelay $0x2  }
0x1c1: {  	v24 =	vshll.u32 v24, $0x5  }
0x1c2: {  	[tilespmem:v20+s5+$0x0] =	vst.idx.msk $0xffff, v21;
	v20 =	vand.u32 $0x1F80, v24  }
0x1c3: {  	v21 =	vld.idx.msk [tilespmem:v23+s30+$0x0], $0xffff;
	v23 =	vor.u32 v8, v20  }
0x1c4: {  	v22 =	vor.u32 v3, v22;
	_ =	sdelay $0x1  }
0x1c5: {  	v24 =	vadd.s32 s13, v11  }
0x1c6: {  	v25 =	vshll.u32 v24, $0x3  }
0x1c7: {  	[tilespmem:v23+s5+$0x0] =	vst.idx.msk $0xffff, v21;
	v21 =	vand.u32 $0x7F, v24;
	v23 =	vand.u32 $0x400, v25  }
0x1c8: {  	v20 =	vor.u32 v10, v20;
	v22 =	vld.idx.msk [tilespmem:v22+s30+$0x0], $0xffff;
	v21 =	vor.u32 v21, v23  }
0x1c9: {  	v23 =	vor.u32 v1, v21;
	_ =	sdelay $0x2  }
0x1ca: {  	v24 =	vshll.u32 v24, $0x5  }
0x1cb: {  	[tilespmem:v20+s5+$0x0] =	vst.idx.msk $0xffff, v22;
	v20 =	vand.u32 $0x1F80, v24  }
0x1cc: {  	v22 =	vld.idx.msk [tilespmem:v23+s30+$0x0], $0xffff;
	v23 =	vor.u32 v12, v20  }
0x1cd: {  	v21 =	vor.u32 v3, v21;
	_ =	sdelay $0x1  }
0x1ce: {  	v24 =	vadd.s32 s13, v14  }
0x1cf: {  	v25 =	vshll.u32 v24, $0x3  }
0x1d0: {  	[tilespmem:v23+s5+$0x0] =	vst.idx.msk $0xffff, v22;
	v22 =	vand.u32 $0x7F, v24;
	v23 =	vand.u32 $0x400, v25  }
0x1d1: {  	v20 =	vor.u32 v13, v20;
	v21 =	vld.idx.msk [tilespmem:v21+s30+$0x0], $0xffff;
	v22 =	vor.u32 v22, v23  }
0x1d2: {  	v23 =	vor.u32 v1, v22;
	_ =	sdelay $0x2  }
0x1d3: {  	v24 =	vshll.u32 v24, $0x5  }
0x1d4: {  	[tilespmem:v20+s5+$0x0] =	vst.idx.msk $0xffff, v21;
	v20 =	vand.u32 $0x1F80, v24  }
0x1d5: {  	v21 =	vld.idx.msk [tilespmem:v23+s30+$0x0], $0xffff;
	v23 =	vor.u32 v2, v20  }
0x1d6: {  	v22 =	vor.u32 v3, v22;
	_ =	sdelay $0x1  }
0x1d7: {  	v24 =	vadd.s32 s13, v15  }
0x1d8: {  	v25 =	vshll.u32 v24, $0x3  }
0x1d9: {  	[tilespmem:v23+s5+$0x0] =	vst.idx.msk $0xffff, v21;
	v21 =	vand.u32 $0x7F, v24;
	v23 =	vand.u32 $0x400, v25  }
0x1da: {  	v20 =	vor.u32 v4, v20;
	v22 =	vld.idx.msk [tilespmem:v22+s30+$0x0], $0xffff;
	v21 =	vor.u32 v21, v23  }
0x1db: {  	v23 =	vor.u32 v1, v21;
	_ =	sdelay $0x2  }
0x1dc: {  	v24 =	vshll.u32 v24, $0x5  }
0x1dd: {  	[tilespmem:v20+s5+$0x0] =	vst.idx.msk $0xffff, v22;
	v20 =	vand.u32 $0x1F80, v24  }
0x1de: {  	v22 =	vld.idx.msk [tilespmem:v23+s30+$0x0], $0xffff;
	v23 =	vor.u32 v6, v20  }
0x1df: {  	v21 =	vor.u32 v3, v21;
	_ =	sdelay $0x1  }
0x1e0: {  	v24 =	vadd.s32 s13, v16  }
0x1e1: {  	v25 =	vshll.u32 v24, $0x3  }
0x1e2: {  	[tilespmem:v23+s5+$0x0] =	vst.idx.msk $0xffff, v22;
	v22 =	vand.u32 $0x7F, v24;
	v23 =	vand.u32 $0x400, v25  }
0x1e3: {  	v20 =	vor.u32 v7, v20;
	v21 =	vld.idx.msk [tilespmem:v21+s30+$0x0], $0xffff;
	v22 =	vor.u32 v22, v23  }
0x1e4: {  	v23 =	vor.u32 v1, v22;
	_ =	sdelay $0x2  }
0x1e5: {  	v24 =	vshll.u32 v24, $0x5  }
0x1e6: {  	[tilespmem:v20+s5+$0x0] =	vst.idx.msk $0xffff, v21;
	v20 =	vand.u32 $0x1F80, v24  }
0x1e7: {  	v21 =	vld.idx.msk [tilespmem:v23+s30+$0x0], $0xffff;
	v23 =	vor.u32 v8, v20  }
0x1e8: {  	v22 =	vor.u32 v3, v22;
	_ =	sdelay $0x1  }
0x1e9: {  	v24 =	vadd.s32 s13, v17  }
0x1ea: {  	v25 =	vshll.u32 v24, $0x3  }
0x1eb: {  	[tilespmem:v23+s5+$0x0] =	vst.idx.msk $0xffff, v21;
	v21 =	vand.u32 $0x7F, v24;
	v23 =	vand.u32 $0x400, v25  }
0x1ec: {  	v20 =	vor.u32 v10, v20;
	v22 =	vld.idx.msk [tilespmem:v22+s30+$0x0], $0xffff;
	v21 =	vor.u32 v21, v23  }
0x1ed: {  	v23 =	vor.u32 v1, v21;
	_ =	sdelay $0x2  }
0x1ee: {  	v24 =	vshll.u32 v24, $0x5  }
0x1ef: {  	[tilespmem:v20+s5+$0x0] =	vst.idx.msk $0xffff, v22;
	v20 =	vand.u32 $0x1F80, v24  }
0x1f0: {  	v22 =	vld.idx.msk [tilespmem:v23+s30+$0x0], $0xffff;
	v23 =	vor.u32 v12, v20  }
0x1f1: {  	v21 =	vor.u32 v3, v21;
	_ =	sdelay $0x3  }
0x1f2: {  	[tilespmem:v23+s5+$0x0] =	vst.idx.msk $0xffff, v22  }
0x1f3: {  	v20 =	vor.u32 v13, v20;
	v21 =	vld.idx.msk [tilespmem:v21+s30+$0x0], $0xffff;
	_ =	sdelay $0x3  }
0x1f4: {  	s0 =	simm.s32 $0x0  }
0x1f5: {  	s3 =	rddreg [dreg:$0x15];
	s21 =	simm.s32 $0x1;
	[tilespmem:v20+s5+$0x0] =	vst.idx.msk $0xffff, v21;
	v20 =	vadd.s32 s0, v0  }
0x1f6: {  	[hbm4b:s3+s0] =	stream.linear.scatter [tilespmem:s5], [sflag:$0x4], $0x2000, $0x38;
	v21 =	vshll.u32 v20, $0x3;
	[tilespmem:$0x12400] =	vst v63  }
0x1f7: {  	v22 =	vand.u32 $0x7F, v20;
	_ =	swait.ge [sflag:s21], $0x2000;
	v21 =	vand.u32 $0x400, v21  }
0x1f8: {  	[sflag:s21] =	ssyncset.done $0x0;
	v21 =	vor.u32 v22, v21  }
0x1f9: {  	s29 =	simm.s32 $0x3;
	s25 =	rddreg [dreg:$0xb];
	[sflag:s21] =	ssyncadd.s32 $0xFFFFE000;
	v22 =	vor.u32 v1, v21  }
0x1fa: {  	[tilespmem:s30], [sflag:$0x2] =	stream.strided.gather [hbm4b:s25+s17], $0x2000, s19, s17, $0x38;
	[tilespmem:$0x12400] =	vst v63  }
0x1fb: {  	_ =	swait.ge [sflag:s29], $0x2000  }
0x1fc: {  	v20 =	vshll.u32 v20, $0x5;
	[sflag:s29] =	ssyncset.done $0x0  }
0x1fd: {  	v20 =	vand.u32 $0x1F80, v20;
	[sflag:s29] =	ssyncadd.s32 $0xFFFFE000  }
0x1fe: {  	v23 =	vor.u32 v2, v20;
	v22 =	vld.idx.msk [tilespmem:v22+s4+$0x0], $0xffff  }
0x1ff: {  	v21 =	vor.u32 v3, v21;
	_ =	sdelay $0x1  }
0x200: {  	v24 =	vadd.s32 s0, v5  }
0x201: {  	v25 =	vshll.u32 v24, $0x3  }
0x202: {  	[tilespmem:v23+s31+$0x0] =	vst.idx.msk $0xffff, v22;
	v22 =	vand.u32 $0x7F, v24;
	v23 =	vand.u32 $0x400, v25  }
0x203: {  	v20 =	vor.u32 v4, v20;
	v21 =	vld.idx.msk [tilespmem:v21+s4+$0x0], $0xffff;
	v22 =	vor.u32 v22, v23  }
0x204: {  	v23 =	vor.u32 v1, v22;
	_ =	sdelay $0x2  }
0x205: {  	v24 =	vshll.u32 v24, $0x5  }
0x206: {  	[tilespmem:v20+s31+$0x0] =	vst.idx.msk $0xffff, v21;
	v20 =	vand.u32 $0x1F80, v24  }
0x207: {  	v21 =	vld.idx.msk [tilespmem:v23+s4+$0x0], $0xffff;
	v23 =	vor.u32 v6, v20  }
0x208: {  	v22 =	vor.u32 v3, v22;
	_ =	sdelay $0x1  }
0x209: {  	v24 =	vadd.s32 s0, v9  }
0x20a: {  	v25 =	vshll.u32 v24, $0x3  }
0x20b: {  	[tilespmem:v23+s31+$0x0] =	vst.idx.msk $0xffff, v21;
	v21 =	vand.u32 $0x7F, v24;
	v23 =	vand.u32 $0x400, v25  }
0x20c: {  	v20 =	vor.u32 v7, v20;
	v22 =	vld.idx.msk [tilespmem:v22+s4+$0x0], $0xffff;
	v21 =	vor.u32 v21, v23  }
0x20d: {  	v23 =	vor.u32 v1, v21;
	_ =	sdelay $0x2  }
0x20e: {  	v24 =	vshll.u32 v24, $0x5  }
0x20f: {  	[tilespmem:v20+s31+$0x0] =	vst.idx.msk $0xffff, v22;
	v20 =	vand.u32 $0x1F80, v24  }
0x210: {  	v22 =	vld.idx.msk [tilespmem:v23+s4+$0x0], $0xffff;
	v23 =	vor.u32 v8, v20  }
0x211: {  	v21 =	vor.u32 v3, v21;
	_ =	sdelay $0x1  }
0x212: {  	v24 =	vadd.s32 s0, v11  }
0x213: {  	v25 =	vshll.u32 v24, $0x3  }
0x214: {  	[tilespmem:v23+s31+$0x0] =	vst.idx.msk $0xffff, v22;
	v22 =	vand.u32 $0x7F, v24;
	v23 =	vand.u32 $0x400, v25  }
0x215: {  	v20 =	vor.u32 v10, v20;
	v21 =	vld.idx.msk [tilespmem:v21+s4+$0x0], $0xffff;
	v22 =	vor.u32 v22, v23  }
0x216: {  	v23 =	vor.u32 v1, v22;
	_ =	sdelay $0x2  }
0x217: {  	v24 =	vshll.u32 v24, $0x5  }
0x218: {  	[tilespmem:v20+s31+$0x0] =	vst.idx.msk $0xffff, v21;
	v20 =	vand.u32 $0x1F80, v24  }
0x219: {  	v21 =	vld.idx.msk [tilespmem:v23+s4+$0x0], $0xffff;
	v23 =	vor.u32 v12, v20  }
0x21a: {  	v22 =	vor.u32 v3, v22;
	_ =	sdelay $0x1  }
0x21b: {  	v24 =	vadd.s32 s0, v14  }
0x21c: {  	v25 =	vshll.u32 v24, $0x3  }
0x21d: {  	[tilespmem:v23+s31+$0x0] =	vst.idx.msk $0xffff, v21;
	v21 =	vand.u32 $0x7F, v24;
	v23 =	vand.u32 $0x400, v25  }
0x21e: {  	v20 =	vor.u32 v13, v20;
	v22 =	vld.idx.msk [tilespmem:v22+s4+$0x0], $0xffff;
	v21 =	vor.u32 v21, v23  }
0x21f: {  	v23 =	vor.u32 v1, v21;
	_ =	sdelay $0x2  }
0x220: {  	v24 =	vshll.u32 v24, $0x5  }
0x221: {  	[tilespmem:v20+s31+$0x0] =	vst.idx.msk $0xffff, v22;
	v20 =	vand.u32 $0x1F80, v24  }
0x222: {  	v22 =	vld.idx.msk [tilespmem:v23+s4+$0x0], $0xffff;
	v23 =	vor.u32 v2, v20  }
0x223: {  	v21 =	vor.u32 v3, v21;
	_ =	sdelay $0x1  }
0x224: {  	v24 =	vadd.s32 s0, v15  }
0x225: {  	v25 =	vshll.u32 v24, $0x3  }
0x226: {  	[tilespmem:v23+s31+$0x0] =	vst.idx.msk $0xffff, v22;
	v22 =	vand.u32 $0x7F, v24;
	v23 =	vand.u32 $0x400, v25  }
0x227: {  	v20 =	vor.u32 v4, v20;
	v21 =	vld.idx.msk [tilespmem:v21+s4+$0x0], $0xffff;
	v22 =	vor.u32 v22, v23  }
0x228: {  	v23 =	vor.u32 v1, v22;
	_ =	sdelay $0x2  }
0x229: {  	v24 =	vshll.u32 v24, $0x5  }
0x22a: {  	[tilespmem:v20+s31+$0x0] =	vst.idx.msk $0xffff, v21;
	v20 =	vand.u32 $0x1F80, v24  }
0x22b: {  	v21 =	vld.idx.msk [tilespmem:v23+s4+$0x0], $0xffff;
	v23 =	vor.u32 v6, v20  }
0x22c: {  	v22 =	vor.u32 v3, v22;
	_ =	sdelay $0x1  }
0x22d: {  	v24 =	vadd.s32 s0, v16  }
0x22e: {  	v25 =	vshll.u32 v24, $0x3  }
0x22f: {  	[tilespmem:v23+s31+$0x0] =	vst.idx.msk $0xffff, v21;
	v21 =	vand.u32 $0x7F, v24;
	v23 =	vand.u32 $0x400, v25  }
0x230: {  	v20 =	vor.u32 v7, v20;
	v22 =	vld.idx.msk [tilespmem:v22+s4+$0x0], $0xffff;
	v21 =	vor.u32 v21, v23  }
0x231: {  	v23 =	vor.u32 v1, v21;
	_ =	sdelay $0x2  }
0x232: {  	v24 =	vshll.u32 v24, $0x5  }
0x233: {  	[tilespmem:v20+s31+$0x0] =	vst.idx.msk $0xffff, v22;
	v20 =	vand.u32 $0x1F80, v24  }
0x234: {  	v22 =	vld.idx.msk [tilespmem:v23+s4+$0x0], $0xffff;
	v23 =	vor.u32 v8, v20  }
0x235: {  	v21 =	vor.u32 v3, v21;
	_ =	sdelay $0x1  }
0x236: {  	v24 =	vadd.s32 s0, v17  }
0x237: {  	v25 =	vshll.u32 v24, $0x3  }
0x238: {  	[tilespmem:v23+s31+$0x0] =	vst.idx.msk $0xffff, v22;
	v22 =	vand.u32 $0x7F, v24;
	v23 =	vand.u32 $0x400, v25  }
0x239: {  	v20 =	vor.u32 v10, v20;
	v21 =	vld.idx.msk [tilespmem:v21+s4+$0x0], $0xffff;
	v23 =	vor.u32 v22, v23  }
0x23a: {  	v22 =	vor.u32 v1, v23;
	_ =	sdelay $0x2  }
0x23b: {  	v24 =	vshll.u32 v24, $0x5  }
0x23c: {  	[tilespmem:v20+s31+$0x0] =	vst.idx.msk $0xffff, v21;
	v20 =	vand.u32 $0x1F80, v24  }
0x23d: {  	v22 =	vld.idx.msk [tilespmem:v22+s4+$0x0], $0xffff;
	v24 =	vor.u32 v12, v20  }
0x23e: {  	v23 =	vor.u32 v3, v23;
	_ =	sdelay $0x1  }
0x23f: {  	s13 =	simm.s32 $0x8  }
0x240: {  	s3 =	simm.s32 $0x10;
	v21 =	vadd.s32 s13, v0  }
.LBB2_6:
0x241: {  	p2 =	sne.s32 s3, $0xF8;
	v25 =	vshll.u32 v21, $0x3;
	[tilespmem:v24+s31+$0x0] =	vst.idx.msk $0xffff, v22  }
0x242: {  	v22 =	vand.u32 $0x7F, v21;
	v24 =	vand.u32 $0x400, v25;
	v23 =	vld.idx.msk [tilespmem:v23+s4+$0x0], $0xffff  }
0x243: {  	v20 =	vor.u32 v13, v20;
	v22 =	vor.u32 v22, v24  }
0x244: {  	v24 =	vor.u32 v1, v22;
	_ =	sdelay $0x3  }
0x245: {  	v21 =	vshll.u32 v21, $0x5;
	[tilespmem:v20+s31+$0x0] =	vst.idx.msk $0xffff, v23  }
0x246: {  	v21 =	vand.u32 $0x1F80, v21;
	v20 =	vld.idx.msk [tilespmem:v24+s4+$0x0], $0xffff  }
0x247: {  	v23 =	vor.u32 v2, v21  }
0x248: {  	v22 =	vor.u32 v3, v22;
	_ =	sdelay $0x2  }
0x249: {  	v24 =	vadd.s32 s13, v5  }
0x24a: {  	[tilespmem:v23+s31+$0x0] =	vst.idx.msk $0xffff, v20;
	v20 =	vshll.u32 v24, $0x3  }
0x24b: {  	v23 =	vand.u32 $0x7F, v24;
	v22 =	vld.idx.msk [tilespmem:v22+s4+$0x0], $0xffff;
	v20 =	vand.u32 $0x400, v20  }
0x24c: {  	v21 =	vor.u32 v4, v21;
	v20 =	vor.u32 v23, v20  }
0x24d: {  	v23 =	vor.u32 v1, v20;
	_ =	sdelay $0x3  }
0x24e: {  	[tilespmem:v21+s31+$0x0] =	vst.idx.msk $0xffff, v22;
	v21 =	vshll.u32 v24, $0x5  }
0x24f: {  	v22 =	vld.idx.msk [tilespmem:v23+s4+$0x0], $0xffff;
	v21 =	vand.u32 $0x1F80, v21  }
0x250: {  	v23 =	vor.u32 v6, v21  }
0x251: {  	v20 =	vor.u32 v3, v20;
	_ =	sdelay $0x2  }
0x252: {  	v24 =	vadd.s32 s13, v9  }
0x253: {  	[tilespmem:v23+s31+$0x0] =	vst.idx.msk $0xffff, v22;
	v22 =	vshll.u32 v24, $0x3  }
0x254: {  	v23 =	vand.u32 $0x7F, v24;
	v20 =	vld.idx.msk [tilespmem:v20+s4+$0x0], $0xffff;
	v22 =	vand.u32 $0x400, v22  }
0x255: {  	v21 =	vor.u32 v7, v21;
	v22 =	vor.u32 v23, v22  }
0x256: {  	v23 =	vor.u32 v1, v22;
	_ =	sdelay $0x3  }
0x257: {  	[tilespmem:v21+s31+$0x0] =	vst.idx.msk $0xffff, v20;
	v20 =	vshll.u32 v24, $0x5  }
0x258: {  	v21 =	vld.idx.msk [tilespmem:v23+s4+$0x0], $0xffff;
	v20 =	vand.u32 $0x1F80, v20  }
0x259: {  	v23 =	vor.u32 v8, v20  }
0x25a: {  	v22 =	vor.u32 v3, v22;
	_ =	sdelay $0x2  }
0x25b: {  	v24 =	vadd.s32 s13, v11  }
0x25c: {  	[tilespmem:v23+s31+$0x0] =	vst.idx.msk $0xffff, v21;
	v21 =	vshll.u32 v24, $0x3  }
0x25d: {  	v23 =	vand.u32 $0x7F, v24;
	v22 =	vld.idx.msk [tilespmem:v22+s4+$0x0], $0xffff;
	v21 =	vand.u32 $0x400, v21  }
0x25e: {  	v20 =	vor.u32 v10, v20;
	v21 =	vor.u32 v23, v21  }
0x25f: {  	v23 =	vor.u32 v1, v21;
	_ =	sdelay $0x3  }
0x260: {  	[tilespmem:v20+s31+$0x0] =	vst.idx.msk $0xffff, v22;
	v20 =	vshll.u32 v24, $0x5  }
0x261: {  	v22 =	vld.idx.msk [tilespmem:v23+s4+$0x0], $0xffff;
	v20 =	vand.u32 $0x1F80, v20  }
0x262: {  	v23 =	vor.u32 v12, v20  }
0x263: {  	v21 =	vor.u32 v3, v21;
	_ =	sdelay $0x2  }
0x264: {  	v24 =	vadd.s32 s13, v14  }
0x265: {  	[tilespmem:v23+s31+$0x0] =	vst.idx.msk $0xffff, v22;
	v22 =	vshll.u32 v24, $0x3  }
0x266: {  	v23 =	vand.u32 $0x7F, v24;
	v21 =	vld.idx.msk [tilespmem:v21+s4+$0x0], $0xffff;
	v22 =	vand.u32 $0x400, v22  }
0x267: {  	v20 =	vor.u32 v13, v20;
	v22 =	vor.u32 v23, v22  }
0x268: {  	v23 =	vor.u32 v1, v22;
	_ =	sdelay $0x3  }
0x269: {  	[tilespmem:v20+s31+$0x0] =	vst.idx.msk $0xffff, v21;
	v20 =	vshll.u32 v24, $0x5  }
0x26a: {  	v21 =	vld.idx.msk [tilespmem:v23+s4+$0x0], $0xffff;
	v20 =	vand.u32 $0x1F80, v20  }
0x26b: {  	v23 =	vor.u32 v2, v20  }
0x26c: {  	v22 =	vor.u32 v3, v22;
	_ =	sdelay $0x2  }
0x26d: {  	v24 =	vadd.s32 s13, v15  }
0x26e: {  	[tilespmem:v23+s31+$0x0] =	vst.idx.msk $0xffff, v21;
	v21 =	vshll.u32 v24, $0x3  }
0x26f: {  	v23 =	vand.u32 $0x7F, v24;
	v22 =	vld.idx.msk [tilespmem:v22+s4+$0x0], $0xffff;
	v21 =	vand.u32 $0x400, v21  }
0x270: {  	v20 =	vor.u32 v4, v20;
	v21 =	vor.u32 v23, v21  }
0x271: {  	v23 =	vor.u32 v1, v21;
	_ =	sdelay $0x3  }
0x272: {  	[tilespmem:v20+s31+$0x0] =	vst.idx.msk $0xffff, v22;
	v20 =	vshll.u32 v24, $0x5  }
0x273: {  	v22 =	vld.idx.msk [tilespmem:v23+s4+$0x0], $0xffff;
	v20 =	vand.u32 $0x1F80, v20  }
0x274: {  	v23 =	vor.u32 v6, v20  }
0x275: {  	v21 =	vor.u32 v3, v21;
	_ =	sdelay $0x2  }
0x276: {  	v24 =	vadd.s32 s13, v16  }
0x277: {  	[tilespmem:v23+s31+$0x0] =	vst.idx.msk $0xffff, v22;
	v22 =	vshll.u32 v24, $0x3  }
0x278: {  	v23 =	vand.u32 $0x7F, v24;
	v21 =	vld.idx.msk [tilespmem:v21+s4+$0x0], $0xffff;
	v22 =	vand.u32 $0x400, v22  }
0x279: {  	v20 =	vor.u32 v7, v20;
	v22 =	vor.u32 v23, v22  }
0x27a: {  	v23 =	vor.u32 v1, v22;
	_ =	sdelay $0x3  }
0x27b: {  	[tilespmem:v20+s31+$0x0] =	vst.idx.msk $0xffff, v21;
	v20 =	vshll.u32 v24, $0x5  }
0x27c: {  	v21 =	vld.idx.msk [tilespmem:v23+s4+$0x0], $0xffff;
	v20 =	vand.u32 $0x1F80, v20  }
0x27d: {  	v23 =	vor.u32 v8, v20  }
0x27e: {  	v22 =	vor.u32 v3, v22;
	_ =	sdelay $0x2  }
0x27f: {  	v24 =	vadd.s32 s13, v17;
	s13 =	smov.u32 s3  }
0x280: {  	[tilespmem:v23+s31+$0x0] =	vst.idx.msk $0xffff, v21;
	v21 =	vshll.u32 v24, $0x3  }
0x281: {  	v23 =	vand.u32 $0x7F, v24;
	v22 =	vld.idx.msk [tilespmem:v22+s4+$0x0], $0xffff;
	v21 =	vand.u32 $0x400, v21  }
0x282: {  	v20 =	vor.u32 v10, v20;
	v21 =	vor.u32 v23, v21  }
0x283: {  	v23 =	vor.u32 v1, v21;
	_ =	sdelay $0x3  }
0x284: {  	[tilespmem:v20+s31+$0x0] =	vst.idx.msk $0xffff, v22;
	v20 =	vshll.u32 v24, $0x5  }
0x285: {  	v22 =	vld.idx.msk [tilespmem:v23+s4+$0x0], $0xffff;
	v20 =	vand.u32 $0x1F80, v20  }
.Ltmp2:
0x286: {  	v24 =	vor.u32 v12, v20;
	(pc) =	sbr.rel @p2 .LBB2_6-.Ltmp2, $2  }
0x287: {  	v23 =	vor.u32 v3, v21;
	_ =	sdelay $0x2  }
0x288: {  	s3 =	sadd.s32 $0x8, s3;
	v21 =	vadd.s32 s13, v0  }
0x289: {  	_ =	sdelay $0x2  }
0x28a: {  	v25 =	vshll.u32 v21, $0x3  }
0x28b: {  	[tilespmem:v24+s31+$0x0] =	vst.idx.msk $0xffff, v22;
	v60 =	vand.u32 $0x7F, v21;
	v61 =	vand.u32 $0x400, v25  }
0x28c: {  	v20 =	vor.u32 v13, v20;
	v23 =	vld.idx.msk [tilespmem:v23+s4+$0x0], $0xffff;
	v22 =	vor.u32 v60, v61  }
0x28d: {  	v24 =	vor.u32 v1, v22;
	_ =	sdelay $0x2  }
0x28e: {  	v62 =	vshll.u32 v21, $0x5  }
0x28f: {  	[tilespmem:v20+s31+$0x0] =	vst.idx.msk $0xffff, v23;
	v20 =	vand.u32 $0x1F80, v62  }
0x290: {  	v28 =	vor.u32 v2, v20;
	v63 =	vld.idx.msk [tilespmem:v24+s4+$0x0], $0xffff  }
0x291: {  	v22 =	vor.u32 v3, v22;
	_ =	sdelay $0x1  }
0x292: {  	v29 =	vadd.s32 s13, v5  }
0x293: {  	v30 =	vshll.u32 v29, $0x3  }
0x294: {  	v31 =	vand.u32 $0x7F, v29;
	v32 =	vand.u32 $0x400, v30;
	[tilespmem:v28+s31+$0x0] =	vst.idx.msk $0xffff, v63  }
0x295: {  	v21 =	vor.u32 v31, v32;
	v20 =	vor.u32 v4, v20;
	v22 =	vld.idx.msk [tilespmem:v22+s4+$0x0], $0xffff  }
0x296: {  	v23 =	vor.u32 v1, v21;
	_ =	sdelay $0x2  }
0x297: {  	v24 =	vshll.u32 v29, $0x5  }
0x298: {  	[tilespmem:v20+s31+$0x0] =	vst.idx.msk $0xffff, v22;
	v20 =	vand.u32 $0x1F80, v24  }
0x299: {  	v22 =	vld.idx.msk [tilespmem:v23+s4+$0x0], $0xffff;
	v33 =	vor.u32 v6, v20  }
0x29a: {  	v21 =	vor.u32 v3, v21;
	_ =	sdelay $0x1  }
0x29b: {  	v34 =	vadd.s32 s13, v9  }
0x29c: {  	v35 =	vshll.u32 v34, $0x3  }
0x29d: {  	v36 =	vand.u32 $0x7F, v34;
	v37 =	vand.u32 $0x400, v35;
	[tilespmem:v33+s31+$0x0] =	vst.idx.msk $0xffff, v22  }
0x29e: {  	v20 =	vor.u32 v7, v20;
	v22 =	vor.u32 v36, v37;
	v21 =	vld.idx.msk [tilespmem:v21+s4+$0x0], $0xffff  }
0x29f: {  	v23 =	vor.u32 v1, v22;
	_ =	sdelay $0x2  }
0x2a0: {  	v24 =	vshll.u32 v34, $0x5  }
0x2a1: {  	[tilespmem:v20+s31+$0x0] =	vst.idx.msk $0xffff, v21;
	v20 =	vand.u32 $0x1F80, v24  }
0x2a2: {  	v21 =	vld.idx.msk [tilespmem:v23+s4+$0x0], $0xffff;
	v38 =	vor.u32 v8, v20  }
0x2a3: {  	v22 =	vor.u32 v3, v22;
	_ =	sdelay $0x1  }
0x2a4: {  	v39 =	vadd.s32 s13, v11  }
0x2a5: {  	v40 =	vshll.u32 v39, $0x3  }
0x2a6: {  	v41 =	vand.u32 $0x7F, v39;
	v42 =	vand.u32 $0x400, v40;
	[tilespmem:v38+s31+$0x0] =	vst.idx.msk $0xffff, v21  }
0x2a7: {  	v20 =	vor.u32 v10, v20;
	v21 =	vor.u32 v41, v42;
	v22 =	vld.idx.msk [tilespmem:v22+s4+$0x0], $0xffff  }
0x2a8: {  	v23 =	vor.u32 v1, v21;
	_ =	sdelay $0x2  }
0x2a9: {  	v24 =	vshll.u32 v39, $0x5  }
0x2aa: {  	[tilespmem:v20+s31+$0x0] =	vst.idx.msk $0xffff, v22;
	v20 =	vand.u32 $0x1F80, v24  }
0x2ab: {  	v22 =	vld.idx.msk [tilespmem:v23+s4+$0x0], $0xffff;
	v43 =	vor.u32 v12, v20  }
0x2ac: {  	v21 =	vor.u32 v3, v21;
	_ =	sdelay $0x1  }
0x2ad: {  	v44 =	vadd.s32 s13, v14  }
0x2ae: {  	v45 =	vshll.u32 v44, $0x3  }
0x2af: {  	v46 =	vand.u32 $0x7F, v44;
	v47 =	vand.u32 $0x400, v45;
	[tilespmem:v43+s31+$0x0] =	vst.idx.msk $0xffff, v22  }
0x2b0: {  	v20 =	vor.u32 v13, v20;
	v22 =	vor.u32 v46, v47;
	v21 =	vld.idx.msk [tilespmem:v21+s4+$0x0], $0xffff  }
0x2b1: {  	v23 =	vor.u32 v1, v22;
	_ =	sdelay $0x2  }
0x2b2: {  	v24 =	vshll.u32 v44, $0x5  }
0x2b3: {  	[tilespmem:v20+s31+$0x0] =	vst.idx.msk $0xffff, v21;
	v20 =	vand.u32 $0x1F80, v24  }
0x2b4: {  	v21 =	vld.idx.msk [tilespmem:v23+s4+$0x0], $0xffff;
	v48 =	vor.u32 v2, v20  }
0x2b5: {  	v22 =	vor.u32 v3, v22;
	_ =	sdelay $0x1  }
0x2b6: {  	v49 =	vadd.s32 s13, v15  }
0x2b7: {  	v50 =	vshll.u32 v49, $0x3  }
0x2b8: {  	v51 =	vand.u32 $0x7F, v49;
	v52 =	vand.u32 $0x400, v50;
	[tilespmem:v48+s31+$0x0] =	vst.idx.msk $0xffff, v21  }
0x2b9: {  	v20 =	vor.u32 v4, v20;
	v21 =	vor.u32 v51, v52;
	v22 =	vld.idx.msk [tilespmem:v22+s4+$0x0], $0xffff  }
0x2ba: {  	v23 =	vor.u32 v1, v21;
	_ =	sdelay $0x2  }
0x2bb: {  	v24 =	vshll.u32 v49, $0x5  }
0x2bc: {  	[tilespmem:v20+s31+$0x0] =	vst.idx.msk $0xffff, v22;
	v20 =	vand.u32 $0x1F80, v24  }
0x2bd: {  	v22 =	vld.idx.msk [tilespmem:v23+s4+$0x0], $0xffff;
	v53 =	vor.u32 v6, v20  }
0x2be: {  	v21 =	vor.u32 v3, v21;
	_ =	sdelay $0x1  }
0x2bf: {  	v54 =	vadd.s32 s13, v16  }
0x2c0: {  	v55 =	vshll.u32 v54, $0x3  }
0x2c1: {  	v56 =	vand.u32 $0x7F, v54;
	v57 =	vand.u32 $0x400, v55;
	[tilespmem:v53+s31+$0x0] =	vst.idx.msk $0xffff, v22  }
0x2c2: {  	v20 =	vor.u32 v7, v20;
	v22 =	vor.u32 v56, v57;
	v21 =	vld.idx.msk [tilespmem:v21+s4+$0x0], $0xffff  }
0x2c3: {  	v23 =	vor.u32 v1, v22;
	_ =	sdelay $0x2  }
0x2c4: {  	v24 =	vshll.u32 v54, $0x5  }
0x2c5: {  	[tilespmem:v20+s31+$0x0] =	vst.idx.msk $0xffff, v21;
	v20 =	vand.u32 $0x1F80, v24  }
0x2c6: {  	v21 =	vld.idx.msk [tilespmem:v23+s4+$0x0], $0xffff;
	v58 =	vor.u32 v8, v20  }
0x2c7: {  	v22 =	vor.u32 v3, v22;
	_ =	sdelay $0x1  }
0x2c8: {  	v59 =	vadd.s32 s13, v17  }
0x2c9: {  	v60 =	vshll.u32 v59, $0x3  }
0x2ca: {  	v61 =	vand.u32 $0x7F, v59;
	v62 =	vand.u32 $0x400, v60;
	[tilespmem:v58+s31+$0x0] =	vst.idx.msk $0xffff, v21  }
0x2cb: {  	v20 =	vor.u32 v10, v20;
	v21 =	vor.u32 v61, v62;
	v22 =	vld.idx.msk [tilespmem:v22+s4+$0x0], $0xffff  }
0x2cc: {  	v23 =	vor.u32 v1, v21;
	_ =	sdelay $0x2  }
0x2cd: {  	v24 =	vshll.u32 v59, $0x5  }
0x2ce: {  	[tilespmem:v20+s31+$0x0] =	vst.idx.msk $0xffff, v22;
	v20 =	vand.u32 $0x1F80, v24  }
0x2cf: {  	v22 =	vld.idx.msk [tilespmem:v23+s4+$0x0], $0xffff;
	v63 =	vor.u32 v12, v20  }
0x2d0: {  	v21 =	vor.u32 v3, v21;
	_ =	sdelay $0x3  }
0x2d1: {  	[tilespmem:v63+s31+$0x0] =	vst.idx.msk $0xffff, v22  }
0x2d2: {  	v20 =	vor.u32 v13, v20;
	v21 =	vld.idx.msk [tilespmem:v21+s4+$0x0], $0xffff;
	_ =	sdelay $0x1  }
.Ltmp3:
0x2d3: {  	_ = 	snop;
	(pc) =	sbr.rel .LBB2_8-.Ltmp3, $4  }
0x2d4: {  	_ = 	snop  }
0x2d5: {  	s25 =	simm.s32 $0x0  }
0x2d6: {  	s0 =	rddreg [dreg:$0x16];
	s19 =	sadd.s32 $0x18000, s15;
	s17 =	simm.s32 $0x0;
	[tilespmem:v20+s31+$0x0] =	vst.idx.msk $0xffff, v21  }
0x2d7: {  	[hbm4b:s0+s25] =	stream.linear.scatter [tilespmem:s31], [sflag:$0x3], $0x2000, $0x38;
	[tilespmem:$0x12400] =	vst v63  }
.LBB2_14:
0x2d8: {  	s17 =	sadd.s32 $0x1, s17  }
0x2d9: {  	p2 =	sne.s32 s17, $0x3C  }
.Ltmp4:
0x2da: {  	_ = 	snop;
	(pc) =	sbr.rel @!p2 .LBB2_15-.Ltmp4, $1  }
0x2db: {  	_ =	sdelay $0x3  }
.LBB2_8:
0x2dc: {  	s29 =	sshll.u32 s17, $0x1;
	v20 =	vadd.s32 s25, v0  }
0x2dd: {  	_ =	swait.ge [sflag:s2], $0x2000;
	s13 =	sadd.s32 $0x4, s29;
	v21 =	vshll.u32 v20, $0x3  }
0x2de: {  	[sflag:s2] =	ssyncset.done $0x0;
	v22 =	vand.u32 $0x7F, v20;
	p2 =	sge.u32 s13, s7;
	v21 =	vand.u32 $0x400, v21  }
0x2df: {  	[sflag:s2] =	ssyncadd.s32 $0xFFFFE000;
	s0 =	sshll.u32 @!p2 s13, $0xD;
	v21 =	vor.u32 v22, v21;
	s3 =	simm.s32 @!p2 $0x800  }
0x2e0: {  	s20 =	simm.s32 @!p2 $0x7A1400;
	s21 =	simm.s32 @!p2 $0x0;
	s0 =	sadd.s32 @!p2 s0, s8;
	v22 =	vor.u32 v1, v21  }
0x2e1: {  	[tilespmem:s21], [sflag:$0x1] =	stream.strided.gather @!p2 [hbm4b:s0+s3], $0x2000, s20, s3, $0x38;
	[tilespmem:$0x12400] =	vst v63  }
0x2e2: {  	_ =	swait.ge [sflag:s9], $0x2000  }
0x2e3: {  	v20 =	vshll.u32 v20, $0x5;
	[sflag:s9] =	ssyncset.done $0x0  }
0x2e4: {  	v20 =	vand.u32 $0x1F80, v20;
	[sflag:s9] =	ssyncadd.s32 $0xFFFFE000  }
0x2e5: {  	v23 =	vor.u32 v2, v20;
	v22 =	vld.idx.msk [tilespmem:v22+s30+$0x0], $0xffff  }
0x2e6: {  	v21 =	vor.u32 v3, v21;
	_ =	sdelay $0x1  }
0x2e7: {  	v24 =	vadd.s32 s25, v5  }
0x2e8: {  	v25 =	vshll.u32 v24, $0x3  }
0x2e9: {  	[tilespmem:v23+s5+$0x0] =	vst.idx.msk $0xffff, v22;
	v22 =	vand.u32 $0x7F, v24;
	v23 =	vand.u32 $0x400, v25  }
0x2ea: {  	v20 =	vor.u32 v4, v20;
	v21 =	vld.idx.msk [tilespmem:v21+s30+$0x0], $0xffff;
	v22 =	vor.u32 v22, v23  }
0x2eb: {  	v23 =	vor.u32 v1, v22;
	_ =	sdelay $0x2  }
0x2ec: {  	v24 =	vshll.u32 v24, $0x5  }
0x2ed: {  	[tilespmem:v20+s5+$0x0] =	vst.idx.msk $0xffff, v21;
	v20 =	vand.u32 $0x1F80, v24  }
0x2ee: {  	v21 =	vld.idx.msk [tilespmem:v23+s30+$0x0], $0xffff;
	v23 =	vor.u32 v6, v20  }
0x2ef: {  	v22 =	vor.u32 v3, v22;
	_ =	sdelay $0x1  }
0x2f0: {  	v24 =	vadd.s32 s25, v9  }
0x2f1: {  	v25 =	vshll.u32 v24, $0x3  }
0x2f2: {  	[tilespmem:v23+s5+$0x0] =	vst.idx.msk $0xffff, v21;
	v21 =	vand.u32 $0x7F, v24;
	v23 =	vand.u32 $0x400, v25  }
0x2f3: {  	v20 =	vor.u32 v7, v20;
	v22 =	vld.idx.msk [tilespmem:v22+s30+$0x0], $0xffff;
	v21 =	vor.u32 v21, v23  }
0x2f4: {  	v23 =	vor.u32 v1, v21;
	_ =	sdelay $0x2  }
0x2f5: {  	v24 =	vshll.u32 v24, $0x5  }
0x2f6: {  	[tilespmem:v20+s5+$0x0] =	vst.idx.msk $0xffff, v22;
	v20 =	vand.u32 $0x1F80, v24  }
0x2f7: {  	v22 =	vld.idx.msk [tilespmem:v23+s30+$0x0], $0xffff;
	v23 =	vor.u32 v8, v20  }
0x2f8: {  	v21 =	vor.u32 v3, v21;
	_ =	sdelay $0x1  }
0x2f9: {  	v24 =	vadd.s32 s25, v11  }
0x2fa: {  	v25 =	vshll.u32 v24, $0x3  }
0x2fb: {  	[tilespmem:v23+s5+$0x0] =	vst.idx.msk $0xffff, v22;
	v22 =	vand.u32 $0x7F, v24;
	v23 =	vand.u32 $0x400, v25  }
0x2fc: {  	v20 =	vor.u32 v10, v20;
	v21 =	vld.idx.msk [tilespmem:v21+s30+$0x0], $0xffff;
	v22 =	vor.u32 v22, v23  }
0x2fd: {  	v23 =	vor.u32 v1, v22;
	_ =	sdelay $0x2  }
0x2fe: {  	v24 =	vshll.u32 v24, $0x5  }
0x2ff: {  	[tilespmem:v20+s5+$0x0] =	vst.idx.msk $0xffff, v21;
	v20 =	vand.u32 $0x1F80, v24  }
0x300: {  	v21 =	vld.idx.msk [tilespmem:v23+s30+$0x0], $0xffff;
	v23 =	vor.u32 v12, v20  }
0x301: {  	v22 =	vor.u32 v3, v22;
	_ =	sdelay $0x1  }
0x302: {  	v24 =	vadd.s32 s25, v14  }
0x303: {  	v25 =	vshll.u32 v24, $0x3  }
0x304: {  	[tilespmem:v23+s5+$0x0] =	vst.idx.msk $0xffff, v21;
	v21 =	vand.u32 $0x7F, v24;
	v23 =	vand.u32 $0x400, v25  }
0x305: {  	v20 =	vor.u32 v13, v20;
	v22 =	vld.idx.msk [tilespmem:v22+s30+$0x0], $0xffff;
	v21 =	vor.u32 v21, v23  }
0x306: {  	v23 =	vor.u32 v1, v21;
	_ =	sdelay $0x2  }
0x307: {  	v24 =	vshll.u32 v24, $0x5  }
0x308: {  	[tilespmem:v20+s5+$0x0] =	vst.idx.msk $0xffff, v22;
	v20 =	vand.u32 $0x1F80, v24  }
0x309: {  	v22 =	vld.idx.msk [tilespmem:v23+s30+$0x0], $0xffff;
	v23 =	vor.u32 v2, v20  }
0x30a: {  	v21 =	vor.u32 v3, v21;
	_ =	sdelay $0x1  }
0x30b: {  	v24 =	vadd.s32 s25, v15  }
0x30c: {  	v25 =	vshll.u32 v24, $0x3  }
0x30d: {  	[tilespmem:v23+s5+$0x0] =	vst.idx.msk $0xffff, v22;
	v22 =	vand.u32 $0x7F, v24;
	v23 =	vand.u32 $0x400, v25  }
0x30e: {  	v20 =	vor.u32 v4, v20;
	v21 =	vld.idx.msk [tilespmem:v21+s30+$0x0], $0xffff;
	v22 =	vor.u32 v22, v23  }
0x30f: {  	v23 =	vor.u32 v1, v22;
	_ =	sdelay $0x2  }
0x310: {  	v24 =	vshll.u32 v24, $0x5  }
0x311: {  	[tilespmem:v20+s5+$0x0] =	vst.idx.msk $0xffff, v21;
	v20 =	vand.u32 $0x1F80, v24  }
0x312: {  	v21 =	vld.idx.msk [tilespmem:v23+s30+$0x0], $0xffff;
	v23 =	vor.u32 v6, v20  }
0x313: {  	v22 =	vor.u32 v3, v22;
	_ =	sdelay $0x1  }
0x314: {  	v24 =	vadd.s32 s25, v16  }
0x315: {  	v25 =	vshll.u32 v24, $0x3  }
0x316: {  	[tilespmem:v23+s5+$0x0] =	vst.idx.msk $0xffff, v21;
	v21 =	vand.u32 $0x7F, v24;
	v23 =	vand.u32 $0x400, v25  }
0x317: {  	v20 =	vor.u32 v7, v20;
	v22 =	vld.idx.msk [tilespmem:v22+s30+$0x0], $0xffff;
	v21 =	vor.u32 v21, v23  }
0x318: {  	v23 =	vor.u32 v1, v21;
	_ =	sdelay $0x2  }
0x319: {  	v24 =	vshll.u32 v24, $0x5  }
0x31a: {  	[tilespmem:v20+s5+$0x0] =	vst.idx.msk $0xffff, v22;
	v20 =	vand.u32 $0x1F80, v24  }
0x31b: {  	v22 =	vld.idx.msk [tilespmem:v23+s30+$0x0], $0xffff;
	v23 =	vor.u32 v8, v20  }
0x31c: {  	v21 =	vor.u32 v3, v21;
	_ =	sdelay $0x1  }
0x31d: {  	v24 =	vadd.s32 s25, v17  }
0x31e: {  	v25 =	vshll.u32 v24, $0x3  }
0x31f: {  	[tilespmem:v23+s5+$0x0] =	vst.idx.msk $0xffff, v22;
	v22 =	vand.u32 $0x7F, v24;
	v23 =	vand.u32 $0x400, v25  }
0x320: {  	v20 =	vor.u32 v10, v20;
	v21 =	vld.idx.msk [tilespmem:v21+s30+$0x0], $0xffff;
	v23 =	vor.u32 v22, v23  }
0x321: {  	v22 =	vor.u32 v1, v23;
	_ =	sdelay $0x2  }
0x322: {  	v24 =	vshll.u32 v24, $0x5  }
0x323: {  	[tilespmem:v20+s5+$0x0] =	vst.idx.msk $0xffff, v21;
	v20 =	vand.u32 $0x1F80, v24  }
0x324: {  	v22 =	vld.idx.msk [tilespmem:v22+s30+$0x0], $0xffff;
	v24 =	vor.u32 v12, v20  }
0x325: {  	v23 =	vor.u32 v3, v23;
	_ =	sdelay $0x1  }
0x326: {  	s3 =	simm.s32 $0x8  }
0x327: {  	s0 =	simm.s32 $0x10;
	v21 =	vadd.s32 s3, v0  }
.LBB2_9:
0x328: {  	p3 =	sne.s32 s0, $0xF8;
	v25 =	vshll.u32 v21, $0x3;
	[tilespmem:v24+s5+$0x0] =	vst.idx.msk $0xffff, v22  }
0x329: {  	v22 =	vand.u32 $0x7F, v21;
	v24 =	vand.u32 $0x400, v25;
	v23 =	vld.idx.msk [tilespmem:v23+s30+$0x0], $0xffff  }
0x32a: {  	v20 =	vor.u32 v13, v20;
	v22 =	vor.u32 v22, v24  }
0x32b: {  	v24 =	vor.u32 v1, v22;
	_ =	sdelay $0x3  }
0x32c: {  	v21 =	vshll.u32 v21, $0x5;
	[tilespmem:v20+s5+$0x0] =	vst.idx.msk $0xffff, v23  }
0x32d: {  	v21 =	vand.u32 $0x1F80, v21;
	v20 =	vld.idx.msk [tilespmem:v24+s30+$0x0], $0xffff  }
0x32e: {  	v23 =	vor.u32 v2, v21  }
0x32f: {  	v22 =	vor.u32 v3, v22;
	_ =	sdelay $0x2  }
0x330: {  	v24 =	vadd.s32 s3, v5  }
0x331: {  	[tilespmem:v23+s5+$0x0] =	vst.idx.msk $0xffff, v20;
	v20 =	vshll.u32 v24, $0x3  }
0x332: {  	v23 =	vand.u32 $0x7F, v24;
	v22 =	vld.idx.msk [tilespmem:v22+s30+$0x0], $0xffff;
	v20 =	vand.u32 $0x400, v20  }
0x333: {  	v21 =	vor.u32 v4, v21;
	v20 =	vor.u32 v23, v20  }
0x334: {  	v23 =	vor.u32 v1, v20;
	_ =	sdelay $0x3  }
0x335: {  	[tilespmem:v21+s5+$0x0] =	vst.idx.msk $0xffff, v22;
	v21 =	vshll.u32 v24, $0x5  }
0x336: {  	v22 =	vld.idx.msk [tilespmem:v23+s30+$0x0], $0xffff;
	v21 =	vand.u32 $0x1F80, v21  }
0x337: {  	v23 =	vor.u32 v6, v21  }
0x338: {  	v20 =	vor.u32 v3, v20;
	_ =	sdelay $0x2  }
0x339: {  	v24 =	vadd.s32 s3, v9  }
0x33a: {  	[tilespmem:v23+s5+$0x0] =	vst.idx.msk $0xffff, v22;
	v22 =	vshll.u32 v24, $0x3  }
0x33b: {  	v23 =	vand.u32 $0x7F, v24;
	v20 =	vld.idx.msk [tilespmem:v20+s30+$0x0], $0xffff;
	v22 =	vand.u32 $0x400, v22  }
0x33c: {  	v21 =	vor.u32 v7, v21;
	v22 =	vor.u32 v23, v22  }
0x33d: {  	v23 =	vor.u32 v1, v22;
	_ =	sdelay $0x3  }
0x33e: {  	[tilespmem:v21+s5+$0x0] =	vst.idx.msk $0xffff, v20;
	v20 =	vshll.u32 v24, $0x5  }
0x33f: {  	v21 =	vld.idx.msk [tilespmem:v23+s30+$0x0], $0xffff;
	v20 =	vand.u32 $0x1F80, v20  }
0x340: {  	v23 =	vor.u32 v8, v20  }
0x341: {  	v22 =	vor.u32 v3, v22;
	_ =	sdelay $0x2  }
0x342: {  	v24 =	vadd.s32 s3, v11  }
0x343: {  	[tilespmem:v23+s5+$0x0] =	vst.idx.msk $0xffff, v21;
	v21 =	vshll.u32 v24, $0x3  }
0x344: {  	v23 =	vand.u32 $0x7F, v24;
	v22 =	vld.idx.msk [tilespmem:v22+s30+$0x0], $0xffff;
	v21 =	vand.u32 $0x400, v21  }
0x345: {  	v20 =	vor.u32 v10, v20;
	v21 =	vor.u32 v23, v21  }
0x346: {  	v23 =	vor.u32 v1, v21;
	_ =	sdelay $0x3  }
0x347: {  	[tilespmem:v20+s5+$0x0] =	vst.idx.msk $0xffff, v22;
	v20 =	vshll.u32 v24, $0x5  }
0x348: {  	v22 =	vld.idx.msk [tilespmem:v23+s30+$0x0], $0xffff;
	v20 =	vand.u32 $0x1F80, v20  }
0x349: {  	v23 =	vor.u32 v12, v20  }
0x34a: {  	v21 =	vor.u32 v3, v21;
	_ =	sdelay $0x2  }
0x34b: {  	v24 =	vadd.s32 s3, v14  }
0x34c: {  	[tilespmem:v23+s5+$0x0] =	vst.idx.msk $0xffff, v22;
	v22 =	vshll.u32 v24, $0x3  }
0x34d: {  	v23 =	vand.u32 $0x7F, v24;
	v21 =	vld.idx.msk [tilespmem:v21+s30+$0x0], $0xffff;
	v22 =	vand.u32 $0x400, v22  }
0x34e: {  	v20 =	vor.u32 v13, v20;
	v22 =	vor.u32 v23, v22  }
0x34f: {  	v23 =	vor.u32 v1, v22;
	_ =	sdelay $0x3  }
0x350: {  	[tilespmem:v20+s5+$0x0] =	vst.idx.msk $0xffff, v21;
	v20 =	vshll.u32 v24, $0x5  }
0x351: {  	v21 =	vld.idx.msk [tilespmem:v23+s30+$0x0], $0xffff;
	v20 =	vand.u32 $0x1F80, v20  }
0x352: {  	v23 =	vor.u32 v2, v20  }
0x353: {  	v22 =	vor.u32 v3, v22;
	_ =	sdelay $0x2  }
0x354: {  	v24 =	vadd.s32 s3, v15  }
0x355: {  	[tilespmem:v23+s5+$0x0] =	vst.idx.msk $0xffff, v21;
	v21 =	vshll.u32 v24, $0x3  }
0x356: {  	v23 =	vand.u32 $0x7F, v24;
	v22 =	vld.idx.msk [tilespmem:v22+s30+$0x0], $0xffff;
	v21 =	vand.u32 $0x400, v21  }
0x357: {  	v20 =	vor.u32 v4, v20;
	v21 =	vor.u32 v23, v21  }
0x358: {  	v23 =	vor.u32 v1, v21;
	_ =	sdelay $0x3  }
0x359: {  	[tilespmem:v20+s5+$0x0] =	vst.idx.msk $0xffff, v22;
	v20 =	vshll.u32 v24, $0x5  }
0x35a: {  	v22 =	vld.idx.msk [tilespmem:v23+s30+$0x0], $0xffff;
	v20 =	vand.u32 $0x1F80, v20  }
0x35b: {  	v23 =	vor.u32 v6, v20  }
0x35c: {  	v21 =	vor.u32 v3, v21;
	_ =	sdelay $0x2  }
0x35d: {  	v24 =	vadd.s32 s3, v16  }
0x35e: {  	[tilespmem:v23+s5+$0x0] =	vst.idx.msk $0xffff, v22;
	v22 =	vshll.u32 v24, $0x3  }
0x35f: {  	v23 =	vand.u32 $0x7F, v24;
	v21 =	vld.idx.msk [tilespmem:v21+s30+$0x0], $0xffff;
	v22 =	vand.u32 $0x400, v22  }
0x360: {  	v20 =	vor.u32 v7, v20;
	v22 =	vor.u32 v23, v22  }
0x361: {  	v23 =	vor.u32 v1, v22;
	_ =	sdelay $0x3  }
0x362: {  	[tilespmem:v20+s5+$0x0] =	vst.idx.msk $0xffff, v21;
	v20 =	vshll.u32 v24, $0x5  }
0x363: {  	v21 =	vld.idx.msk [tilespmem:v23+s30+$0x0], $0xffff;
	v20 =	vand.u32 $0x1F80, v20  }
0x364: {  	v23 =	vor.u32 v8, v20  }
0x365: {  	v22 =	vor.u32 v3, v22;
	_ =	sdelay $0x2  }
0x366: {  	v24 =	vadd.s32 s3, v17;
	s3 =	smov.u32 s0  }
0x367: {  	[tilespmem:v23+s5+$0x0] =	vst.idx.msk $0xffff, v21;
	v21 =	vshll.u32 v24, $0x3  }
0x368: {  	v23 =	vand.u32 $0x7F, v24;
	v22 =	vld.idx.msk [tilespmem:v22+s30+$0x0], $0xffff;
	v21 =	vand.u32 $0x400, v21  }
0x369: {  	v20 =	vor.u32 v10, v20;
	v21 =	vor.u32 v23, v21  }
0x36a: {  	v23 =	vor.u32 v1, v21;
	_ =	sdelay $0x3  }
0x36b: {  	[tilespmem:v20+s5+$0x0] =	vst.idx.msk $0xffff, v22;
	v20 =	vshll.u32 v24, $0x5  }
0x36c: {  	v22 =	vld.idx.msk [tilespmem:v23+s30+$0x0], $0xffff;
	v20 =	vand.u32 $0x1F80, v20  }
.Ltmp5:
0x36d: {  	v24 =	vor.u32 v12, v20;
	(pc) =	sbr.rel @p3 .LBB2_9-.Ltmp5, $2  }
0x36e: {  	v23 =	vor.u32 v3, v21;
	_ =	sdelay $0x2  }
0x36f: {  	s0 =	sadd.s32 $0x8, s0;
	v21 =	vadd.s32 s3, v0  }
0x370: {  	_ =	sdelay $0x2  }
0x371: {  	v25 =	vshll.u32 v21, $0x3  }
0x372: {  	[tilespmem:v24+s5+$0x0] =	vst.idx.msk $0xffff, v22;
	v60 =	vand.u32 $0x7F, v21;
	v61 =	vand.u32 $0x400, v25  }
0x373: {  	v20 =	vor.u32 v13, v20;
	v23 =	vld.idx.msk [tilespmem:v23+s30+$0x0], $0xffff;
	v22 =	vor.u32 v60, v61  }
0x374: {  	v24 =	vor.u32 v1, v22;
	_ =	sdelay $0x2  }
0x375: {  	v62 =	vshll.u32 v21, $0x5  }
0x376: {  	[tilespmem:v20+s5+$0x0] =	vst.idx.msk $0xffff, v23;
	v20 =	vand.u32 $0x1F80, v62  }
0x377: {  	v28 =	vor.u32 v2, v20;
	v63 =	vld.idx.msk [tilespmem:v24+s30+$0x0], $0xffff  }
0x378: {  	v22 =	vor.u32 v3, v22;
	_ =	sdelay $0x1  }
0x379: {  	v29 =	vadd.s32 s3, v5  }
0x37a: {  	v30 =	vshll.u32 v29, $0x3  }
0x37b: {  	v31 =	vand.u32 $0x7F, v29;
	v32 =	vand.u32 $0x400, v30;
	[tilespmem:v28+s5+$0x0] =	vst.idx.msk $0xffff, v63  }
0x37c: {  	v21 =	vor.u32 v31, v32;
	v20 =	vor.u32 v4, v20;
	v22 =	vld.idx.msk [tilespmem:v22+s30+$0x0], $0xffff  }
0x37d: {  	v23 =	vor.u32 v1, v21;
	_ =	sdelay $0x2  }
0x37e: {  	v24 =	vshll.u32 v29, $0x5  }
0x37f: {  	[tilespmem:v20+s5+$0x0] =	vst.idx.msk $0xffff, v22;
	v20 =	vand.u32 $0x1F80, v24  }
0x380: {  	v22 =	vld.idx.msk [tilespmem:v23+s30+$0x0], $0xffff;
	v33 =	vor.u32 v6, v20  }
0x381: {  	v21 =	vor.u32 v3, v21;
	_ =	sdelay $0x1  }
0x382: {  	v34 =	vadd.s32 s3, v9  }
0x383: {  	v35 =	vshll.u32 v34, $0x3  }
0x384: {  	v36 =	vand.u32 $0x7F, v34;
	v37 =	vand.u32 $0x400, v35;
	[tilespmem:v33+s5+$0x0] =	vst.idx.msk $0xffff, v22  }
0x385: {  	v20 =	vor.u32 v7, v20;
	v22 =	vor.u32 v36, v37;
	v21 =	vld.idx.msk [tilespmem:v21+s30+$0x0], $0xffff  }
0x386: {  	v23 =	vor.u32 v1, v22;
	_ =	sdelay $0x2  }
0x387: {  	v24 =	vshll.u32 v34, $0x5  }
0x388: {  	[tilespmem:v20+s5+$0x0] =	vst.idx.msk $0xffff, v21;
	v20 =	vand.u32 $0x1F80, v24  }
0x389: {  	v21 =	vld.idx.msk [tilespmem:v23+s30+$0x0], $0xffff;
	v38 =	vor.u32 v8, v20  }
0x38a: {  	v22 =	vor.u32 v3, v22;
	_ =	sdelay $0x1  }
0x38b: {  	v39 =	vadd.s32 s3, v11  }
0x38c: {  	v40 =	vshll.u32 v39, $0x3  }
0x38d: {  	v41 =	vand.u32 $0x7F, v39;
	v42 =	vand.u32 $0x400, v40;
	[tilespmem:v38+s5+$0x0] =	vst.idx.msk $0xffff, v21  }
0x38e: {  	v20 =	vor.u32 v10, v20;
	v21 =	vor.u32 v41, v42;
	v22 =	vld.idx.msk [tilespmem:v22+s30+$0x0], $0xffff  }
0x38f: {  	v23 =	vor.u32 v1, v21;
	_ =	sdelay $0x2  }
0x390: {  	v24 =	vshll.u32 v39, $0x5  }
0x391: {  	[tilespmem:v20+s5+$0x0] =	vst.idx.msk $0xffff, v22;
	v20 =	vand.u32 $0x1F80, v24  }
0x392: {  	v22 =	vld.idx.msk [tilespmem:v23+s30+$0x0], $0xffff;
	v43 =	vor.u32 v12, v20  }
0x393: {  	v21 =	vor.u32 v3, v21;
	_ =	sdelay $0x1  }
0x394: {  	v44 =	vadd.s32 s3, v14  }
0x395: {  	v45 =	vshll.u32 v44, $0x3  }
0x396: {  	v46 =	vand.u32 $0x7F, v44;
	v47 =	vand.u32 $0x400, v45;
	[tilespmem:v43+s5+$0x0] =	vst.idx.msk $0xffff, v22  }
0x397: {  	v20 =	vor.u32 v13, v20;
	v22 =	vor.u32 v46, v47;
	v21 =	vld.idx.msk [tilespmem:v21+s30+$0x0], $0xffff  }
0x398: {  	v23 =	vor.u32 v1, v22;
	_ =	sdelay $0x2  }
0x399: {  	v24 =	vshll.u32 v44, $0x5  }
0x39a: {  	[tilespmem:v20+s5+$0x0] =	vst.idx.msk $0xffff, v21;
	v20 =	vand.u32 $0x1F80, v24  }
0x39b: {  	v21 =	vld.idx.msk [tilespmem:v23+s30+$0x0], $0xffff;
	v48 =	vor.u32 v2, v20  }
0x39c: {  	v22 =	vor.u32 v3, v22;
	_ =	sdelay $0x1  }
0x39d: {  	v49 =	vadd.s32 s3, v15  }
0x39e: {  	v50 =	vshll.u32 v49, $0x3  }
0x39f: {  	v51 =	vand.u32 $0x7F, v49;
	v52 =	vand.u32 $0x400, v50;
	[tilespmem:v48+s5+$0x0] =	vst.idx.msk $0xffff, v21  }
0x3a0: {  	v20 =	vor.u32 v4, v20;
	v21 =	vor.u32 v51, v52;
	v22 =	vld.idx.msk [tilespmem:v22+s30+$0x0], $0xffff  }
0x3a1: {  	v23 =	vor.u32 v1, v21;
	_ =	sdelay $0x2  }
0x3a2: {  	v24 =	vshll.u32 v49, $0x5  }
0x3a3: {  	[tilespmem:v20+s5+$0x0] =	vst.idx.msk $0xffff, v22;
	v20 =	vand.u32 $0x1F80, v24  }
0x3a4: {  	v22 =	vld.idx.msk [tilespmem:v23+s30+$0x0], $0xffff;
	v53 =	vor.u32 v6, v20  }
0x3a5: {  	v21 =	vor.u32 v3, v21;
	_ =	sdelay $0x1  }
0x3a6: {  	v54 =	vadd.s32 s3, v16  }
0x3a7: {  	v55 =	vshll.u32 v54, $0x3  }
0x3a8: {  	v56 =	vand.u32 $0x7F, v54;
	v57 =	vand.u32 $0x400, v55;
	[tilespmem:v53+s5+$0x0] =	vst.idx.msk $0xffff, v22  }
0x3a9: {  	v20 =	vor.u32 v7, v20;
	v22 =	vor.u32 v56, v57;
	v21 =	vld.idx.msk [tilespmem:v21+s30+$0x0], $0xffff  }
0x3aa: {  	v23 =	vor.u32 v1, v22;
	_ =	sdelay $0x2  }
0x3ab: {  	v24 =	vshll.u32 v54, $0x5  }
0x3ac: {  	[tilespmem:v20+s5+$0x0] =	vst.idx.msk $0xffff, v21;
	v20 =	vand.u32 $0x1F80, v24  }
0x3ad: {  	v21 =	vld.idx.msk [tilespmem:v23+s30+$0x0], $0xffff;
	v58 =	vor.u32 v8, v20  }
0x3ae: {  	v22 =	vor.u32 v3, v22;
	_ =	sdelay $0x1  }
0x3af: {  	v59 =	vadd.s32 s3, v17  }
0x3b0: {  	v60 =	vshll.u32 v59, $0x3  }
0x3b1: {  	v61 =	vand.u32 $0x7F, v59;
	v62 =	vand.u32 $0x400, v60;
	[tilespmem:v58+s5+$0x0] =	vst.idx.msk $0xffff, v21  }
0x3b2: {  	v20 =	vor.u32 v10, v20;
	v21 =	vor.u32 v61, v62;
	v22 =	vld.idx.msk [tilespmem:v22+s30+$0x0], $0xffff  }
0x3b3: {  	v23 =	vor.u32 v1, v21;
	_ =	sdelay $0x2  }
0x3b4: {  	v24 =	vshll.u32 v59, $0x5  }
0x3b5: {  	[tilespmem:v20+s5+$0x0] =	vst.idx.msk $0xffff, v22;
	v20 =	vand.u32 $0x1F80, v24  }
0x3b6: {  	v22 =	vld.idx.msk [tilespmem:v23+s30+$0x0], $0xffff;
	v63 =	vor.u32 v12, v20  }
0x3b7: {  	v21 =	vor.u32 v3, v21;
	_ =	sdelay $0x3  }
0x3b8: {  	[tilespmem:v63+s5+$0x0] =	vst.idx.msk $0xffff, v22  }
0x3b9: {  	v20 =	vor.u32 v13, v20;
	v21 =	vld.idx.msk [tilespmem:v21+s30+$0x0], $0xffff;
	_ =	sdelay $0x1  }
.Ltmp6:
0x3ba: {  	_ = 	snop;
	(pc) =	sbr.rel @p2 .LBB2_14-.Ltmp6, $4  }
0x3bb: {  	_ = 	snop  }
0x3bc: {  	s0 =	sshll.u32 s17, $0x10  }
0x3bd: {  	s0 =	sadd.s32 s19, s0;
	[tilespmem:v20+s5+$0x0] =	vst.idx.msk $0xffff, v21  }
0x3be: {  	[hbm4b:s0+s4] =	stream.linear.scatter [tilespmem:s5], [sflag:$0x4], $0x2000, $0x38;
	[tilespmem:$0x12400] =	vst v63  }
0x3bf: {  	s0 =	simm.s32 $0x0;
	s20 =	simm.s32 $0x1  }
0x3c0: {  	s3 =	sadd.s32 $0x5, s29;
	v20 =	vadd.s32 s0, v0;
	_ =	swait.ge [sflag:s20], $0x2000  }
0x3c1: {  	p2 =	sge.u32 s3, s7;
	v21 =	vshll.u32 v20, $0x3;
	[sflag:s20] =	ssyncset.done $0x0  }
0x3c2: {  	s3 =	sshll.u32 @!p2 s3, $0xD;
	v22 =	vand.u32 $0x7F, v20;
	s21 =	simm.s32 @!p2 $0x7A1400;
	s29 =	simm.s32 @!p2 $0x2000;
	v21 =	vand.u32 $0x400, v21  }
0x3c3: {  	[sflag:s20] =	ssyncadd.s32 $0xFFFFE000;
	s3 =	sadd.s32 @!p2 s3, s8;
	s20 =	simm.s32 @!p2 $0x800;
	v21 =	vor.u32 v22, v21  }
0x3c4: {  	[tilespmem:s29], [sflag:$0x2] =	stream.strided.gather @!p2 [hbm4b:s3+s20], $0x2000, s21, s20, $0x38;
	v22 =	vor.u32 v1, v21;
	[tilespmem:$0x12400] =	vst v63  }
0x3c5: {  	s29 =	simm.s32 $0x3  }
0x3c6: {  	_ =	swait.ge [sflag:s29], $0x2000  }
0x3c7: {  	v20 =	vshll.u32 v20, $0x5;
	[sflag:s29] =	ssyncset.done $0x0  }
0x3c8: {  	v20 =	vand.u32 $0x1F80, v20;
	[sflag:s29] =	ssyncadd.s32 $0xFFFFE000  }
0x3c9: {  	v23 =	vor.u32 v2, v20;
	v22 =	vld.idx.msk [tilespmem:v22+s4+$0x0], $0xffff  }
0x3ca: {  	v21 =	vor.u32 v3, v21;
	_ =	sdelay $0x1  }
0x3cb: {  	v24 =	vadd.s32 s0, v5  }
0x3cc: {  	v25 =	vshll.u32 v24, $0x3  }
0x3cd: {  	[tilespmem:v23+s31+$0x0] =	vst.idx.msk $0xffff, v22;
	v22 =	vand.u32 $0x7F, v24;
	v23 =	vand.u32 $0x400, v25  }
0x3ce: {  	v20 =	vor.u32 v4, v20;
	v21 =	vld.idx.msk [tilespmem:v21+s4+$0x0], $0xffff;
	v22 =	vor.u32 v22, v23  }
0x3cf: {  	v23 =	vor.u32 v1, v22;
	_ =	sdelay $0x2  }
0x3d0: {  	v24 =	vshll.u32 v24, $0x5  }
0x3d1: {  	[tilespmem:v20+s31+$0x0] =	vst.idx.msk $0xffff, v21;
	v20 =	vand.u32 $0x1F80, v24  }
0x3d2: {  	v21 =	vld.idx.msk [tilespmem:v23+s4+$0x0], $0xffff;
	v23 =	vor.u32 v6, v20  }
0x3d3: {  	v22 =	vor.u32 v3, v22;
	_ =	sdelay $0x1  }
0x3d4: {  	v24 =	vadd.s32 s0, v9  }
0x3d5: {  	v25 =	vshll.u32 v24, $0x3  }
0x3d6: {  	[tilespmem:v23+s31+$0x0] =	vst.idx.msk $0xffff, v21;
	v21 =	vand.u32 $0x7F, v24;
	v23 =	vand.u32 $0x400, v25  }
0x3d7: {  	v20 =	vor.u32 v7, v20;
	v22 =	vld.idx.msk [tilespmem:v22+s4+$0x0], $0xffff;
	v21 =	vor.u32 v21, v23  }
0x3d8: {  	v23 =	vor.u32 v1, v21;
	_ =	sdelay $0x2  }
0x3d9: {  	v24 =	vshll.u32 v24, $0x5  }
0x3da: {  	[tilespmem:v20+s31+$0x0] =	vst.idx.msk $0xffff, v22;
	v20 =	vand.u32 $0x1F80, v24  }
0x3db: {  	v22 =	vld.idx.msk [tilespmem:v23+s4+$0x0], $0xffff;
	v23 =	vor.u32 v8, v20  }
0x3dc: {  	v21 =	vor.u32 v3, v21;
	_ =	sdelay $0x1  }
0x3dd: {  	v24 =	vadd.s32 s0, v11  }
0x3de: {  	v25 =	vshll.u32 v24, $0x3  }
0x3df: {  	[tilespmem:v23+s31+$0x0] =	vst.idx.msk $0xffff, v22;
	v22 =	vand.u32 $0x7F, v24;
	v23 =	vand.u32 $0x400, v25  }
0x3e0: {  	v20 =	vor.u32 v10, v20;
	v21 =	vld.idx.msk [tilespmem:v21+s4+$0x0], $0xffff;
	v22 =	vor.u32 v22, v23  }
0x3e1: {  	v23 =	vor.u32 v1, v22;
	_ =	sdelay $0x2  }
0x3e2: {  	v24 =	vshll.u32 v24, $0x5  }
0x3e3: {  	[tilespmem:v20+s31+$0x0] =	vst.idx.msk $0xffff, v21;
	v20 =	vand.u32 $0x1F80, v24  }
0x3e4: {  	v21 =	vld.idx.msk [tilespmem:v23+s4+$0x0], $0xffff;
	v23 =	vor.u32 v12, v20  }
0x3e5: {  	v22 =	vor.u32 v3, v22;
	_ =	sdelay $0x1  }
0x3e6: {  	v24 =	vadd.s32 s0, v14  }
0x3e7: {  	v25 =	vshll.u32 v24, $0x3  }
0x3e8: {  	[tilespmem:v23+s31+$0x0] =	vst.idx.msk $0xffff, v21;
	v21 =	vand.u32 $0x7F, v24;
	v23 =	vand.u32 $0x400, v25  }
0x3e9: {  	v20 =	vor.u32 v13, v20;
	v22 =	vld.idx.msk [tilespmem:v22+s4+$0x0], $0xffff;
	v21 =	vor.u32 v21, v23  }
0x3ea: {  	v23 =	vor.u32 v1, v21;
	_ =	sdelay $0x2  }
0x3eb: {  	v24 =	vshll.u32 v24, $0x5  }
0x3ec: {  	[tilespmem:v20+s31+$0x0] =	vst.idx.msk $0xffff, v22;
	v20 =	vand.u32 $0x1F80, v24  }
0x3ed: {  	v22 =	vld.idx.msk [tilespmem:v23+s4+$0x0], $0xffff;
	v23 =	vor.u32 v2, v20  }
0x3ee: {  	v21 =	vor.u32 v3, v21;
	_ =	sdelay $0x1  }
0x3ef: {  	v24 =	vadd.s32 s0, v15  }
0x3f0: {  	v25 =	vshll.u32 v24, $0x3  }
0x3f1: {  	[tilespmem:v23+s31+$0x0] =	vst.idx.msk $0xffff, v22;
	v22 =	vand.u32 $0x7F, v24;
	v23 =	vand.u32 $0x400, v25  }
0x3f2: {  	v20 =	vor.u32 v4, v20;
	v21 =	vld.idx.msk [tilespmem:v21+s4+$0x0], $0xffff;
	v22 =	vor.u32 v22, v23  }
0x3f3: {  	v23 =	vor.u32 v1, v22;
	_ =	sdelay $0x2  }
0x3f4: {  	v24 =	vshll.u32 v24, $0x5  }
0x3f5: {  	[tilespmem:v20+s31+$0x0] =	vst.idx.msk $0xffff, v21;
	v20 =	vand.u32 $0x1F80, v24  }
0x3f6: {  	v21 =	vld.idx.msk [tilespmem:v23+s4+$0x0], $0xffff;
	v23 =	vor.u32 v6, v20  }
0x3f7: {  	v22 =	vor.u32 v3, v22;
	_ =	sdelay $0x1  }
0x3f8: {  	v24 =	vadd.s32 s0, v16  }
0x3f9: {  	v25 =	vshll.u32 v24, $0x3  }
0x3fa: {  	[tilespmem:v23+s31+$0x0] =	vst.idx.msk $0xffff, v21;
	v21 =	vand.u32 $0x7F, v24;
	v23 =	vand.u32 $0x400, v25  }
0x3fb: {  	v20 =	vor.u32 v7, v20;
	v22 =	vld.idx.msk [tilespmem:v22+s4+$0x0], $0xffff;
	v21 =	vor.u32 v21, v23  }
0x3fc: {  	v23 =	vor.u32 v1, v21;
	_ =	sdelay $0x2  }
0x3fd: {  	v24 =	vshll.u32 v24, $0x5  }
0x3fe: {  	[tilespmem:v20+s31+$0x0] =	vst.idx.msk $0xffff, v22;
	v20 =	vand.u32 $0x1F80, v24  }
0x3ff: {  	v22 =	vld.idx.msk [tilespmem:v23+s4+$0x0], $0xffff;
	v23 =	vor.u32 v8, v20  }
0x400: {  	v21 =	vor.u32 v3, v21;
	_ =	sdelay $0x1  }
0x401: {  	v24 =	vadd.s32 s0, v17  }
0x402: {  	v25 =	vshll.u32 v24, $0x3  }
0x403: {  	[tilespmem:v23+s31+$0x0] =	vst.idx.msk $0xffff, v22;
	v22 =	vand.u32 $0x7F, v24;
	v23 =	vand.u32 $0x400, v25  }
0x404: {  	v20 =	vor.u32 v10, v20;
	v21 =	vld.idx.msk [tilespmem:v21+s4+$0x0], $0xffff;
	v23 =	vor.u32 v22, v23  }
0x405: {  	v22 =	vor.u32 v1, v23;
	_ =	sdelay $0x2  }
0x406: {  	v24 =	vshll.u32 v24, $0x5  }
0x407: {  	[tilespmem:v20+s31+$0x0] =	vst.idx.msk $0xffff, v21;
	v20 =	vand.u32 $0x1F80, v24  }
0x408: {  	v22 =	vld.idx.msk [tilespmem:v22+s4+$0x0], $0xffff;
	v24 =	vor.u32 v12, v20  }
0x409: {  	v23 =	vor.u32 v3, v23;
	_ =	sdelay $0x1  }
0x40a: {  	s3 =	simm.s32 $0x8  }
0x40b: {  	s0 =	simm.s32 $0x10;
	v21 =	vadd.s32 s3, v0  }
.LBB2_12:
0x40c: {  	p2 =	sne.s32 s0, $0xF8;
	v25 =	vshll.u32 v21, $0x3;
	[tilespmem:v24+s31+$0x0] =	vst.idx.msk $0xffff, v22  }
0x40d: {  	v22 =	vand.u32 $0x7F, v21;
	v24 =	vand.u32 $0x400, v25;
	v23 =	vld.idx.msk [tilespmem:v23+s4+$0x0], $0xffff  }
0x40e: {  	v20 =	vor.u32 v13, v20;
	v22 =	vor.u32 v22, v24  }
0x40f: {  	v24 =	vor.u32 v1, v22;
	_ =	sdelay $0x3  }
0x410: {  	v21 =	vshll.u32 v21, $0x5;
	[tilespmem:v20+s31+$0x0] =	vst.idx.msk $0xffff, v23  }
0x411: {  	v21 =	vand.u32 $0x1F80, v21;
	v20 =	vld.idx.msk [tilespmem:v24+s4+$0x0], $0xffff  }
0x412: {  	v23 =	vor.u32 v2, v21  }
0x413: {  	v22 =	vor.u32 v3, v22;
	_ =	sdelay $0x2  }
0x414: {  	v24 =	vadd.s32 s3, v5  }
0x415: {  	[tilespmem:v23+s31+$0x0] =	vst.idx.msk $0xffff, v20;
	v20 =	vshll.u32 v24, $0x3  }
0x416: {  	v23 =	vand.u32 $0x7F, v24;
	v22 =	vld.idx.msk [tilespmem:v22+s4+$0x0], $0xffff;
	v20 =	vand.u32 $0x400, v20  }
0x417: {  	v21 =	vor.u32 v4, v21;
	v20 =	vor.u32 v23, v20  }
0x418: {  	v23 =	vor.u32 v1, v20;
	_ =	sdelay $0x3  }
0x419: {  	[tilespmem:v21+s31+$0x0] =	vst.idx.msk $0xffff, v22;
	v21 =	vshll.u32 v24, $0x5  }
0x41a: {  	v22 =	vld.idx.msk [tilespmem:v23+s4+$0x0], $0xffff;
	v21 =	vand.u32 $0x1F80, v21  }
0x41b: {  	v23 =	vor.u32 v6, v21  }
0x41c: {  	v20 =	vor.u32 v3, v20;
	_ =	sdelay $0x2  }
0x41d: {  	v24 =	vadd.s32 s3, v9  }
0x41e: {  	[tilespmem:v23+s31+$0x0] =	vst.idx.msk $0xffff, v22;
	v22 =	vshll.u32 v24, $0x3  }
0x41f: {  	v23 =	vand.u32 $0x7F, v24;
	v20 =	vld.idx.msk [tilespmem:v20+s4+$0x0], $0xffff;
	v22 =	vand.u32 $0x400, v22  }
0x420: {  	v21 =	vor.u32 v7, v21;
	v22 =	vor.u32 v23, v22  }
0x421: {  	v23 =	vor.u32 v1, v22;
	_ =	sdelay $0x3  }
0x422: {  	[tilespmem:v21+s31+$0x0] =	vst.idx.msk $0xffff, v20;
	v20 =	vshll.u32 v24, $0x5  }
0x423: {  	v21 =	vld.idx.msk [tilespmem:v23+s4+$0x0], $0xffff;
	v20 =	vand.u32 $0x1F80, v20  }
0x424: {  	v23 =	vor.u32 v8, v20  }
0x425: {  	v22 =	vor.u32 v3, v22;
	_ =	sdelay $0x2  }
0x426: {  	v24 =	vadd.s32 s3, v11  }
0x427: {  	[tilespmem:v23+s31+$0x0] =	vst.idx.msk $0xffff, v21;
	v21 =	vshll.u32 v24, $0x3  }
0x428: {  	v23 =	vand.u32 $0x7F, v24;
	v22 =	vld.idx.msk [tilespmem:v22+s4+$0x0], $0xffff;
	v21 =	vand.u32 $0x400, v21  }
0x429: {  	v20 =	vor.u32 v10, v20;
	v21 =	vor.u32 v23, v21  }
0x42a: {  	v23 =	vor.u32 v1, v21;
	_ =	sdelay $0x3  }
0x42b: {  	[tilespmem:v20+s31+$0x0] =	vst.idx.msk $0xffff, v22;
	v20 =	vshll.u32 v24, $0x5  }
0x42c: {  	v22 =	vld.idx.msk [tilespmem:v23+s4+$0x0], $0xffff;
	v20 =	vand.u32 $0x1F80, v20  }
0x42d: {  	v23 =	vor.u32 v12, v20  }
0x42e: {  	v21 =	vor.u32 v3, v21;
	_ =	sdelay $0x2  }
0x42f: {  	v24 =	vadd.s32 s3, v14  }
0x430: {  	[tilespmem:v23+s31+$0x0] =	vst.idx.msk $0xffff, v22;
	v22 =	vshll.u32 v24, $0x3  }
0x431: {  	v23 =	vand.u32 $0x7F, v24;
	v21 =	vld.idx.msk [tilespmem:v21+s4+$0x0], $0xffff;
	v22 =	vand.u32 $0x400, v22  }
0x432: {  	v20 =	vor.u32 v13, v20;
	v22 =	vor.u32 v23, v22  }
0x433: {  	v23 =	vor.u32 v1, v22;
	_ =	sdelay $0x3  }
0x434: {  	[tilespmem:v20+s31+$0x0] =	vst.idx.msk $0xffff, v21;
	v20 =	vshll.u32 v24, $0x5  }
0x435: {  	v21 =	vld.idx.msk [tilespmem:v23+s4+$0x0], $0xffff;
	v20 =	vand.u32 $0x1F80, v20  }
0x436: {  	v23 =	vor.u32 v2, v20  }
0x437: {  	v22 =	vor.u32 v3, v22;
	_ =	sdelay $0x2  }
0x438: {  	v24 =	vadd.s32 s3, v15  }
0x439: {  	[tilespmem:v23+s31+$0x0] =	vst.idx.msk $0xffff, v21;
	v21 =	vshll.u32 v24, $0x3  }
0x43a: {  	v23 =	vand.u32 $0x7F, v24;
	v22 =	vld.idx.msk [tilespmem:v22+s4+$0x0], $0xffff;
	v21 =	vand.u32 $0x400, v21  }
0x43b: {  	v20 =	vor.u32 v4, v20;
	v21 =	vor.u32 v23, v21  }
0x43c: {  	v23 =	vor.u32 v1, v21;
	_ =	sdelay $0x3  }
0x43d: {  	[tilespmem:v20+s31+$0x0] =	vst.idx.msk $0xffff, v22;
	v20 =	vshll.u32 v24, $0x5  }
0x43e: {  	v22 =	vld.idx.msk [tilespmem:v23+s4+$0x0], $0xffff;
	v20 =	vand.u32 $0x1F80, v20  }
0x43f: {  	v23 =	vor.u32 v6, v20  }
0x440: {  	v21 =	vor.u32 v3, v21;
	_ =	sdelay $0x2  }
0x441: {  	v24 =	vadd.s32 s3, v16  }
0x442: {  	[tilespmem:v23+s31+$0x0] =	vst.idx.msk $0xffff, v22;
	v22 =	vshll.u32 v24, $0x3  }
0x443: {  	v23 =	vand.u32 $0x7F, v24;
	v21 =	vld.idx.msk [tilespmem:v21+s4+$0x0], $0xffff;
	v22 =	vand.u32 $0x400, v22  }
0x444: {  	v20 =	vor.u32 v7, v20;
	v22 =	vor.u32 v23, v22  }
0x445: {  	v23 =	vor.u32 v1, v22;
	_ =	sdelay $0x3  }
0x446: {  	[tilespmem:v20+s31+$0x0] =	vst.idx.msk $0xffff, v21;
	v20 =	vshll.u32 v24, $0x5  }
0x447: {  	v21 =	vld.idx.msk [tilespmem:v23+s4+$0x0], $0xffff;
	v20 =	vand.u32 $0x1F80, v20  }
0x448: {  	v23 =	vor.u32 v8, v20  }
0x449: {  	v22 =	vor.u32 v3, v22;
	_ =	sdelay $0x2  }
0x44a: {  	v24 =	vadd.s32 s3, v17;
	s3 =	smov.u32 s0  }
0x44b: {  	[tilespmem:v23+s31+$0x0] =	vst.idx.msk $0xffff, v21;
	v21 =	vshll.u32 v24, $0x3  }
0x44c: {  	v23 =	vand.u32 $0x7F, v24;
	v22 =	vld.idx.msk [tilespmem:v22+s4+$0x0], $0xffff;
	v21 =	vand.u32 $0x400, v21  }
0x44d: {  	v20 =	vor.u32 v10, v20;
	v21 =	vor.u32 v23, v21  }
0x44e: {  	v23 =	vor.u32 v1, v21;
	_ =	sdelay $0x3  }
0x44f: {  	[tilespmem:v20+s31+$0x0] =	vst.idx.msk $0xffff, v22;
	v20 =	vshll.u32 v24, $0x5  }
0x450: {  	v22 =	vld.idx.msk [tilespmem:v23+s4+$0x0], $0xffff;
	v20 =	vand.u32 $0x1F80, v20  }
.Ltmp7:
0x451: {  	v24 =	vor.u32 v12, v20;
	(pc) =	sbr.rel @p2 .LBB2_12-.Ltmp7, $2  }
0x452: {  	v23 =	vor.u32 v3, v21;
	_ =	sdelay $0x2  }
0x453: {  	s0 =	sadd.s32 $0x8, s0;
	v21 =	vadd.s32 s3, v0  }
0x454: {  	_ =	sdelay $0x2  }
0x455: {  	v25 =	vshll.u32 v21, $0x3  }
0x456: {  	[tilespmem:v24+s31+$0x0] =	vst.idx.msk $0xffff, v22;
	v60 =	vand.u32 $0x7F, v21;
	v61 =	vand.u32 $0x400, v25  }
0x457: {  	v20 =	vor.u32 v13, v20;
	v23 =	vld.idx.msk [tilespmem:v23+s4+$0x0], $0xffff;
	v22 =	vor.u32 v60, v61  }
0x458: {  	v24 =	vor.u32 v1, v22;
	_ =	sdelay $0x2  }
0x459: {  	v62 =	vshll.u32 v21, $0x5  }
0x45a: {  	[tilespmem:v20+s31+$0x0] =	vst.idx.msk $0xffff, v23;
	v20 =	vand.u32 $0x1F80, v62  }
0x45b: {  	v28 =	vor.u32 v2, v20;
	v63 =	vld.idx.msk [tilespmem:v24+s4+$0x0], $0xffff  }
0x45c: {  	v22 =	vor.u32 v3, v22;
	_ =	sdelay $0x1  }
0x45d: {  	v29 =	vadd.s32 s3, v5  }
0x45e: {  	v30 =	vshll.u32 v29, $0x3  }
0x45f: {  	v31 =	vand.u32 $0x7F, v29;
	v32 =	vand.u32 $0x400, v30;
	[tilespmem:v28+s31+$0x0] =	vst.idx.msk $0xffff, v63  }
0x460: {  	v21 =	vor.u32 v31, v32;
	v20 =	vor.u32 v4, v20;
	v22 =	vld.idx.msk [tilespmem:v22+s4+$0x0], $0xffff  }
0x461: {  	v23 =	vor.u32 v1, v21;
	_ =	sdelay $0x2  }
0x462: {  	v24 =	vshll.u32 v29, $0x5  }
0x463: {  	[tilespmem:v20+s31+$0x0] =	vst.idx.msk $0xffff, v22;
	v20 =	vand.u32 $0x1F80, v24  }
0x464: {  	v22 =	vld.idx.msk [tilespmem:v23+s4+$0x0], $0xffff;
	v33 =	vor.u32 v6, v20  }
0x465: {  	v21 =	vor.u32 v3, v21;
	_ =	sdelay $0x1  }
0x466: {  	v34 =	vadd.s32 s3, v9  }
0x467: {  	v35 =	vshll.u32 v34, $0x3  }
0x468: {  	v36 =	vand.u32 $0x7F, v34;
	v37 =	vand.u32 $0x400, v35;
	[tilespmem:v33+s31+$0x0] =	vst.idx.msk $0xffff, v22  }
0x469: {  	v20 =	vor.u32 v7, v20;
	v22 =	vor.u32 v36, v37;
	v21 =	vld.idx.msk [tilespmem:v21+s4+$0x0], $0xffff  }
0x46a: {  	v23 =	vor.u32 v1, v22;
	_ =	sdelay $0x2  }
0x46b: {  	v24 =	vshll.u32 v34, $0x5  }
0x46c: {  	[tilespmem:v20+s31+$0x0] =	vst.idx.msk $0xffff, v21;
	v20 =	vand.u32 $0x1F80, v24  }
0x46d: {  	v21 =	vld.idx.msk [tilespmem:v23+s4+$0x0], $0xffff;
	v38 =	vor.u32 v8, v20  }
0x46e: {  	v22 =	vor.u32 v3, v22;
	_ =	sdelay $0x1  }
0x46f: {  	v39 =	vadd.s32 s3, v11  }
0x470: {  	v40 =	vshll.u32 v39, $0x3  }
0x471: {  	v41 =	vand.u32 $0x7F, v39;
	v42 =	vand.u32 $0x400, v40;
	[tilespmem:v38+s31+$0x0] =	vst.idx.msk $0xffff, v21  }
0x472: {  	v20 =	vor.u32 v10, v20;
	v21 =	vor.u32 v41, v42;
	v22 =	vld.idx.msk [tilespmem:v22+s4+$0x0], $0xffff  }
0x473: {  	v23 =	vor.u32 v1, v21;
	_ =	sdelay $0x2  }
0x474: {  	v24 =	vshll.u32 v39, $0x5  }
0x475: {  	[tilespmem:v20+s31+$0x0] =	vst.idx.msk $0xffff, v22;
	v20 =	vand.u32 $0x1F80, v24  }
0x476: {  	v22 =	vld.idx.msk [tilespmem:v23+s4+$0x0], $0xffff;
	v43 =	vor.u32 v12, v20  }
0x477: {  	v21 =	vor.u32 v3, v21;
	_ =	sdelay $0x1  }
0x478: {  	v44 =	vadd.s32 s3, v14  }
0x479: {  	v45 =	vshll.u32 v44, $0x3  }
0x47a: {  	v46 =	vand.u32 $0x7F, v44;
	v47 =	vand.u32 $0x400, v45;
	[tilespmem:v43+s31+$0x0] =	vst.idx.msk $0xffff, v22  }
0x47b: {  	v20 =	vor.u32 v13, v20;
	v22 =	vor.u32 v46, v47;
	v21 =	vld.idx.msk [tilespmem:v21+s4+$0x0], $0xffff  }
0x47c: {  	v23 =	vor.u32 v1, v22;
	_ =	sdelay $0x2  }
0x47d: {  	v24 =	vshll.u32 v44, $0x5  }
0x47e: {  	[tilespmem:v20+s31+$0x0] =	vst.idx.msk $0xffff, v21;
	v20 =	vand.u32 $0x1F80, v24  }
0x47f: {  	v21 =	vld.idx.msk [tilespmem:v23+s4+$0x0], $0xffff;
	v48 =	vor.u32 v2, v20  }
0x480: {  	v22 =	vor.u32 v3, v22;
	_ =	sdelay $0x1  }
0x481: {  	v49 =	vadd.s32 s3, v15  }
0x482: {  	v50 =	vshll.u32 v49, $0x3  }
0x483: {  	v51 =	vand.u32 $0x7F, v49;
	v52 =	vand.u32 $0x400, v50;
	[tilespmem:v48+s31+$0x0] =	vst.idx.msk $0xffff, v21  }
0x484: {  	v20 =	vor.u32 v4, v20;
	v21 =	vor.u32 v51, v52;
	v22 =	vld.idx.msk [tilespmem:v22+s4+$0x0], $0xffff  }
0x485: {  	v23 =	vor.u32 v1, v21;
	_ =	sdelay $0x2  }
0x486: {  	v24 =	vshll.u32 v49, $0x5  }
0x487: {  	[tilespmem:v20+s31+$0x0] =	vst.idx.msk $0xffff, v22;
	v20 =	vand.u32 $0x1F80, v24  }
0x488: {  	v22 =	vld.idx.msk [tilespmem:v23+s4+$0x0], $0xffff;
	v53 =	vor.u32 v6, v20  }
0x489: {  	v21 =	vor.u32 v3, v21;
	_ =	sdelay $0x1  }
0x48a: {  	v54 =	vadd.s32 s3, v16  }
0x48b: {  	v55 =	vshll.u32 v54, $0x3  }
0x48c: {  	v56 =	vand.u32 $0x7F, v54;
	v57 =	vand.u32 $0x400, v55;
	[tilespmem:v53+s31+$0x0] =	vst.idx.msk $0xffff, v22  }
0x48d: {  	v20 =	vor.u32 v7, v20;
	v22 =	vor.u32 v56, v57;
	v21 =	vld.idx.msk [tilespmem:v21+s4+$0x0], $0xffff  }
0x48e: {  	v23 =	vor.u32 v1, v22;
	_ =	sdelay $0x2  }
0x48f: {  	v24 =	vshll.u32 v54, $0x5  }
0x490: {  	[tilespmem:v20+s31+$0x0] =	vst.idx.msk $0xffff, v21;
	v20 =	vand.u32 $0x1F80, v24  }
0x491: {  	v21 =	vld.idx.msk [tilespmem:v23+s4+$0x0], $0xffff;
	v58 =	vor.u32 v8, v20  }
0x492: {  	v22 =	vor.u32 v3, v22;
	_ =	sdelay $0x1  }
0x493: {  	v59 =	vadd.s32 s3, v17  }
0x494: {  	v60 =	vshll.u32 v59, $0x3  }
0x495: {  	v61 =	vand.u32 $0x7F, v59;
	v62 =	vand.u32 $0x400, v60;
	[tilespmem:v58+s31+$0x0] =	vst.idx.msk $0xffff, v21  }
0x496: {  	v20 =	vor.u32 v10, v20;
	v21 =	vor.u32 v61, v62;
	v22 =	vld.idx.msk [tilespmem:v22+s4+$0x0], $0xffff  }
0x497: {  	v23 =	vor.u32 v1, v21;
	_ =	sdelay $0x2  }
0x498: {  	v24 =	vshll.u32 v59, $0x5  }
0x499: {  	[tilespmem:v20+s31+$0x0] =	vst.idx.msk $0xffff, v22;
	v20 =	vand.u32 $0x1F80, v24  }
0x49a: {  	v22 =	vld.idx.msk [tilespmem:v23+s4+$0x0], $0xffff;
	v63 =	vor.u32 v12, v20  }
0x49b: {  	v21 =	vor.u32 v3, v21;
	_ =	sdelay $0x3  }
0x49c: {  	[tilespmem:v63+s31+$0x0] =	vst.idx.msk $0xffff, v22  }
0x49d: {  	v20 =	vor.u32 v13, v20;
	v21 =	vld.idx.msk [tilespmem:v21+s4+$0x0], $0xffff;
	_ =	sdelay $0x1  }
.Ltmp8:
0x49e: {  	_ = 	snop;
	(pc) =	sbr.rel .LBB2_14-.Ltmp8, $4  }
0x49f: {  	_ = 	snop  }
0x4a0: {  	s0 =	sshll.u32 s13, $0xF  }
0x4a1: {  	s0 =	sadd.s32 s0, s15;
	[tilespmem:v20+s31+$0x0] =	vst.idx.msk $0xffff, v21  }
0x4a2: {  	[hbm4b:s0+s4] =	stream.linear.scatter [tilespmem:s31], [sflag:$0x3], $0x2000, $0x38;
	[tilespmem:$0x12400] =	vst v63  }
.LBB2_15:
0x4a3: {  	s0 =	simm.s32 $0x3  }
0x4a4: {  	_ =	swait.ge [sflag:s0], $0x2000  }
0x4a5: {  	[sflag:s0] =	ssyncset.done $0x0  }
.Ltmp9:
0x4a6: {  	[sflag:s0] =	ssyncadd.s32 $0xFFFFE000;
	(pc) =	sbr.rel @p1 .LBB2_19-.Ltmp9, $4  }
0x4a7: {  	_ =	swait.ge [sflag:s9], $0x2000  }
0x4a8: {  	[sflag:s9] =	ssyncset.done $0x0  }
0x4a9: {  	s13 =	simm.s32 $0xB;
	s29 =	rddreg [dreg:$0x12];
	[sflag:s9] =	ssyncadd.s32 $0xFFFFE000  }
0x4aa: {  	s15 =	simm.s32 $0x12380;
	s17 =	simm.s32 $0x400;
	s21 =	rddreg [dreg:$0x2]  }
0x4ab: {  	s0 =	simm.s32 $0x0  }
0x4ac: {  	v20 =	vmul.u32 $0x80, v0;
	v21 =	vadd.s32 s0, v0  }
0x4ad: {  	v22 =	vand.u32 $0x3F, v21  }
0x4ae: {  	s3 =	rddreg [dreg:$0x6];
	v23 =	vor.u32 v20, v22  }
0x4af: {  	[tilespmem:s11], [sflag:$0xB] =	stream.linear.gather [hbm4b:s3+s0], $0x1000, $0x38;
	[tilespmem:$0x12400] =	vst v63  }
0x4b0: {  	_ =	swait.ge [sflag:s13], $0x1000  }
0x4b1: {  	v21 =	vshll.u32 v21, $0x5;
	[sflag:s13] =	ssyncset.done $0x0  }
0x4b2: {  	v24 =	vand.u32 $0x780, v21;
	[sflag:s13] =	ssyncadd.s32 $0xFFFFF000  }
0x4b3: {  	v21 =	vor.u32 $0x800, v20;
	v25 =	vor.u32 v2, v24;
	v23 =	vld.idx.msk [tilespmem:v23+s11+$0x0], $0xffff  }
0x4b4: {  	v22 =	vor.u32 v21, v22;
	_ =	sdelay $0x3  }
0x4b5: {  	[tilespmem:v25+s31+$0x0] =	vst.idx.msk $0xffff, v23;
	v23 =	vadd.s32 s0, v5  }
0x4b6: {  	v24 =	vor.u32 v4, v24;
	v22 =	vld.idx.msk [tilespmem:v22+s11+$0x0], $0xffff;
	v25 =	vand.u32 $0x3F, v23  }
0x4b7: {  	v26 =	vor.u32 v20, v25;
	_ =	sdelay $0x2  }
0x4b8: {  	v23 =	vshll.u32 v23, $0x5  }
0x4b9: {  	[tilespmem:v24+s31+$0x0] =	vst.idx.msk $0xffff, v22;
	v22 =	vand.u32 $0x780, v23  }
0x4ba: {  	v23 =	vld.idx.msk [tilespmem:v26+s11+$0x0], $0xffff;
	v24 =	vor.u32 v6, v22  }
0x4bb: {  	v25 =	vor.u32 v21, v25;
	_ =	sdelay $0x3  }
0x4bc: {  	[tilespmem:v24+s31+$0x0] =	vst.idx.msk $0xffff, v23;
	v23 =	vadd.s32 s0, v9  }
0x4bd: {  	v22 =	vor.u32 v7, v22;
	v24 =	vld.idx.msk [tilespmem:v25+s11+$0x0], $0xffff;
	v25 =	vand.u32 $0x3F, v23  }
0x4be: {  	v26 =	vor.u32 v20, v25;
	_ =	sdelay $0x2  }
0x4bf: {  	v23 =	vshll.u32 v23, $0x5  }
0x4c0: {  	[tilespmem:v22+s31+$0x0] =	vst.idx.msk $0xffff, v24;
	v22 =	vand.u32 $0x780, v23  }
0x4c1: {  	v23 =	vld.idx.msk [tilespmem:v26+s11+$0x0], $0xffff;
	v24 =	vor.u32 v8, v22  }
0x4c2: {  	v25 =	vor.u32 v21, v25;
	_ =	sdelay $0x3  }
0x4c3: {  	[tilespmem:v24+s31+$0x0] =	vst.idx.msk $0xffff, v23;
	v23 =	vadd.s32 s0, v11  }
0x4c4: {  	v22 =	vor.u32 v10, v22;
	v24 =	vld.idx.msk [tilespmem:v25+s11+$0x0], $0xffff;
	v25 =	vand.u32 $0x3F, v23  }
0x4c5: {  	v26 =	vor.u32 v20, v25;
	_ =	sdelay $0x2  }
0x4c6: {  	v23 =	vshll.u32 v23, $0x5  }
0x4c7: {  	[tilespmem:v22+s31+$0x0] =	vst.idx.msk $0xffff, v24;
	v22 =	vand.u32 $0x780, v23  }
0x4c8: {  	v23 =	vld.idx.msk [tilespmem:v26+s11+$0x0], $0xffff;
	v24 =	vor.u32 v12, v22  }
0x4c9: {  	v25 =	vor.u32 v21, v25;
	_ =	sdelay $0x3  }
0x4ca: {  	[tilespmem:v24+s31+$0x0] =	vst.idx.msk $0xffff, v23;
	v23 =	vadd.s32 s0, v14  }
0x4cb: {  	v22 =	vor.u32 v13, v22;
	v24 =	vld.idx.msk [tilespmem:v25+s11+$0x0], $0xffff;
	v25 =	vand.u32 $0x3F, v23  }
0x4cc: {  	v26 =	vor.u32 v20, v25;
	_ =	sdelay $0x2  }
0x4cd: {  	v23 =	vshll.u32 v23, $0x5  }
0x4ce: {  	[tilespmem:v22+s31+$0x0] =	vst.idx.msk $0xffff, v24;
	v22 =	vand.u32 $0x780, v23  }
0x4cf: {  	v23 =	vld.idx.msk [tilespmem:v26+s11+$0x0], $0xffff;
	v24 =	vor.u32 v2, v22  }
0x4d0: {  	v25 =	vor.u32 v21, v25;
	_ =	sdelay $0x3  }
0x4d1: {  	[tilespmem:v24+s31+$0x0] =	vst.idx.msk $0xffff, v23;
	v23 =	vadd.s32 s0, v15  }
0x4d2: {  	v22 =	vor.u32 v4, v22;
	v24 =	vld.idx.msk [tilespmem:v25+s11+$0x0], $0xffff;
	v25 =	vand.u32 $0x3F, v23  }
0x4d3: {  	v26 =	vor.u32 v20, v25;
	_ =	sdelay $0x2  }
0x4d4: {  	v23 =	vshll.u32 v23, $0x5  }
0x4d5: {  	[tilespmem:v22+s31+$0x0] =	vst.idx.msk $0xffff, v24;
	v22 =	vand.u32 $0x780, v23  }
0x4d6: {  	v23 =	vld.idx.msk [tilespmem:v26+s11+$0x0], $0xffff;
	v24 =	vor.u32 v6, v22  }
0x4d7: {  	v25 =	vor.u32 v21, v25;
	_ =	sdelay $0x3  }
0x4d8: {  	[tilespmem:v24+s31+$0x0] =	vst.idx.msk $0xffff, v23;
	v23 =	vadd.s32 s0, v16  }
0x4d9: {  	v22 =	vor.u32 v7, v22;
	v24 =	vld.idx.msk [tilespmem:v25+s11+$0x0], $0xffff;
	v25 =	vand.u32 $0x3F, v23  }
0x4da: {  	v26 =	vor.u32 v20, v25;
	_ =	sdelay $0x2  }
0x4db: {  	v23 =	vshll.u32 v23, $0x5  }
0x4dc: {  	[tilespmem:v22+s31+$0x0] =	vst.idx.msk $0xffff, v24;
	v22 =	vand.u32 $0x780, v23  }
0x4dd: {  	v23 =	vld.idx.msk [tilespmem:v26+s11+$0x0], $0xffff;
	v24 =	vor.u32 v8, v22  }
0x4de: {  	v25 =	vor.u32 v21, v25;
	_ =	sdelay $0x3  }
0x4df: {  	[tilespmem:v24+s31+$0x0] =	vst.idx.msk $0xffff, v23;
	v23 =	vadd.s32 s0, v17  }
0x4e0: {  	v22 =	vor.u32 v10, v22;
	v24 =	vld.idx.msk [tilespmem:v25+s11+$0x0], $0xffff;
	v25 =	vand.u32 $0x3F, v23  }
0x4e1: {  	v26 =	vor.u32 v20, v25;
	_ =	sdelay $0x2  }
0x4e2: {  	v23 =	vshll.u32 v23, $0x5  }
0x4e3: {  	v23 =	vand.u32 $0x780, v23;
	[tilespmem:v22+s31+$0x0] =	vst.idx.msk $0xffff, v24  }
0x4e4: {  	v24 =	vor.u32 v12, v23;
	v22 =	vld.idx.msk [tilespmem:v26+s11+$0x0], $0xffff  }
0x4e5: {  	v25 =	vor.u32 v21, v25;
	_ =	sdelay $0x3  }
0x4e6: {  	s3 =	simm.s32 $0x8;
	[tilespmem:v24+s31+$0x0] =	vst.idx.msk $0xffff, v22  }
0x4e7: {  	s0 =	simm.s32 $0x10;
	v22 =	vadd.s32 s3, v0;
	v24 =	vld.idx.msk [tilespmem:v25+s11+$0x0], $0xffff  }
.LBB2_17:
0x4e8: {  	p2 =	sne.s32 s0, $0x38;
	v25 =	vand.u32 $0x3F, v22;
	v23 =	vor.u32 v13, v23  }
0x4e9: {  	v26 =	vor.u32 v20, v25;
	_ =	sdelay $0x3  }
0x4ea: {  	v22 =	vshll.u32 v22, $0x5;
	[tilespmem:v23+s31+$0x0] =	vst.idx.msk $0xffff, v24  }
0x4eb: {  	v24 =	vand.u32 $0x780, v22;
	v23 =	vld.idx.msk [tilespmem:v26+s11+$0x0], $0xffff  }
0x4ec: {  	v22 =	vor.u32 $0x800, v20;
	v26 =	vor.u32 v2, v24  }
0x4ed: {  	v25 =	vor.u32 v22, v25;
	_ =	sdelay $0x3  }
0x4ee: {  	[tilespmem:v26+s31+$0x0] =	vst.idx.msk $0xffff, v23  }
0x4ef: {  	v23 =	vld.idx.msk [tilespmem:v25+s11+$0x0], $0xffff;
	v25 =	vadd.s32 s3, v5  }
0x4f0: {  	v24 =	vor.u32 v4, v24;
	v26 =	vand.u32 $0x3F, v25  }
0x4f1: {  	v27 =	vor.u32 v20, v26;
	_ =	sdelay $0x3  }
0x4f2: {  	[tilespmem:v24+s31+$0x0] =	vst.idx.msk $0xffff, v23;
	v23 =	vshll.u32 v25, $0x5  }
0x4f3: {  	v24 =	vld.idx.msk [tilespmem:v27+s11+$0x0], $0xffff;
	v23 =	vand.u32 $0x780, v23  }
0x4f4: {  	v25 =	vor.u32 v6, v23  }
0x4f5: {  	v26 =	vor.u32 v22, v26;
	_ =	sdelay $0x3  }
0x4f6: {  	[tilespmem:v25+s31+$0x0] =	vst.idx.msk $0xffff, v24  }
0x4f7: {  	v25 =	vadd.s32 s3, v9;
	v24 =	vld.idx.msk [tilespmem:v26+s11+$0x0], $0xffff  }
0x4f8: {  	v23 =	vor.u32 v7, v23;
	v26 =	vand.u32 $0x3F, v25  }
0x4f9: {  	v27 =	vor.u32 v20, v26;
	_ =	sdelay $0x3  }
0x4fa: {  	[tilespmem:v23+s31+$0x0] =	vst.idx.msk $0xffff, v24;
	v23 =	vshll.u32 v25, $0x5  }
0x4fb: {  	v24 =	vld.idx.msk [tilespmem:v27+s11+$0x0], $0xffff;
	v23 =	vand.u32 $0x780, v23  }
0x4fc: {  	v25 =	vor.u32 v8, v23  }
0x4fd: {  	v26 =	vor.u32 v22, v26;
	_ =	sdelay $0x3  }
0x4fe: {  	[tilespmem:v25+s31+$0x0] =	vst.idx.msk $0xffff, v24  }
0x4ff: {  	v25 =	vadd.s32 s3, v11;
	v24 =	vld.idx.msk [tilespmem:v26+s11+$0x0], $0xffff  }
0x500: {  	v23 =	vor.u32 v10, v23;
	v26 =	vand.u32 $0x3F, v25  }
0x501: {  	v27 =	vor.u32 v20, v26;
	_ =	sdelay $0x3  }
0x502: {  	[tilespmem:v23+s31+$0x0] =	vst.idx.msk $0xffff, v24;
	v23 =	vshll.u32 v25, $0x5  }
0x503: {  	v24 =	vld.idx.msk [tilespmem:v27+s11+$0x0], $0xffff;
	v23 =	vand.u32 $0x780, v23  }
0x504: {  	v25 =	vor.u32 v12, v23  }
0x505: {  	v26 =	vor.u32 v22, v26;
	_ =	sdelay $0x3  }
0x506: {  	[tilespmem:v25+s31+$0x0] =	vst.idx.msk $0xffff, v24  }
0x507: {  	v25 =	vadd.s32 s3, v14;
	v24 =	vld.idx.msk [tilespmem:v26+s11+$0x0], $0xffff  }
0x508: {  	v23 =	vor.u32 v13, v23;
	v26 =	vand.u32 $0x3F, v25  }
0x509: {  	v27 =	vor.u32 v20, v26;
	_ =	sdelay $0x3  }
0x50a: {  	[tilespmem:v23+s31+$0x0] =	vst.idx.msk $0xffff, v24;
	v23 =	vshll.u32 v25, $0x5  }
0x50b: {  	v24 =	vld.idx.msk [tilespmem:v27+s11+$0x0], $0xffff;
	v23 =	vand.u32 $0x780, v23  }
0x50c: {  	v25 =	vor.u32 v2, v23  }
0x50d: {  	v26 =	vor.u32 v22, v26;
	_ =	sdelay $0x3  }
0x50e: {  	[tilespmem:v25+s31+$0x0] =	vst.idx.msk $0xffff, v24  }
0x50f: {  	v25 =	vadd.s32 s3, v15;
	v24 =	vld.idx.msk [tilespmem:v26+s11+$0x0], $0xffff  }
0x510: {  	v23 =	vor.u32 v4, v23;
	v26 =	vand.u32 $0x3F, v25  }
0x511: {  	v27 =	vor.u32 v20, v26;
	_ =	sdelay $0x3  }
0x512: {  	[tilespmem:v23+s31+$0x0] =	vst.idx.msk $0xffff, v24;
	v23 =	vshll.u32 v25, $0x5  }
0x513: {  	v24 =	vld.idx.msk [tilespmem:v27+s11+$0x0], $0xffff;
	v23 =	vand.u32 $0x780, v23  }
0x514: {  	v25 =	vor.u32 v6, v23  }
0x515: {  	v26 =	vor.u32 v22, v26;
	_ =	sdelay $0x3  }
0x516: {  	[tilespmem:v25+s31+$0x0] =	vst.idx.msk $0xffff, v24  }
0x517: {  	v25 =	vadd.s32 s3, v16;
	v24 =	vld.idx.msk [tilespmem:v26+s11+$0x0], $0xffff  }
0x518: {  	v23 =	vor.u32 v7, v23;
	v26 =	vand.u32 $0x3F, v25  }
0x519: {  	v27 =	vor.u32 v20, v26;
	_ =	sdelay $0x3  }
0x51a: {  	[tilespmem:v23+s31+$0x0] =	vst.idx.msk $0xffff, v24;
	v23 =	vshll.u32 v25, $0x5  }
0x51b: {  	v24 =	vld.idx.msk [tilespmem:v27+s11+$0x0], $0xffff;
	v23 =	vand.u32 $0x780, v23  }
0x51c: {  	v25 =	vor.u32 v8, v23  }
0x51d: {  	v26 =	vor.u32 v22, v26;
	_ =	sdelay $0x3  }
0x51e: {  	[tilespmem:v25+s31+$0x0] =	vst.idx.msk $0xffff, v24  }
0x51f: {  	v25 =	vadd.s32 s3, v17;
	s3 =	smov.u32 s0;
	v24 =	vld.idx.msk [tilespmem:v26+s11+$0x0], $0xffff  }
0x520: {  	v23 =	vor.u32 v10, v23;
	v26 =	vand.u32 $0x3F, v25  }
0x521: {  	v27 =	vor.u32 v20, v26;
	_ =	sdelay $0x3  }
0x522: {  	[tilespmem:v23+s31+$0x0] =	vst.idx.msk $0xffff, v24;
	v23 =	vshll.u32 v25, $0x5  }
0x523: {  	v24 =	vld.idx.msk [tilespmem:v27+s11+$0x0], $0xffff;
	v23 =	vand.u32 $0x780, v23  }
0x524: {  	v25 =	vor.u32 v12, v23  }
0x525: {  	v26 =	vor.u32 v22, v26  }
.Ltmp10:
0x526: {  	(pc) =	sbr.rel @p2 .LBB2_17-.Ltmp10, $3  }
0x527: {  	_ =	sdelay $0x1  }
0x528: {  	[tilespmem:v25+s31+$0x0] =	vst.idx.msk $0xffff, v24  }
0x529: {  	s0 =	sadd.s32 $0x8, s0;
	v22 =	vadd.s32 s3, v0;
	v24 =	vld.idx.msk [tilespmem:v26+s11+$0x0], $0xffff  }
0x52a: {  	v25 =	vand.u32 $0x3F, v22;
	v23 =	vor.u32 v13, v23  }
0x52b: {  	v26 =	vor.u32 v20, v25;
	_ =	sdelay $0x2  }
0x52c: {  	v57 =	vshll.u32 v22, $0x5  }
0x52d: {  	v22 =	vand.u32 $0x780, v57;
	[tilespmem:v23+s31+$0x0] =	vst.idx.msk $0xffff, v24  }
0x52e: {  	v58 =	vor.u32 v2, v22;
	v23 =	vld.idx.msk [tilespmem:v26+s11+$0x0], $0xffff  }
0x52f: {  	v25 =	vor.u32 v21, v25;
	_ =	sdelay $0x3  }
0x530: {  	v59 =	vadd.s32 s3, v5;
	[tilespmem:v58+s31+$0x0] =	vst.idx.msk $0xffff, v23  }
0x531: {  	v60 =	vand.u32 $0x3F, v59;
	v22 =	vor.u32 v4, v22;
	v24 =	vld.idx.msk [tilespmem:v25+s11+$0x0], $0xffff  }
0x532: {  	v61 =	vor.u32 v20, v60;
	_ =	sdelay $0x2  }
0x533: {  	v23 =	vshll.u32 v59, $0x5  }
0x534: {  	v62 =	vand.u32 $0x780, v23;
	[tilespmem:v22+s31+$0x0] =	vst.idx.msk $0xffff, v24  }
0x535: {  	v28 =	vor.u32 v6, v62;
	v63 =	vld.idx.msk [tilespmem:v61+s11+$0x0], $0xffff  }
0x536: {  	v25 =	vor.u32 v21, v60;
	_ =	sdelay $0x3  }
0x537: {  	v29 =	vadd.s32 s3, v9;
	[tilespmem:v28+s31+$0x0] =	vst.idx.msk $0xffff, v63  }
0x538: {  	v30 =	vand.u32 $0x3F, v29;
	v22 =	vor.u32 v7, v62;
	v24 =	vld.idx.msk [tilespmem:v25+s11+$0x0], $0xffff  }
0x539: {  	v31 =	vor.u32 v20, v30;
	_ =	sdelay $0x2  }
0x53a: {  	v23 =	vshll.u32 v29, $0x5  }
0x53b: {  	v32 =	vand.u32 $0x780, v23;
	[tilespmem:v22+s31+$0x0] =	vst.idx.msk $0xffff, v24  }
0x53c: {  	v34 =	vor.u32 v8, v32;
	v33 =	vld.idx.msk [tilespmem:v31+s11+$0x0], $0xffff  }
0x53d: {  	v25 =	vor.u32 v21, v30;
	_ =	sdelay $0x3  }
0x53e: {  	v35 =	vadd.s32 s3, v11;
	[tilespmem:v34+s31+$0x0] =	vst.idx.msk $0xffff, v33  }
0x53f: {  	v36 =	vand.u32 $0x3F, v35;
	v22 =	vor.u32 v10, v32;
	v24 =	vld.idx.msk [tilespmem:v25+s11+$0x0], $0xffff  }
0x540: {  	v37 =	vor.u32 v20, v36;
	_ =	sdelay $0x2  }
0x541: {  	v23 =	vshll.u32 v35, $0x5  }
0x542: {  	v38 =	vand.u32 $0x780, v23;
	[tilespmem:v22+s31+$0x0] =	vst.idx.msk $0xffff, v24  }
0x543: {  	v40 =	vor.u32 v12, v38;
	v39 =	vld.idx.msk [tilespmem:v37+s11+$0x0], $0xffff  }
0x544: {  	v25 =	vor.u32 v21, v36;
	_ =	sdelay $0x3  }
0x545: {  	v41 =	vadd.s32 s3, v14;
	[tilespmem:v40+s31+$0x0] =	vst.idx.msk $0xffff, v39  }
0x546: {  	v42 =	vand.u32 $0x3F, v41;
	v22 =	vor.u32 v13, v38;
	v24 =	vld.idx.msk [tilespmem:v25+s11+$0x0], $0xffff  }
0x547: {  	v43 =	vor.u32 v20, v42;
	_ =	sdelay $0x2  }
0x548: {  	v23 =	vshll.u32 v41, $0x5  }
0x549: {  	v44 =	vand.u32 $0x780, v23;
	[tilespmem:v22+s31+$0x0] =	vst.idx.msk $0xffff, v24  }
0x54a: {  	v46 =	vor.u32 v2, v44;
	v45 =	vld.idx.msk [tilespmem:v43+s11+$0x0], $0xffff  }
0x54b: {  	v25 =	vor.u32 v21, v42;
	_ =	sdelay $0x3  }
0x54c: {  	v47 =	vadd.s32 s3, v15;
	[tilespmem:v46+s31+$0x0] =	vst.idx.msk $0xffff, v45  }
0x54d: {  	v48 =	vand.u32 $0x3F, v47;
	v22 =	vor.u32 v4, v44;
	v24 =	vld.idx.msk [tilespmem:v25+s11+$0x0], $0xffff  }
0x54e: {  	v49 =	vor.u32 v20, v48;
	_ =	sdelay $0x2  }
0x54f: {  	v23 =	vshll.u32 v47, $0x5  }
0x550: {  	v50 =	vand.u32 $0x780, v23;
	[tilespmem:v22+s31+$0x0] =	vst.idx.msk $0xffff, v24  }
0x551: {  	v52 =	vor.u32 v6, v50;
	v51 =	vld.idx.msk [tilespmem:v49+s11+$0x0], $0xffff  }
0x552: {  	v25 =	vor.u32 v21, v48;
	_ =	sdelay $0x3  }
0x553: {  	v53 =	vadd.s32 s3, v16;
	[tilespmem:v52+s31+$0x0] =	vst.idx.msk $0xffff, v51  }
0x554: {  	v54 =	vand.u32 $0x3F, v53;
	v22 =	vor.u32 v7, v50;
	v24 =	vld.idx.msk [tilespmem:v25+s11+$0x0], $0xffff  }
0x555: {  	v55 =	vor.u32 v20, v54;
	_ =	sdelay $0x2  }
0x556: {  	v23 =	vshll.u32 v53, $0x5  }
0x557: {  	v56 =	vand.u32 $0x780, v23;
	[tilespmem:v22+s31+$0x0] =	vst.idx.msk $0xffff, v24  }
0x558: {  	v58 =	vor.u32 v8, v56;
	v57 =	vld.idx.msk [tilespmem:v55+s11+$0x0], $0xffff  }
0x559: {  	v25 =	vor.u32 v21, v54;
	_ =	sdelay $0x3  }
0x55a: {  	v59 =	vadd.s32 s3, v17;
	[tilespmem:v58+s31+$0x0] =	vst.idx.msk $0xffff, v57  }
0x55b: {  	v60 =	vand.u32 $0x3F, v59;
	v22 =	vor.u32 v10, v56;
	v24 =	vld.idx.msk [tilespmem:v25+s11+$0x0], $0xffff  }
0x55c: {  	v20 =	vor.u32 v20, v60;
	_ =	sdelay $0x2  }
0x55d: {  	v23 =	vshll.u32 v59, $0x5  }
0x55e: {  	v61 =	vand.u32 $0x780, v23;
	[tilespmem:v22+s31+$0x0] =	vst.idx.msk $0xffff, v24  }
0x55f: {  	v23 =	vor.u32 v12, v61;
	v20 =	vld.idx.msk [tilespmem:v20+s11+$0x0], $0xffff  }
0x560: {  	v62 =	vor.u32 v21, v60;
	_ =	sdelay $0x3  }
0x561: {  	[tilespmem:v23+s31+$0x0] =	vst.idx.msk $0xffff, v20  }
0x562: {  	v63 =	vor.u32 v13, v61;
	v20 =	vld.idx.msk [tilespmem:v62+s11+$0x0], $0xffff;
	_ =	sdelay $0x4  }
0x563: {  	s0 =	sadd.s32 $0x3D0800, s1;
	[tilespmem:v63+s31+$0x0] =	vst.idx.msk $0xffff, v20  }
0x564: {  	[hbm4b:s0+s4] =	stream.linear.scatter [tilespmem:s31], [sflag:$0xB], $0x800, $0x38;
	[tilespmem:$0x12400] =	vst v63  }
0x565: {  	_ =	swait.ge [sflag:s13], $0x800  }
0x566: {  	[sflag:s13] =	ssyncset.done $0x0  }
0x567: {  	[sflag:s13] =	ssyncadd.s32 $0xFFFFF800  }
.LBB2_19:
.Ltmp11:
0x568: {  	(pc) =	sbr.rel @p0 .LBB2_23-.Ltmp11, $2  }
0x569: {  	_ =	sdelay $0x1  }
0x56a: {  	[bflag:$0x0] =	sbarrier.arrive $0xFFFF;
	_ =	sdelay $0x1  }
0x56b: {  	s0 =	rddreg [dreg:$0x4]  }
0x56c: {  	s3 =	rddreg [dreg:$0xa]  }
0x56d: {  	[tilespmem:$0x12300] =	vst v18;
	s25 =	simm.s32 $0x12300;
	s0 =	sadd.s32 s3, s0  }
0x56e: {  	[hbm4b:s0+s4] =	stream.linear.scatter [tilespmem:s25], [sflag:$0xB], $0x80, $0x38;
	[tilespmem:$0x12400] =	vst v63  }
0x56f: {  	_ =	swait.ge [sflag:s13], $0x80  }
0x570: {  	[sflag:s13] =	ssyncset.done $0x0  }
0x571: {  	s3 =	rddreg [dreg:$0x17];
	[sflag:s13] =	ssyncadd.s32 $0xFFFFFF80  }
.LBB2_21:
0x572: {  	[tilespmem:s15], [sflag:$0xB] =	stream.linear.gather [hbm4b:s3+s4], $0x80, $0x38;
	[tilespmem:$0x12400] =	vst v63  }
0x573: {  	_ =	swait.ge [sflag:s13], $0x80  }
0x574: {  	[sflag:s13] =	ssyncset.done $0x0  }
0x575: {  	[sflag:s13] =	ssyncadd.s32 $0xFFFFFF80  }
0x576: {  	v20 =	vld [tilespmem:$0x12380];
	_ =	sdelay $0x4  }
0x577: {  	(xrf0) =	vadd.scan.msk.s32 $0xffff, v20;
	_ =	sdelay $0x5  }
0x578: {  	v20, _, _ =	vpop (xrf0)  }
0x579: {  	(v2sf) =	vpush v20, $0xF;
	_ =	sdelay $0xe  }
0x57a: {  	s0 =	spop (v2sf)  }
0x57b: {  	p2 =	sne.s32 s0, $0x5CBA110  }
.Ltmp12:
0x57c: {  	_ = 	snop;
	(pc) =	sbr.rel @p2 .LBB2_21-.Ltmp12, $1  }
0x57d: {  	_ =	sdelay $0x3  }
0x57e: {  	[tilespmem:$0x12300] =	vst v19;
	s0 =	simm.s32 $0x12300  }
0x57f: {  	[hbm4b:s3+s4] =	stream.linear.scatter [tilespmem:s0], [sflag:$0xB], $0x80, $0x38;
	[tilespmem:$0x12400] =	vst v63  }
0x580: {  	_ =	swait.ge [sflag:s13], $0x80  }
0x581: {  	[sflag:s13] =	ssyncset.done $0x0  }
0x582: {  	[sflag:s13] =	ssyncadd.s32 $0xFFFFFF80  }
.LBB2_23:
0x583: {  	[bflag:$0x0] =	sbarrier.arrive $0xFFFF  }
0x584: {  	s0 =	simm.s32 $0x0;
	s13 =	simm.s32 $0x8000;
	s3 =	rddreg [dreg:$0xc]  }
0x585: {  	[tilespmem:s13], [sflag:$0x5] =	stream.linear.gather [hbm4b:s3+s0], $0x80, $0x38;
	[tilespmem:$0x12400] =	vst v63  }
0x586: {  	s15 =	simm.s32 $0x8080;
	s10 =	simm.s32 $0x5;
	s25 =	rddreg [dreg:$0xd]  }
0x587: {  	[tilespmem:s15], [sflag:$0x6] =	stream.linear.gather [hbm4b:s25+s0], $0x80, $0x38;
	[tilespmem:$0x12400] =	vst v63  }
0x588: {  	_ =	swait.ge [sflag:s10], $0x80  }
0x589: {  	[sflag:s10] =	ssyncset.done $0x0  }
0x58a: {  	[sflag:s10] =	ssyncadd.s32 $0xFFFFFF80  }
0x58b: {  	v20 =	vld [tilespmem:$0x8000];
	_ =	sdelay $0x1  }
0x58c: {  	v21 =	vld [tilespmem:$0x8010];
	_ =	sdelay $0x1  }
0x58d: {  	v22 =	vld [tilespmem:$0x8020]  }
0x58e: {  	v23 =	vshrl.u32 v20, $0x2;
	v20 =	vshll.u32 v20, $0x5  }
0x58f: {  	[tilespmem:$0x8100] =	vst v23;
	v20 =	vand.u32 $0x60, v20;
	v23 =	vld [tilespmem:$0x8030]  }
0x590: {  	[tilespmem:$0x8200] =	vst v20;
	v20 =	vshrl.u32 v21, $0x2;
	v21 =	vshll.u32 v21, $0x5  }
0x591: {  	[tilespmem:$0x8110] =	vst v20;
	v20 =	vand.u32 $0x60, v21;
	v21 =	vld [tilespmem:$0x8040]  }
0x592: {  	[tilespmem:$0x8210] =	vst v20;
	v20 =	vshrl.u32 v22, $0x2;
	v22 =	vshll.u32 v22, $0x5  }
0x593: {  	[tilespmem:$0x8120] =	vst v20;
	v20 =	vand.u32 $0x60, v22;
	v22 =	vld [tilespmem:$0x8050]  }
0x594: {  	[tilespmem:$0x8220] =	vst v20;
	v20 =	vshrl.u32 v23, $0x2;
	v23 =	vshll.u32 v23, $0x5  }
0x595: {  	[tilespmem:$0x8130] =	vst v20;
	v20 =	vand.u32 $0x60, v23;
	v23 =	vld [tilespmem:$0x8060]  }
0x596: {  	[tilespmem:$0x8230] =	vst v20;
	v20 =	vshrl.u32 v21, $0x2;
	v21 =	vshll.u32 v21, $0x5  }
0x597: {  	[tilespmem:$0x8140] =	vst v20;
	v20 =	vand.u32 $0x60, v21;
	v21 =	vld [tilespmem:$0x8070]  }
0x598: {  	[tilespmem:$0x8240] =	vst v20;
	v20 =	vshrl.u32 v22, $0x2;
	v22 =	vshll.u32 v22, $0x5  }
0x599: {  	[tilespmem:$0x8150] =	vst v20;
	v20 =	vand.u32 $0x60, v22  }
0x59a: {  	[tilespmem:$0x8250] =	vst v20;
	v20 =	vshrl.u32 v23, $0x2;
	v22 =	vshll.u32 v23, $0x5  }
0x59b: {  	[tilespmem:$0x8160] =	vst v20;
	v20 =	vand.u32 $0x60, v22  }
0x59c: {  	[tilespmem:$0x8260] =	vst v20;
	v20 =	vshrl.u32 v21, $0x2;
	v21 =	vshll.u32 v21, $0x5  }
0x59d: {  	[tilespmem:$0x8170] =	vst v20;
	v20 =	vand.u32 $0x60, v21  }
0x59e: {  	s15 =	simm.s32 $0x80;
	s10 =	simm.s32 $0x8100;
	[tilespmem:$0x8270] =	vst v20  }
0x59f: {  	[tilespmem:s11], [sflag:$0x7] =	stream.indirect.gather [hbm4b:s1+s15], $0x80, s10, s15, $0xb8;
	[tilespmem:$0x12400] =	vst v63  }
0x5a0: {  	_ =	swait.ge [sflag:s18], $0x80  }
0x5a1: {  	[sflag:s18] =	ssyncset.done $0x0  }
0x5a2: {  	[sflag:s18] =	ssyncadd.s32 $0xFFFFFF80  }
0x5a3: {  	v20 =	vld [tilespmem:$0x8080];
	_ =	sdelay $0x1  }
0x5a4: {  	v21 =	vld [tilespmem:$0x8090];
	_ =	sdelay $0x1  }
0x5a5: {  	v22 =	vld [tilespmem:$0x80A0]  }
0x5a6: {  	v23 =	vshrl.u32 v20, $0x2;
	v20 =	vshll.u32 v20, $0x5  }
0x5a7: {  	[tilespmem:$0x8180] =	vst v23;
	v20 =	vand.u32 $0x60, v20;
	v23 =	vld [tilespmem:$0x80B0]  }
0x5a8: {  	[tilespmem:$0x8280] =	vst v20;
	v20 =	vshrl.u32 v21, $0x2;
	v21 =	vshll.u32 v21, $0x5  }
0x5a9: {  	[tilespmem:$0x8190] =	vst v20;
	v20 =	vand.u32 $0x60, v21;
	v21 =	vld [tilespmem:$0x80C0]  }
0x5aa: {  	[tilespmem:$0x8290] =	vst v20;
	v20 =	vshrl.u32 v22, $0x2;
	v22 =	vshll.u32 v22, $0x5  }
0x5ab: {  	[tilespmem:$0x81A0] =	vst v20;
	v20 =	vand.u32 $0x60, v22;
	v22 =	vld [tilespmem:$0x80D0]  }
0x5ac: {  	[tilespmem:$0x82A0] =	vst v20;
	v20 =	vshrl.u32 v23, $0x2;
	v23 =	vshll.u32 v23, $0x5  }
0x5ad: {  	[tilespmem:$0x81B0] =	vst v20;
	v20 =	vand.u32 $0x60, v23;
	v23 =	vld [tilespmem:$0x80E0]  }
0x5ae: {  	[tilespmem:$0x82B0] =	vst v20;
	v20 =	vshrl.u32 v21, $0x2;
	v21 =	vshll.u32 v21, $0x5  }
0x5af: {  	[tilespmem:$0x81C0] =	vst v20;
	v20 =	vand.u32 $0x60, v21;
	v21 =	vld [tilespmem:$0x80F0]  }
0x5b0: {  	[tilespmem:$0x82C0] =	vst v20;
	v20 =	vshrl.u32 v22, $0x2;
	v22 =	vshll.u32 v22, $0x5  }
0x5b1: {  	[tilespmem:$0x81D0] =	vst v20;
	v20 =	vand.u32 $0x60, v22  }
0x5b2: {  	[tilespmem:$0x82D0] =	vst v20;
	v20 =	vshrl.u32 v23, $0x2;
	v22 =	vshll.u32 v23, $0x5  }
0x5b3: {  	[tilespmem:$0x81E0] =	vst v20;
	v20 =	vand.u32 $0x60, v22  }
0x5b4: {  	[tilespmem:$0x82E0] =	vst v20;
	v20 =	vshrl.u32 v21, $0x2;
	v21 =	vshll.u32 v21, $0x5  }
0x5b5: {  	[tilespmem:$0x81F0] =	vst v20;
	v20 =	vand.u32 $0x60, v21  }
0x5b6: {  	s19 =	simm.s32 $0x8180;
	[tilespmem:$0x82F0] =	vst v20  }
0x5b7: {  	[tilespmem:s22], [sflag:$0x8] =	stream.indirect.gather [hbm4b:s1+s15], $0x80, s19, s15, $0xb8;
	[tilespmem:$0x12400] =	vst v63  }
0x5b8: {  	s20 =	rddreg [dreg:$0xe]  }
0x5b9: {  	[tilespmem:s13], [sflag:$0x5] =	stream.linear.gather [hbm4b:s20+s0], $0x80, $0x38;
	[tilespmem:$0x12400] =	vst v63  }
0x5ba: {  	_ =	swait.ge [sflag:s23], $0x4000  }
0x5bb: {  	[sflag:s23] =	ssyncset.done $0x0  }
0x5bc: {  	[sflag:s23] =	ssyncadd.s32 $0xFFFFC000  }
0x5bd: {  	v42 =	vld [tilespmem:$0x8200];
	_ =	sdelay $0x2  }
0x5be: {  	v20 =	vadd.s32 s0, v0  }
0x5bf: {  	v33 =	vand.u32 $0x1F, v20;
	v20 =	vmul.u32 $0x80, v0  }
0x5c0: {  	v21 =	vadd.s32 v42, v33  }
0x5c1: {  	v41 =	vld [tilespmem:$0x8210];
	v21 =	vadd.s32 v20, v21;
	_ =	sdelay $0x3  }
0x5c2: {  	v43 =	vshll.u32 v33, $0x7;
	v40 =	vld [tilespmem:$0x8220]  }
0x5c3: {  	v23 =	vor.u32 v0, v43;
	v24 =	vadd.s32 v41, v33;
	v22 =	vld.idx.msk [tilespmem:v21+s11+$0x0], $0xffff;
	v21 =	vor.u32 $0x800, v20  }
0x5c4: {  	v38 =	vld [tilespmem:$0x8230];
	v24 =	vadd.s32 v21, v24  }
0x5c5: {  	v39 =	vld [tilespmem:$0x8240]  }
0x5c6: {  	v37 =	vld [tilespmem:$0x8250]  }
0x5c7: {  	v36 =	vld [tilespmem:$0x8260]  }
0x5c8: {  	v35 =	vld [tilespmem:$0x8270];
	[tilespmem:v23+s24+$0x0] =	vst.idx.msk $0xffff, v22;
	v22 =	vor.u32 $0x10, v0  }
0x5c9: {  	v26 =	vadd.s32 v40, v33;
	v23 =	vor.u32 $0x1000, v20;
	v24 =	vld.idx.msk [tilespmem:v24+s11+$0x0], $0xffff;
	v25 =	vor.u32 v22, v43  }
0x5ca: {  	v26 =	vadd.s32 v23, v26;
	_ =	sdelay $0x3  }
0x5cb: {  	[tilespmem:v25+s24+$0x0] =	vst.idx.msk $0xffff, v24;
	v24 =	vor.u32 $0x20, v0  }
0x5cc: {  	v28 =	vadd.s32 v38, v33;
	v25 =	vor.u32 $0x1800, v20;
	v26 =	vld.idx.msk [tilespmem:v26+s11+$0x0], $0xffff;
	v27 =	vor.u32 v24, v43  }
0x5cd: {  	v28 =	vadd.s32 v25, v28;
	_ =	sdelay $0x3  }
0x5ce: {  	[tilespmem:v27+s24+$0x0] =	vst.idx.msk $0xffff, v26;
	v26 =	vor.u32 $0x30, v0  }
0x5cf: {  	v30 =	vadd.s32 v39, v33;
	v27 =	vor.u32 $0x2000, v20;
	v28 =	vld.idx.msk [tilespmem:v28+s11+$0x0], $0xffff;
	v29 =	vor.u32 v26, v43  }
0x5d0: {  	v30 =	vadd.s32 v27, v30;
	_ =	sdelay $0x3  }
0x5d1: {  	[tilespmem:v29+s24+$0x0] =	vst.idx.msk $0xffff, v28;
	v28 =	vor.u32 $0x40, v0  }
0x5d2: {  	v32 =	vadd.s32 v37, v33;
	v29 =	vor.u32 $0x2800, v20;
	v30 =	vld.idx.msk [tilespmem:v30+s11+$0x0], $0xffff;
	v31 =	vor.u32 v28, v43  }
0x5d3: {  	v32 =	vadd.s32 v29, v32;
	_ =	sdelay $0x3  }
0x5d4: {  	[tilespmem:v31+s24+$0x0] =	vst.idx.msk $0xffff, v30;
	v30 =	vor.u32 $0x50, v0  }
0x5d5: {  	v44 =	vadd.s32 v36, v33;
	v31 =	vor.u32 $0x3000, v20;
	v32 =	vld.idx.msk [tilespmem:v32+s11+$0x0], $0xffff;
	v34 =	vor.u32 v30, v43  }
0x5d6: {  	v44 =	vadd.s32 v31, v44;
	_ =	sdelay $0x3  }
0x5d7: {  	[tilespmem:v34+s24+$0x0] =	vst.idx.msk $0xffff, v32;
	v32 =	vor.u32 $0x60, v0  }
0x5d8: {  	v45 =	vadd.s32 v35, v33;
	v33 =	vor.u32 $0x3800, v20;
	v34 =	vld.idx.msk [tilespmem:v44+s11+$0x0], $0xffff;
	v50 =	vor.u32 v32, v43  }
0x5d9: {  	v45 =	vadd.s32 v33, v45;
	_ =	sdelay $0x1  }
0x5da: {  	s25 =	simm.s32 $0x1  }
0x5db: {  	v46 =	vadd.s32 s25, v0  }
0x5dc: {  	v51 =	vand.u32 $0x1F, v46;
	[tilespmem:v50+s24+$0x0] =	vst.idx.msk $0xffff, v34;
	v34 =	vor.u32 $0x70, v0  }
0x5dd: {  	v46 =	vadd.s32 v42, v51;
	v45 =	vld.idx.msk [tilespmem:v45+s11+$0x0], $0xffff;
	v43 =	vor.u32 v34, v43  }
0x5de: {  	v46 =	vadd.s32 v20, v46;
	_ =	sdelay $0x3  }
0x5df: {  	[tilespmem:v43+s24+$0x0] =	vst.idx.msk $0xffff, v45;
	v43 =	vshll.u32 v51, $0x7  }
0x5e0: {  	v47 =	vadd.s32 v41, v51;
	v45 =	vld.idx.msk [tilespmem:v46+s11+$0x0], $0xffff;
	v52 =	vor.u32 v0, v43  }
0x5e1: {  	v47 =	vadd.s32 v21, v47;
	_ =	sdelay $0x3  }
0x5e2: {  	[tilespmem:v52+s24+$0x0] =	vst.idx.msk $0xffff, v45  }
0x5e3: {  	v54 =	vadd.s32 v40, v51;
	v53 =	vor.u32 v22, v43;
	v45 =	vld.idx.msk [tilespmem:v47+s11+$0x0], $0xffff  }
0x5e4: {  	v47 =	vadd.s32 v23, v54;
	_ =	sdelay $0x3  }
0x5e5: {  	[tilespmem:v53+s24+$0x0] =	vst.idx.msk $0xffff, v45  }
0x5e6: {  	v56 =	vadd.s32 v38, v51;
	v55 =	vor.u32 v24, v43;
	v45 =	vld.idx.msk [tilespmem:v47+s11+$0x0], $0xffff  }
0x5e7: {  	v47 =	vadd.s32 v25, v56;
	_ =	sdelay $0x3  }
0x5e8: {  	[tilespmem:v55+s24+$0x0] =	vst.idx.msk $0xffff, v45  }
0x5e9: {  	v58 =	vadd.s32 v39, v51;
	v57 =	vor.u32 v26, v43;
	v45 =	vld.idx.msk [tilespmem:v47+s11+$0x0], $0xffff  }
0x5ea: {  	v47 =	vadd.s32 v27, v58;
	_ =	sdelay $0x3  }
0x5eb: {  	[tilespmem:v57+s24+$0x0] =	vst.idx.msk $0xffff, v45  }
0x5ec: {  	v60 =	vadd.s32 v37, v51;
	v59 =	vor.u32 v28, v43;
	v45 =	vld.idx.msk [tilespmem:v47+s11+$0x0], $0xffff  }
0x5ed: {  	v47 =	vadd.s32 v29, v60;
	_ =	sdelay $0x3  }
0x5ee: {  	[tilespmem:v59+s24+$0x0] =	vst.idx.msk $0xffff, v45  }
0x5ef: {  	v62 =	vadd.s32 v36, v51;
	v61 =	vor.u32 v30, v43;
	v45 =	vld.idx.msk [tilespmem:v47+s11+$0x0], $0xffff  }
0x5f0: {  	v47 =	vadd.s32 v31, v62;
	_ =	sdelay $0x3  }
0x5f1: {  	[tilespmem:v61+s24+$0x0] =	vst.idx.msk $0xffff, v45  }
0x5f2: {  	v44 =	vadd.s32 v35, v51;
	v63 =	vor.u32 v32, v43;
	v46 =	vld.idx.msk [tilespmem:v47+s11+$0x0], $0xffff  }
0x5f3: {  	v44 =	vadd.s32 v33, v44;
	_ =	sdelay $0x2  }
0x5f4: {  	s3 =	simm.s32 $0x2  }
0x5f5: {  	s10 =	simm.s32 $0x80;
	s0 =	simm.s32 $0x4;
	v45 =	vadd.s32 s3, v0;
	[tilespmem:v63+s24+$0x0] =	vst.idx.msk $0xffff, v46  }
.LBB2_24:
0x5f6: {  	p2 =	sne.s32 s0, $0x1E;
	v45 =	vand.u32 $0x1F, v45;
	v44 =	vld.idx.msk [tilespmem:v44+s11+$0x0], $0xffff  }
0x5f7: {  	v43 =	vor.u32 v34, v43;
	v46 =	vadd.s32 v42, v45  }
0x5f8: {  	v46 =	vadd.s32 v20, v46;
	_ =	sdelay $0x3  }
0x5f9: {  	[tilespmem:v43+s24+$0x0] =	vst.idx.msk $0xffff, v44  }
0x5fa: {  	v44 =	vshll.u32 v45, $0x7;
	v43 =	vld.idx.msk [tilespmem:v46+s11+$0x0], $0xffff  }
0x5fb: {  	v47 =	vadd.s32 v41, v45;
	v46 =	vor.u32 v0, v44  }
0x5fc: {  	v47 =	vadd.s32 v21, v47;
	_ =	sdelay $0x3  }
0x5fd: {  	[tilespmem:v46+s24+$0x0] =	vst.idx.msk $0xffff, v43  }
0x5fe: {  	v43 =	vld.idx.msk [tilespmem:v47+s11+$0x0], $0xffff  }
0x5ff: {  	v46 =	vor.u32 v22, v44;
	v47 =	vadd.s32 v40, v45  }
0x600: {  	v47 =	vadd.s32 v23, v47;
	_ =	sdelay $0x3  }
0x601: {  	[tilespmem:v46+s24+$0x0] =	vst.idx.msk $0xffff, v43  }
0x602: {  	v43 =	vld.idx.msk [tilespmem:v47+s11+$0x0], $0xffff  }
0x603: {  	v46 =	vor.u32 v24, v44;
	v47 =	vadd.s32 v38, v45  }
0x604: {  	v47 =	vadd.s32 v25, v47;
	_ =	sdelay $0x3  }
0x605: {  	[tilespmem:v46+s24+$0x0] =	vst.idx.msk $0xffff, v43  }
0x606: {  	v43 =	vld.idx.msk [tilespmem:v47+s11+$0x0], $0xffff  }
0x607: {  	v46 =	vor.u32 v26, v44;
	v47 =	vadd.s32 v39, v45  }
0x608: {  	v47 =	vadd.s32 v27, v47;
	_ =	sdelay $0x3  }
0x609: {  	[tilespmem:v46+s24+$0x0] =	vst.idx.msk $0xffff, v43  }
0x60a: {  	v43 =	vld.idx.msk [tilespmem:v47+s11+$0x0], $0xffff  }
0x60b: {  	v46 =	vor.u32 v28, v44;
	v47 =	vadd.s32 v37, v45  }
0x60c: {  	v47 =	vadd.s32 v29, v47;
	_ =	sdelay $0x3  }
0x60d: {  	[tilespmem:v46+s24+$0x0] =	vst.idx.msk $0xffff, v43  }
0x60e: {  	v43 =	vld.idx.msk [tilespmem:v47+s11+$0x0], $0xffff  }
0x60f: {  	v46 =	vor.u32 v30, v44;
	v47 =	vadd.s32 v36, v45  }
0x610: {  	v47 =	vadd.s32 v31, v47;
	_ =	sdelay $0x3  }
0x611: {  	[tilespmem:v46+s24+$0x0] =	vst.idx.msk $0xffff, v43  }
0x612: {  	v43 =	vld.idx.msk [tilespmem:v47+s11+$0x0], $0xffff  }
0x613: {  	v45 =	vadd.s32 v35, v45;
	v46 =	vor.u32 v32, v44  }
0x614: {  	v45 =	vadd.s32 v33, v45;
	_ =	sdelay $0x2  }
0x615: {  	s13 =	sadd.s32 $0x1, s3;
	s3 =	smov.u32 s0  }
0x616: {  	[tilespmem:v46+s24+$0x0] =	vst.idx.msk $0xffff, v43;
	v43 =	vadd.s32 s13, v0  }
0x617: {  	v45 =	vld.idx.msk [tilespmem:v45+s11+$0x0], $0xffff;
	v46 =	vand.u32 $0x1F, v43  }
0x618: {  	v43 =	vor.u32 v34, v44;
	v44 =	vadd.s32 v42, v46  }
0x619: {  	v44 =	vadd.s32 v20, v44;
	_ =	sdelay $0x3  }
0x61a: {  	[tilespmem:v43+s24+$0x0] =	vst.idx.msk $0xffff, v45  }
0x61b: {  	v43 =	vshll.u32 v46, $0x7;
	v44 =	vld.idx.msk [tilespmem:v44+s11+$0x0], $0xffff  }
0x61c: {  	v47 =	vadd.s32 v41, v46;
	v45 =	vor.u32 v0, v43  }
0x61d: {  	v47 =	vadd.s32 v21, v47;
	_ =	sdelay $0x3  }
0x61e: {  	[tilespmem:v45+s24+$0x0] =	vst.idx.msk $0xffff, v44  }
0x61f: {  	v44 =	vld.idx.msk [tilespmem:v47+s11+$0x0], $0xffff  }
0x620: {  	v45 =	vor.u32 v22, v43;
	v47 =	vadd.s32 v40, v46  }
0x621: {  	v47 =	vadd.s32 v23, v47;
	_ =	sdelay $0x3  }
0x622: {  	[tilespmem:v45+s24+$0x0] =	vst.idx.msk $0xffff, v44  }
0x623: {  	v44 =	vld.idx.msk [tilespmem:v47+s11+$0x0], $0xffff  }
0x624: {  	v45 =	vor.u32 v24, v43;
	v47 =	vadd.s32 v38, v46  }
0x625: {  	v47 =	vadd.s32 v25, v47;
	_ =	sdelay $0x3  }
0x626: {  	[tilespmem:v45+s24+$0x0] =	vst.idx.msk $0xffff, v44  }
0x627: {  	v44 =	vld.idx.msk [tilespmem:v47+s11+$0x0], $0xffff  }
0x628: {  	v45 =	vor.u32 v26, v43;
	v47 =	vadd.s32 v39, v46  }
0x629: {  	v47 =	vadd.s32 v27, v47;
	_ =	sdelay $0x3  }
0x62a: {  	[tilespmem:v45+s24+$0x0] =	vst.idx.msk $0xffff, v44  }
0x62b: {  	v44 =	vld.idx.msk [tilespmem:v47+s11+$0x0], $0xffff  }
0x62c: {  	v45 =	vor.u32 v28, v43;
	v47 =	vadd.s32 v37, v46  }
0x62d: {  	v47 =	vadd.s32 v29, v47;
	_ =	sdelay $0x3  }
0x62e: {  	[tilespmem:v45+s24+$0x0] =	vst.idx.msk $0xffff, v44  }
0x62f: {  	v44 =	vld.idx.msk [tilespmem:v47+s11+$0x0], $0xffff  }
0x630: {  	v45 =	vor.u32 v30, v43;
	v47 =	vadd.s32 v36, v46  }
0x631: {  	v47 =	vadd.s32 v31, v47;
	_ =	sdelay $0x3  }
0x632: {  	[tilespmem:v45+s24+$0x0] =	vst.idx.msk $0xffff, v44  }
0x633: {  	v47 =	vld.idx.msk [tilespmem:v47+s11+$0x0], $0xffff  }
0x634: {  	v48 =	vor.u32 v32, v43;
	v44 =	vadd.s32 v35, v46  }
.Ltmp13:
0x635: {  	v44 =	vadd.s32 v33, v44;
	(pc) =	sbr.rel @p2 .LBB2_24-.Ltmp13, $2  }
0x636: {  	_ =	sdelay $0x2  }
0x637: {  	s0 =	sadd.s32 $0x2, s0;
	v45 =	vadd.s32 s3, v0;
	[tilespmem:v48+s24+$0x0] =	vst.idx.msk $0xffff, v47  }
0x638: {  	_ =	sdelay $0x2  }
0x639: {  	v45 =	vand.u32 $0x1F, v45  }
0x63a: {  	v44 =	vld.idx.msk [tilespmem:v44+s11+$0x0], $0xffff;
	v43 =	vor.u32 v34, v43;
	v46 =	vadd.s32 v42, v45  }
0x63b: {  	v46 =	vadd.s32 v20, v46;
	_ =	sdelay $0x3  }
0x63c: {  	v53 =	vshll.u32 v45, $0x7;
	[tilespmem:v43+s24+$0x0] =	vst.idx.msk $0xffff, v44  }
0x63d: {  	v47 =	vadd.s32 v41, v45;
	v54 =	vor.u32 v0, v53;
	v44 =	vld.idx.msk [tilespmem:v46+s11+$0x0], $0xffff  }
0x63e: {  	v47 =	vadd.s32 v21, v47;
	_ =	sdelay $0x3  }
0x63f: {  	[tilespmem:v54+s24+$0x0] =	vst.idx.msk $0xffff, v44  }
0x640: {  	v56 =	vadd.s32 v40, v45;
	v55 =	vor.u32 v22, v53;
	v44 =	vld.idx.msk [tilespmem:v47+s11+$0x0], $0xffff  }
0x641: {  	v47 =	vadd.s32 v23, v56;
	_ =	sdelay $0x3  }
0x642: {  	[tilespmem:v55+s24+$0x0] =	vst.idx.msk $0xffff, v44  }
0x643: {  	v58 =	vadd.s32 v38, v45;
	v57 =	vor.u32 v24, v53;
	v44 =	vld.idx.msk [tilespmem:v47+s11+$0x0], $0xffff  }
0x644: {  	v47 =	vadd.s32 v25, v58;
	_ =	sdelay $0x3  }
0x645: {  	[tilespmem:v57+s24+$0x0] =	vst.idx.msk $0xffff, v44  }
0x646: {  	v60 =	vadd.s32 v39, v45;
	v59 =	vor.u32 v26, v53;
	v44 =	vld.idx.msk [tilespmem:v47+s11+$0x0], $0xffff  }
0x647: {  	v47 =	vadd.s32 v27, v60;
	_ =	sdelay $0x3  }
0x648: {  	[tilespmem:v59+s24+$0x0] =	vst.idx.msk $0xffff, v44  }
0x649: {  	v62 =	vadd.s32 v37, v45;
	v61 =	vor.u32 v28, v53;
	v44 =	vld.idx.msk [tilespmem:v47+s11+$0x0], $0xffff  }
0x64a: {  	v47 =	vadd.s32 v29, v62;
	_ =	sdelay $0x3  }
0x64b: {  	[tilespmem:v61+s24+$0x0] =	vst.idx.msk $0xffff, v44  }
0x64c: {  	v48 =	vadd.s32 v36, v45;
	v63 =	vor.u32 v30, v53;
	v44 =	vld.idx.msk [tilespmem:v47+s11+$0x0], $0xffff  }
0x64d: {  	v47 =	vadd.s32 v31, v48;
	_ =	sdelay $0x3  }
0x64e: {  	[tilespmem:v63+s24+$0x0] =	vst.idx.msk $0xffff, v44  }
0x64f: {  	v45 =	vadd.s32 v35, v45;
	v49 =	vor.u32 v32, v53;
	v44 =	vld.idx.msk [tilespmem:v47+s11+$0x0], $0xffff  }
0x650: {  	v45 =	vadd.s32 v33, v45;
	_ =	sdelay $0x1  }
0x651: {  	s0 =	sadd.s32 $0x1, s3  }
0x652: {  	v50 =	vadd.s32 s0, v0  }
0x653: {  	v51 =	vand.u32 $0x1F, v50;
	[tilespmem:v49+s24+$0x0] =	vst.idx.msk $0xffff, v44  }
0x654: {  	v52 =	vadd.s32 v42, v51;
	v43 =	vor.u32 v34, v53;
	v45 =	vld.idx.msk [tilespmem:v45+s11+$0x0], $0xffff  }
0x655: {  	v42 =	vadd.s32 v20, v52;
	_ =	sdelay $0x3  }
0x656: {  	v53 =	vshll.u32 v51, $0x7;
	[tilespmem:v43+s24+$0x0] =	vst.idx.msk $0xffff, v45  }
0x657: {  	v54 =	vor.u32 v0, v53;
	v55 =	vadd.s32 v41, v51;
	v42 =	vld.idx.msk [tilespmem:v42+s11+$0x0], $0xffff  }
0x658: {  	v41 =	vadd.s32 v21, v55;
	_ =	sdelay $0x3  }
0x659: {  	[tilespmem:v54+s24+$0x0] =	vst.idx.msk $0xffff, v42  }
0x65a: {  	v56 =	vor.u32 v22, v53;
	v57 =	vadd.s32 v40, v51;
	v41 =	vld.idx.msk [tilespmem:v41+s11+$0x0], $0xffff  }
0x65b: {  	v40 =	vadd.s32 v23, v57;
	_ =	sdelay $0x3  }
0x65c: {  	[tilespmem:v56+s24+$0x0] =	vst.idx.msk $0xffff, v41  }
0x65d: {  	v58 =	vor.u32 v24, v53;
	v59 =	vadd.s32 v38, v51;
	v40 =	vld.idx.msk [tilespmem:v40+s11+$0x0], $0xffff  }
0x65e: {  	v38 =	vadd.s32 v25, v59;
	_ =	sdelay $0x3  }
0x65f: {  	[tilespmem:v58+s24+$0x0] =	vst.idx.msk $0xffff, v40  }
0x660: {  	v60 =	vor.u32 v26, v53;
	v61 =	vadd.s32 v39, v51;
	v38 =	vld.idx.msk [tilespmem:v38+s11+$0x0], $0xffff  }
0x661: {  	v39 =	vadd.s32 v27, v61;
	_ =	sdelay $0x3  }
0x662: {  	[tilespmem:v60+s24+$0x0] =	vst.idx.msk $0xffff, v38  }
0x663: {  	v62 =	vor.u32 v28, v53;
	v63 =	vadd.s32 v37, v51;
	v38 =	vld.idx.msk [tilespmem:v39+s11+$0x0], $0xffff  }
0x664: {  	v37 =	vadd.s32 v29, v63;
	_ =	sdelay $0x3  }
0x665: {  	[tilespmem:v62+s24+$0x0] =	vst.idx.msk $0xffff, v38  }
0x666: {  	v41 =	vadd.s32 v36, v51;
	v40 =	vor.u32 v30, v53;
	v37 =	vld.idx.msk [tilespmem:v37+s11+$0x0], $0xffff  }
0x667: {  	v36 =	vadd.s32 v31, v41;
	_ =	sdelay $0x3  }
0x668: {  	[tilespmem:v40+s24+$0x0] =	vst.idx.msk $0xffff, v37  }
0x669: {  	v45 =	vadd.s32 v35, v51;
	v42 =	vor.u32 v32, v53;
	v36 =	vld.idx.msk [tilespmem:v36+s11+$0x0], $0xffff  }
0x66a: {  	v35 =	vadd.s32 v33, v45;
	_ =	sdelay $0x3  }
0x66b: {  	[tilespmem:v42+s24+$0x0] =	vst.idx.msk $0xffff, v36  }
0x66c: {  	v46 =	vor.u32 v34, v53;
	v35 =	vld.idx.msk [tilespmem:v35+s11+$0x0], $0xffff;
	_ =	sdelay $0x4  }
0x66d: {  	s3 =	rddreg [dreg:$0xf];
	s13 =	simm.s32 $0x5;
	[tilespmem:v46+s24+$0x0] =	vst.idx.msk $0xffff, v35  }
0x66e: {  	[hbm4b:s3+s17] =	stream.strided.scatter [tilespmem:s24], [sflag:$0x9], $0x1000, s14, s17, $0x38;
	[tilespmem:$0x12400] =	vst v63  }
0x66f: {  	_ =	swait.ge [sflag:s13], $0x80  }
0x670: {  	[sflag:s13] =	ssyncset.done $0x0  }
0x671: {  	[sflag:s13] =	ssyncadd.s32 $0xFFFFFF80  }
0x672: {  	v47 =	vld [tilespmem:$0x8000]  }
0x673: {  	v48 =	vld [tilespmem:$0x8010]  }
0x674: {  	v49 =	vld [tilespmem:$0x8020]  }
0x675: {  	v51 =	vld [tilespmem:$0x8030]  }
0x676: {  	v54 =	vld [tilespmem:$0x8040]  }
0x677: {  	v57 =	vld [tilespmem:$0x8050];
	v50 =	vshrl.u32 v47, $0x2  }
0x678: {  	v60 =	vld [tilespmem:$0x8060];
	v52 =	vshrl.u32 v48, $0x2;
	[tilespmem:$0x8100] =	vst v50  }
0x679: {  	v63 =	vld [tilespmem:$0x8070];
	v55 =	vshrl.u32 v49, $0x2;
	[tilespmem:$0x8110] =	vst v52  }
0x67a: {  	v58 =	vshrl.u32 v51, $0x2;
	[tilespmem:$0x8120] =	vst v55  }
0x67b: {  	v61 =	vshrl.u32 v54, $0x2;
	[tilespmem:$0x8130] =	vst v58  }
0x67c: {  	v40 =	vshrl.u32 v57, $0x2;
	[tilespmem:$0x8140] =	vst v61  }
0x67d: {  	v42 =	vshrl.u32 v60, $0x2;
	[tilespmem:$0x8150] =	vst v40  }
0x67e: {  	v35 =	vshll.u32 v47, $0x5;
	v45 =	vshrl.u32 v63, $0x2;
	[tilespmem:$0x8160] =	vst v42  }
0x67f: {  	v36 =	vshll.u32 v48, $0x5;
	v35 =	vand.u32 $0x60, v35;
	[tilespmem:$0x8170] =	vst v45  }
0x680: {  	v37 =	vshll.u32 v49, $0x5;
	v53 =	vand.u32 $0x60, v36;
	[tilespmem:$0x8200] =	vst v35  }
0x681: {  	v38 =	vshll.u32 v51, $0x5;
	v56 =	vand.u32 $0x60, v37;
	[tilespmem:$0x8210] =	vst v53  }
0x682: {  	v43 =	vshll.u32 v60, $0x5;
	v59 =	vand.u32 $0x60, v38;
	[tilespmem:$0x8220] =	vst v56  }
0x683: {  	v36 =	vshll.u32 v54, $0x5;
	v44 =	vand.u32 $0x60, v43;
	[tilespmem:$0x8230] =	vst v59  }
0x684: {  	v37 =	vshll.u32 v57, $0x5;
	v62 =	vand.u32 $0x60, v36;
	[tilespmem:$0x8260] =	vst v44  }
0x685: {  	v41 =	vand.u32 $0x60, v37;
	v36 =	vshll.u32 v63, $0x5;
	[tilespmem:$0x8240] =	vst v62  }
0x686: {  	[tilespmem:$0x8250] =	vst v41;
	v46 =	vand.u32 $0x60, v36  }
0x687: {  	s15 =	simm.s32 $0x8100;
	[tilespmem:$0x8270] =	vst v46  }
0x688: {  	[tilespmem:s11], [sflag:$0x7] =	stream.indirect.gather [hbm4b:s1+s10], $0x80, s15, s10, $0xb8;
	[tilespmem:$0x12400] =	vst v63  }
0x689: {  	s19 =	simm.s32 $0x0;
	s20 =	rddreg [dreg:$0x10];
	s13 =	simm.s32 $0x8080  }
0x68a: {  	[tilespmem:s13], [sflag:$0x6] =	stream.linear.gather [hbm4b:s20+s19], $0x80, $0x38;
	[tilespmem:$0x12400] =	vst v63  }
0x68b: {  	_ =	swait.ge [sflag:s12], $0x4000  }
0x68c: {  	[sflag:s12] =	ssyncset.done $0x0  }
0x68d: {  	[sflag:s12] =	ssyncadd.s32 $0xFFFFC000  }
0x68e: {  	v42 =	vld [tilespmem:$0x8280];
	_ =	sdelay $0x2  }
0x68f: {  	v47 =	vadd.s32 s19, v0  }
0x690: {  	v48 =	vand.u32 $0x1F, v47  }
0x691: {  	v35 =	vadd.s32 v42, v48  }
0x692: {  	v41 =	vld [tilespmem:$0x8290];
	v35 =	vadd.s32 v20, v35;
	_ =	sdelay $0x3  }
0x693: {  	v44 =	vshll.u32 v48, $0x7;
	v40 =	vld [tilespmem:$0x82A0]  }
0x694: {  	v50 =	vor.u32 v0, v44;
	v51 =	vadd.s32 v41, v48;
	v49 =	vld.idx.msk [tilespmem:v35+s22+$0x0], $0xffff  }
0x695: {  	v38 =	vld [tilespmem:$0x82B0];
	v52 =	vadd.s32 v21, v51  }
0x696: {  	v39 =	vld [tilespmem:$0x82C0]  }
0x697: {  	v37 =	vld [tilespmem:$0x82D0]  }
0x698: {  	v36 =	vld [tilespmem:$0x82E0]  }
0x699: {  	v35 =	vld [tilespmem:$0x82F0];
	[tilespmem:v50+s26+$0x0] =	vst.idx.msk $0xffff, v49  }
0x69a: {  	v53 =	vor.u32 v22, v44;
	v54 =	vadd.s32 v40, v48;
	v45 =	vld.idx.msk [tilespmem:v52+s22+$0x0], $0xffff  }
0x69b: {  	v47 =	vadd.s32 v23, v54;
	_ =	sdelay $0x3  }
0x69c: {  	[tilespmem:v53+s26+$0x0] =	vst.idx.msk $0xffff, v45  }
0x69d: {  	v55 =	vor.u32 v24, v44;
	v56 =	vadd.s32 v38, v48;
	v45 =	vld.idx.msk [tilespmem:v47+s22+$0x0], $0xffff  }
0x69e: {  	v47 =	vadd.s32 v25, v56;
	_ =	sdelay $0x3  }
0x69f: {  	[tilespmem:v55+s26+$0x0] =	vst.idx.msk $0xffff, v45  }
0x6a0: {  	v57 =	vor.u32 v26, v44;
	v58 =	vadd.s32 v39, v48;
	v45 =	vld.idx.msk [tilespmem:v47+s22+$0x0], $0xffff  }
0x6a1: {  	v47 =	vadd.s32 v27, v58;
	_ =	sdelay $0x3  }
0x6a2: {  	[tilespmem:v57+s26+$0x0] =	vst.idx.msk $0xffff, v45  }
0x6a3: {  	v59 =	vor.u32 v28, v44;
	v60 =	vadd.s32 v37, v48;
	v45 =	vld.idx.msk [tilespmem:v47+s22+$0x0], $0xffff  }
0x6a4: {  	v47 =	vadd.s32 v29, v60;
	_ =	sdelay $0x3  }
0x6a5: {  	[tilespmem:v59+s26+$0x0] =	vst.idx.msk $0xffff, v45  }
0x6a6: {  	v61 =	vor.u32 v30, v44;
	v62 =	vadd.s32 v36, v48;
	v45 =	vld.idx.msk [tilespmem:v47+s22+$0x0], $0xffff  }
0x6a7: {  	v47 =	vadd.s32 v31, v62;
	_ =	sdelay $0x3  }
0x6a8: {  	[tilespmem:v61+s26+$0x0] =	vst.idx.msk $0xffff, v45  }
0x6a9: {  	v63 =	vor.u32 v32, v44;
	v43 =	vadd.s32 v35, v48;
	v45 =	vld.idx.msk [tilespmem:v47+s22+$0x0], $0xffff  }
0x6aa: {  	v43 =	vadd.s32 v33, v43;
	_ =	sdelay $0x1  }
0x6ab: {  	s25 =	simm.s32 $0x1  }
0x6ac: {  	v48 =	vadd.s32 s25, v0  }
0x6ad: {  	v49 =	vand.u32 $0x1F, v48;
	[tilespmem:v63+s26+$0x0] =	vst.idx.msk $0xffff, v45  }
0x6ae: {  	v44 =	vor.u32 v34, v44;
	v50 =	vadd.s32 v42, v49;
	v43 =	vld.idx.msk [tilespmem:v43+s22+$0x0], $0xffff  }
0x6af: {  	v46 =	vadd.s32 v20, v50;
	_ =	sdelay $0x3  }
0x6b0: {  	[tilespmem:v44+s26+$0x0] =	vst.idx.msk $0xffff, v43;
	v43 =	vshll.u32 v49, $0x7  }
0x6b1: {  	v47 =	vadd.s32 v41, v49;
	v44 =	vld.idx.msk [tilespmem:v46+s22+$0x0], $0xffff;
	v51 =	vor.u32 v0, v43  }
0x6b2: {  	v47 =	vadd.s32 v21, v47;
	_ =	sdelay $0x3  }
0x6b3: {  	[tilespmem:v51+s26+$0x0] =	vst.idx.msk $0xffff, v44  }
0x6b4: {  	v53 =	vadd.s32 v40, v49;
	v52 =	vor.u32 v22, v43;
	v44 =	vld.idx.msk [tilespmem:v47+s22+$0x0], $0xffff  }
0x6b5: {  	v47 =	vadd.s32 v23, v53;
	_ =	sdelay $0x3  }
0x6b6: {  	[tilespmem:v52+s26+$0x0] =	vst.idx.msk $0xffff, v44  }
0x6b7: {  	v55 =	vadd.s32 v38, v49;
	v54 =	vor.u32 v24, v43;
	v44 =	vld.idx.msk [tilespmem:v47+s22+$0x0], $0xffff  }
0x6b8: {  	v47 =	vadd.s32 v25, v55;
	_ =	sdelay $0x3  }
0x6b9: {  	[tilespmem:v54+s26+$0x0] =	vst.idx.msk $0xffff, v44  }
0x6ba: {  	v57 =	vadd.s32 v39, v49;
	v56 =	vor.u32 v26, v43;
	v44 =	vld.idx.msk [tilespmem:v47+s22+$0x0], $0xffff  }
0x6bb: {  	v47 =	vadd.s32 v27, v57;
	_ =	sdelay $0x3  }
0x6bc: {  	[tilespmem:v56+s26+$0x0] =	vst.idx.msk $0xffff, v44  }
0x6bd: {  	v59 =	vadd.s32 v37, v49;
	v58 =	vor.u32 v28, v43;
	v44 =	vld.idx.msk [tilespmem:v47+s22+$0x0], $0xffff  }
0x6be: {  	v47 =	vadd.s32 v29, v59;
	_ =	sdelay $0x3  }
0x6bf: {  	[tilespmem:v58+s26+$0x0] =	vst.idx.msk $0xffff, v44  }
0x6c0: {  	v61 =	vadd.s32 v36, v49;
	v60 =	vor.u32 v30, v43;
	v44 =	vld.idx.msk [tilespmem:v47+s22+$0x0], $0xffff  }
0x6c1: {  	v47 =	vadd.s32 v31, v61;
	_ =	sdelay $0x3  }
0x6c2: {  	[tilespmem:v60+s26+$0x0] =	vst.idx.msk $0xffff, v44  }
0x6c3: {  	v63 =	vadd.s32 v35, v49;
	v62 =	vor.u32 v32, v43;
	v46 =	vld.idx.msk [tilespmem:v47+s22+$0x0], $0xffff  }
0x6c4: {  	v44 =	vadd.s32 v33, v63;
	_ =	sdelay $0x2  }
0x6c5: {  	s3 =	simm.s32 $0x2  }
0x6c6: {  	s0 =	simm.s32 $0x4;
	v45 =	vadd.s32 s3, v0;
	[tilespmem:v62+s26+$0x0] =	vst.idx.msk $0xffff, v46  }
.LBB2_26:
0x6c7: {  	p2 =	sne.s32 s0, $0x1E;
	v45 =	vand.u32 $0x1F, v45;
	v44 =	vld.idx.msk [tilespmem:v44+s22+$0x0], $0xffff  }
0x6c8: {  	v43 =	vor.u32 v34, v43;
	v46 =	vadd.s32 v42, v45  }
0x6c9: {  	v46 =	vadd.s32 v20, v46;
	_ =	sdelay $0x3  }
0x6ca: {  	[tilespmem:v43+s26+$0x0] =	vst.idx.msk $0xffff, v44  }
0x6cb: {  	v44 =	vshll.u32 v45, $0x7;
	v43 =	vld.idx.msk [tilespmem:v46+s22+$0x0], $0xffff  }
0x6cc: {  	v47 =	vadd.s32 v41, v45;
	v46 =	vor.u32 v0, v44  }
0x6cd: {  	v47 =	vadd.s32 v21, v47;
	_ =	sdelay $0x3  }
0x6ce: {  	[tilespmem:v46+s26+$0x0] =	vst.idx.msk $0xffff, v43  }
0x6cf: {  	v43 =	vld.idx.msk [tilespmem:v47+s22+$0x0], $0xffff  }
0x6d0: {  	v46 =	vor.u32 v22, v44;
	v47 =	vadd.s32 v40, v45  }
0x6d1: {  	v47 =	vadd.s32 v23, v47;
	_ =	sdelay $0x3  }
0x6d2: {  	[tilespmem:v46+s26+$0x0] =	vst.idx.msk $0xffff, v43  }
0x6d3: {  	v43 =	vld.idx.msk [tilespmem:v47+s22+$0x0], $0xffff  }
0x6d4: {  	v46 =	vor.u32 v24, v44;
	v47 =	vadd.s32 v38, v45  }
0x6d5: {  	v47 =	vadd.s32 v25, v47;
	_ =	sdelay $0x3  }
0x6d6: {  	[tilespmem:v46+s26+$0x0] =	vst.idx.msk $0xffff, v43  }
0x6d7: {  	v43 =	vld.idx.msk [tilespmem:v47+s22+$0x0], $0xffff  }
0x6d8: {  	v46 =	vor.u32 v26, v44;
	v47 =	vadd.s32 v39, v45  }
0x6d9: {  	v47 =	vadd.s32 v27, v47;
	_ =	sdelay $0x3  }
0x6da: {  	[tilespmem:v46+s26+$0x0] =	vst.idx.msk $0xffff, v43  }
0x6db: {  	v43 =	vld.idx.msk [tilespmem:v47+s22+$0x0], $0xffff  }
0x6dc: {  	v46 =	vor.u32 v28, v44;
	v47 =	vadd.s32 v37, v45  }
0x6dd: {  	v47 =	vadd.s32 v29, v47;
	_ =	sdelay $0x3  }
0x6de: {  	[tilespmem:v46+s26+$0x0] =	vst.idx.msk $0xffff, v43  }
0x6df: {  	v43 =	vld.idx.msk [tilespmem:v47+s22+$0x0], $0xffff  }
0x6e0: {  	v46 =	vor.u32 v30, v44;
	v47 =	vadd.s32 v36, v45  }
0x6e1: {  	v47 =	vadd.s32 v31, v47;
	_ =	sdelay $0x3  }
0x6e2: {  	[tilespmem:v46+s26+$0x0] =	vst.idx.msk $0xffff, v43  }
0x6e3: {  	v43 =	vld.idx.msk [tilespmem:v47+s22+$0x0], $0xffff  }
0x6e4: {  	v45 =	vadd.s32 v35, v45;
	v46 =	vor.u32 v32, v44  }
0x6e5: {  	v45 =	vadd.s32 v33, v45;
	_ =	sdelay $0x2  }
0x6e6: {  	s13 =	sadd.s32 $0x1, s3;
	s3 =	smov.u32 s0  }
0x6e7: {  	[tilespmem:v46+s26+$0x0] =	vst.idx.msk $0xffff, v43;
	v43 =	vadd.s32 s13, v0  }
0x6e8: {  	v45 =	vld.idx.msk [tilespmem:v45+s22+$0x0], $0xffff;
	v46 =	vand.u32 $0x1F, v43  }
0x6e9: {  	v43 =	vor.u32 v34, v44;
	v44 =	vadd.s32 v42, v46  }
0x6ea: {  	v44 =	vadd.s32 v20, v44;
	_ =	sdelay $0x3  }
0x6eb: {  	[tilespmem:v43+s26+$0x0] =	vst.idx.msk $0xffff, v45  }
0x6ec: {  	v43 =	vshll.u32 v46, $0x7;
	v44 =	vld.idx.msk [tilespmem:v44+s22+$0x0], $0xffff  }
0x6ed: {  	v47 =	vadd.s32 v41, v46;
	v45 =	vor.u32 v0, v43  }
0x6ee: {  	v47 =	vadd.s32 v21, v47;
	_ =	sdelay $0x3  }
0x6ef: {  	[tilespmem:v45+s26+$0x0] =	vst.idx.msk $0xffff, v44  }
0x6f0: {  	v44 =	vld.idx.msk [tilespmem:v47+s22+$0x0], $0xffff  }
0x6f1: {  	v45 =	vor.u32 v22, v43;
	v47 =	vadd.s32 v40, v46  }
0x6f2: {  	v47 =	vadd.s32 v23, v47;
	_ =	sdelay $0x3  }
0x6f3: {  	[tilespmem:v45+s26+$0x0] =	vst.idx.msk $0xffff, v44  }
0x6f4: {  	v44 =	vld.idx.msk [tilespmem:v47+s22+$0x0], $0xffff  }
0x6f5: {  	v45 =	vor.u32 v24, v43;
	v47 =	vadd.s32 v38, v46  }
0x6f6: {  	v47 =	vadd.s32 v25, v47;
	_ =	sdelay $0x3  }
0x6f7: {  	[tilespmem:v45+s26+$0x0] =	vst.idx.msk $0xffff, v44  }
0x6f8: {  	v44 =	vld.idx.msk [tilespmem:v47+s22+$0x0], $0xffff  }
0x6f9: {  	v45 =	vor.u32 v26, v43;
	v47 =	vadd.s32 v39, v46  }
0x6fa: {  	v47 =	vadd.s32 v27, v47;
	_ =	sdelay $0x3  }
0x6fb: {  	[tilespmem:v45+s26+$0x0] =	vst.idx.msk $0xffff, v44  }
0x6fc: {  	v44 =	vld.idx.msk [tilespmem:v47+s22+$0x0], $0xffff  }
0x6fd: {  	v45 =	vor.u32 v28, v43;
	v47 =	vadd.s32 v37, v46  }
0x6fe: {  	v47 =	vadd.s32 v29, v47;
	_ =	sdelay $0x3  }
0x6ff: {  	[tilespmem:v45+s26+$0x0] =	vst.idx.msk $0xffff, v44  }
0x700: {  	v44 =	vld.idx.msk [tilespmem:v47+s22+$0x0], $0xffff  }
0x701: {  	v45 =	vor.u32 v30, v43;
	v47 =	vadd.s32 v36, v46  }
0x702: {  	v47 =	vadd.s32 v31, v47;
	_ =	sdelay $0x3  }
0x703: {  	[tilespmem:v45+s26+$0x0] =	vst.idx.msk $0xffff, v44  }
0x704: {  	v47 =	vld.idx.msk [tilespmem:v47+s22+$0x0], $0xffff  }
0x705: {  	v48 =	vor.u32 v32, v43;
	v44 =	vadd.s32 v35, v46  }
.Ltmp14:
0x706: {  	v44 =	vadd.s32 v33, v44;
	(pc) =	sbr.rel @p2 .LBB2_26-.Ltmp14, $2  }
0x707: {  	_ =	sdelay $0x2  }
0x708: {  	s0 =	sadd.s32 $0x2, s0;
	v45 =	vadd.s32 s3, v0;
	[tilespmem:v48+s26+$0x0] =	vst.idx.msk $0xffff, v47  }
0x709: {  	_ =	sdelay $0x2  }
0x70a: {  	v45 =	vand.u32 $0x1F, v45  }
0x70b: {  	v44 =	vld.idx.msk [tilespmem:v44+s22+$0x0], $0xffff;
	v43 =	vor.u32 v34, v43;
	v46 =	vadd.s32 v42, v45  }
0x70c: {  	v46 =	vadd.s32 v20, v46;
	_ =	sdelay $0x3  }
0x70d: {  	v49 =	vshll.u32 v45, $0x7;
	[tilespmem:v43+s26+$0x0] =	vst.idx.msk $0xffff, v44  }
0x70e: {  	v47 =	vadd.s32 v41, v45;
	v50 =	vor.u32 v0, v49;
	v44 =	vld.idx.msk [tilespmem:v46+s22+$0x0], $0xffff  }
0x70f: {  	v47 =	vadd.s32 v21, v47;
	_ =	sdelay $0x3  }
0x710: {  	[tilespmem:v50+s26+$0x0] =	vst.idx.msk $0xffff, v44  }
0x711: {  	v52 =	vadd.s32 v40, v45;
	v51 =	vor.u32 v22, v49;
	v44 =	vld.idx.msk [tilespmem:v47+s22+$0x0], $0xffff  }
0x712: {  	v47 =	vadd.s32 v23, v52;
	_ =	sdelay $0x3  }
0x713: {  	[tilespmem:v51+s26+$0x0] =	vst.idx.msk $0xffff, v44  }
0x714: {  	v54 =	vadd.s32 v38, v45;
	v53 =	vor.u32 v24, v49;
	v44 =	vld.idx.msk [tilespmem:v47+s22+$0x0], $0xffff  }
0x715: {  	v47 =	vadd.s32 v25, v54;
	_ =	sdelay $0x3  }
0x716: {  	[tilespmem:v53+s26+$0x0] =	vst.idx.msk $0xffff, v44  }
0x717: {  	v56 =	vadd.s32 v39, v45;
	v55 =	vor.u32 v26, v49;
	v44 =	vld.idx.msk [tilespmem:v47+s22+$0x0], $0xffff  }
0x718: {  	v47 =	vadd.s32 v27, v56;
	_ =	sdelay $0x3  }
0x719: {  	[tilespmem:v55+s26+$0x0] =	vst.idx.msk $0xffff, v44  }
0x71a: {  	v58 =	vadd.s32 v37, v45;
	v57 =	vor.u32 v28, v49;
	v44 =	vld.idx.msk [tilespmem:v47+s22+$0x0], $0xffff  }
0x71b: {  	v47 =	vadd.s32 v29, v58;
	_ =	sdelay $0x3  }
0x71c: {  	[tilespmem:v57+s26+$0x0] =	vst.idx.msk $0xffff, v44  }
0x71d: {  	v60 =	vadd.s32 v36, v45;
	v59 =	vor.u32 v30, v49;
	v44 =	vld.idx.msk [tilespmem:v47+s22+$0x0], $0xffff  }
0x71e: {  	v47 =	vadd.s32 v31, v60;
	_ =	sdelay $0x3  }
0x71f: {  	[tilespmem:v59+s26+$0x0] =	vst.idx.msk $0xffff, v44  }
0x720: {  	v45 =	vadd.s32 v35, v45;
	v61 =	vor.u32 v32, v49;
	v44 =	vld.idx.msk [tilespmem:v47+s22+$0x0], $0xffff  }
0x721: {  	v45 =	vadd.s32 v33, v45;
	_ =	sdelay $0x1  }
0x722: {  	s0 =	sadd.s32 $0x1, s3  }
0x723: {  	v62 =	vadd.s32 s0, v0  }
0x724: {  	v63 =	vand.u32 $0x1F, v62;
	[tilespmem:v61+s26+$0x0] =	vst.idx.msk $0xffff, v44  }
0x725: {  	v43 =	vor.u32 v34, v49;
	v47 =	vadd.s32 v42, v63;
	v45 =	vld.idx.msk [tilespmem:v45+s22+$0x0], $0xffff  }
0x726: {  	v42 =	vadd.s32 v20, v47;
	_ =	sdelay $0x3  }
0x727: {  	v48 =	vshll.u32 v63, $0x7;
	[tilespmem:v43+s26+$0x0] =	vst.idx.msk $0xffff, v45  }
0x728: {  	v49 =	vor.u32 v0, v48;
	v50 =	vadd.s32 v41, v63;
	v42 =	vld.idx.msk [tilespmem:v42+s22+$0x0], $0xffff  }
0x729: {  	v41 =	vadd.s32 v21, v50;
	_ =	sdelay $0x3  }
0x72a: {  	[tilespmem:v49+s26+$0x0] =	vst.idx.msk $0xffff, v42  }
0x72b: {  	v52 =	vadd.s32 v40, v63;
	v51 =	vor.u32 v22, v48;
	v41 =	vld.idx.msk [tilespmem:v41+s22+$0x0], $0xffff  }
0x72c: {  	v40 =	vadd.s32 v23, v52;
	_ =	sdelay $0x3  }
0x72d: {  	[tilespmem:v51+s26+$0x0] =	vst.idx.msk $0xffff, v41  }
0x72e: {  	v54 =	vadd.s32 v38, v63;
	v53 =	vor.u32 v24, v48;
	v40 =	vld.idx.msk [tilespmem:v40+s22+$0x0], $0xffff  }
0x72f: {  	v38 =	vadd.s32 v25, v54;
	_ =	sdelay $0x3  }
0x730: {  	[tilespmem:v53+s26+$0x0] =	vst.idx.msk $0xffff, v40  }
0x731: {  	v56 =	vadd.s32 v39, v63;
	v55 =	vor.u32 v26, v48;
	v38 =	vld.idx.msk [tilespmem:v38+s22+$0x0], $0xffff  }
0x732: {  	v39 =	vadd.s32 v27, v56;
	_ =	sdelay $0x3  }
0x733: {  	[tilespmem:v55+s26+$0x0] =	vst.idx.msk $0xffff, v38  }
0x734: {  	v58 =	vadd.s32 v37, v63;
	v57 =	vor.u32 v28, v48;
	v38 =	vld.idx.msk [tilespmem:v39+s22+$0x0], $0xffff  }
0x735: {  	v37 =	vadd.s32 v29, v58;
	_ =	sdelay $0x3  }
0x736: {  	[tilespmem:v57+s26+$0x0] =	vst.idx.msk $0xffff, v38  }
0x737: {  	v60 =	vadd.s32 v36, v63;
	v59 =	vor.u32 v30, v48;
	v37 =	vld.idx.msk [tilespmem:v37+s22+$0x0], $0xffff  }
0x738: {  	v36 =	vadd.s32 v31, v60;
	_ =	sdelay $0x3  }
0x739: {  	[tilespmem:v59+s26+$0x0] =	vst.idx.msk $0xffff, v37  }
0x73a: {  	v62 =	vadd.s32 v35, v63;
	v61 =	vor.u32 v32, v48;
	v36 =	vld.idx.msk [tilespmem:v36+s22+$0x0], $0xffff  }
0x73b: {  	v35 =	vadd.s32 v33, v62;
	_ =	sdelay $0x3  }
0x73c: {  	[tilespmem:v61+s26+$0x0] =	vst.idx.msk $0xffff, v36  }
0x73d: {  	v63 =	vor.u32 v34, v48;
	v35 =	vld.idx.msk [tilespmem:v35+s22+$0x0], $0xffff;
	_ =	sdelay $0x4  }
0x73e: {  	s25 =	rddreg [dreg:$0x11];
	s13 =	simm.s32 $0x0;
	s15 =	simm.s32 $0x0;
	[tilespmem:v63+s26+$0x0] =	vst.idx.msk $0xffff, v35  }
0x73f: {  	[hbm4b:s25+s17] =	stream.strided.scatter [tilespmem:s26], [sflag:$0xA], $0x1000, s14, s17, $0x38;
	[tilespmem:$0x12400] =	vst v63  }
.LBB2_28:
0x740: {  	_ =	swait.ge [sflag:s18], $0x80  }
0x741: {  	[sflag:s18] =	ssyncset.done $0x0  }
0x742: {  	[sflag:s18] =	ssyncadd.s32 $0xFFFFFF80  }
0x743: {  	v35 =	vld [tilespmem:$0x8080]  }
0x744: {  	v36 =	vld [tilespmem:$0x8090]  }
0x745: {  	v37 =	vld [tilespmem:$0x80A0]  }
0x746: {  	v55 =	vld [tilespmem:$0x80B0]  }
0x747: {  	v58 =	vld [tilespmem:$0x80C0]  }
0x748: {  	v61 =	vld [tilespmem:$0x80D0];
	v38 =	vshrl.u32 v35, $0x2  }
0x749: {  	v40 =	vld [tilespmem:$0x80E0];
	v56 =	vshrl.u32 v36, $0x2;
	[tilespmem:$0x8180] =	vst v38  }
0x74a: {  	v43 =	vld [tilespmem:$0x80F0];
	v59 =	vshrl.u32 v37, $0x2;
	[tilespmem:$0x8190] =	vst v56  }
0x74b: {  	v62 =	vshrl.u32 v55, $0x2;
	[tilespmem:$0x81A0] =	vst v59  }
0x74c: {  	v41 =	vshrl.u32 v58, $0x2;
	[tilespmem:$0x81B0] =	vst v62  }
0x74d: {  	v44 =	vshrl.u32 v61, $0x2;
	[tilespmem:$0x81C0] =	vst v41  }
0x74e: {  	v46 =	vshrl.u32 v40, $0x2;
	[tilespmem:$0x81D0] =	vst v44  }
0x74f: {  	v35 =	vshll.u32 v35, $0x5;
	v49 =	vshrl.u32 v43, $0x2;
	[tilespmem:$0x81E0] =	vst v46  }
0x750: {  	v36 =	vshll.u32 v36, $0x5;
	v35 =	vand.u32 $0x60, v35;
	[tilespmem:$0x81F0] =	vst v49  }
0x751: {  	v37 =	vshll.u32 v37, $0x5;
	v57 =	vand.u32 $0x60, v36;
	[tilespmem:$0x8280] =	vst v35  }
0x752: {  	v47 =	vshll.u32 v40, $0x5;
	v60 =	vand.u32 $0x60, v37;
	[tilespmem:$0x8290] =	vst v57  }
0x753: {  	v38 =	vshll.u32 v55, $0x5;
	v48 =	vand.u32 $0x60, v47;
	[tilespmem:$0x82A0] =	vst v60  }
0x754: {  	v36 =	vshll.u32 v58, $0x5;
	v63 =	vand.u32 $0x60, v38;
	[tilespmem:$0x82E0] =	vst v48  }
0x755: {  	v37 =	vshll.u32 v61, $0x5;
	v42 =	vand.u32 $0x60, v36;
	[tilespmem:$0x82B0] =	vst v63  }
0x756: {  	v45 =	vand.u32 $0x60, v37;
	v36 =	vshll.u32 v43, $0x5;
	[tilespmem:$0x82C0] =	vst v42  }
0x757: {  	p2 =	seq.s32 s15, $0x62;
	[tilespmem:$0x82D0] =	vst v45;
	v50 =	vand.u32 $0x60, v36  }
0x758: {  	s0 =	simm.s32 $0x8180;
	s19 =	sshll.u32 @!p2 s15, $0xA;
	[tilespmem:$0x82F0] =	vst v50  }
0x759: {  	[tilespmem:s22], [sflag:$0x8] =	stream.indirect.gather [hbm4b:s1+s10], $0x80, s0, s10, $0xb8;
	[tilespmem:$0x12400] =	vst v63  }
0x75a: {  	s3 =	simm.s32 @!p2 $0x0;
	s17 =	simm.s32 @!p2 $0x8000;
	s0 =	sadd.s32 @!p2 s19, s29  }
0x75b: {  	[tilespmem:s17], [sflag:$0x5] =	stream.linear.gather @!p2 [hbm4b:s0+s3], $0x80, $0x38;
	[tilespmem:$0x12400] =	vst v63  }
0x75c: {  	_ =	swait.ge [sflag:s23], $0x4000  }
0x75d: {  	[sflag:s23] =	ssyncset.done $0x0  }
0x75e: {  	[sflag:s23] =	ssyncadd.s32 $0xFFFFC000  }
0x75f: {  	_ =	swait.ge [sflag:s28], $0x1000  }
0x760: {  	[sflag:s28] =	ssyncset.done $0x0  }
0x761: {  	[sflag:s28] =	ssyncadd.s32 $0xFFFFF000  }
0x762: {  	v42 =	vld [tilespmem:$0x8200];
	_ =	sdelay $0x2  }
0x763: {  	v51 =	vadd.s32 s13, v0  }
0x764: {  	v43 =	vand.u32 $0x1F, v51  }
0x765: {  	v35 =	vadd.s32 v42, v43  }
0x766: {  	v41 =	vld [tilespmem:$0x8210];
	v35 =	vadd.s32 v20, v35;
	_ =	sdelay $0x3  }
0x767: {  	v44 =	vshll.u32 v43, $0x7;
	v40 =	vld [tilespmem:$0x8220]  }
0x768: {  	v46 =	vor.u32 v0, v44;
	v52 =	vadd.s32 v41, v43;
	v45 =	vld.idx.msk [tilespmem:v35+s11+$0x0], $0xffff  }
0x769: {  	v38 =	vld [tilespmem:$0x8230];
	v47 =	vadd.s32 v21, v52  }
0x76a: {  	v39 =	vld [tilespmem:$0x8240]  }
0x76b: {  	v37 =	vld [tilespmem:$0x8250]  }
0x76c: {  	v36 =	vld [tilespmem:$0x8260]  }
0x76d: {  	v35 =	vld [tilespmem:$0x8270];
	[tilespmem:v46+s24+$0x0] =	vst.idx.msk $0xffff, v45  }
0x76e: {  	v53 =	vor.u32 v22, v44;
	v54 =	vadd.s32 v40, v43;
	v45 =	vld.idx.msk [tilespmem:v47+s11+$0x0], $0xffff  }
0x76f: {  	v47 =	vadd.s32 v23, v54;
	_ =	sdelay $0x3  }
0x770: {  	[tilespmem:v53+s24+$0x0] =	vst.idx.msk $0xffff, v45  }
0x771: {  	v55 =	vor.u32 v24, v44;
	v56 =	vadd.s32 v38, v43;
	v45 =	vld.idx.msk [tilespmem:v47+s11+$0x0], $0xffff  }
0x772: {  	v47 =	vadd.s32 v25, v56;
	_ =	sdelay $0x3  }
0x773: {  	[tilespmem:v55+s24+$0x0] =	vst.idx.msk $0xffff, v45  }
0x774: {  	v57 =	vor.u32 v26, v44;
	v58 =	vadd.s32 v39, v43;
	v45 =	vld.idx.msk [tilespmem:v47+s11+$0x0], $0xffff  }
0x775: {  	v47 =	vadd.s32 v27, v58;
	_ =	sdelay $0x3  }
0x776: {  	[tilespmem:v57+s24+$0x0] =	vst.idx.msk $0xffff, v45  }
0x777: {  	v59 =	vor.u32 v28, v44;
	v60 =	vadd.s32 v37, v43;
	v45 =	vld.idx.msk [tilespmem:v47+s11+$0x0], $0xffff  }
0x778: {  	v47 =	vadd.s32 v29, v60;
	_ =	sdelay $0x3  }
0x779: {  	[tilespmem:v59+s24+$0x0] =	vst.idx.msk $0xffff, v45  }
0x77a: {  	v61 =	vor.u32 v30, v44;
	v62 =	vadd.s32 v36, v43;
	v45 =	vld.idx.msk [tilespmem:v47+s11+$0x0], $0xffff  }
0x77b: {  	v47 =	vadd.s32 v31, v62;
	_ =	sdelay $0x3  }
0x77c: {  	[tilespmem:v61+s24+$0x0] =	vst.idx.msk $0xffff, v45  }
0x77d: {  	v63 =	vor.u32 v32, v44;
	v43 =	vadd.s32 v35, v43;
	v45 =	vld.idx.msk [tilespmem:v47+s11+$0x0], $0xffff  }
0x77e: {  	v43 =	vadd.s32 v33, v43;
	_ =	sdelay $0x1  }
0x77f: {  	s25 =	simm.s32 $0x1  }
0x780: {  	v48 =	vadd.s32 s25, v0  }
0x781: {  	v49 =	vand.u32 $0x1F, v48;
	[tilespmem:v63+s24+$0x0] =	vst.idx.msk $0xffff, v45  }
0x782: {  	v44 =	vor.u32 v34, v44;
	v50 =	vadd.s32 v42, v49;
	v43 =	vld.idx.msk [tilespmem:v43+s11+$0x0], $0xffff  }
0x783: {  	v46 =	vadd.s32 v20, v50;
	_ =	sdelay $0x3  }
0x784: {  	[tilespmem:v44+s24+$0x0] =	vst.idx.msk $0xffff, v43;
	v43 =	vshll.u32 v49, $0x7  }
0x785: {  	v47 =	vadd.s32 v41, v49;
	v44 =	vld.idx.msk [tilespmem:v46+s11+$0x0], $0xffff;
	v51 =	vor.u32 v0, v43  }
0x786: {  	v47 =	vadd.s32 v21, v47;
	_ =	sdelay $0x3  }
0x787: {  	[tilespmem:v51+s24+$0x0] =	vst.idx.msk $0xffff, v44  }
0x788: {  	v53 =	vadd.s32 v40, v49;
	v52 =	vor.u32 v22, v43;
	v44 =	vld.idx.msk [tilespmem:v47+s11+$0x0], $0xffff  }
0x789: {  	v47 =	vadd.s32 v23, v53;
	_ =	sdelay $0x3  }
0x78a: {  	[tilespmem:v52+s24+$0x0] =	vst.idx.msk $0xffff, v44  }
0x78b: {  	v55 =	vadd.s32 v38, v49;
	v54 =	vor.u32 v24, v43;
	v44 =	vld.idx.msk [tilespmem:v47+s11+$0x0], $0xffff  }
0x78c: {  	v47 =	vadd.s32 v25, v55;
	_ =	sdelay $0x3  }
0x78d: {  	[tilespmem:v54+s24+$0x0] =	vst.idx.msk $0xffff, v44  }
0x78e: {  	v57 =	vadd.s32 v39, v49;
	v56 =	vor.u32 v26, v43;
	v44 =	vld.idx.msk [tilespmem:v47+s11+$0x0], $0xffff  }
0x78f: {  	v47 =	vadd.s32 v27, v57;
	_ =	sdelay $0x3  }
0x790: {  	[tilespmem:v56+s24+$0x0] =	vst.idx.msk $0xffff, v44  }
0x791: {  	v59 =	vadd.s32 v37, v49;
	v58 =	vor.u32 v28, v43;
	v44 =	vld.idx.msk [tilespmem:v47+s11+$0x0], $0xffff  }
0x792: {  	v47 =	vadd.s32 v29, v59;
	_ =	sdelay $0x3  }
0x793: {  	[tilespmem:v58+s24+$0x0] =	vst.idx.msk $0xffff, v44  }
0x794: {  	v61 =	vadd.s32 v36, v49;
	v60 =	vor.u32 v30, v43;
	v44 =	vld.idx.msk [tilespmem:v47+s11+$0x0], $0xffff  }
0x795: {  	v47 =	vadd.s32 v31, v61;
	_ =	sdelay $0x3  }
0x796: {  	[tilespmem:v60+s24+$0x0] =	vst.idx.msk $0xffff, v44  }
0x797: {  	v63 =	vadd.s32 v35, v49;
	v62 =	vor.u32 v32, v43;
	v46 =	vld.idx.msk [tilespmem:v47+s11+$0x0], $0xffff  }
0x798: {  	v44 =	vadd.s32 v33, v63;
	_ =	sdelay $0x2  }
0x799: {  	s25 =	simm.s32 $0x2;
	s3 =	sshll.u32 s15, $0x6  }
0x79a: {  	s0 =	simm.s32 $0x4;
	s17 =	sadd.s32 $0x60, s3;
	v45 =	vadd.s32 s25, v0;
	[tilespmem:v62+s24+$0x0] =	vst.idx.msk $0xffff, v46  }
.LBB2_29:
0x79b: {  	p3 =	sne.s32 s0, $0x1E;
	v45 =	vand.u32 $0x1F, v45;
	v44 =	vld.idx.msk [tilespmem:v44+s11+$0x0], $0xffff  }
0x79c: {  	v43 =	vor.u32 v34, v43;
	v46 =	vadd.s32 v42, v45  }
0x79d: {  	v46 =	vadd.s32 v20, v46;
	_ =	sdelay $0x3  }
0x79e: {  	[tilespmem:v43+s24+$0x0] =	vst.idx.msk $0xffff, v44  }
0x79f: {  	v44 =	vshll.u32 v45, $0x7;
	v43 =	vld.idx.msk [tilespmem:v46+s11+$0x0], $0xffff  }
0x7a0: {  	v47 =	vadd.s32 v41, v45;
	v46 =	vor.u32 v0, v44  }
0x7a1: {  	v47 =	vadd.s32 v21, v47;
	_ =	sdelay $0x3  }
0x7a2: {  	[tilespmem:v46+s24+$0x0] =	vst.idx.msk $0xffff, v43  }
0x7a3: {  	v43 =	vld.idx.msk [tilespmem:v47+s11+$0x0], $0xffff  }
0x7a4: {  	v46 =	vor.u32 v22, v44;
	v47 =	vadd.s32 v40, v45  }
0x7a5: {  	v47 =	vadd.s32 v23, v47;
	_ =	sdelay $0x3  }
0x7a6: {  	[tilespmem:v46+s24+$0x0] =	vst.idx.msk $0xffff, v43  }
0x7a7: {  	v43 =	vld.idx.msk [tilespmem:v47+s11+$0x0], $0xffff  }
0x7a8: {  	v46 =	vor.u32 v24, v44;
	v47 =	vadd.s32 v38, v45  }
0x7a9: {  	v47 =	vadd.s32 v25, v47;
	_ =	sdelay $0x3  }
0x7aa: {  	[tilespmem:v46+s24+$0x0] =	vst.idx.msk $0xffff, v43  }
0x7ab: {  	v43 =	vld.idx.msk [tilespmem:v47+s11+$0x0], $0xffff  }
0x7ac: {  	v46 =	vor.u32 v26, v44;
	v47 =	vadd.s32 v39, v45  }
0x7ad: {  	v47 =	vadd.s32 v27, v47;
	_ =	sdelay $0x3  }
0x7ae: {  	[tilespmem:v46+s24+$0x0] =	vst.idx.msk $0xffff, v43  }
0x7af: {  	v43 =	vld.idx.msk [tilespmem:v47+s11+$0x0], $0xffff  }
0x7b0: {  	v46 =	vor.u32 v28, v44;
	v47 =	vadd.s32 v37, v45  }
0x7b1: {  	v47 =	vadd.s32 v29, v47;
	_ =	sdelay $0x3  }
0x7b2: {  	[tilespmem:v46+s24+$0x0] =	vst.idx.msk $0xffff, v43  }
0x7b3: {  	v43 =	vld.idx.msk [tilespmem:v47+s11+$0x0], $0xffff  }
0x7b4: {  	v46 =	vor.u32 v30, v44;
	v47 =	vadd.s32 v36, v45  }
0x7b5: {  	v47 =	vadd.s32 v31, v47;
	_ =	sdelay $0x3  }
0x7b6: {  	[tilespmem:v46+s24+$0x0] =	vst.idx.msk $0xffff, v43  }
0x7b7: {  	v43 =	vld.idx.msk [tilespmem:v47+s11+$0x0], $0xffff  }
0x7b8: {  	v45 =	vadd.s32 v35, v45;
	v46 =	vor.u32 v32, v44  }
0x7b9: {  	v45 =	vadd.s32 v33, v45;
	_ =	sdelay $0x2  }
0x7ba: {  	s20 =	sadd.s32 $0x1, s25;
	s25 =	smov.u32 s0  }
0x7bb: {  	[tilespmem:v46+s24+$0x0] =	vst.idx.msk $0xffff, v43;
	v43 =	vadd.s32 s20, v0  }
0x7bc: {  	v45 =	vld.idx.msk [tilespmem:v45+s11+$0x0], $0xffff;
	v46 =	vand.u32 $0x1F, v43  }
0x7bd: {  	v43 =	vor.u32 v34, v44;
	v44 =	vadd.s32 v42, v46  }
0x7be: {  	v44 =	vadd.s32 v20, v44;
	_ =	sdelay $0x3  }
0x7bf: {  	[tilespmem:v43+s24+$0x0] =	vst.idx.msk $0xffff, v45  }
0x7c0: {  	v43 =	vshll.u32 v46, $0x7;
	v44 =	vld.idx.msk [tilespmem:v44+s11+$0x0], $0xffff  }
0x7c1: {  	v47 =	vadd.s32 v41, v46;
	v45 =	vor.u32 v0, v43  }
0x7c2: {  	v47 =	vadd.s32 v21, v47;
	_ =	sdelay $0x3  }
0x7c3: {  	[tilespmem:v45+s24+$0x0] =	vst.idx.msk $0xffff, v44  }
0x7c4: {  	v44 =	vld.idx.msk [tilespmem:v47+s11+$0x0], $0xffff  }
0x7c5: {  	v45 =	vor.u32 v22, v43;
	v47 =	vadd.s32 v40, v46  }
0x7c6: {  	v47 =	vadd.s32 v23, v47;
	_ =	sdelay $0x3  }
0x7c7: {  	[tilespmem:v45+s24+$0x0] =	vst.idx.msk $0xffff, v44  }
0x7c8: {  	v44 =	vld.idx.msk [tilespmem:v47+s11+$0x0], $0xffff  }
0x7c9: {  	v45 =	vor.u32 v24, v43;
	v47 =	vadd.s32 v38, v46  }
0x7ca: {  	v47 =	vadd.s32 v25, v47;
	_ =	sdelay $0x3  }
0x7cb: {  	[tilespmem:v45+s24+$0x0] =	vst.idx.msk $0xffff, v44  }
0x7cc: {  	v44 =	vld.idx.msk [tilespmem:v47+s11+$0x0], $0xffff  }
0x7cd: {  	v45 =	vor.u32 v26, v43;
	v47 =	vadd.s32 v39, v46  }
0x7ce: {  	v47 =	vadd.s32 v27, v47;
	_ =	sdelay $0x3  }
0x7cf: {  	[tilespmem:v45+s24+$0x0] =	vst.idx.msk $0xffff, v44  }
0x7d0: {  	v44 =	vld.idx.msk [tilespmem:v47+s11+$0x0], $0xffff  }
0x7d1: {  	v45 =	vor.u32 v28, v43;
	v47 =	vadd.s32 v37, v46  }
0x7d2: {  	v47 =	vadd.s32 v29, v47;
	_ =	sdelay $0x3  }
0x7d3: {  	[tilespmem:v45+s24+$0x0] =	vst.idx.msk $0xffff, v44  }
0x7d4: {  	v44 =	vld.idx.msk [tilespmem:v47+s11+$0x0], $0xffff  }
0x7d5: {  	v45 =	vor.u32 v30, v43;
	v47 =	vadd.s32 v36, v46  }
0x7d6: {  	v47 =	vadd.s32 v31, v47;
	_ =	sdelay $0x3  }
0x7d7: {  	[tilespmem:v45+s24+$0x0] =	vst.idx.msk $0xffff, v44  }
0x7d8: {  	v47 =	vld.idx.msk [tilespmem:v47+s11+$0x0], $0xffff  }
0x7d9: {  	v48 =	vor.u32 v32, v43;
	v44 =	vadd.s32 v35, v46  }
.Ltmp15:
0x7da: {  	v44 =	vadd.s32 v33, v44;
	(pc) =	sbr.rel @p3 .LBB2_29-.Ltmp15, $2  }
0x7db: {  	_ =	sdelay $0x2  }
0x7dc: {  	s0 =	sadd.s32 $0x2, s0;
	v45 =	vadd.s32 s25, v0;
	[tilespmem:v48+s24+$0x0] =	vst.idx.msk $0xffff, v47  }
0x7dd: {  	_ =	sdelay $0x2  }
0x7de: {  	v45 =	vand.u32 $0x1F, v45  }
0x7df: {  	v44 =	vld.idx.msk [tilespmem:v44+s11+$0x0], $0xffff;
	v43 =	vor.u32 v34, v43;
	v46 =	vadd.s32 v42, v45  }
0x7e0: {  	v46 =	vadd.s32 v20, v46;
	_ =	sdelay $0x3  }
0x7e1: {  	v53 =	vshll.u32 v45, $0x7;
	[tilespmem:v43+s24+$0x0] =	vst.idx.msk $0xffff, v44  }
0x7e2: {  	v47 =	vadd.s32 v41, v45;
	v54 =	vor.u32 v0, v53;
	v44 =	vld.idx.msk [tilespmem:v46+s11+$0x0], $0xffff  }
0x7e3: {  	v47 =	vadd.s32 v21, v47;
	_ =	sdelay $0x3  }
0x7e4: {  	[tilespmem:v54+s24+$0x0] =	vst.idx.msk $0xffff, v44  }
0x7e5: {  	v56 =	vadd.s32 v40, v45;
	v55 =	vor.u32 v22, v53;
	v44 =	vld.idx.msk [tilespmem:v47+s11+$0x0], $0xffff  }
0x7e6: {  	v47 =	vadd.s32 v23, v56;
	_ =	sdelay $0x3  }
0x7e7: {  	[tilespmem:v55+s24+$0x0] =	vst.idx.msk $0xffff, v44  }
0x7e8: {  	v58 =	vadd.s32 v38, v45;
	v57 =	vor.u32 v24, v53;
	v44 =	vld.idx.msk [tilespmem:v47+s11+$0x0], $0xffff  }
0x7e9: {  	v47 =	vadd.s32 v25, v58;
	_ =	sdelay $0x3  }
0x7ea: {  	[tilespmem:v57+s24+$0x0] =	vst.idx.msk $0xffff, v44  }
0x7eb: {  	v60 =	vadd.s32 v39, v45;
	v59 =	vor.u32 v26, v53;
	v44 =	vld.idx.msk [tilespmem:v47+s11+$0x0], $0xffff  }
0x7ec: {  	v47 =	vadd.s32 v27, v60;
	_ =	sdelay $0x3  }
0x7ed: {  	[tilespmem:v59+s24+$0x0] =	vst.idx.msk $0xffff, v44  }
0x7ee: {  	v62 =	vadd.s32 v37, v45;
	v61 =	vor.u32 v28, v53;
	v44 =	vld.idx.msk [tilespmem:v47+s11+$0x0], $0xffff  }
0x7ef: {  	v47 =	vadd.s32 v29, v62;
	_ =	sdelay $0x3  }
0x7f0: {  	[tilespmem:v61+s24+$0x0] =	vst.idx.msk $0xffff, v44  }
0x7f1: {  	v48 =	vadd.s32 v36, v45;
	v63 =	vor.u32 v30, v53;
	v44 =	vld.idx.msk [tilespmem:v47+s11+$0x0], $0xffff  }
0x7f2: {  	v47 =	vadd.s32 v31, v48;
	_ =	sdelay $0x3  }
0x7f3: {  	[tilespmem:v63+s24+$0x0] =	vst.idx.msk $0xffff, v44  }
0x7f4: {  	v45 =	vadd.s32 v35, v45;
	v49 =	vor.u32 v32, v53;
	v44 =	vld.idx.msk [tilespmem:v47+s11+$0x0], $0xffff  }
0x7f5: {  	v45 =	vadd.s32 v33, v45;
	_ =	sdelay $0x1  }
0x7f6: {  	s0 =	sadd.s32 $0x1, s25  }
0x7f7: {  	v50 =	vadd.s32 s0, v0  }
0x7f8: {  	v51 =	vand.u32 $0x1F, v50;
	[tilespmem:v49+s24+$0x0] =	vst.idx.msk $0xffff, v44  }
0x7f9: {  	v52 =	vadd.s32 v42, v51;
	v43 =	vor.u32 v34, v53;
	v45 =	vld.idx.msk [tilespmem:v45+s11+$0x0], $0xffff  }
0x7fa: {  	v42 =	vadd.s32 v20, v52;
	_ =	sdelay $0x3  }
0x7fb: {  	v53 =	vshll.u32 v51, $0x7;
	[tilespmem:v43+s24+$0x0] =	vst.idx.msk $0xffff, v45  }
0x7fc: {  	v54 =	vor.u32 v0, v53;
	v55 =	vadd.s32 v41, v51;
	v42 =	vld.idx.msk [tilespmem:v42+s11+$0x0], $0xffff  }
0x7fd: {  	v41 =	vadd.s32 v21, v55;
	_ =	sdelay $0x3  }
0x7fe: {  	[tilespmem:v54+s24+$0x0] =	vst.idx.msk $0xffff, v42  }
0x7ff: {  	v56 =	vor.u32 v22, v53;
	v57 =	vadd.s32 v40, v51;
	v41 =	vld.idx.msk [tilespmem:v41+s11+$0x0], $0xffff  }
0x800: {  	v40 =	vadd.s32 v23, v57;
	_ =	sdelay $0x3  }
0x801: {  	[tilespmem:v56+s24+$0x0] =	vst.idx.msk $0xffff, v41  }
0x802: {  	v58 =	vor.u32 v24, v53;
	v59 =	vadd.s32 v38, v51;
	v40 =	vld.idx.msk [tilespmem:v40+s11+$0x0], $0xffff  }
0x803: {  	v38 =	vadd.s32 v25, v59;
	_ =	sdelay $0x3  }
0x804: {  	[tilespmem:v58+s24+$0x0] =	vst.idx.msk $0xffff, v40  }
0x805: {  	v60 =	vor.u32 v26, v53;
	v61 =	vadd.s32 v39, v51;
	v38 =	vld.idx.msk [tilespmem:v38+s11+$0x0], $0xffff  }
0x806: {  	v39 =	vadd.s32 v27, v61;
	_ =	sdelay $0x3  }
0x807: {  	[tilespmem:v60+s24+$0x0] =	vst.idx.msk $0xffff, v38  }
0x808: {  	v62 =	vor.u32 v28, v53;
	v63 =	vadd.s32 v37, v51;
	v38 =	vld.idx.msk [tilespmem:v39+s11+$0x0], $0xffff  }
0x809: {  	v37 =	vadd.s32 v29, v63;
	_ =	sdelay $0x3  }
0x80a: {  	[tilespmem:v62+s24+$0x0] =	vst.idx.msk $0xffff, v38  }
0x80b: {  	v41 =	vadd.s32 v36, v51;
	v40 =	vor.u32 v30, v53;
	v37 =	vld.idx.msk [tilespmem:v37+s11+$0x0], $0xffff  }
0x80c: {  	v36 =	vadd.s32 v31, v41;
	_ =	sdelay $0x3  }
0x80d: {  	[tilespmem:v40+s24+$0x0] =	vst.idx.msk $0xffff, v37  }
0x80e: {  	v45 =	vadd.s32 v35, v51;
	v42 =	vor.u32 v32, v53;
	v36 =	vld.idx.msk [tilespmem:v36+s11+$0x0], $0xffff  }
0x80f: {  	v35 =	vadd.s32 v33, v45;
	_ =	sdelay $0x3  }
0x810: {  	[tilespmem:v42+s24+$0x0] =	vst.idx.msk $0xffff, v36  }
0x811: {  	v46 =	vor.u32 v34, v53;
	v35 =	vld.idx.msk [tilespmem:v35+s11+$0x0], $0xffff  }
0x812: {  	s25 =	sadd.s32 $0x40, s3  }
0x813: {  	s3 =	sshll.u32 s25, $0x9;
	s0 =	sor.u32 s6, s25  }
0x814: {  	s3 =	sand.u32 $0x7F0000, s3;
	s0 =	sshll.u32 s0, $0x7  }
0x815: {  	s0 =	sand.u32 $0x2F80, s0;
	s3 =	sadd.s32 s21, s3  }
0x816: {  	s25 =	simm.s32 $0x400;
	s0 =	sadd.s32 s0, s3;
	[tilespmem:v46+s24+$0x0] =	vst.idx.msk $0xffff, v35  }
0x817: {  	[hbm4b:s0+s25] =	stream.strided.scatter [tilespmem:s24], [sflag:$0x9], $0x1000, s14, s25, $0x38;
	[tilespmem:$0x12400] =	vst v63  }
0x818: {  	s0 =	simm.s32 @!p2 $0x5  }
0x819: {  	_ =	swait.ge @!p2 [sflag:s0], $0x80  }
0x81a: {  	[sflag:s0] =	ssyncset.done @!p2 $0x0  }
0x81b: {  	[sflag:s0] =	ssyncadd.s32 @!p2 $0xFFFFFF80  }
0x81c: {  	v35 =	vld @!p2 [tilespmem:$0x8000];
	_ =	sdelay $0x1  }
0x81d: {  	v36 =	vld @!p2 [tilespmem:$0x8010];
	_ =	sdelay $0x1  }
0x81e: {  	v37 =	vld @!p2 [tilespmem:$0x8020]  }
0x81f: {  	v38 =	vshrl.u32 @!p2 v35, $0x2;
	v35 =	vshll.u32 @!p2 v35, $0x5  }
0x820: {  	[tilespmem:$0x8100] =	vst @!p2 v38;
	v35 =	vand.u32 @!p2 $0x60, v35;
	v38 =	vld @!p2 [tilespmem:$0x8030]  }
0x821: {  	[tilespmem:$0x8200] =	vst @!p2 v35;
	v35 =	vshrl.u32 @!p2 v36, $0x2;
	v36 =	vshll.u32 @!p2 v36, $0x5  }
0x822: {  	[tilespmem:$0x8110] =	vst @!p2 v35;
	v35 =	vand.u32 @!p2 $0x60, v36;
	v36 =	vld @!p2 [tilespmem:$0x8040]  }
0x823: {  	[tilespmem:$0x8210] =	vst @!p2 v35;
	v35 =	vshrl.u32 @!p2 v37, $0x2;
	v37 =	vshll.u32 @!p2 v37, $0x5  }
0x824: {  	[tilespmem:$0x8120] =	vst @!p2 v35;
	v35 =	vand.u32 @!p2 $0x60, v37;
	v37 =	vld @!p2 [tilespmem:$0x8050]  }
0x825: {  	[tilespmem:$0x8220] =	vst @!p2 v35;
	v35 =	vshrl.u32 @!p2 v38, $0x2;
	v38 =	vshll.u32 @!p2 v38, $0x5  }
0x826: {  	[tilespmem:$0x8130] =	vst @!p2 v35;
	v35 =	vand.u32 @!p2 $0x60, v38;
	v38 =	vld @!p2 [tilespmem:$0x8060]  }
0x827: {  	[tilespmem:$0x8230] =	vst @!p2 v35;
	v35 =	vshrl.u32 @!p2 v36, $0x2;
	v36 =	vshll.u32 @!p2 v36, $0x5  }
0x828: {  	[tilespmem:$0x8140] =	vst @!p2 v35;
	v35 =	vand.u32 @!p2 $0x60, v36;
	v36 =	vld @!p2 [tilespmem:$0x8070]  }
0x829: {  	[tilespmem:$0x8240] =	vst @!p2 v35;
	v35 =	vshrl.u32 @!p2 v37, $0x2;
	v37 =	vshll.u32 @!p2 v37, $0x5  }
0x82a: {  	[tilespmem:$0x8150] =	vst @!p2 v35;
	v35 =	vand.u32 @!p2 $0x60, v37  }
0x82b: {  	[tilespmem:$0x8250] =	vst @!p2 v35;
	v35 =	vshrl.u32 @!p2 v38, $0x2;
	v37 =	vshll.u32 @!p2 v38, $0x5  }
0x82c: {  	[tilespmem:$0x8160] =	vst @!p2 v35;
	v35 =	vand.u32 @!p2 $0x60, v37  }
0x82d: {  	[tilespmem:$0x8260] =	vst @!p2 v35;
	v35 =	vshrl.u32 @!p2 v36, $0x2;
	v36 =	vshll.u32 @!p2 v36, $0x5  }
0x82e: {  	[tilespmem:$0x8170] =	vst @!p2 v35;
	v35 =	vand.u32 @!p2 $0x60, v36  }
0x82f: {  	s20 =	simm.s32 @!p2 $0x8300;
	s3 =	simm.s32 @!p2 $0x8100;
	s0 =	simm.s32 @!p2 $0x80;
	[tilespmem:$0x8270] =	vst @!p2 v35  }
0x830: {  	[tilespmem:s20], [sflag:$0x7] =	stream.indirect.gather @!p2 [hbm4b:s1+s0], $0x80, s3, s0, $0xb8;
	[tilespmem:$0x12400] =	vst v63  }
0x831: {  	s0 =	rddreg [dreg:$0x13]  }
0x832: {  	s3 =	simm.s32 @!p2 $0x0;
	s0 =	sadd.s32 @!p2 s19, s0;
	s19 =	simm.s32 @!p2 $0x8080  }
0x833: {  	[tilespmem:s19], [sflag:$0x6] =	stream.linear.gather @!p2 [hbm4b:s0+s3], $0x80, $0x38;
	[tilespmem:$0x12400] =	vst v63  }
0x834: {  	_ =	swait.ge [sflag:s12], $0x4000  }
0x835: {  	[sflag:s12] =	ssyncset.done $0x0  }
0x836: {  	[sflag:s12] =	ssyncadd.s32 $0xFFFFC000  }
0x837: {  	_ =	swait.ge [sflag:s16], $0x1000  }
0x838: {  	[sflag:s16] =	ssyncset.done $0x0  }
0x839: {  	[sflag:s16] =	ssyncadd.s32 $0xFFFFF000  }
0x83a: {  	v42 =	vld [tilespmem:$0x8280];
	_ =	sdelay $0x1  }
0x83b: {  	s19 =	simm.s32 $0x0  }
0x83c: {  	v47 =	vadd.s32 s19, v0  }
0x83d: {  	v48 =	vand.u32 $0x1F, v47  }
0x83e: {  	v35 =	vadd.s32 v42, v48  }
0x83f: {  	v41 =	vld [tilespmem:$0x8290];
	v35 =	vadd.s32 v20, v35;
	_ =	sdelay $0x3  }
0x840: {  	v44 =	vshll.u32 v48, $0x7;
	v40 =	vld [tilespmem:$0x82A0]  }
0x841: {  	v50 =	vor.u32 v0, v44;
	v51 =	vadd.s32 v41, v48;
	v49 =	vld.idx.msk [tilespmem:v35+s22+$0x0], $0xffff  }
0x842: {  	v38 =	vld [tilespmem:$0x82B0];
	v52 =	vadd.s32 v21, v51  }
0x843: {  	v39 =	vld [tilespmem:$0x82C0]  }
0x844: {  	v37 =	vld [tilespmem:$0x82D0]  }
0x845: {  	v36 =	vld [tilespmem:$0x82E0]  }
0x846: {  	v35 =	vld [tilespmem:$0x82F0];
	[tilespmem:v50+s26+$0x0] =	vst.idx.msk $0xffff, v49  }
0x847: {  	v53 =	vor.u32 v22, v44;
	v54 =	vadd.s32 v40, v48;
	v45 =	vld.idx.msk [tilespmem:v52+s22+$0x0], $0xffff  }
0x848: {  	v47 =	vadd.s32 v23, v54;
	_ =	sdelay $0x3  }
0x849: {  	[tilespmem:v53+s26+$0x0] =	vst.idx.msk $0xffff, v45  }
0x84a: {  	v55 =	vor.u32 v24, v44;
	v56 =	vadd.s32 v38, v48;
	v45 =	vld.idx.msk [tilespmem:v47+s22+$0x0], $0xffff  }
0x84b: {  	v47 =	vadd.s32 v25, v56;
	_ =	sdelay $0x3  }
0x84c: {  	[tilespmem:v55+s26+$0x0] =	vst.idx.msk $0xffff, v45  }
0x84d: {  	v57 =	vor.u32 v26, v44;
	v58 =	vadd.s32 v39, v48;
	v45 =	vld.idx.msk [tilespmem:v47+s22+$0x0], $0xffff  }
0x84e: {  	v47 =	vadd.s32 v27, v58;
	_ =	sdelay $0x3  }
0x84f: {  	[tilespmem:v57+s26+$0x0] =	vst.idx.msk $0xffff, v45  }
0x850: {  	v59 =	vor.u32 v28, v44;
	v60 =	vadd.s32 v37, v48;
	v45 =	vld.idx.msk [tilespmem:v47+s22+$0x0], $0xffff  }
0x851: {  	v47 =	vadd.s32 v29, v60;
	_ =	sdelay $0x3  }
0x852: {  	[tilespmem:v59+s26+$0x0] =	vst.idx.msk $0xffff, v45  }
0x853: {  	v61 =	vor.u32 v30, v44;
	v62 =	vadd.s32 v36, v48;
	v45 =	vld.idx.msk [tilespmem:v47+s22+$0x0], $0xffff  }
0x854: {  	v47 =	vadd.s32 v31, v62;
	_ =	sdelay $0x3  }
0x855: {  	[tilespmem:v61+s26+$0x0] =	vst.idx.msk $0xffff, v45  }
0x856: {  	v63 =	vor.u32 v32, v44;
	v43 =	vadd.s32 v35, v48;
	v45 =	vld.idx.msk [tilespmem:v47+s22+$0x0], $0xffff  }
0x857: {  	v43 =	vadd.s32 v33, v43;
	_ =	sdelay $0x1  }
0x858: {  	s20 =	simm.s32 $0x1  }
0x859: {  	v48 =	vadd.s32 s20, v0  }
0x85a: {  	v49 =	vand.u32 $0x1F, v48;
	[tilespmem:v63+s26+$0x0] =	vst.idx.msk $0xffff, v45  }
0x85b: {  	v44 =	vor.u32 v34, v44;
	v50 =	vadd.s32 v42, v49;
	v43 =	vld.idx.msk [tilespmem:v43+s22+$0x0], $0xffff  }
0x85c: {  	v46 =	vadd.s32 v20, v50;
	_ =	sdelay $0x3  }
0x85d: {  	[tilespmem:v44+s26+$0x0] =	vst.idx.msk $0xffff, v43;
	v43 =	vshll.u32 v49, $0x7  }
0x85e: {  	v47 =	vadd.s32 v41, v49;
	v44 =	vld.idx.msk [tilespmem:v46+s22+$0x0], $0xffff;
	v51 =	vor.u32 v0, v43  }
0x85f: {  	v47 =	vadd.s32 v21, v47;
	_ =	sdelay $0x3  }
0x860: {  	[tilespmem:v51+s26+$0x0] =	vst.idx.msk $0xffff, v44  }
0x861: {  	v53 =	vadd.s32 v40, v49;
	v52 =	vor.u32 v22, v43;
	v44 =	vld.idx.msk [tilespmem:v47+s22+$0x0], $0xffff  }
0x862: {  	v47 =	vadd.s32 v23, v53;
	_ =	sdelay $0x3  }
0x863: {  	[tilespmem:v52+s26+$0x0] =	vst.idx.msk $0xffff, v44  }
0x864: {  	v55 =	vadd.s32 v38, v49;
	v54 =	vor.u32 v24, v43;
	v44 =	vld.idx.msk [tilespmem:v47+s22+$0x0], $0xffff  }
0x865: {  	v47 =	vadd.s32 v25, v55;
	_ =	sdelay $0x3  }
0x866: {  	[tilespmem:v54+s26+$0x0] =	vst.idx.msk $0xffff, v44  }
0x867: {  	v57 =	vadd.s32 v39, v49;
	v56 =	vor.u32 v26, v43;
	v44 =	vld.idx.msk [tilespmem:v47+s22+$0x0], $0xffff  }
0x868: {  	v47 =	vadd.s32 v27, v57;
	_ =	sdelay $0x3  }
0x869: {  	[tilespmem:v56+s26+$0x0] =	vst.idx.msk $0xffff, v44  }
0x86a: {  	v59 =	vadd.s32 v37, v49;
	v58 =	vor.u32 v28, v43;
	v44 =	vld.idx.msk [tilespmem:v47+s22+$0x0], $0xffff  }
0x86b: {  	v47 =	vadd.s32 v29, v59;
	_ =	sdelay $0x3  }
0x86c: {  	[tilespmem:v58+s26+$0x0] =	vst.idx.msk $0xffff, v44  }
0x86d: {  	v61 =	vadd.s32 v36, v49;
	v60 =	vor.u32 v30, v43;
	v44 =	vld.idx.msk [tilespmem:v47+s22+$0x0], $0xffff  }
0x86e: {  	v47 =	vadd.s32 v31, v61;
	_ =	sdelay $0x3  }
0x86f: {  	[tilespmem:v60+s26+$0x0] =	vst.idx.msk $0xffff, v44  }
0x870: {  	v63 =	vadd.s32 v35, v49;
	v62 =	vor.u32 v32, v43;
	v46 =	vld.idx.msk [tilespmem:v47+s22+$0x0], $0xffff  }
0x871: {  	v44 =	vadd.s32 v33, v63;
	_ =	sdelay $0x2  }
0x872: {  	s3 =	simm.s32 $0x2  }
0x873: {  	s0 =	simm.s32 $0x4;
	v45 =	vadd.s32 s3, v0;
	[tilespmem:v62+s26+$0x0] =	vst.idx.msk $0xffff, v46  }
.LBB2_31:
0x874: {  	p2 =	sne.s32 s0, $0x1E;
	v45 =	vand.u32 $0x1F, v45;
	v44 =	vld.idx.msk [tilespmem:v44+s22+$0x0], $0xffff  }
0x875: {  	v43 =	vor.u32 v34, v43;
	v46 =	vadd.s32 v42, v45  }
0x876: {  	v46 =	vadd.s32 v20, v46;
	_ =	sdelay $0x3  }
0x877: {  	[tilespmem:v43+s26+$0x0] =	vst.idx.msk $0xffff, v44  }
0x878: {  	v44 =	vshll.u32 v45, $0x7;
	v43 =	vld.idx.msk [tilespmem:v46+s22+$0x0], $0xffff  }
0x879: {  	v47 =	vadd.s32 v41, v45;
	v46 =	vor.u32 v0, v44  }
0x87a: {  	v47 =	vadd.s32 v21, v47;
	_ =	sdelay $0x3  }
0x87b: {  	[tilespmem:v46+s26+$0x0] =	vst.idx.msk $0xffff, v43  }
0x87c: {  	v43 =	vld.idx.msk [tilespmem:v47+s22+$0x0], $0xffff  }
0x87d: {  	v46 =	vor.u32 v22, v44;
	v47 =	vadd.s32 v40, v45  }
0x87e: {  	v47 =	vadd.s32 v23, v47;
	_ =	sdelay $0x3  }
0x87f: {  	[tilespmem:v46+s26+$0x0] =	vst.idx.msk $0xffff, v43  }
0x880: {  	v43 =	vld.idx.msk [tilespmem:v47+s22+$0x0], $0xffff  }
0x881: {  	v46 =	vor.u32 v24, v44;
	v47 =	vadd.s32 v38, v45  }
0x882: {  	v47 =	vadd.s32 v25, v47;
	_ =	sdelay $0x3  }
0x883: {  	[tilespmem:v46+s26+$0x0] =	vst.idx.msk $0xffff, v43  }
0x884: {  	v43 =	vld.idx.msk [tilespmem:v47+s22+$0x0], $0xffff  }
0x885: {  	v46 =	vor.u32 v26, v44;
	v47 =	vadd.s32 v39, v45  }
0x886: {  	v47 =	vadd.s32 v27, v47;
	_ =	sdelay $0x3  }
0x887: {  	[tilespmem:v46+s26+$0x0] =	vst.idx.msk $0xffff, v43  }
0x888: {  	v43 =	vld.idx.msk [tilespmem:v47+s22+$0x0], $0xffff  }
0x889: {  	v46 =	vor.u32 v28, v44;
	v47 =	vadd.s32 v37, v45  }
0x88a: {  	v47 =	vadd.s32 v29, v47;
	_ =	sdelay $0x3  }
0x88b: {  	[tilespmem:v46+s26+$0x0] =	vst.idx.msk $0xffff, v43  }
0x88c: {  	v43 =	vld.idx.msk [tilespmem:v47+s22+$0x0], $0xffff  }
0x88d: {  	v46 =	vor.u32 v30, v44;
	v47 =	vadd.s32 v36, v45  }
0x88e: {  	v47 =	vadd.s32 v31, v47;
	_ =	sdelay $0x3  }
0x88f: {  	[tilespmem:v46+s26+$0x0] =	vst.idx.msk $0xffff, v43  }
0x890: {  	v43 =	vld.idx.msk [tilespmem:v47+s22+$0x0], $0xffff  }
0x891: {  	v45 =	vadd.s32 v35, v45;
	v46 =	vor.u32 v32, v44  }
0x892: {  	v45 =	vadd.s32 v33, v45;
	_ =	sdelay $0x2  }
0x893: {  	s19 =	sadd.s32 $0x1, s3;
	s3 =	smov.u32 s0  }
0x894: {  	[tilespmem:v46+s26+$0x0] =	vst.idx.msk $0xffff, v43;
	v43 =	vadd.s32 s19, v0  }
0x895: {  	v45 =	vld.idx.msk [tilespmem:v45+s22+$0x0], $0xffff;
	v46 =	vand.u32 $0x1F, v43  }
0x896: {  	v43 =	vor.u32 v34, v44;
	v44 =	vadd.s32 v42, v46  }
0x897: {  	v44 =	vadd.s32 v20, v44;
	_ =	sdelay $0x3  }
0x898: {  	[tilespmem:v43+s26+$0x0] =	vst.idx.msk $0xffff, v45  }
0x899: {  	v43 =	vshll.u32 v46, $0x7;
	v44 =	vld.idx.msk [tilespmem:v44+s22+$0x0], $0xffff  }
0x89a: {  	v47 =	vadd.s32 v41, v46;
	v45 =	vor.u32 v0, v43  }
0x89b: {  	v47 =	vadd.s32 v21, v47;
	_ =	sdelay $0x3  }
0x89c: {  	[tilespmem:v45+s26+$0x0] =	vst.idx.msk $0xffff, v44  }
0x89d: {  	v44 =	vld.idx.msk [tilespmem:v47+s22+$0x0], $0xffff  }
0x89e: {  	v45 =	vor.u32 v22, v43;
	v47 =	vadd.s32 v40, v46  }
0x89f: {  	v47 =	vadd.s32 v23, v47;
	_ =	sdelay $0x3  }
0x8a0: {  	[tilespmem:v45+s26+$0x0] =	vst.idx.msk $0xffff, v44  }
0x8a1: {  	v44 =	vld.idx.msk [tilespmem:v47+s22+$0x0], $0xffff  }
0x8a2: {  	v45 =	vor.u32 v24, v43;
	v47 =	vadd.s32 v38, v46  }
0x8a3: {  	v47 =	vadd.s32 v25, v47;
	_ =	sdelay $0x3  }
0x8a4: {  	[tilespmem:v45+s26+$0x0] =	vst.idx.msk $0xffff, v44  }
0x8a5: {  	v44 =	vld.idx.msk [tilespmem:v47+s22+$0x0], $0xffff  }
0x8a6: {  	v45 =	vor.u32 v26, v43;
	v47 =	vadd.s32 v39, v46  }
0x8a7: {  	v47 =	vadd.s32 v27, v47;
	_ =	sdelay $0x3  }
0x8a8: {  	[tilespmem:v45+s26+$0x0] =	vst.idx.msk $0xffff, v44  }
0x8a9: {  	v44 =	vld.idx.msk [tilespmem:v47+s22+$0x0], $0xffff  }
0x8aa: {  	v45 =	vor.u32 v28, v43;
	v47 =	vadd.s32 v37, v46  }
0x8ab: {  	v47 =	vadd.s32 v29, v47;
	_ =	sdelay $0x3  }
0x8ac: {  	[tilespmem:v45+s26+$0x0] =	vst.idx.msk $0xffff, v44  }
0x8ad: {  	v44 =	vld.idx.msk [tilespmem:v47+s22+$0x0], $0xffff  }
0x8ae: {  	v45 =	vor.u32 v30, v43;
	v47 =	vadd.s32 v36, v46  }
0x8af: {  	v47 =	vadd.s32 v31, v47;
	_ =	sdelay $0x3  }
0x8b0: {  	[tilespmem:v45+s26+$0x0] =	vst.idx.msk $0xffff, v44  }
0x8b1: {  	v47 =	vld.idx.msk [tilespmem:v47+s22+$0x0], $0xffff  }
0x8b2: {  	v48 =	vor.u32 v32, v43;
	v44 =	vadd.s32 v35, v46  }
.Ltmp16:
0x8b3: {  	v44 =	vadd.s32 v33, v44;
	(pc) =	sbr.rel @p2 .LBB2_31-.Ltmp16, $2  }
0x8b4: {  	_ =	sdelay $0x2  }
0x8b5: {  	s0 =	sadd.s32 $0x2, s0;
	v45 =	vadd.s32 s3, v0;
	[tilespmem:v48+s26+$0x0] =	vst.idx.msk $0xffff, v47  }
0x8b6: {  	_ =	sdelay $0x2  }
0x8b7: {  	v45 =	vand.u32 $0x1F, v45  }
0x8b8: {  	v44 =	vld.idx.msk [tilespmem:v44+s22+$0x0], $0xffff;
	v43 =	vor.u32 v34, v43;
	v46 =	vadd.s32 v42, v45  }
0x8b9: {  	v46 =	vadd.s32 v20, v46;
	_ =	sdelay $0x3  }
0x8ba: {  	v49 =	vshll.u32 v45, $0x7;
	[tilespmem:v43+s26+$0x0] =	vst.idx.msk $0xffff, v44  }
0x8bb: {  	v47 =	vadd.s32 v41, v45;
	v50 =	vor.u32 v0, v49;
	v44 =	vld.idx.msk [tilespmem:v46+s22+$0x0], $0xffff  }
0x8bc: {  	v47 =	vadd.s32 v21, v47;
	_ =	sdelay $0x3  }
0x8bd: {  	[tilespmem:v50+s26+$0x0] =	vst.idx.msk $0xffff, v44  }
0x8be: {  	v52 =	vadd.s32 v40, v45;
	v51 =	vor.u32 v22, v49;
	v44 =	vld.idx.msk [tilespmem:v47+s22+$0x0], $0xffff  }
0x8bf: {  	v47 =	vadd.s32 v23, v52;
	_ =	sdelay $0x3  }
0x8c0: {  	[tilespmem:v51+s26+$0x0] =	vst.idx.msk $0xffff, v44  }
0x8c1: {  	v54 =	vadd.s32 v38, v45;
	v53 =	vor.u32 v24, v49;
	v44 =	vld.idx.msk [tilespmem:v47+s22+$0x0], $0xffff  }
0x8c2: {  	v47 =	vadd.s32 v25, v54;
	_ =	sdelay $0x3  }
0x8c3: {  	[tilespmem:v53+s26+$0x0] =	vst.idx.msk $0xffff, v44  }
0x8c4: {  	v56 =	vadd.s32 v39, v45;
	v55 =	vor.u32 v26, v49;
	v44 =	vld.idx.msk [tilespmem:v47+s22+$0x0], $0xffff  }
0x8c5: {  	v47 =	vadd.s32 v27, v56;
	_ =	sdelay $0x3  }
0x8c6: {  	[tilespmem:v55+s26+$0x0] =	vst.idx.msk $0xffff, v44  }
0x8c7: {  	v58 =	vadd.s32 v37, v45;
	v57 =	vor.u32 v28, v49;
	v44 =	vld.idx.msk [tilespmem:v47+s22+$0x0], $0xffff  }
0x8c8: {  	v47 =	vadd.s32 v29, v58;
	_ =	sdelay $0x3  }
0x8c9: {  	[tilespmem:v57+s26+$0x0] =	vst.idx.msk $0xffff, v44  }
0x8ca: {  	v60 =	vadd.s32 v36, v45;
	v59 =	vor.u32 v30, v49;
	v44 =	vld.idx.msk [tilespmem:v47+s22+$0x0], $0xffff  }
0x8cb: {  	v47 =	vadd.s32 v31, v60;
	_ =	sdelay $0x3  }
0x8cc: {  	[tilespmem:v59+s26+$0x0] =	vst.idx.msk $0xffff, v44  }
0x8cd: {  	v45 =	vadd.s32 v35, v45;
	v61 =	vor.u32 v32, v49;
	v44 =	vld.idx.msk [tilespmem:v47+s22+$0x0], $0xffff  }
0x8ce: {  	v45 =	vadd.s32 v33, v45;
	_ =	sdelay $0x1  }
0x8cf: {  	s0 =	sadd.s32 $0x1, s3  }
0x8d0: {  	v62 =	vadd.s32 s0, v0  }
0x8d1: {  	v63 =	vand.u32 $0x1F, v62;
	[tilespmem:v61+s26+$0x0] =	vst.idx.msk $0xffff, v44  }
0x8d2: {  	v43 =	vor.u32 v34, v49;
	v47 =	vadd.s32 v42, v63;
	v45 =	vld.idx.msk [tilespmem:v45+s22+$0x0], $0xffff  }
0x8d3: {  	v42 =	vadd.s32 v20, v47;
	_ =	sdelay $0x3  }
0x8d4: {  	v48 =	vshll.u32 v63, $0x7;
	[tilespmem:v43+s26+$0x0] =	vst.idx.msk $0xffff, v45  }
0x8d5: {  	v49 =	vor.u32 v0, v48;
	v50 =	vadd.s32 v41, v63;
	v42 =	vld.idx.msk [tilespmem:v42+s22+$0x0], $0xffff  }
0x8d6: {  	v41 =	vadd.s32 v21, v50;
	_ =	sdelay $0x3  }
0x8d7: {  	[tilespmem:v49+s26+$0x0] =	vst.idx.msk $0xffff, v42  }
0x8d8: {  	v52 =	vadd.s32 v40, v63;
	v51 =	vor.u32 v22, v48;
	v41 =	vld.idx.msk [tilespmem:v41+s22+$0x0], $0xffff  }
0x8d9: {  	v40 =	vadd.s32 v23, v52;
	_ =	sdelay $0x3  }
0x8da: {  	[tilespmem:v51+s26+$0x0] =	vst.idx.msk $0xffff, v41  }
0x8db: {  	v54 =	vadd.s32 v38, v63;
	v53 =	vor.u32 v24, v48;
	v40 =	vld.idx.msk [tilespmem:v40+s22+$0x0], $0xffff  }
0x8dc: {  	v38 =	vadd.s32 v25, v54;
	_ =	sdelay $0x3  }
0x8dd: {  	[tilespmem:v53+s26+$0x0] =	vst.idx.msk $0xffff, v40  }
0x8de: {  	v56 =	vadd.s32 v39, v63;
	v55 =	vor.u32 v26, v48;
	v38 =	vld.idx.msk [tilespmem:v38+s22+$0x0], $0xffff  }
0x8df: {  	v39 =	vadd.s32 v27, v56;
	_ =	sdelay $0x3  }
0x8e0: {  	[tilespmem:v55+s26+$0x0] =	vst.idx.msk $0xffff, v38  }
0x8e1: {  	v58 =	vadd.s32 v37, v63;
	v57 =	vor.u32 v28, v48;
	v38 =	vld.idx.msk [tilespmem:v39+s22+$0x0], $0xffff  }
0x8e2: {  	v37 =	vadd.s32 v29, v58;
	_ =	sdelay $0x3  }
0x8e3: {  	[tilespmem:v57+s26+$0x0] =	vst.idx.msk $0xffff, v38  }
0x8e4: {  	v60 =	vadd.s32 v36, v63;
	v59 =	vor.u32 v30, v48;
	v37 =	vld.idx.msk [tilespmem:v37+s22+$0x0], $0xffff  }
0x8e5: {  	v36 =	vadd.s32 v31, v60;
	_ =	sdelay $0x3  }
0x8e6: {  	[tilespmem:v59+s26+$0x0] =	vst.idx.msk $0xffff, v37  }
0x8e7: {  	v62 =	vadd.s32 v35, v63;
	v61 =	vor.u32 v32, v48;
	v36 =	vld.idx.msk [tilespmem:v36+s22+$0x0], $0xffff  }
0x8e8: {  	v35 =	vadd.s32 v33, v62;
	_ =	sdelay $0x3  }
0x8e9: {  	[tilespmem:v61+s26+$0x0] =	vst.idx.msk $0xffff, v36  }
0x8ea: {  	s15 =	sadd.s32 $0x1, s15;
	v63 =	vor.u32 v34, v48;
	v35 =	vld.idx.msk [tilespmem:v35+s22+$0x0], $0xffff  }
0x8eb: {  	p2 =	sne.s32 s15, $0x63  }
.Ltmp17:
0x8ec: {  	s19 =	sshll.u32 s17, $0x9;
	s20 =	sor.u32 s6, s17;
	(pc) =	sbr.rel @p2 .LBB2_28-.Ltmp17, $4  }
0x8ed: {  	s0 =	sand.u32 $0x7F0000, s19;
	s3 =	sshll.u32 s20, $0x7  }
0x8ee: {  	s3 =	sand.u32 $0x3F80, s3;
	s0 =	sadd.s32 s21, s0  }
0x8ef: {  	s0 =	sadd.s32 s3, s0;
	[tilespmem:v63+s26+$0x0] =	vst.idx.msk $0xffff, v35  }
0x8f0: {  	[hbm4b:s0+s25] =	stream.strided.scatter [tilespmem:s26], [sflag:$0xA], $0x1000, s14, s25, $0x38;
	[tilespmem:$0x12400] =	vst v63  }
0x8f1: {  	_ =	swait.ge [sflag:s28], $0x1000  }
0x8f2: {  	[sflag:s28] =	ssyncset.done $0x0  }
0x8f3: {  	[sflag:s28] =	ssyncadd.s32 $0xFFFFF000  }
0x8f4: {  	_ =	swait.ge [sflag:s16], $0x1000  }
0x8f5: {  	s3 =	rddreg [dreg:$0x18]  }
0x8f6: {  	s0 =	rddreg [dreg:$0x14];
	s3 =	sadd.s32 $0x1, s3  }
0x8f7: {  	p2 =	sne.s32 s3, s0  }
.Ltmp18:
0x8f8: {  	_ = 	snop;
	(pc) =	sbr.rel @p2 .LBB2_1-.Ltmp18, $3  }
0x8f9: {  	_ =	sdelay $0x1  }
0x8fa: {  	[sflag:s16] =	ssyncset.done $0x0  }
0x8fb: {  	s17 =	simm.s32 $0x800;
	s19 =	simm.s32 $0x7A1400;
	[sflag:s16] =	ssyncadd.s32 $0xFFFFF000  }
0x8fc: {  	_ =	sfence.sel $0x180000  }
0x8fd: {  	[bflag:$0x0] =	sbarrier.arrive $0xFFFF  }
0x8fe: {  	_ =	strace $0x90000047  }
0x8ff: {  	[bflag:$0x2] =	sbarrier.arrive $0xFFFF  }
0x900: {  	s0 =	rddreg [dreg:$0x5]  }
0x901: {  	s0 =	sadd.s32 @!p0 $0x100000, s0  }
0x902: {  	[sflag:s0] =	ssyncadd.tile.s32 @!p0 $0x1;
	_ =	shalt  }
.Lfunc_end2:
_tile_overlayer_lowered:
.L_overlay_start_2:
0x903: {  	(tag) =	ssettag $0x2  }
0x904: {  	s0 =	rddreg [dreg:$0x0];
	s2 =	stileid.u32  }
0x905: {  	s1 =	rddreg [dreg:$0x1];
	p0 =	sne.s32 s2, $0x0  }
0x906: {  	s3 =	rddreg [dreg:$0x2];
	[bflag:$0x3] =	sbarrier.arrive $0xFFFF;
	s2 =	simm.s32 @!p0 $0x1C0B  }
0x907: {  	[timem:s3], [sflag:s2] =	dma.local @!p0 [hbm:s0], s1  }
0x908: {  	s0 =	simm.s32 @!p0 $0xB  }
0x909: {  	_ =	swait.ge @!p0 [sflag:s0], s1  }
0x90a: {  	s1 =	ssub.s32 @!p0 $0x0, s1;
	[sflag:s0] =	ssyncset.done @!p0 $0x0  }
0x90b: {  	[sflag:s0] =	ssyncadd.s32 @!p0 s1  }
0x90c: {  	[bflag:$0x3] =	sbarrier.arrive $0xFFFF  }
0x90d: {  	_ =	shalt  }

</sc_bundles>
